<compile_context>
chip_gen: v7x
topology: tpu7x:2x2x1
jax: 0.10.2.dev20260603
libtpu: 0.0.44.dev20260713+nightly
codegen_flags: <defaults>
</compile_context>

<pallas_src>
import functools

import jax
import jax.numpy as jnp
from jax import lax
from jax.experimental import pallas as pl
from jax.experimental.pallas import tpu as pltpu
from jax.experimental.pallas import tpu_sc as plsc

NC = 2
NS = 16
NW = NC * NS

EK = 80
ZR = 128
NP = 10240

BE = 1280
BN = 1024

def _edge_mlp_body(ef_ref, w1, b1, w2, b2, o):
    ef = ef_ref[...]
    h = jnp.dot(ef, w1[...], preferred_element_type=jnp.float32) + b1[...]
    h = jnp.maximum(h, 0.0).astype(jnp.bfloat16)
    g = jnp.dot(h, w2[...], preferred_element_type=jnp.float32) + b2[...]
    o[...] = 1.0 / (1.0 + jnp.exp(-g))


def _edge_mlp(ef, w1, b1, w2, b2):
    E, DE = ef.shape
    H = w2.shape[1]
    return pl.pallas_call(
        _edge_mlp_body,
        grid=(E // BE,),
        in_specs=[pl.BlockSpec((BE, DE), lambda i: (i, 0)),
                  pl.BlockSpec(w1.shape, lambda i: (0, 0)),
                  pl.BlockSpec((1, b1.shape[0]), lambda i: (0, 0)),
                  pl.BlockSpec(w2.shape, lambda i: (0, 0)),
                  pl.BlockSpec((1, b2.shape[0]), lambda i: (0, 0))],
        out_specs=pl.BlockSpec((BE, H), lambda i: (i, 0)),
        out_shape=jax.ShapeDtypeStruct((E, H), jnp.float32),
    )(ef, w1.astype(jnp.bfloat16), b1.reshape(1, -1),
      w2.astype(jnp.bfloat16), b2.reshape(1, -1))


def _support1_body(x_ref, w_ref, b_ref, o_ref):
    o_ref[...] = (jnp.dot(x_ref[...], w_ref[...],
                          preferred_element_type=jnp.float32) + b_ref[...])


def _support1(x, w, b):
    N, D = x.shape
    return pl.pallas_call(
        _support1_body,
        grid=(N // BN,),
        in_specs=[pl.BlockSpec((BN, D), lambda i: (i, 0)),
                  pl.BlockSpec(w.shape, lambda i: (0, 0)),
                  pl.BlockSpec((1, b.shape[0]), lambda i: (0, 0))],
        out_specs=pl.BlockSpec((BN, w.shape[1]), lambda i: (i, 0)),
        out_shape=jax.ShapeDtypeStruct((N, w.shape[1]), jnp.float32),
    )(x, w, b.reshape(1, -1))


def _support2_body(p_ref, w_ref, b_ref, o_ref):
    x = jnp.maximum(p_ref[0] + p_ref[1], 0.0)
    o_ref[...] = (jnp.dot(x, w_ref[...],
                          preferred_element_type=jnp.float32) + b_ref[...])


def _support2(parts, w, b):
    _, N, D = parts.shape
    return pl.pallas_call(
        _support2_body,
        grid=(N // BN,),
        in_specs=[pl.BlockSpec((2, BN, D), lambda i: (0, i, 0)),
                  pl.BlockSpec(w.shape, lambda i: (0, 0)),
                  pl.BlockSpec((1, b.shape[0]), lambda i: (0, 0))],
        out_specs=pl.BlockSpec((BN, w.shape[1]), lambda i: (i, 0)),
        out_shape=jax.ShapeDtypeStruct((N, w.shape[1]), jnp.float32),
    )(parts, w, b.reshape(1, -1))


def _pool_body(nb, p_ref, b_ref, o_ref):
    i = pl.program_id(0)

    @pl.when(i == 0)
    def _init():
        o_ref[...] = jnp.zeros_like(o_ref)

    x = p_ref[0] + p_ref[1]
    seg = b_ref[0, 0, :]
    onehot = (seg[None, :] ==
              lax.broadcasted_iota(jnp.int32, (nb, seg.shape[0]), 0)
              ).astype(jnp.float32)
    o_ref[...] += jnp.dot(onehot, x, preferred_element_type=jnp.float32)


def _pool(parts, batch, nb):
    _, N, D = parts.shape
    return pl.pallas_call(
        functools.partial(_pool_body, nb),
        grid=(N // BN,),
        in_specs=[pl.BlockSpec((2, BN, D), lambda i: (0, i, 0)),
                  pl.BlockSpec((1, 1, BN), lambda i: (i, 0, 0))],
        out_specs=pl.BlockSpec((nb, D), lambda i: (0, 0)),
        out_shape=jax.ShapeDtypeStruct((nb, D), jnp.float32),
        compiler_params=pltpu.CompilerParams(
            dimension_semantics=("arbitrary",)),
    )(parts, batch.reshape(-1, 1, BN))


def _sc_layer_body(support, ef, esrc, etgt, out,
                   idx_s0, idx_t0, rows0, efb0,
                   idx_s1, idx_t1, rows1, efb1,
                   acc, semg0, seme0, sems0, semg1, seme1, sems1):
    N = acc.shape[0]
    E = esrc.shape[0]
    c = lax.axis_index("c")
    s = lax.axis_index("s")
    wid = c * NS + s
    nrow = N // NS
    eper = E // NW
    nchunk = eper // EK

    bufs = ((idx_s0, idx_t0, rows0, efb0, semg0, seme0, sems0),
            (idx_s1, idx_t1, rows1, efb1, semg1, seme1, sems1))

    def _zero_rows(j, _):
        for l in range(8):
            sl = pl.ds(l * 16, 16)
            rows0[j, sl] = jnp.zeros((16,), jnp.float32)
        return 0

    lax.fori_loop(0, EK, _zero_rows, 0)
    for r in range(nrow // EK):
        pltpu.sync_copy(rows0, acc.at[pl.ds(s * nrow + r * EK, EK)])
    plsc.subcore_barrier()

    def _issue(chunk, bb, drain):
        is_, it_, rw, eb, sg, se, ss = bb
        base = wid * eper + chunk * EK
        if drain:
            pltpu.make_async_copy(rw, acc.at[it_], ss).wait()
        pltpu.sync_copy(esrc.at[pl.ds(base, EK)], is_)
        pltpu.sync_copy(etgt.at[pl.ds(base, EK)], it_)
        pltpu.async_copy(support.at[is_], rw, sg)
        pltpu.async_copy(ef.at[pl.ds(base, EK)], eb, se)

    def _finish(chunk, bb):
        is_, it_, rw, eb, sg, se, ss = bb
        base = wid * eper + chunk * EK
        pltpu.make_async_copy(support.at[is_], rw, sg).wait()
        pltpu.make_async_copy(ef.at[pl.ds(base, EK)], eb, se).wait()

        def _mul(j, _):
            for m in range(8):
                sl = pl.ds(m * 16, 16)
                rw[j, sl] = rw[j, sl] * eb[j, sl]
            return 0

        lax.fori_loop(0, EK, _mul, 0)
        pltpu.async_copy(rw, acc.at[it_], ss, add=True)

    _issue(0, bufs[0], False)
    _issue(1, bufs[1], False)

    def _pair(i2, _):
        c0 = i2 * 2
        _finish(c0, bufs[0])

        @pl.when(c0 + 2 < nchunk)
        def _prefetch0():
            _issue(c0 + 2, bufs[0], True)

        _finish(c0 + 1, bufs[1])

        @pl.when(c0 + 3 < nchunk)
        def _prefetch1():
            _issue(c0 + 3, bufs[1], True)

        return 0

    lax.fori_loop(0, nchunk // 2, _pair, 0)
    if nchunk % 2:
        _finish(nchunk - 1, bufs[0])
    pltpu.make_async_copy(bufs[0][2], acc.at[bufs[0][1]], bufs[0][6]).wait()
    pltpu.make_async_copy(bufs[1][2], acc.at[bufs[1][1]], bufs[1][6]).wait()
    plsc.subcore_barrier()

    for r in range(nrow // ZR):
        row0 = s * nrow + r * ZR
        pltpu.sync_copy(acc.at[pl.ds(row0, ZR)], out.at[c, pl.ds(row0, ZR)])


def _sc_layer(support, ef, esrc, etgt):
    N, D = support.shape
    mesh = plsc.VectorSubcoreMesh(core_axis_name="c", subcore_axis_name="s",
                                  num_cores=NC, num_subcores=NS)
    return pl.kernel(
        _sc_layer_body,
        out_type=jax.ShapeDtypeStruct((2, N, D), jnp.float32),
        mesh=mesh,
        scratch_types=[
            pltpu.VMEM((EK,), jnp.int32),
            pltpu.VMEM((EK,), jnp.int32),
            pltpu.VMEM((EK, D), jnp.float32),
            pltpu.VMEM((EK, D), jnp.float32),
            pltpu.VMEM((EK,), jnp.int32),
            pltpu.VMEM((EK,), jnp.int32),
            pltpu.VMEM((EK, D), jnp.float32),
            pltpu.VMEM((EK, D), jnp.float32),
            pltpu.VMEM_SHARED((N, D), jnp.float32),
            pltpu.SemaphoreType.DMA,
            pltpu.SemaphoreType.DMA,
            pltpu.SemaphoreType.DMA,
            pltpu.SemaphoreType.DMA,
            pltpu.SemaphoreType.DMA,
            pltpu.SemaphoreType.DMA,
        ],
    )(support, ef, esrc, etgt)


def kernel(node_features, edge_features, Esrc, Etgt, batch,
           gc1_W, gc1_b, gc2_W, gc2_b, gc3_W, gc3_b,
           ee1_W1, ee1_b1, ee1_W2, ee1_b2,
           ee2_W1, ee2_b1, ee2_W2, ee2_b2,
           ee3_W1, ee3_b1, ee3_W2, ee3_b2):
    esrc = Esrc.astype(jnp.int32)
    etgt = Etgt.astype(jnp.int32)
    nb = 64
    n = node_features.shape[0]
    x = jnp.pad(node_features, ((0, NP - n), (0, 0)))
    batch_p = jnp.pad(batch.astype(jnp.int32), (0, NP - n))
    ef_bf = edge_features.astype(jnp.bfloat16)

    ef1 = _edge_mlp(ef_bf, ee1_W1, ee1_b1, ee1_W2, ee1_b2)
    s1 = _support1(x, gc1_W, gc1_b)
    p1 = _sc_layer(s1, ef1, esrc, etgt)
    ef2 = _edge_mlp(ef_bf, ee2_W1, ee2_b1, ee2_W2, ee2_b2)
    s2 = _support2(p1, gc2_W, gc2_b)
    p2 = _sc_layer(s2, ef2, esrc, etgt)
    ef3 = _edge_mlp(ef_bf, ee3_W1, ee3_b1, ee3_W2, ee3_b2)
    s3 = _support2(p2, gc3_W, gc3_b)
    p3 = _sc_layer(s3, ef3, esrc, etgt)
    return _pool(p3, batch_p, nb)

# --- scband reference (transcript-rebuilt; emitter-appended) ---
"""Pipeline reference for scband-edge-gcn3-sum-22153441313214 (READ-ONLY COPY).

The authoritative reference and input builder live on the scoring server;
editing this copy changes nothing except your own understanding.
"""

import jax, jax.numpy as jnp
import numpy as np

N = 10000
E = 320000
DF = 128
DE = 16
H = 128
OUT = 128
B = 64


def _init(key, shape, fan_in):
    return jax.random.normal(key, shape, dtype=jnp.float32) / np.sqrt(fan_in)


def setup_inputs(seed: int = 0):
    key = jax.random.key(seed)
    ks = jax.random.split(key, 32)
    inp = {}
    inp["node_features"] = jax.random.normal(ks[0], (N, DF), dtype=jnp.float32)
    inp["edge_features"] = jax.random.normal(ks[1], (E, DE), dtype=jnp.float32)
    inp["Esrc"] = jax.random.randint(ks[2], (E,), 0, N)
    inp["Etgt"] = jax.random.randint(ks[3], (E,), 0, N)
    inp["batch"] = jnp.sort(jax.random.randint(ks[4], (N,), 0, B))
    # EdgeGraphConvolution weights (linear transform per layer)
    inp["gc1_W"] = _init(ks[5], (DF, H), DF)
    inp["gc1_b"] = jnp.zeros((H,), dtype=jnp.float32)
    inp["gc2_W"] = _init(ks[6], (H, H), H)
    inp["gc2_b"] = jnp.zeros((H,), dtype=jnp.float32)
    inp["gc3_W"] = _init(ks[7], (H, OUT), H)
    inp["gc3_b"] = jnp.zeros((OUT,), dtype=jnp.float32)
    # EdgeEncoderMLP weights: Linear -> ReLU -> Linear -> sigmoid gate
    inp["ee1_W1"] = _init(ks[8], (DE, H), DE)
    inp["ee1_b1"] = jnp.zeros((H,), dtype=jnp.float32)
    inp["ee1_W2"] = _init(ks[9], (H, H), H)
    inp["ee1_b2"] = jnp.zeros((H,), dtype=jnp.float32)
    inp["ee2_W1"] = _init(ks[10], (DE, H), DE)
    inp["ee2_b1"] = jnp.zeros((H,), dtype=jnp.float32)
    inp["ee2_W2"] = _init(ks[11], (H, H), H)
    inp["ee2_b2"] = jnp.zeros((H,), dtype=jnp.float32)
    inp["ee3_W1"] = _init(ks[12], (DE, H), DE)
    inp["ee3_b1"] = jnp.zeros((H,), dtype=jnp.float32)
    inp["ee3_W2"] = _init(ks[13], (H, OUT), H)
    inp["ee3_b2"] = jnp.zeros((OUT,), dtype=jnp.float32)
    return inp


def _ee(ef, W1, b1, W2, b2):
    h = jax.nn.relu(ef @ W1 + b1)
    return jax.nn.sigmoid(h @ W2 + b2)


def _gc(x, Esrc, Etgt, ef, W, b):
    support = x @ W + b
    msg = jnp.take(support, Esrc, axis=0) * ef
    return jax.ops.segment_sum(msg, Etgt, num_segments=N)


def reference(node_features, edge_features, Esrc, Etgt, batch,
              gc1_W, gc1_b, gc2_W, gc2_b, gc3_W, gc3_b,
              ee1_W1, ee1_b1, ee1_W2, ee1_b2,
              ee2_W1, ee2_b1, ee2_W2, ee2_b2,
              ee3_W1, ee3_b1, ee3_W2, ee3_b2):
    x = node_features
    ef1 = _ee(edge_features, ee1_W1, ee1_b1, ee1_W2, ee1_b2)
    x = jax.nn.relu(_gc(x, Esrc, Etgt, ef1, gc1_W, gc1_b))
    # dropout p=0, eval mode: identity
    ef2 = _ee(edge_features, ee2_W1, ee2_b1, ee2_W2, ee2_b2)
    x = jax.nn.relu(_gc(x, Esrc, Etgt, ef2, gc2_W, gc2_b))
    ef3 = _ee(edge_features, ee3_W1, ee3_b1, ee3_W2, ee3_b2)
    x = _gc(x, Esrc, Etgt, ef3, gc3_W, gc3_b)
    out = jax.ops.segment_sum(x, batch, num_segments=B)
    return out  # regression head: no log_softmax

if __name__ == "__main__":
    import jax
    _d = setup_inputs()
    print(jax.jit(kernel)(*tuple(_d.values())))

</pallas_src>

<mosaic_0001>
#map = affine_map<(d0, d1) -> (0, 0)>
#map1 = affine_map<(d0, d1) -> (0)>
#map2 = affine_map<(d0, d1) -> (0, 0, 0)>
module attributes {stable_mosaic.version = 14 : i64} {
  func.func @_sc_layer_body(%arg0: i32, %arg1: i32, %arg2: memref<10240x128xf32, #tpu.memory_space<hbm>>, %arg3: memref<320000x128xf32, #tpu.memory_space<hbm>>, %arg4: memref<320000xi32, #tpu.memory_space<hbm>>, %arg5: memref<320000xi32, #tpu.memory_space<hbm>>, %arg6: memref<2x10240x128xf32, #tpu.memory_space<hbm>>, %arg7: memref<80xi32, #tpu.memory_space<vmem>>, %arg8: memref<80xi32, #tpu.memory_space<vmem>>, %arg9: memref<80x128xf32, #tpu.memory_space<vmem>>, %arg10: memref<80x128xf32, #tpu.memory_space<vmem>>, %arg11: memref<80xi32, #tpu.memory_space<vmem>>, %arg12: memref<80xi32, #tpu.memory_space<vmem>>, %arg13: memref<80x128xf32, #tpu.memory_space<vmem>>, %arg14: memref<80x128xf32, #tpu.memory_space<vmem>>, %arg15: memref<10240x128xf32, #tpu.memory_space<vmem_shared>>, %arg16: memref<!tpu.dma_semaphore, #tpu.memory_space<semaphore_mem>>, %arg17: memref<!tpu.dma_semaphore, #tpu.memory_space<semaphore_mem>>, %arg18: memref<!tpu.dma_semaphore, #tpu.memory_space<semaphore_mem>>, %arg19: memref<!tpu.dma_semaphore, #tpu.memory_space<semaphore_mem>>, %arg20: memref<!tpu.dma_semaphore, #tpu.memory_space<semaphore_mem>>, %arg21: memref<!tpu.dma_semaphore, #tpu.memory_space<semaphore_mem>>) attributes {dimension_semantics = [#tpu.dimension_semantics<core_parallel>, #tpu.dimension_semantics<subcore_parallel>], iteration_bounds = array<i64: 2, 16>, scalar_prefetch = 0 : i64, scratch_operands = 15 : i64, tpu.core_type = #tpu.core_type<sc_vector_subcore>, window_params = [{transform_indices = #map}, {transform_indices = #map}, {transform_indices = #map1}, {transform_indices = #map1}, {transform_indices = #map2}]} {
    %mul3A = arith.constant 16 : i32
    %mul3A_0 = arith.muli %arg0, %mul3A : i32
    %add3A = arith.addi %mul3A_0, %arg1 : i32
    %scan3A = arith.constant 0 : i32
    %scan3A_1 = arith.constant 0 : i32
    %scan3A_2 = arith.constant 80 : i32
    %scan3A_3 = arith.addi %scan3A_1, %scan3A_2 : i32
    %scan3A_4 = arith.constant 1 : i32
    %scan3A_5 = scf.for %scan3A_114 = %scan3A_1 to %scan3A_3 step %scan3A_4 iter_args(%scan3A_115 = %scan3A) -> (i32)  : i32 {
      %broadcast_in_dim3A = arith.constant 0.000000e+00 : f32
      %broadcast_in_dim3A_116 = vector.broadcast %broadcast_in_dim3A : f32 to vector<16xf32>
      %swap3A = arith.index_cast %scan3A_114 : i32 to index
      %swap3A_117 = arith.constant 0 : index
      %swap3A_118 = tpu.vector_load %arg9[%swap3A, %swap3A_117] {strides = array<i32>} : memref<80x128xf32, #tpu.memory_space<vmem>>, vector<1x16xf32>,
      %swap3A_119 = vector.shape_cast %swap3A_118 : vector<1x16xf32> to vector<16xf32>
      %swap3A_120 = vector.shape_cast %broadcast_in_dim3A_116 : vector<16xf32> to vector<1x16xf32>
      tpu.vector_store %arg9[%swap3A, %swap3A_117], %swap3A_120 {strides = array<i32>} : memref<80x128xf32, #tpu.memory_space<vmem>>, vector<1x16xf32>,
      %broadcast_in_dim3A_121 = arith.constant 0.000000e+00 : f32
      %broadcast_in_dim3A_122 = vector.broadcast %broadcast_in_dim3A_121 : f32 to vector<16xf32>
      %swap3A_123 = arith.index_cast %scan3A_114 : i32 to index
      %swap3A_124 = arith.constant 16 : index
      %swap3A_125 = tpu.vector_load %arg9[%swap3A_123, %swap3A_124] {strides = array<i32>} : memref<80x128xf32, #tpu.memory_space<vmem>>, vector<1x16xf32>,
      %swap3A_126 = vector.shape_cast %swap3A_125 : vector<1x16xf32> to vector<16xf32>
      %swap3A_127 = vector.shape_cast %broadcast_in_dim3A_122 : vector<16xf32> to vector<1x16xf32>
      tpu.vector_store %arg9[%swap3A_123, %swap3A_124], %swap3A_127 {strides = array<i32>} : memref<80x128xf32, #tpu.memory_space<vmem>>, vector<1x16xf32>,
      %broadcast_in_dim3A_128 = arith.constant 0.000000e+00 : f32
      %broadcast_in_dim3A_129 = vector.broadcast %broadcast_in_dim3A_128 : f32 to vector<16xf32>
      %swap3A_130 = arith.index_cast %scan3A_114 : i32 to index
      %swap3A_131 = arith.constant 32 : index
      %swap3A_132 = tpu.vector_load %arg9[%swap3A_130, %swap3A_131] {strides = array<i32>} : memref<80x128xf32, #tpu.memory_space<vmem>>, vector<1x16xf32>,
      %swap3A_133 = vector.shape_cast %swap3A_132 : vector<1x16xf32> to vector<16xf32>
      %swap3A_134 = vector.shape_cast %broadcast_in_dim3A_129 : vector<16xf32> to vector<1x16xf32>
      tpu.vector_store %arg9[%swap3A_130, %swap3A_131], %swap3A_134 {strides = array<i32>} : memref<80x128xf32, #tpu.memory_space<vmem>>, vector<1x16xf32>,
      %broadcast_in_dim3A_135 = arith.constant 0.000000e+00 : f32
      %broadcast_in_dim3A_136 = vector.broadcast %broadcast_in_dim3A_135 : f32 to vector<16xf32>
      %swap3A_137 = arith.index_cast %scan3A_114 : i32 to index
      %swap3A_138 = arith.constant 48 : index
      %swap3A_139 = tpu.vector_load %arg9[%swap3A_137, %swap3A_138] {strides = array<i32>} : memref<80x128xf32, #tpu.memory_space<vmem>>, vector<1x16xf32>,
      %swap3A_140 = vector.shape_cast %swap3A_139 : vector<1x16xf32> to vector<16xf32>
      %swap3A_141 = vector.shape_cast %broadcast_in_dim3A_136 : vector<16xf32> to vector<1x16xf32>
      tpu.vector_store %arg9[%swap3A_137, %swap3A_138], %swap3A_141 {strides = array<i32>} : memref<80x128xf32, #tpu.memory_space<vmem>>, vector<1x16xf32>,
      %broadcast_in_dim3A_142 = arith.constant 0.000000e+00 : f32
      %broadcast_in_dim3A_143 = vector.broadcast %broadcast_in_dim3A_142 : f32 to vector<16xf32>
      %swap3A_144 = arith.index_cast %scan3A_114 : i32 to index
      %swap3A_145 = arith.constant 64 : index
      %swap3A_146 = tpu.vector_load %arg9[%swap3A_144, %swap3A_145] {strides = array<i32>} : memref<80x128xf32, #tpu.memory_space<vmem>>, vector<1x16xf32>,
      %swap3A_147 = vector.shape_cast %swap3A_146 : vector<1x16xf32> to vector<16xf32>
      %swap3A_148 = vector.shape_cast %broadcast_in_dim3A_143 : vector<16xf32> to vector<1x16xf32>
      tpu.vector_store %arg9[%swap3A_144, %swap3A_145], %swap3A_148 {strides = array<i32>} : memref<80x128xf32, #tpu.memory_space<vmem>>, vector<1x16xf32>,
      %broadcast_in_dim3A_149 = arith.constant 0.000000e+00 : f32
      %broadcast_in_dim3A_150 = vector.broadcast %broadcast_in_dim3A_149 : f32 to vector<16xf32>
      %swap3A_151 = arith.index_cast %scan3A_114 : i32 to index
      %swap3A_152 = arith.constant 80 : index
      %swap3A_153 = tpu.vector_load %arg9[%swap3A_151, %swap3A_152] {strides = array<i32>} : memref<80x128xf32, #tpu.memory_space<vmem>>, vector<1x16xf32>,
      %swap3A_154 = vector.shape_cast %swap3A_153 : vector<1x16xf32> to vector<16xf32>
      %swap3A_155 = vector.shape_cast %broadcast_in_dim3A_150 : vector<16xf32> to vector<1x16xf32>
      tpu.vector_store %arg9[%swap3A_151, %swap3A_152], %swap3A_155 {strides = array<i32>} : memref<80x128xf32, #tpu.memory_space<vmem>>, vector<1x16xf32>,
      %broadcast_in_dim3A_156 = arith.constant 0.000000e+00 : f32
      %broadcast_in_dim3A_157 = vector.broadcast %broadcast_in_dim3A_156 : f32 to vector<16xf32>
      %swap3A_158 = arith.index_cast %scan3A_114 : i32 to index
      %swap3A_159 = arith.constant 96 : index
      %swap3A_160 = tpu.vector_load %arg9[%swap3A_158, %swap3A_159] {strides = array<i32>} : memref<80x128xf32, #tpu.memory_space<vmem>>, vector<1x16xf32>,
      %swap3A_161 = vector.shape_cast %swap3A_160 : vector<1x16xf32> to vector<16xf32>
      %swap3A_162 = vector.shape_cast %broadcast_in_dim3A_157 : vector<16xf32> to vector<1x16xf32>
      tpu.vector_store %arg9[%swap3A_158, %swap3A_159], %swap3A_162 {strides = array<i32>} : memref<80x128xf32, #tpu.memory_space<vmem>>, vector<1x16xf32>,
      %broadcast_in_dim3A_163 = arith.constant 0.000000e+00 : f32
      %broadcast_in_dim3A_164 = vector.broadcast %broadcast_in_dim3A_163 : f32 to vector<16xf32>
      %swap3A_165 = arith.index_cast %scan3A_114 : i32 to index
      %swap3A_166 = arith.constant 112 : index
      %swap3A_167 = tpu.vector_load %arg9[%swap3A_165, %swap3A_166] {strides = array<i32>} : memref<80x128xf32, #tpu.memory_space<vmem>>, vector<1x16xf32>,
      %swap3A_168 = vector.shape_cast %swap3A_167 : vector<1x16xf32> to vector<16xf32>
      %swap3A_169 = vector.shape_cast %broadcast_in_dim3A_164 : vector<16xf32> to vector<1x16xf32>
      tpu.vector_store %arg9[%swap3A_165, %swap3A_166], %swap3A_169 {strides = array<i32>} : memref<80x128xf32, #tpu.memory_space<vmem>>, vector<1x16xf32>,
      %scan3A_170 = arith.constant 0 : i32
      scf.yield %scan3A_170 : i32
    }
    %scan3A_6 = arith.constant 80 : i32
    %mul3A_7 = arith.constant 640 : i32
    %mul3A_8 = arith.muli %arg1, %mul3A_7 : i32
    %add3A_9 = arith.constant 0 : i32
    %add3A_10 = arith.addi %mul3A_8, %add3A_9 : i32
    "tpu.region"() ({
      %run_scoped3A = tpu.sem_alloc : memref<!tpu.dma_semaphore, #tpu.memory_space<semaphore_mem>>
      %dma_start3A_114 = arith.constant 0 : i32
      %dma_start3A_115 = tpu.memref_slice %arg15[%add3A_10, %dma_start3A_114] : memref<10240x128xf32, #tpu.memory_space<vmem_shared>> -> memref<80x128xf32, #tpu.memory_space<vmem_shared>>
      %dma_start3A_116 = arith.constant 0 : i32
      %dma_start3A_117 = tpu.memref_slice %arg15[%add3A_10, %dma_start3A_116] : memref<10240x128xf32, #tpu.memory_space<vmem_shared>> -> memref<80x128xf32, #tpu.memory_space<vmem_shared>>
      tpu.enqueue_dma source(%arg9 : memref<80x128xf32, #tpu.memory_space<vmem>>) target(%dma_start3A_117 : memref<80x128xf32, #tpu.memory_space<vmem_shared>>) target_semaphore(%run_scoped3A : memref<!tpu.dma_semaphore, #tpu.memory_space<semaphore_mem>>)
      %dma_wait3A_118 = arith.constant 0 : i32
      %dma_wait3A_119 = tpu.memref_slice %arg15[%add3A_10, %dma_wait3A_118] : memref<10240x128xf32, #tpu.memory_space<vmem_shared>> -> memref<80x128xf32, #tpu.memory_space<vmem_shared>>
      %dma_wait3A_120 = arith.constant 0 : i32
      %dma_wait3A_121 = tpu.memref_slice %arg15[%add3A_10, %dma_wait3A_120] : memref<10240x128xf32, #tpu.memory_space<vmem_shared>> -> memref<80x128xf32, #tpu.memory_space<vmem_shared>>
      tpu.wait_dma2 semaphore(%run_scoped3A : memref<!tpu.dma_semaphore, #tpu.memory_space<semaphore_mem>>) src(%arg9 : memref<80x128xf32, #tpu.memory_space<vmem>>) dst(%dma_wait3A_121 : memref<80x128xf32, #tpu.memory_space<vmem_shared>>)
      tpu.yield
    }) : () -> ()
    %mul3A_11 = arith.constant 640 : i32
    %mul3A_12 = arith.muli %arg1, %mul3A_11 : i32
    %add3A_13 = arith.constant 80 : i32
    %add3A_14 = arith.addi %mul3A_12, %add3A_13 : i32
    "tpu.region"() ({
      %run_scoped3A = tpu.sem_alloc : memref<!tpu.dma_semaphore, #tpu.memory_space<semaphore_mem>>
      %dma_start3A_114 = arith.constant 0 : i32
      %dma_start3A_115 = tpu.memref_slice %arg15[%add3A_14, %dma_start3A_114] : memref<10240x128xf32, #tpu.memory_space<vmem_shared>> -> memref<80x128xf32, #tpu.memory_space<vmem_shared>>
      %dma_start3A_116 = arith.constant 0 : i32
      %dma_start3A_117 = tpu.memref_slice %arg15[%add3A_14, %dma_start3A_116] : memref<10240x128xf32, #tpu.memory_space<vmem_shared>> -> memref<80x128xf32, #tpu.memory_space<vmem_shared>>
      tpu.enqueue_dma source(%arg9 : memref<80x128xf32, #tpu.memory_space<vmem>>) target(%dma_start3A_117 : memref<80x128xf32, #tpu.memory_space<vmem_shared>>) target_semaphore(%run_scoped3A : memref<!tpu.dma_semaphore, #tpu.memory_space<semaphore_mem>>)
      %dma_wait3A_118 = arith.constant 0 : i32
      %dma_wait3A_119 = tpu.memref_slice %arg15[%add3A_14, %dma_wait3A_118] : memref<10240x128xf32, #tpu.memory_space<vmem_shared>> -> memref<80x128xf32, #tpu.memory_space<vmem_shared>>
      %dma_wait3A_120 = arith.constant 0 : i32
      %dma_wait3A_121 = tpu.memref_slice %arg15[%add3A_14, %dma_wait3A_120] : memref<10240x128xf32, #tpu.memory_space<vmem_shared>> -> memref<80x128xf32, #tpu.memory_space<vmem_shared>>
      tpu.wait_dma2 semaphore(%run_scoped3A : memref<!tpu.dma_semaphore, #tpu.memory_space<semaphore_mem>>) src(%arg9 : memref<80x128xf32, #tpu.memory_space<vmem>>) dst(%dma_wait3A_121 : memref<80x128xf32, #tpu.memory_space<vmem_shared>>)
      tpu.yield
    }) : () -> ()
    %mul3A_15 = arith.constant 640 : i32
    %mul3A_16 = arith.muli %arg1, %mul3A_15 : i32
    %add3A_17 = arith.constant 160 : i32
    %add3A_18 = arith.addi %mul3A_16, %add3A_17 : i32
    "tpu.region"() ({
      %run_scoped3A = tpu.sem_alloc : memref<!tpu.dma_semaphore, #tpu.memory_space<semaphore_mem>>
      %dma_start3A_114 = arith.constant 0 : i32
      %dma_start3A_115 = tpu.memref_slice %arg15[%add3A_18, %dma_start3A_114] : memref<10240x128xf32, #tpu.memory_space<vmem_shared>> -> memref<80x128xf32, #tpu.memory_space<vmem_shared>>
      %dma_start3A_116 = arith.constant 0 : i32
      %dma_start3A_117 = tpu.memref_slice %arg15[%add3A_18, %dma_start3A_116] : memref<10240x128xf32, #tpu.memory_space<vmem_shared>> -> memref<80x128xf32, #tpu.memory_space<vmem_shared>>
      tpu.enqueue_dma source(%arg9 : memref<80x128xf32, #tpu.memory_space<vmem>>) target(%dma_start3A_117 : memref<80x128xf32, #tpu.memory_space<vmem_shared>>) target_semaphore(%run_scoped3A : memref<!tpu.dma_semaphore, #tpu.memory_space<semaphore_mem>>)
      %dma_wait3A_118 = arith.constant 0 : i32
      %dma_wait3A_119 = tpu.memref_slice %arg15[%add3A_18, %dma_wait3A_118] : memref<10240x128xf32, #tpu.memory_space<vmem_shared>> -> memref<80x128xf32, #tpu.memory_space<vmem_shared>>
      %dma_wait3A_120 = arith.constant 0 : i32
      %dma_wait3A_121 = tpu.memref_slice %arg15[%add3A_18, %dma_wait3A_120] : memref<10240x128xf32, #tpu.memory_space<vmem_shared>> -> memref<80x128xf32, #tpu.memory_space<vmem_shared>>
      tpu.wait_dma2 semaphore(%run_scoped3A : memref<!tpu.dma_semaphore, #tpu.memory_space<semaphore_mem>>) src(%arg9 : memref<80x128xf32, #tpu.memory_space<vmem>>) dst(%dma_wait3A_121 : memref<80x128xf32, #tpu.memory_space<vmem_shared>>)
      tpu.yield
    }) : () -> ()
    %mul3A_19 = arith.constant 640 : i32
    %mul3A_20 = arith.muli %arg1, %mul3A_19 : i32
    %add3A_21 = arith.constant 240 : i32
    %add3A_22 = arith.addi %mul3A_20, %add3A_21 : i32
    "tpu.region"() ({
      %run_scoped3A = tpu.sem_alloc : memref<!tpu.dma_semaphore, #tpu.memory_space<semaphore_mem>>
      %dma_start3A_114 = arith.constant 0 : i32
      %dma_start3A_115 = tpu.memref_slice %arg15[%add3A_22, %dma_start3A_114] : memref<10240x128xf32, #tpu.memory_space<vmem_shared>> -> memref<80x128xf32, #tpu.memory_space<vmem_shared>>
      %dma_start3A_116 = arith.constant 0 : i32
      %dma_start3A_117 = tpu.memref_slice %arg15[%add3A_22, %dma_start3A_116] : memref<10240x128xf32, #tpu.memory_space<vmem_shared>> -> memref<80x128xf32, #tpu.memory_space<vmem_shared>>
      tpu.enqueue_dma source(%arg9 : memref<80x128xf32, #tpu.memory_space<vmem>>) target(%dma_start3A_117 : memref<80x128xf32, #tpu.memory_space<vmem_shared>>) target_semaphore(%run_scoped3A : memref<!tpu.dma_semaphore, #tpu.memory_space<semaphore_mem>>)
      %dma_wait3A_118 = arith.constant 0 : i32
      %dma_wait3A_119 = tpu.memref_slice %arg15[%add3A_22, %dma_wait3A_118] : memref<10240x128xf32, #tpu.memory_space<vmem_shared>> -> memref<80x128xf32, #tpu.memory_space<vmem_shared>>
      %dma_wait3A_120 = arith.constant 0 : i32
      %dma_wait3A_121 = tpu.memref_slice %arg15[%add3A_22, %dma_wait3A_120] : memref<10240x128xf32, #tpu.memory_space<vmem_shared>> -> memref<80x128xf32, #tpu.memory_space<vmem_shared>>
      tpu.wait_dma2 semaphore(%run_scoped3A : memref<!tpu.dma_semaphore, #tpu.memory_space<semaphore_mem>>) src(%arg9 : memref<80x128xf32, #tpu.memory_space<vmem>>) dst(%dma_wait3A_121 : memref<80x128xf32, #tpu.memory_space<vmem_shared>>)
      tpu.yield
    }) : () -> ()
    %mul3A_23 = arith.constant 640 : i32
    %mul3A_24 = arith.muli %arg1, %mul3A_23 : i32
    %add3A_25 = arith.constant 320 : i32
    %add3A_26 = arith.addi %mul3A_24, %add3A_25 : i32
    "tpu.region"() ({
      %run_scoped3A = tpu.sem_alloc : memref<!tpu.dma_semaphore, #tpu.memory_space<semaphore_mem>>
      %dma_start3A_114 = arith.constant 0 : i32
      %dma_start3A_115 = tpu.memref_slice %arg15[%add3A_26, %dma_start3A_114] : memref<10240x128xf32, #tpu.memory_space<vmem_shared>> -> memref<80x128xf32, #tpu.memory_space<vmem_shared>>
      %dma_start3A_116 = arith.constant 0 : i32
      %dma_start3A_117 = tpu.memref_slice %arg15[%add3A_26, %dma_start3A_116] : memref<10240x128xf32, #tpu.memory_space<vmem_shared>> -> memref<80x128xf32, #tpu.memory_space<vmem_shared>>
      tpu.enqueue_dma source(%arg9 : memref<80x128xf32, #tpu.memory_space<vmem>>) target(%dma_start3A_117 : memref<80x128xf32, #tpu.memory_space<vmem_shared>>) target_semaphore(%run_scoped3A : memref<!tpu.dma_semaphore, #tpu.memory_space<semaphore_mem>>)
      %dma_wait3A_118 = arith.constant 0 : i32
      %dma_wait3A_119 = tpu.memref_slice %arg15[%add3A_26, %dma_wait3A_118] : memref<10240x128xf32, #tpu.memory_space<vmem_shared>> -> memref<80x128xf32, #tpu.memory_space<vmem_shared>>
      %dma_wait3A_120 = arith.constant 0 : i32
      %dma_wait3A_121 = tpu.memref_slice %arg15[%add3A_26, %dma_wait3A_120] : memref<10240x128xf32, #tpu.memory_space<vmem_shared>> -> memref<80x128xf32, #tpu.memory_space<vmem_shared>>
      tpu.wait_dma2 semaphore(%run_scoped3A : memref<!tpu.dma_semaphore, #tpu.memory_space<semaphore_mem>>) src(%arg9 : memref<80x128xf32, #tpu.memory_space<vmem>>) dst(%dma_wait3A_121 : memref<80x128xf32, #tpu.memory_space<vmem_shared>>)
      tpu.yield
    }) : () -> ()
    %mul3A_27 = arith.constant 640 : i32
    %mul3A_28 = arith.muli %arg1, %mul3A_27 : i32
    %add3A_29 = arith.constant 400 : i32
    %add3A_30 = arith.addi %mul3A_28, %add3A_29 : i32
    "tpu.region"() ({
      %run_scoped3A = tpu.sem_alloc : memref<!tpu.dma_semaphore, #tpu.memory_space<semaphore_mem>>
      %dma_start3A_114 = arith.constant 0 : i32
      %dma_start3A_115 = tpu.memref_slice %arg15[%add3A_30, %dma_start3A_114] : memref<10240x128xf32, #tpu.memory_space<vmem_shared>> -> memref<80x128xf32, #tpu.memory_space<vmem_shared>>
      %dma_start3A_116 = arith.constant 0 : i32
      %dma_start3A_117 = tpu.memref_slice %arg15[%add3A_30, %dma_start3A_116] : memref<10240x128xf32, #tpu.memory_space<vmem_shared>> -> memref<80x128xf32, #tpu.memory_space<vmem_shared>>
      tpu.enqueue_dma source(%arg9 : memref<80x128xf32, #tpu.memory_space<vmem>>) target(%dma_start3A_117 : memref<80x128xf32, #tpu.memory_space<vmem_shared>>) target_semaphore(%run_scoped3A : memref<!tpu.dma_semaphore, #tpu.memory_space<semaphore_mem>>)
      %dma_wait3A_118 = arith.constant 0 : i32
      %dma_wait3A_119 = tpu.memref_slice %arg15[%add3A_30, %dma_wait3A_118] : memref<10240x128xf32, #tpu.memory_space<vmem_shared>> -> memref<80x128xf32, #tpu.memory_space<vmem_shared>>
      %dma_wait3A_120 = arith.constant 0 : i32
      %dma_wait3A_121 = tpu.memref_slice %arg15[%add3A_30, %dma_wait3A_120] : memref<10240x128xf32, #tpu.memory_space<vmem_shared>> -> memref<80x128xf32, #tpu.memory_space<vmem_shared>>
      tpu.wait_dma2 semaphore(%run_scoped3A : memref<!tpu.dma_semaphore, #tpu.memory_space<semaphore_mem>>) src(%arg9 : memref<80x128xf32, #tpu.memory_space<vmem>>) dst(%dma_wait3A_121 : memref<80x128xf32, #tpu.memory_space<vmem_shared>>)
      tpu.yield
    }) : () -> ()
    %mul3A_31 = arith.constant 640 : i32
    %mul3A_32 = arith.muli %arg1, %mul3A_31 : i32
    %add3A_33 = arith.constant 480 : i32
    %add3A_34 = arith.addi %mul3A_32, %add3A_33 : i32
    "tpu.region"() ({
      %run_scoped3A = tpu.sem_alloc : memref<!tpu.dma_semaphore, #tpu.memory_space<semaphore_mem>>
      %dma_start3A_114 = arith.constant 0 : i32
      %dma_start3A_115 = tpu.memref_slice %arg15[%add3A_34, %dma_start3A_114] : memref<10240x128xf32, #tpu.memory_space<vmem_shared>> -> memref<80x128xf32, #tpu.memory_space<vmem_shared>>
      %dma_start3A_116 = arith.constant 0 : i32
      %dma_start3A_117 = tpu.memref_slice %arg15[%add3A_34, %dma_start3A_116] : memref<10240x128xf32, #tpu.memory_space<vmem_shared>> -> memref<80x128xf32, #tpu.memory_space<vmem_shared>>
      tpu.enqueue_dma source(%arg9 : memref<80x128xf32, #tpu.memory_space<vmem>>) target(%dma_start3A_117 : memref<80x128xf32, #tpu.memory_space<vmem_shared>>) target_semaphore(%run_scoped3A : memref<!tpu.dma_semaphore, #tpu.memory_space<semaphore_mem>>)
      %dma_wait3A_118 = arith.constant 0 : i32
      %dma_wait3A_119 = tpu.memref_slice %arg15[%add3A_34, %dma_wait3A_118] : memref<10240x128xf32, #tpu.memory_space<vmem_shared>> -> memref<80x128xf32, #tpu.memory_space<vmem_shared>>
      %dma_wait3A_120 = arith.constant 0 : i32
      %dma_wait3A_121 = tpu.memref_slice %arg15[%add3A_34, %dma_wait3A_120] : memref<10240x128xf32, #tpu.memory_space<vmem_shared>> -> memref<80x128xf32, #tpu.memory_space<vmem_shared>>
      tpu.wait_dma2 semaphore(%run_scoped3A : memref<!tpu.dma_semaphore, #tpu.memory_space<semaphore_mem>>) src(%arg9 : memref<80x128xf32, #tpu.memory_space<vmem>>) dst(%dma_wait3A_121 : memref<80x128xf32, #tpu.memory_space<vmem_shared>>)
      tpu.yield
    }) : () -> ()
    %mul3A_35 = arith.constant 640 : i32
    %mul3A_36 = arith.muli %arg1, %mul3A_35 : i32
    %add3A_37 = arith.constant 560 : i32
    %add3A_38 = arith.addi %mul3A_36, %add3A_37 : i32
    "tpu.region"() ({
      %run_scoped3A = tpu.sem_alloc : memref<!tpu.dma_semaphore, #tpu.memory_space<semaphore_mem>>
      %dma_start3A_114 = arith.constant 0 : i32
      %dma_start3A_115 = tpu.memref_slice %arg15[%add3A_38, %dma_start3A_114] : memref<10240x128xf32, #tpu.memory_space<vmem_shared>> -> memref<80x128xf32, #tpu.memory_space<vmem_shared>>
      %dma_start3A_116 = arith.constant 0 : i32
      %dma_start3A_117 = tpu.memref_slice %arg15[%add3A_38, %dma_start3A_116] : memref<10240x128xf32, #tpu.memory_space<vmem_shared>> -> memref<80x128xf32, #tpu.memory_space<vmem_shared>>
      tpu.enqueue_dma source(%arg9 : memref<80x128xf32, #tpu.memory_space<vmem>>) target(%dma_start3A_117 : memref<80x128xf32, #tpu.memory_space<vmem_shared>>) target_semaphore(%run_scoped3A : memref<!tpu.dma_semaphore, #tpu.memory_space<semaphore_mem>>)
      %dma_wait3A_118 = arith.constant 0 : i32
      %dma_wait3A_119 = tpu.memref_slice %arg15[%add3A_38, %dma_wait3A_118] : memref<10240x128xf32, #tpu.memory_space<vmem_shared>> -> memref<80x128xf32, #tpu.memory_space<vmem_shared>>
      %dma_wait3A_120 = arith.constant 0 : i32
      %dma_wait3A_121 = tpu.memref_slice %arg15[%add3A_38, %dma_wait3A_120] : memref<10240x128xf32, #tpu.memory_space<vmem_shared>> -> memref<80x128xf32, #tpu.memory_space<vmem_shared>>
      tpu.wait_dma2 semaphore(%run_scoped3A : memref<!tpu.dma_semaphore, #tpu.memory_space<semaphore_mem>>) src(%arg9 : memref<80x128xf32, #tpu.memory_space<vmem>>) dst(%dma_wait3A_121 : memref<80x128xf32, #tpu.memory_space<vmem_shared>>)
      tpu.yield
    }) : () -> ()
    %barrier3A = arith.constant 0 : index
    tpu.barrier barrier_id(%barrier3A)
    %mul3A_39 = arith.constant 10000 : i32
    %mul3A_40 = arith.muli %add3A, %mul3A_39 : i32
    %add3A_41 = arith.constant 0 : i32
    %add3A_42 = arith.addi %mul3A_40, %add3A_41 : i32
    "tpu.region"() ({
      %run_scoped3A = tpu.sem_alloc : memref<!tpu.dma_semaphore, #tpu.memory_space<semaphore_mem>>
      %dma_start3A_114 = tpu.memref_slice %arg4[%add3A_42] : memref<320000xi32, #tpu.memory_space<hbm>> -> memref<80xi32, #tpu.memory_space<hbm>>
      %dma_start3A_115 = tpu.memref_slice %arg4[%add3A_42] : memref<320000xi32, #tpu.memory_space<hbm>> -> memref<80xi32, #tpu.memory_space<hbm>>
      tpu.enqueue_dma source(%dma_start3A_115 : memref<80xi32, #tpu.memory_space<hbm>>) target(%arg7 : memref<80xi32, #tpu.memory_space<vmem>>) target_semaphore(%run_scoped3A : memref<!tpu.dma_semaphore, #tpu.memory_space<semaphore_mem>>)
      %dma_wait3A_116 = tpu.memref_slice %arg4[%add3A_42] : memref<320000xi32, #tpu.memory_space<hbm>> -> memref<80xi32, #tpu.memory_space<hbm>>
      %dma_wait3A_117 = tpu.memref_slice %arg4[%add3A_42] : memref<320000xi32, #tpu.memory_space<hbm>> -> memref<80xi32, #tpu.memory_space<hbm>>
      tpu.wait_dma2 semaphore(%run_scoped3A : memref<!tpu.dma_semaphore, #tpu.memory_space<semaphore_mem>>) src(%dma_wait3A_117 : memref<80xi32, #tpu.memory_space<hbm>>) dst(%arg7 : memref<80xi32, #tpu.memory_space<vmem>>)
      tpu.yield
    }) : () -> ()
    "tpu.region"() ({
      %run_scoped3A = tpu.sem_alloc : memref<!tpu.dma_semaphore, #tpu.memory_space<semaphore_mem>>
      %dma_start3A_114 = tpu.memref_slice %arg5[%add3A_42] : memref<320000xi32, #tpu.memory_space<hbm>> -> memref<80xi32, #tpu.memory_space<hbm>>
      %dma_start3A_115 = tpu.memref_slice %arg5[%add3A_42] : memref<320000xi32, #tpu.memory_space<hbm>> -> memref<80xi32, #tpu.memory_space<hbm>>
      tpu.enqueue_dma source(%dma_start3A_115 : memref<80xi32, #tpu.memory_space<hbm>>) target(%arg8 : memref<80xi32, #tpu.memory_space<vmem>>) target_semaphore(%run_scoped3A : memref<!tpu.dma_semaphore, #tpu.memory_space<semaphore_mem>>)
      %dma_wait3A_116 = tpu.memref_slice %arg5[%add3A_42] : memref<320000xi32, #tpu.memory_space<hbm>> -> memref<80xi32, #tpu.memory_space<hbm>>
      %dma_wait3A_117 = tpu.memref_slice %arg5[%add3A_42] : memref<320000xi32, #tpu.memory_space<hbm>> -> memref<80xi32, #tpu.memory_space<hbm>>
      tpu.wait_dma2 semaphore(%run_scoped3A : memref<!tpu.dma_semaphore, #tpu.memory_space<semaphore_mem>>) src(%dma_wait3A_117 : memref<80xi32, #tpu.memory_space<hbm>>) dst(%arg8 : memref<80xi32, #tpu.memory_space<vmem>>)
      tpu.yield
    }) : () -> ()
    %dma_start3A = arith.constant 0 : i32
    %dma_start3A_43 = arith.constant 0 : i32
    %dma_start3A_44 = tpu.memref_slice %arg2[%dma_start3A, %dma_start3A_43] : memref<10240x128xf32, #tpu.memory_space<hbm>> -> memref<10240x128xf32, #tpu.memory_space<hbm>>
    tpu.enqueue_indirect_dma source(%dma_start3A_44 : memref<10240x128xf32, #tpu.memory_space<hbm>>) target(%arg9 : memref<80x128xf32, #tpu.memory_space<vmem>>) offsets(%arg7 : memref<80xi32, #tpu.memory_space<vmem>>) semaphore(%arg16 : memref<!tpu.dma_semaphore, #tpu.memory_space<semaphore_mem>>)
    %dma_start3A_45 = arith.constant 0 : i32
    %dma_start3A_46 = tpu.memref_slice %arg3[%add3A_42, %dma_start3A_45] : memref<320000x128xf32, #tpu.memory_space<hbm>> -> memref<80x128xf32, #tpu.memory_space<hbm>>
    %dma_start3A_47 = arith.constant 0 : i32
    %dma_start3A_48 = tpu.memref_slice %arg3[%add3A_42, %dma_start3A_47] : memref<320000x128xf32, #tpu.memory_space<hbm>> -> memref<80x128xf32, #tpu.memory_space<hbm>>
    tpu.enqueue_dma source(%dma_start3A_48 : memref<80x128xf32, #tpu.memory_space<hbm>>) target(%arg10 : memref<80x128xf32, #tpu.memory_space<vmem>>) target_semaphore(%arg17 : memref<!tpu.dma_semaphore, #tpu.memory_space<semaphore_mem>>)
    %mul3A_49 = arith.constant 10000 : i32
    %mul3A_50 = arith.muli %add3A, %mul3A_49 : i32
    %add3A_51 = arith.constant 80 : i32
    %add3A_52 = arith.addi %mul3A_50, %add3A_51 : i32
    "tpu.region"() ({
      %run_scoped3A = tpu.sem_alloc : memref<!tpu.dma_semaphore, #tpu.memory_space<semaphore_mem>>
      %dma_start3A_114 = tpu.memref_slice %arg4[%add3A_52] : memref<320000xi32, #tpu.memory_space<hbm>> -> memref<80xi32, #tpu.memory_space<hbm>>
      %dma_start3A_115 = tpu.memref_slice %arg4[%add3A_52] : memref<320000xi32, #tpu.memory_space<hbm>> -> memref<80xi32, #tpu.memory_space<hbm>>
      tpu.enqueue_dma source(%dma_start3A_115 : memref<80xi32, #tpu.memory_space<hbm>>) target(%arg11 : memref<80xi32, #tpu.memory_space<vmem>>) target_semaphore(%run_scoped3A : memref<!tpu.dma_semaphore, #tpu.memory_space<semaphore_mem>>)
      %dma_wait3A_116 = tpu.memref_slice %arg4[%add3A_52] : memref<320000xi32, #tpu.memory_space<hbm>> -> memref<80xi32, #tpu.memory_space<hbm>>
      %dma_wait3A_117 = tpu.memref_slice %arg4[%add3A_52] : memref<320000xi32, #tpu.memory_space<hbm>> -> memref<80xi32, #tpu.memory_space<hbm>>
      tpu.wait_dma2 semaphore(%run_scoped3A : memref<!tpu.dma_semaphore, #tpu.memory_space<semaphore_mem>>) src(%dma_wait3A_117 : memref<80xi32, #tpu.memory_space<hbm>>) dst(%arg11 : memref<80xi32, #tpu.memory_space<vmem>>)
      tpu.yield
    }) : () -> ()
    "tpu.region"() ({
      %run_scoped3A = tpu.sem_alloc : memref<!tpu.dma_semaphore, #tpu.memory_space<semaphore_mem>>
      %dma_start3A_114 = tpu.memref_slice %arg5[%add3A_52] : memref<320000xi32, #tpu.memory_space<hbm>> -> memref<80xi32, #tpu.memory_space<hbm>>
      %dma_start3A_115 = tpu.memref_slice %arg5[%add3A_52] : memref<320000xi32, #tpu.memory_space<hbm>> -> memref<80xi32, #tpu.memory_space<hbm>>
      tpu.enqueue_dma source(%dma_start3A_115 : memref<80xi32, #tpu.memory_space<hbm>>) target(%arg12 : memref<80xi32, #tpu.memory_space<vmem>>) target_semaphore(%run_scoped3A : memref<!tpu.dma_semaphore, #tpu.memory_space<semaphore_mem>>)
      %dma_wait3A_116 = tpu.memref_slice %arg5[%add3A_52] : memref<320000xi32, #tpu.memory_space<hbm>> -> memref<80xi32, #tpu.memory_space<hbm>>
      %dma_wait3A_117 = tpu.memref_slice %arg5[%add3A_52] : memref<320000xi32, #tpu.memory_space<hbm>> -> memref<80xi32, #tpu.memory_space<hbm>>
      tpu.wait_dma2 semaphore(%run_scoped3A : memref<!tpu.dma_semaphore, #tpu.memory_space<semaphore_mem>>) src(%dma_wait3A_117 : memref<80xi32, #tpu.memory_space<hbm>>) dst(%arg12 : memref<80xi32, #tpu.memory_space<vmem>>)
      tpu.yield
    }) : () -> ()
    %dma_start3A_53 = arith.constant 0 : i32
    %dma_start3A_54 = arith.constant 0 : i32
    %dma_start3A_55 = tpu.memref_slice %arg2[%dma_start3A_53, %dma_start3A_54] : memref<10240x128xf32, #tpu.memory_space<hbm>> -> memref<10240x128xf32, #tpu.memory_space<hbm>>
    tpu.enqueue_indirect_dma source(%dma_start3A_55 : memref<10240x128xf32, #tpu.memory_space<hbm>>) target(%arg13 : memref<80x128xf32, #tpu.memory_space<vmem>>) offsets(%arg11 : memref<80xi32, #tpu.memory_space<vmem>>) semaphore(%arg19 : memref<!tpu.dma_semaphore, #tpu.memory_space<semaphore_mem>>)
    %dma_start3A_56 = arith.constant 0 : i32
    %dma_start3A_57 = tpu.memref_slice %arg3[%add3A_52, %dma_start3A_56] : memref<320000x128xf32, #tpu.memory_space<hbm>> -> memref<80x128xf32, #tpu.memory_space<hbm>>
    %dma_start3A_58 = arith.constant 0 : i32
    %dma_start3A_59 = tpu.memref_slice %arg3[%add3A_52, %dma_start3A_58] : memref<320000x128xf32, #tpu.memory_space<hbm>> -> memref<80x128xf32, #tpu.memory_space<hbm>>
    tpu.enqueue_dma source(%dma_start3A_59 : memref<80x128xf32, #tpu.memory_space<hbm>>) target(%arg14 : memref<80x128xf32, #tpu.memory_space<vmem>>) target_semaphore(%arg20 : memref<!tpu.dma_semaphore, #tpu.memory_space<semaphore_mem>>)
    %scan3A_60 = arith.constant 0 : i32
    %scan3A_61 = arith.constant 0 : i32
    %scan3A_62 = arith.constant 62 : i32
    %scan3A_63 = arith.addi %scan3A_61, %scan3A_62 : i32
    %scan3A_64 = arith.constant 1 : i32
    %scan3A_65 = scf.for %scan3A_114 = %scan3A_61 to %scan3A_63 step %scan3A_64 iter_args(%scan3A_115 = %scan3A_60) -> (i32)  : i32 {
      %mul3A_116 = arith.constant 2 : i32
      %mul3A_117 = arith.muli %scan3A_114, %mul3A_116 : i32
      %mul3A_118 = arith.constant 10000 : i32
      %mul3A_119 = arith.muli %add3A, %mul3A_118 : i32
      %mul3A_120 = arith.constant 80 : i32
      %mul3A_121 = arith.muli %mul3A_117, %mul3A_120 : i32
      %add3A_122 = arith.addi %mul3A_119, %mul3A_121 : i32
      %dma_wait3A_123 = arith.constant 0 : i32
      %dma_wait3A_124 = arith.constant 0 : i32
      %dma_wait3A_125 = tpu.memref_slice %arg2[%dma_wait3A_123, %dma_wait3A_124] : memref<10240x128xf32, #tpu.memory_space<hbm>> -> memref<10240x128xf32, #tpu.memory_space<hbm>>
      tpu.wait_indirect_dma semaphore(%arg16 : memref<!tpu.dma_semaphore, #tpu.memory_space<semaphore_mem>>) src(%dma_wait3A_125 : memref<10240x128xf32, #tpu.memory_space<hbm>>) dst(%arg9 : memref<80x128xf32, #tpu.memory_space<vmem>>)
      %dma_wait3A_126 = arith.constant 0 : i32
      %dma_wait3A_127 = tpu.memref_slice %arg3[%add3A_122, %dma_wait3A_126] : memref<320000x128xf32, #tpu.memory_space<hbm>> -> memref<80x128xf32, #tpu.memory_space<hbm>>
      %dma_wait3A_128 = arith.constant 0 : i32
      %dma_wait3A_129 = tpu.memref_slice %arg3[%add3A_122, %dma_wait3A_128] : memref<320000x128xf32, #tpu.memory_space<hbm>> -> memref<80x128xf32, #tpu.memory_space<hbm>>
      tpu.wait_dma2 semaphore(%arg17 : memref<!tpu.dma_semaphore, #tpu.memory_space<semaphore_mem>>) src(%dma_wait3A_129 : memref<80x128xf32, #tpu.memory_space<hbm>>) dst(%arg10 : memref<80x128xf32, #tpu.memory_space<vmem>>)
      %scan3A_130 = arith.constant 0 : i32
      %scan3A_131 = arith.constant 0 : i32
      %scan3A_132 = arith.constant 80 : i32
      %scan3A_133 = arith.addi %scan3A_131, %scan3A_132 : i32
      %scan3A_134 = arith.constant 1 : i32
      %scan3A_135 = scf.for %scan3A_176 = %scan3A_131 to %scan3A_133 step %scan3A_134 iter_args(%scan3A_177 = %scan3A_130) -> (i32)  : i32 {
        %get3A = arith.index_cast %scan3A_176 : i32 to index
        %get3A_178 = arith.constant 0 : index
        %get3A_179 = tpu.vector_load %arg9[%get3A, %get3A_178] {strides = array<i32>} : memref<80x128xf32, #tpu.memory_space<vmem>>, vector<1x16xf32>,
        %get3A_180 = vector.shape_cast %get3A_179 : vector<1x16xf32> to vector<16xf32>
        %get3A_181 = arith.index_cast %scan3A_176 : i32 to index
        %get3A_182 = arith.constant 0 : index
        %get3A_183 = tpu.vector_load %arg10[%get3A_181, %get3A_182] {strides = array<i32>} : memref<80x128xf32, #tpu.memory_space<vmem>>, vector<1x16xf32>,
        %get3A_184 = vector.shape_cast %get3A_183 : vector<1x16xf32> to vector<16xf32>
        %mul3A_185 = arith.mulf %get3A_180, %get3A_184 : vector<16xf32>
        %swap3A = arith.index_cast %scan3A_176 : i32 to index
        %swap3A_186 = arith.constant 0 : index
        %swap3A_187 = tpu.vector_load %arg9[%swap3A, %swap3A_186] {strides = array<i32>} : memref<80x128xf32, #tpu.memory_space<vmem>>, vector<1x16xf32>,
        %swap3A_188 = vector.shape_cast %swap3A_187 : vector<1x16xf32> to vector<16xf32>
        %swap3A_189 = vector.shape_cast %mul3A_185 : vector<16xf32> to vector<1x16xf32>
        tpu.vector_store %arg9[%swap3A, %swap3A_186], %swap3A_189 {strides = array<i32>} : memref<80x128xf32, #tpu.memory_space<vmem>>, vector<1x16xf32>,
        %get3A_190 = arith.index_cast %scan3A_176 : i32 to index
        %get3A_191 = arith.constant 16 : index
        %get3A_192 = tpu.vector_load %arg9[%get3A_190, %get3A_191] {strides = array<i32>} : memref<80x128xf32, #tpu.memory_space<vmem>>, vector<1x16xf32>,
        %get3A_193 = vector.shape_cast %get3A_192 : vector<1x16xf32> to vector<16xf32>
        %get3A_194 = arith.index_cast %scan3A_176 : i32 to index
        %get3A_195 = arith.constant 16 : index
        %get3A_196 = tpu.vector_load %arg10[%get3A_194, %get3A_195] {strides = array<i32>} : memref<80x128xf32, #tpu.memory_space<vmem>>, vector<1x16xf32>,
        %get3A_197 = vector.shape_cast %get3A_196 : vector<1x16xf32> to vector<16xf32>
        %mul3A_198 = arith.mulf %get3A_193, %get3A_197 : vector<16xf32>
        %swap3A_199 = arith.index_cast %scan3A_176 : i32 to index
        %swap3A_200 = arith.constant 16 : index
        %swap3A_201 = tpu.vector_load %arg9[%swap3A_199, %swap3A_200] {strides = array<i32>} : memref<80x128xf32, #tpu.memory_space<vmem>>, vector<1x16xf32>,
        %swap3A_202 = vector.shape_cast %swap3A_201 : vector<1x16xf32> to vector<16xf32>
        %swap3A_203 = vector.shape_cast %mul3A_198 : vector<16xf32> to vector<1x16xf32>
        tpu.vector_store %arg9[%swap3A_199, %swap3A_200], %swap3A_203 {strides = array<i32>} : memref<80x128xf32, #tpu.memory_space<vmem>>, vector<1x16xf32>,
        %get3A_204 = arith.index_cast %scan3A_176 : i32 to index
        %get3A_205 = arith.constant 32 : index
        %get3A_206 = tpu.vector_load %arg9[%get3A_204, %get3A_205] {strides = array<i32>} : memref<80x128xf32, #tpu.memory_space<vmem>>, vector<1x16xf32>,
        %get3A_207 = vector.shape_cast %get3A_206 : vector<1x16xf32> to vector<16xf32>
        %get3A_208 = arith.index_cast %scan3A_176 : i32 to index
        %get3A_209 = arith.constant 32 : index
        %get3A_210 = tpu.vector_load %arg10[%get3A_208, %get3A_209] {strides = array<i32>} : memref<80x128xf32, #tpu.memory_space<vmem>>, vector<1x16xf32>,
        %get3A_211 = vector.shape_cast %get3A_210 : vector<1x16xf32> to vector<16xf32>
        %mul3A_212 = arith.mulf %get3A_207, %get3A_211 : vector<16xf32>
        %swap3A_213 = arith.index_cast %scan3A_176 : i32 to index
        %swap3A_214 = arith.constant 32 : index
        %swap3A_215 = tpu.vector_load %arg9[%swap3A_213, %swap3A_214] {strides = array<i32>} : memref<80x128xf32, #tpu.memory_space<vmem>>, vector<1x16xf32>,
        %swap3A_216 = vector.shape_cast %swap3A_215 : vector<1x16xf32> to vector<16xf32>
        %swap3A_217 = vector.shape_cast %mul3A_212 : vector<16xf32> to vector<1x16xf32>
        tpu.vector_store %arg9[%swap3A_213, %swap3A_214], %swap3A_217 {strides = array<i32>} : memref<80x128xf32, #tpu.memory_space<vmem>>, vector<1x16xf32>,
        %get3A_218 = arith.index_cast %scan3A_176 : i32 to index
        %get3A_219 = arith.constant 48 : index
        %get3A_220 = tpu.vector_load %arg9[%get3A_218, %get3A_219] {strides = array<i32>} : memref<80x128xf32, #tpu.memory_space<vmem>>, vector<1x16xf32>,
        %get3A_221 = vector.shape_cast %get3A_220 : vector<1x16xf32> to vector<16xf32>
        %get3A_222 = arith.index_cast %scan3A_176 : i32 to index
        %get3A_223 = arith.constant 48 : index
        %get3A_224 = tpu.vector_load %arg10[%get3A_222, %get3A_223] {strides = array<i32>} : memref<80x128xf32, #tpu.memory_space<vmem>>, vector<1x16xf32>,
        %get3A_225 = vector.shape_cast %get3A_224 : vector<1x16xf32> to vector<16xf32>
        %mul3A_226 = arith.mulf %get3A_221, %get3A_225 : vector<16xf32>
        %swap3A_227 = arith.index_cast %scan3A_176 : i32 to index
        %swap3A_228 = arith.constant 48 : index
        %swap3A_229 = tpu.vector_load %arg9[%swap3A_227, %swap3A_228] {strides = array<i32>} : memref<80x128xf32, #tpu.memory_space<vmem>>, vector<1x16xf32>,
        %swap3A_230 = vector.shape_cast %swap3A_229 : vector<1x16xf32> to vector<16xf32>
        %swap3A_231 = vector.shape_cast %mul3A_226 : vector<16xf32> to vector<1x16xf32>
        tpu.vector_store %arg9[%swap3A_227, %swap3A_228], %swap3A_231 {strides = array<i32>} : memref<80x128xf32, #tpu.memory_space<vmem>>, vector<1x16xf32>,
        %get3A_232 = arith.index_cast %scan3A_176 : i32 to index
        %get3A_233 = arith.constant 64 : index
        %get3A_234 = tpu.vector_load %arg9[%get3A_232, %get3A_233] {strides = array<i32>} : memref<80x128xf32, #tpu.memory_space<vmem>>, vector<1x16xf32>,
        %get3A_235 = vector.shape_cast %get3A_234 : vector<1x16xf32> to vector<16xf32>
        %get3A_236 = arith.index_cast %scan3A_176 : i32 to index
        %get3A_237 = arith.constant 64 : index
        %get3A_238 = tpu.vector_load %arg10[%get3A_236, %get3A_237] {strides = array<i32>} : memref<80x128xf32, #tpu.memory_space<vmem>>, vector<1x16xf32>,
        %get3A_239 = vector.shape_cast %get3A_238 : vector<1x16xf32> to vector<16xf32>
        %mul3A_240 = arith.mulf %get3A_235, %get3A_239 : vector<16xf32>
        %swap3A_241 = arith.index_cast %scan3A_176 : i32 to index
        %swap3A_242 = arith.constant 64 : index
        %swap3A_243 = tpu.vector_load %arg9[%swap3A_241, %swap3A_242] {strides = array<i32>} : memref<80x128xf32, #tpu.memory_space<vmem>>, vector<1x16xf32>,
        %swap3A_244 = vector.shape_cast %swap3A_243 : vector<1x16xf32> to vector<16xf32>
        %swap3A_245 = vector.shape_cast %mul3A_240 : vector<16xf32> to vector<1x16xf32>
        tpu.vector_store %arg9[%swap3A_241, %swap3A_242], %swap3A_245 {strides = array<i32>} : memref<80x128xf32, #tpu.memory_space<vmem>>, vector<1x16xf32>,
        %get3A_246 = arith.index_cast %scan3A_176 : i32 to index
        %get3A_247 = arith.constant 80 : index
        %get3A_248 = tpu.vector_load %arg9[%get3A_246, %get3A_247] {strides = array<i32>} : memref<80x128xf32, #tpu.memory_space<vmem>>, vector<1x16xf32>,
        %get3A_249 = vector.shape_cast %get3A_248 : vector<1x16xf32> to vector<16xf32>
        %get3A_250 = arith.index_cast %scan3A_176 : i32 to index
        %get3A_251 = arith.constant 80 : index
        %get3A_252 = tpu.vector_load %arg10[%get3A_250, %get3A_251] {strides = array<i32>} : memref<80x128xf32, #tpu.memory_space<vmem>>, vector<1x16xf32>,
        %get3A_253 = vector.shape_cast %get3A_252 : vector<1x16xf32> to vector<16xf32>
        %mul3A_254 = arith.mulf %get3A_249, %get3A_253 : vector<16xf32>
        %swap3A_255 = arith.index_cast %scan3A_176 : i32 to index
        %swap3A_256 = arith.constant 80 : index
        %swap3A_257 = tpu.vector_load %arg9[%swap3A_255, %swap3A_256] {strides = array<i32>} : memref<80x128xf32, #tpu.memory_space<vmem>>, vector<1x16xf32>,
        %swap3A_258 = vector.shape_cast %swap3A_257 : vector<1x16xf32> to vector<16xf32>
        %swap3A_259 = vector.shape_cast %mul3A_254 : vector<16xf32> to vector<1x16xf32>
        tpu.vector_store %arg9[%swap3A_255, %swap3A_256], %swap3A_259 {strides = array<i32>} : memref<80x128xf32, #tpu.memory_space<vmem>>, vector<1x16xf32>,
        %get3A_260 = arith.index_cast %scan3A_176 : i32 to index
        %get3A_261 = arith.constant 96 : index
        %get3A_262 = tpu.vector_load %arg9[%get3A_260, %get3A_261] {strides = array<i32>} : memref<80x128xf32, #tpu.memory_space<vmem>>, vector<1x16xf32>,
        %get3A_263 = vector.shape_cast %get3A_262 : vector<1x16xf32> to vector<16xf32>
        %get3A_264 = arith.index_cast %scan3A_176 : i32 to index
        %get3A_265 = arith.constant 96 : index
        %get3A_266 = tpu.vector_load %arg10[%get3A_264, %get3A_265] {strides = array<i32>} : memref<80x128xf32, #tpu.memory_space<vmem>>, vector<1x16xf32>,
        %get3A_267 = vector.shape_cast %get3A_266 : vector<1x16xf32> to vector<16xf32>
        %mul3A_268 = arith.mulf %get3A_263, %get3A_267 : vector<16xf32>
        %swap3A_269 = arith.index_cast %scan3A_176 : i32 to index
        %swap3A_270 = arith.constant 96 : index
        %swap3A_271 = tpu.vector_load %arg9[%swap3A_269, %swap3A_270] {strides = array<i32>} : memref<80x128xf32, #tpu.memory_space<vmem>>, vector<1x16xf32>,
        %swap3A_272 = vector.shape_cast %swap3A_271 : vector<1x16xf32> to vector<16xf32>
        %swap3A_273 = vector.shape_cast %mul3A_268 : vector<16xf32> to vector<1x16xf32>
        tpu.vector_store %arg9[%swap3A_269, %swap3A_270], %swap3A_273 {strides = array<i32>} : memref<80x128xf32, #tpu.memory_space<vmem>>, vector<1x16xf32>,
        %get3A_274 = arith.index_cast %scan3A_176 : i32 to index
        %get3A_275 = arith.constant 112 : index
        %get3A_276 = tpu.vector_load %arg9[%get3A_274, %get3A_275] {strides = array<i32>} : memref<80x128xf32, #tpu.memory_space<vmem>>, vector<1x16xf32>,
        %get3A_277 = vector.shape_cast %get3A_276 : vector<1x16xf32> to vector<16xf32>
        %get3A_278 = arith.index_cast %scan3A_176 : i32 to index
        %get3A_279 = arith.constant 112 : index
        %get3A_280 = tpu.vector_load %arg10[%get3A_278, %get3A_279] {strides = array<i32>} : memref<80x128xf32, #tpu.memory_space<vmem>>, vector<1x16xf32>,
        %get3A_281 = vector.shape_cast %get3A_280 : vector<1x16xf32> to vector<16xf32>
        %mul3A_282 = arith.mulf %get3A_277, %get3A_281 : vector<16xf32>
        %swap3A_283 = arith.index_cast %scan3A_176 : i32 to index
        %swap3A_284 = arith.constant 112 : index
        %swap3A_285 = tpu.vector_load %arg9[%swap3A_283, %swap3A_284] {strides = array<i32>} : memref<80x128xf32, #tpu.memory_space<vmem>>, vector<1x16xf32>,
        %swap3A_286 = vector.shape_cast %swap3A_285 : vector<1x16xf32> to vector<16xf32>
        %swap3A_287 = vector.shape_cast %mul3A_282 : vector<16xf32> to vector<1x16xf32>
        tpu.vector_store %arg9[%swap3A_283, %swap3A_284], %swap3A_287 {strides = array<i32>} : memref<80x128xf32, #tpu.memory_space<vmem>>, vector<1x16xf32>,
        %scan3A_288 = arith.constant 0 : i32
        scf.yield %scan3A_288 : i32
      }
      %scan3A_136 = arith.constant 80 : i32
      %dma_start3A_137 = arith.constant 0 : i32
      %dma_start3A_138 = arith.constant 0 : i32
      %dma_start3A_139 = tpu.memref_slice %arg15[%dma_start3A_137, %dma_start3A_138] : memref<10240x128xf32, #tpu.memory_space<vmem_shared>> -> memref<10240x128xf32, #tpu.memory_space<vmem_shared>>
      tpu.enqueue_indirect_dma source(%arg9 : memref<80x128xf32, #tpu.memory_space<vmem>>) target(%dma_start3A_139 : memref<10240x128xf32, #tpu.memory_space<vmem_shared>>) offsets(%arg8 : memref<80xi32, #tpu.memory_space<vmem>>) semaphore(%arg18 : memref<!tpu.dma_semaphore, #tpu.memory_space<semaphore_mem>>) {add = true}
      %add3A_140 = arith.constant 2 : i32
      %add3A_141 = arith.addi %mul3A_117, %add3A_140 : i32
      %lt3A = arith.constant 125 : i32
      %lt3A_142 = arith.cmpi slt, %add3A_141, %lt3A : i32
      %convert_element_type3A = arith.extui %lt3A_142 : i1 to i32
      %cond3A = arith.constant 0 : i32
      %cond3A_143 = arith.cmpi ne, %convert_element_type3A, %cond3A : i32
      scf.if %cond3A_143 {
        %add3A_176 = arith.constant 2 : i32
        %add3A_177 = arith.addi %mul3A_117, %add3A_176 : i32
        %mul3A_178 = arith.constant 10000 : i32
        %mul3A_179 = arith.muli %add3A, %mul3A_178 : i32
        %mul3A_180 = arith.constant 80 : i32
        %mul3A_181 = arith.muli %add3A_177, %mul3A_180 : i32
        %add3A_182 = arith.addi %mul3A_179, %mul3A_181 : i32
        %dma_wait3A_183 = arith.constant 0 : i32
        %dma_wait3A_184 = arith.constant 0 : i32
        %dma_wait3A_185 = tpu.memref_slice %arg15[%dma_wait3A_183, %dma_wait3A_184] : memref<10240x128xf32, #tpu.memory_space<vmem_shared>> -> memref<10240x128xf32, #tpu.memory_space<vmem_shared>>
        tpu.wait_indirect_dma semaphore(%arg18 : memref<!tpu.dma_semaphore, #tpu.memory_space<semaphore_mem>>) src(%arg9 : memref<80x128xf32, #tpu.memory_space<vmem>>) dst(%dma_wait3A_185 : memref<10240x128xf32, #tpu.memory_space<vmem_shared>>)
        "tpu.region"() ({
          %run_scoped3A = tpu.sem_alloc : memref<!tpu.dma_semaphore, #tpu.memory_space<semaphore_mem>>
          %dma_start3A_193 = tpu.memref_slice %arg4[%add3A_182] : memref<320000xi32, #tpu.memory_space<hbm>> -> memref<80xi32, #tpu.memory_space<hbm>>
          %dma_start3A_194 = tpu.memref_slice %arg4[%add3A_182] : memref<320000xi32, #tpu.memory_space<hbm>> -> memref<80xi32, #tpu.memory_space<hbm>>
          tpu.enqueue_dma source(%dma_start3A_194 : memref<80xi32, #tpu.memory_space<hbm>>) target(%arg7 : memref<80xi32, #tpu.memory_space<vmem>>) target_semaphore(%run_scoped3A : memref<!tpu.dma_semaphore, #tpu.memory_space<semaphore_mem>>)
          %dma_wait3A_195 = tpu.memref_slice %arg4[%add3A_182] : memref<320000xi32, #tpu.memory_space<hbm>> -> memref<80xi32, #tpu.memory_space<hbm>>
          %dma_wait3A_196 = tpu.memref_slice %arg4[%add3A_182] : memref<320000xi32, #tpu.memory_space<hbm>> -> memref<80xi32, #tpu.memory_space<hbm>>
          tpu.wait_dma2 semaphore(%run_scoped3A : memref<!tpu.dma_semaphore, #tpu.memory_space<semaphore_mem>>) src(%dma_wait3A_196 : memref<80xi32, #tpu.memory_space<hbm>>) dst(%arg7 : memref<80xi32, #tpu.memory_space<vmem>>)
          tpu.yield
        }) : () -> ()
        "tpu.region"() ({
          %run_scoped3A = tpu.sem_alloc : memref<!tpu.dma_semaphore, #tpu.memory_space<semaphore_mem>>
          %dma_start3A_193 = tpu.memref_slice %arg5[%add3A_182] : memref<320000xi32, #tpu.memory_space<hbm>> -> memref<80xi32, #tpu.memory_space<hbm>>
          %dma_start3A_194 = tpu.memref_slice %arg5[%add3A_182] : memref<320000xi32, #tpu.memory_space<hbm>> -> memref<80xi32, #tpu.memory_space<hbm>>
          tpu.enqueue_dma source(%dma_start3A_194 : memref<80xi32, #tpu.memory_space<hbm>>) target(%arg8 : memref<80xi32, #tpu.memory_space<vmem>>) target_semaphore(%run_scoped3A : memref<!tpu.dma_semaphore, #tpu.memory_space<semaphore_mem>>)
          %dma_wait3A_195 = tpu.memref_slice %arg5[%add3A_182] : memref<320000xi32, #tpu.memory_space<hbm>> -> memref<80xi32, #tpu.memory_space<hbm>>
          %dma_wait3A_196 = tpu.memref_slice %arg5[%add3A_182] : memref<320000xi32, #tpu.memory_space<hbm>> -> memref<80xi32, #tpu.memory_space<hbm>>
          tpu.wait_dma2 semaphore(%run_scoped3A : memref<!tpu.dma_semaphore, #tpu.memory_space<semaphore_mem>>) src(%dma_wait3A_196 : memref<80xi32, #tpu.memory_space<hbm>>) dst(%arg8 : memref<80xi32, #tpu.memory_space<vmem>>)
          tpu.yield
        }) : () -> ()
        %dma_start3A_186 = arith.constant 0 : i32
        %dma_start3A_187 = arith.constant 0 : i32
        %dma_start3A_188 = tpu.memref_slice %arg2[%dma_start3A_186, %dma_start3A_187] : memref<10240x128xf32, #tpu.memory_space<hbm>> -> memref<10240x128xf32, #tpu.memory_space<hbm>>
        tpu.enqueue_indirect_dma source(%dma_start3A_188 : memref<10240x128xf32, #tpu.memory_space<hbm>>) target(%arg9 : memref<80x128xf32, #tpu.memory_space<vmem>>) offsets(%arg7 : memref<80xi32, #tpu.memory_space<vmem>>) semaphore(%arg16 : memref<!tpu.dma_semaphore, #tpu.memory_space<semaphore_mem>>)
        %dma_start3A_189 = arith.constant 0 : i32
        %dma_start3A_190 = tpu.memref_slice %arg3[%add3A_182, %dma_start3A_189] : memref<320000x128xf32, #tpu.memory_space<hbm>> -> memref<80x128xf32, #tpu.memory_space<hbm>>
        %dma_start3A_191 = arith.constant 0 : i32
        %dma_start3A_192 = tpu.memref_slice %arg3[%add3A_182, %dma_start3A_191] : memref<320000x128xf32, #tpu.memory_space<hbm>> -> memref<80x128xf32, #tpu.memory_space<hbm>>
        tpu.enqueue_dma source(%dma_start3A_192 : memref<80x128xf32, #tpu.memory_space<hbm>>) target(%arg10 : memref<80x128xf32, #tpu.memory_space<vmem>>) target_semaphore(%arg17 : memref<!tpu.dma_semaphore, #tpu.memory_space<semaphore_mem>>)
      } else {
      }
      %add3A_144 = arith.constant 1 : i32
      %add3A_145 = arith.addi %mul3A_117, %add3A_144 : i32
      %mul3A_146 = arith.constant 10000 : i32
      %mul3A_147 = arith.muli %add3A, %mul3A_146 : i32
      %mul3A_148 = arith.constant 80 : i32
      %mul3A_149 = arith.muli %add3A_145, %mul3A_148 : i32
      %add3A_150 = arith.addi %mul3A_147, %mul3A_149 : i32
      %dma_wait3A_151 = arith.constant 0 : i32
      %dma_wait3A_152 = arith.constant 0 : i32
      %dma_wait3A_153 = tpu.memref_slice %arg2[%dma_wait3A_151, %dma_wait3A_152] : memref<10240x128xf32, #tpu.memory_space<hbm>> -> memref<10240x128xf32, #tpu.memory_space<hbm>>
      tpu.wait_indirect_dma semaphore(%arg19 : memref<!tpu.dma_semaphore, #tpu.memory_space<semaphore_mem>>) src(%dma_wait3A_153 : memref<10240x128xf32, #tpu.memory_space<hbm>>) dst(%arg13 : memref<80x128xf32, #tpu.memory_space<vmem>>)
      %dma_wait3A_154 = arith.constant 0 : i32
      %dma_wait3A_155 = tpu.memref_slice %arg3[%add3A_150, %dma_wait3A_154] : memref<320000x128xf32, #tpu.memory_space<hbm>> -> memref<80x128xf32, #tpu.memory_space<hbm>>
      %dma_wait3A_156 = arith.constant 0 : i32
      %dma_wait3A_157 = tpu.memref_slice %arg3[%add3A_150, %dma_wait3A_156] : memref<320000x128xf32, #tpu.memory_space<hbm>> -> memref<80x128xf32, #tpu.memory_space<hbm>>
      tpu.wait_dma2 semaphore(%arg20 : memref<!tpu.dma_semaphore, #tpu.memory_space<semaphore_mem>>) src(%dma_wait3A_157 : memref<80x128xf32, #tpu.memory_space<hbm>>) dst(%arg14 : memref<80x128xf32, #tpu.memory_space<vmem>>)
      %scan3A_158 = arith.constant 0 : i32
      %scan3A_159 = arith.constant 0 : i32
      %scan3A_160 = arith.constant 80 : i32
      %scan3A_161 = arith.addi %scan3A_159, %scan3A_160 : i32
      %scan3A_162 = arith.constant 1 : i32
      %scan3A_163 = scf.for %scan3A_176 = %scan3A_159 to %scan3A_161 step %scan3A_162 iter_args(%scan3A_177 = %scan3A_158) -> (i32)  : i32 {
        %get3A = arith.index_cast %scan3A_176 : i32 to index
        %get3A_178 = arith.constant 0 : index
        %get3A_179 = tpu.vector_load %arg13[%get3A, %get3A_178] {strides = array<i32>} : memref<80x128xf32, #tpu.memory_space<vmem>>, vector<1x16xf32>,
        %get3A_180 = vector.shape_cast %get3A_179 : vector<1x16xf32> to vector<16xf32>
        %get3A_181 = arith.index_cast %scan3A_176 : i32 to index
        %get3A_182 = arith.constant 0 : index
        %get3A_183 = tpu.vector_load %arg14[%get3A_181, %get3A_182] {strides = array<i32>} : memref<80x128xf32, #tpu.memory_space<vmem>>, vector<1x16xf32>,
        %get3A_184 = vector.shape_cast %get3A_183 : vector<1x16xf32> to vector<16xf32>
        %mul3A_185 = arith.mulf %get3A_180, %get3A_184 : vector<16xf32>
        %swap3A = arith.index_cast %scan3A_176 : i32 to index
        %swap3A_186 = arith.constant 0 : index
        %swap3A_187 = tpu.vector_load %arg13[%swap3A, %swap3A_186] {strides = array<i32>} : memref<80x128xf32, #tpu.memory_space<vmem>>, vector<1x16xf32>,
        %swap3A_188 = vector.shape_cast %swap3A_187 : vector<1x16xf32> to vector<16xf32>
        %swap3A_189 = vector.shape_cast %mul3A_185 : vector<16xf32> to vector<1x16xf32>
        tpu.vector_store %arg13[%swap3A, %swap3A_186], %swap3A_189 {strides = array<i32>} : memref<80x128xf32, #tpu.memory_space<vmem>>, vector<1x16xf32>,
        %get3A_190 = arith.index_cast %scan3A_176 : i32 to index
        %get3A_191 = arith.constant 16 : index
        %get3A_192 = tpu.vector_load %arg13[%get3A_190, %get3A_191] {strides = array<i32>} : memref<80x128xf32, #tpu.memory_space<vmem>>, vector<1x16xf32>,
        %get3A_193 = vector.shape_cast %get3A_192 : vector<1x16xf32> to vector<16xf32>
        %get3A_194 = arith.index_cast %scan3A_176 : i32 to index
        %get3A_195 = arith.constant 16 : index
        %get3A_196 = tpu.vector_load %arg14[%get3A_194, %get3A_195] {strides = array<i32>} : memref<80x128xf32, #tpu.memory_space<vmem>>, vector<1x16xf32>,
        %get3A_197 = vector.shape_cast %get3A_196 : vector<1x16xf32> to vector<16xf32>
        %mul3A_198 = arith.mulf %get3A_193, %get3A_197 : vector<16xf32>
        %swap3A_199 = arith.index_cast %scan3A_176 : i32 to index
        %swap3A_200 = arith.constant 16 : index
        %swap3A_201 = tpu.vector_load %arg13[%swap3A_199, %swap3A_200] {strides = array<i32>} : memref<80x128xf32, #tpu.memory_space<vmem>>, vector<1x16xf32>,
        %swap3A_202 = vector.shape_cast %swap3A_201 : vector<1x16xf32> to vector<16xf32>
        %swap3A_203 = vector.shape_cast %mul3A_198 : vector<16xf32> to vector<1x16xf32>
        tpu.vector_store %arg13[%swap3A_199, %swap3A_200], %swap3A_203 {strides = array<i32>} : memref<80x128xf32, #tpu.memory_space<vmem>>, vector<1x16xf32>,
        %get3A_204 = arith.index_cast %scan3A_176 : i32 to index
        %get3A_205 = arith.constant 32 : index
        %get3A_206 = tpu.vector_load %arg13[%get3A_204, %get3A_205] {strides = array<i32>} : memref<80x128xf32, #tpu.memory_space<vmem>>, vector<1x16xf32>,
        %get3A_207 = vector.shape_cast %get3A_206 : vector<1x16xf32> to vector<16xf32>
        %get3A_208 = arith.index_cast %scan3A_176 : i32 to index
        %get3A_209 = arith.constant 32 : index
        %get3A_210 = tpu.vector_load %arg14[%get3A_208, %get3A_209] {strides = array<i32>} : memref<80x128xf32, #tpu.memory_space<vmem>>, vector<1x16xf32>,
        %get3A_211 = vector.shape_cast %get3A_210 : vector<1x16xf32> to vector<16xf32>
        %mul3A_212 = arith.mulf %get3A_207, %get3A_211 : vector<16xf32>
        %swap3A_213 = arith.index_cast %scan3A_176 : i32 to index
        %swap3A_214 = arith.constant 32 : index
        %swap3A_215 = tpu.vector_load %arg13[%swap3A_213, %swap3A_214] {strides = array<i32>} : memref<80x128xf32, #tpu.memory_space<vmem>>, vector<1x16xf32>,
        %swap3A_216 = vector.shape_cast %swap3A_215 : vector<1x16xf32> to vector<16xf32>
        %swap3A_217 = vector.shape_cast %mul3A_212 : vector<16xf32> to vector<1x16xf32>
        tpu.vector_store %arg13[%swap3A_213, %swap3A_214], %swap3A_217 {strides = array<i32>} : memref<80x128xf32, #tpu.memory_space<vmem>>, vector<1x16xf32>,
        %get3A_218 = arith.index_cast %scan3A_176 : i32 to index
        %get3A_219 = arith.constant 48 : index
        %get3A_220 = tpu.vector_load %arg13[%get3A_218, %get3A_219] {strides = array<i32>} : memref<80x128xf32, #tpu.memory_space<vmem>>, vector<1x16xf32>,
        %get3A_221 = vector.shape_cast %get3A_220 : vector<1x16xf32> to vector<16xf32>
        %get3A_222 = arith.index_cast %scan3A_176 : i32 to index
        %get3A_223 = arith.constant 48 : index
        %get3A_224 = tpu.vector_load %arg14[%get3A_222, %get3A_223] {strides = array<i32>} : memref<80x128xf32, #tpu.memory_space<vmem>>, vector<1x16xf32>,
        %get3A_225 = vector.shape_cast %get3A_224 : vector<1x16xf32> to vector<16xf32>
        %mul3A_226 = arith.mulf %get3A_221, %get3A_225 : vector<16xf32>
        %swap3A_227 = arith.index_cast %scan3A_176 : i32 to index
        %swap3A_228 = arith.constant 48 : index
        %swap3A_229 = tpu.vector_load %arg13[%swap3A_227, %swap3A_228] {strides = array<i32>} : memref<80x128xf32, #tpu.memory_space<vmem>>, vector<1x16xf32>,
        %swap3A_230 = vector.shape_cast %swap3A_229 : vector<1x16xf32> to vector<16xf32>
        %swap3A_231 = vector.shape_cast %mul3A_226 : vector<16xf32> to vector<1x16xf32>
        tpu.vector_store %arg13[%swap3A_227, %swap3A_228], %swap3A_231 {strides = array<i32>} : memref<80x128xf32, #tpu.memory_space<vmem>>, vector<1x16xf32>,
        %get3A_232 = arith.index_cast %scan3A_176 : i32 to index
        %get3A_233 = arith.constant 64 : index
        %get3A_234 = tpu.vector_load %arg13[%get3A_232, %get3A_233] {strides = array<i32>} : memref<80x128xf32, #tpu.memory_space<vmem>>, vector<1x16xf32>,
        %get3A_235 = vector.shape_cast %get3A_234 : vector<1x16xf32> to vector<16xf32>
        %get3A_236 = arith.index_cast %scan3A_176 : i32 to index
        %get3A_237 = arith.constant 64 : index
        %get3A_238 = tpu.vector_load %arg14[%get3A_236, %get3A_237] {strides = array<i32>} : memref<80x128xf32, #tpu.memory_space<vmem>>, vector<1x16xf32>,
        %get3A_239 = vector.shape_cast %get3A_238 : vector<1x16xf32> to vector<16xf32>
        %mul3A_240 = arith.mulf %get3A_235, %get3A_239 : vector<16xf32>
        %swap3A_241 = arith.index_cast %scan3A_176 : i32 to index
        %swap3A_242 = arith.constant 64 : index
        %swap3A_243 = tpu.vector_load %arg13[%swap3A_241, %swap3A_242] {strides = array<i32>} : memref<80x128xf32, #tpu.memory_space<vmem>>, vector<1x16xf32>,
        %swap3A_244 = vector.shape_cast %swap3A_243 : vector<1x16xf32> to vector<16xf32>
        %swap3A_245 = vector.shape_cast %mul3A_240 : vector<16xf32> to vector<1x16xf32>
        tpu.vector_store %arg13[%swap3A_241, %swap3A_242], %swap3A_245 {strides = array<i32>} : memref<80x128xf32, #tpu.memory_space<vmem>>, vector<1x16xf32>,
        %get3A_246 = arith.index_cast %scan3A_176 : i32 to index
        %get3A_247 = arith.constant 80 : index
        %get3A_248 = tpu.vector_load %arg13[%get3A_246, %get3A_247] {strides = array<i32>} : memref<80x128xf32, #tpu.memory_space<vmem>>, vector<1x16xf32>,
        %get3A_249 = vector.shape_cast %get3A_248 : vector<1x16xf32> to vector<16xf32>
        %get3A_250 = arith.index_cast %scan3A_176 : i32 to index
        %get3A_251 = arith.constant 80 : index
        %get3A_252 = tpu.vector_load %arg14[%get3A_250, %get3A_251] {strides = array<i32>} : memref<80x128xf32, #tpu.memory_space<vmem>>, vector<1x16xf32>,
        %get3A_253 = vector.shape_cast %get3A_252 : vector<1x16xf32> to vector<16xf32>
        %mul3A_254 = arith.mulf %get3A_249, %get3A_253 : vector<16xf32>
        %swap3A_255 = arith.index_cast %scan3A_176 : i32 to index
        %swap3A_256 = arith.constant 80 : index
        %swap3A_257 = tpu.vector_load %arg13[%swap3A_255, %swap3A_256] {strides = array<i32>} : memref<80x128xf32, #tpu.memory_space<vmem>>, vector<1x16xf32>,
        %swap3A_258 = vector.shape_cast %swap3A_257 : vector<1x16xf32> to vector<16xf32>
        %swap3A_259 = vector.shape_cast %mul3A_254 : vector<16xf32> to vector<1x16xf32>
        tpu.vector_store %arg13[%swap3A_255, %swap3A_256], %swap3A_259 {strides = array<i32>} : memref<80x128xf32, #tpu.memory_space<vmem>>, vector<1x16xf32>,
        %get3A_260 = arith.index_cast %scan3A_176 : i32 to index
        %get3A_261 = arith.constant 96 : index
        %get3A_262 = tpu.vector_load %arg13[%get3A_260, %get3A_261] {strides = array<i32>} : memref<80x128xf32, #tpu.memory_space<vmem>>, vector<1x16xf32>,
        %get3A_263 = vector.shape_cast %get3A_262 : vector<1x16xf32> to vector<16xf32>
        %get3A_264 = arith.index_cast %scan3A_176 : i32 to index
        %get3A_265 = arith.constant 96 : index
        %get3A_266 = tpu.vector_load %arg14[%get3A_264, %get3A_265] {strides = array<i32>} : memref<80x128xf32, #tpu.memory_space<vmem>>, vector<1x16xf32>,
        %get3A_267 = vector.shape_cast %get3A_266 : vector<1x16xf32> to vector<16xf32>
        %mul3A_268 = arith.mulf %get3A_263, %get3A_267 : vector<16xf32>
        %swap3A_269 = arith.index_cast %scan3A_176 : i32 to index
        %swap3A_270 = arith.constant 96 : index
        %swap3A_271 = tpu.vector_load %arg13[%swap3A_269, %swap3A_270] {strides = array<i32>} : memref<80x128xf32, #tpu.memory_space<vmem>>, vector<1x16xf32>,
        %swap3A_272 = vector.shape_cast %swap3A_271 : vector<1x16xf32> to vector<16xf32>
        %swap3A_273 = vector.shape_cast %mul3A_268 : vector<16xf32> to vector<1x16xf32>
        tpu.vector_store %arg13[%swap3A_269, %swap3A_270], %swap3A_273 {strides = array<i32>} : memref<80x128xf32, #tpu.memory_space<vmem>>, vector<1x16xf32>,
        %get3A_274 = arith.index_cast %scan3A_176 : i32 to index
        %get3A_275 = arith.constant 112 : index
        %get3A_276 = tpu.vector_load %arg13[%get3A_274, %get3A_275] {strides = array<i32>} : memref<80x128xf32, #tpu.memory_space<vmem>>, vector<1x16xf32>,
        %get3A_277 = vector.shape_cast %get3A_276 : vector<1x16xf32> to vector<16xf32>
        %get3A_278 = arith.index_cast %scan3A_176 : i32 to index
        %get3A_279 = arith.constant 112 : index
        %get3A_280 = tpu.vector_load %arg14[%get3A_278, %get3A_279] {strides = array<i32>} : memref<80x128xf32, #tpu.memory_space<vmem>>, vector<1x16xf32>,
        %get3A_281 = vector.shape_cast %get3A_280 : vector<1x16xf32> to vector<16xf32>
        %mul3A_282 = arith.mulf %get3A_277, %get3A_281 : vector<16xf32>
        %swap3A_283 = arith.index_cast %scan3A_176 : i32 to index
        %swap3A_284 = arith.constant 112 : index
        %swap3A_285 = tpu.vector_load %arg13[%swap3A_283, %swap3A_284] {strides = array<i32>} : memref<80x128xf32, #tpu.memory_space<vmem>>, vector<1x16xf32>,
        %swap3A_286 = vector.shape_cast %swap3A_285 : vector<1x16xf32> to vector<16xf32>
        %swap3A_287 = vector.shape_cast %mul3A_282 : vector<16xf32> to vector<1x16xf32>
        tpu.vector_store %arg13[%swap3A_283, %swap3A_284], %swap3A_287 {strides = array<i32>} : memref<80x128xf32, #tpu.memory_space<vmem>>, vector<1x16xf32>,
        %scan3A_288 = arith.constant 0 : i32
        scf.yield %scan3A_288 : i32
      }
      %scan3A_164 = arith.constant 80 : i32
      %dma_start3A_165 = arith.constant 0 : i32
      %dma_start3A_166 = arith.constant 0 : i32
      %dma_start3A_167 = tpu.memref_slice %arg15[%dma_start3A_165, %dma_start3A_166] : memref<10240x128xf32, #tpu.memory_space<vmem_shared>> -> memref<10240x128xf32, #tpu.memory_space<vmem_shared>>
      tpu.enqueue_indirect_dma source(%arg13 : memref<80x128xf32, #tpu.memory_space<vmem>>) target(%dma_start3A_167 : memref<10240x128xf32, #tpu.memory_space<vmem_shared>>) offsets(%arg12 : memref<80xi32, #tpu.memory_space<vmem>>) semaphore(%arg21 : memref<!tpu.dma_semaphore, #tpu.memory_space<semaphore_mem>>) {add = true}
      %add3A_168 = arith.constant 3 : i32
      %add3A_169 = arith.addi %mul3A_117, %add3A_168 : i32
      %lt3A_170 = arith.constant 125 : i32
      %lt3A_171 = arith.cmpi slt, %add3A_169, %lt3A_170 : i32
      %convert_element_type3A_172 = arith.extui %lt3A_171 : i1 to i32
      %cond3A_173 = arith.constant 0 : i32
      %cond3A_174 = arith.cmpi ne, %convert_element_type3A_172, %cond3A_173 : i32
      scf.if %cond3A_174 {
        %add3A_176 = arith.constant 3 : i32
        %add3A_177 = arith.addi %mul3A_117, %add3A_176 : i32
        %mul3A_178 = arith.constant 10000 : i32
        %mul3A_179 = arith.muli %add3A, %mul3A_178 : i32
        %mul3A_180 = arith.constant 80 : i32
        %mul3A_181 = arith.muli %add3A_177, %mul3A_180 : i32
        %add3A_182 = arith.addi %mul3A_179, %mul3A_181 : i32
        %dma_wait3A_183 = arith.constant 0 : i32
        %dma_wait3A_184 = arith.constant 0 : i32
        %dma_wait3A_185 = tpu.memref_slice %arg15[%dma_wait3A_183, %dma_wait3A_184] : memref<10240x128xf32, #tpu.memory_space<vmem_shared>> -> memref<10240x128xf32, #tpu.memory_space<vmem_shared>>
        tpu.wait_indirect_dma semaphore(%arg21 : memref<!tpu.dma_semaphore, #tpu.memory_space<semaphore_mem>>) src(%arg13 : memref<80x128xf32, #tpu.memory_space<vmem>>) dst(%dma_wait3A_185 : memref<10240x128xf32, #tpu.memory_space<vmem_shared>>)
        "tpu.region"() ({
          %run_scoped3A = tpu.sem_alloc : memref<!tpu.dma_semaphore, #tpu.memory_space<semaphore_mem>>
          %dma_start3A_193 = tpu.memref_slice %arg4[%add3A_182] : memref<320000xi32, #tpu.memory_space<hbm>> -> memref<80xi32, #tpu.memory_space<hbm>>
          %dma_start3A_194 = tpu.memref_slice %arg4[%add3A_182] : memref<320000xi32, #tpu.memory_space<hbm>> -> memref<80xi32, #tpu.memory_space<hbm>>
          tpu.enqueue_dma source(%dma_start3A_194 : memref<80xi32, #tpu.memory_space<hbm>>) target(%arg11 : memref<80xi32, #tpu.memory_space<vmem>>) target_semaphore(%run_scoped3A : memref<!tpu.dma_semaphore, #tpu.memory_space<semaphore_mem>>)
          %dma_wait3A_195 = tpu.memref_slice %arg4[%add3A_182] : memref<320000xi32, #tpu.memory_space<hbm>> -> memref<80xi32, #tpu.memory_space<hbm>>
          %dma_wait3A_196 = tpu.memref_slice %arg4[%add3A_182] : memref<320000xi32, #tpu.memory_space<hbm>> -> memref<80xi32, #tpu.memory_space<hbm>>
          tpu.wait_dma2 semaphore(%run_scoped3A : memref<!tpu.dma_semaphore, #tpu.memory_space<semaphore_mem>>) src(%dma_wait3A_196 : memref<80xi32, #tpu.memory_space<hbm>>) dst(%arg11 : memref<80xi32, #tpu.memory_space<vmem>>)
          tpu.yield
        }) : () -> ()
        "tpu.region"() ({
          %run_scoped3A = tpu.sem_alloc : memref<!tpu.dma_semaphore, #tpu.memory_space<semaphore_mem>>
          %dma_start3A_193 = tpu.memref_slice %arg5[%add3A_182] : memref<320000xi32, #tpu.memory_space<hbm>> -> memref<80xi32, #tpu.memory_space<hbm>>
          %dma_start3A_194 = tpu.memref_slice %arg5[%add3A_182] : memref<320000xi32, #tpu.memory_space<hbm>> -> memref<80xi32, #tpu.memory_space<hbm>>
          tpu.enqueue_dma source(%dma_start3A_194 : memref<80xi32, #tpu.memory_space<hbm>>) target(%arg12 : memref<80xi32, #tpu.memory_space<vmem>>) target_semaphore(%run_scoped3A : memref<!tpu.dma_semaphore, #tpu.memory_space<semaphore_mem>>)
          %dma_wait3A_195 = tpu.memref_slice %arg5[%add3A_182] : memref<320000xi32, #tpu.memory_space<hbm>> -> memref<80xi32, #tpu.memory_space<hbm>>
          %dma_wait3A_196 = tpu.memref_slice %arg5[%add3A_182] : memref<320000xi32, #tpu.memory_space<hbm>> -> memref<80xi32, #tpu.memory_space<hbm>>
          tpu.wait_dma2 semaphore(%run_scoped3A : memref<!tpu.dma_semaphore, #tpu.memory_space<semaphore_mem>>) src(%dma_wait3A_196 : memref<80xi32, #tpu.memory_space<hbm>>) dst(%arg12 : memref<80xi32, #tpu.memory_space<vmem>>)
          tpu.yield
        }) : () -> ()
        %dma_start3A_186 = arith.constant 0 : i32
        %dma_start3A_187 = arith.constant 0 : i32
        %dma_start3A_188 = tpu.memref_slice %arg2[%dma_start3A_186, %dma_start3A_187] : memref<10240x128xf32, #tpu.memory_space<hbm>> -> memref<10240x128xf32, #tpu.memory_space<hbm>>
        tpu.enqueue_indirect_dma source(%dma_start3A_188 : memref<10240x128xf32, #tpu.memory_space<hbm>>) target(%arg13 : memref<80x128xf32, #tpu.memory_space<vmem>>) offsets(%arg11 : memref<80xi32, #tpu.memory_space<vmem>>) semaphore(%arg19 : memref<!tpu.dma_semaphore, #tpu.memory_space<semaphore_mem>>)
        %dma_start3A_189 = arith.constant 0 : i32
        %dma_start3A_190 = tpu.memref_slice %arg3[%add3A_182, %dma_start3A_189] : memref<320000x128xf32, #tpu.memory_space<hbm>> -> memref<80x128xf32, #tpu.memory_space<hbm>>
        %dma_start3A_191 = arith.constant 0 : i32
        %dma_start3A_192 = tpu.memref_slice %arg3[%add3A_182, %dma_start3A_191] : memref<320000x128xf32, #tpu.memory_space<hbm>> -> memref<80x128xf32, #tpu.memory_space<hbm>>
        tpu.enqueue_dma source(%dma_start3A_192 : memref<80x128xf32, #tpu.memory_space<hbm>>) target(%arg14 : memref<80x128xf32, #tpu.memory_space<vmem>>) target_semaphore(%arg20 : memref<!tpu.dma_semaphore, #tpu.memory_space<semaphore_mem>>)
      } else {
      }
      %scan3A_175 = arith.constant 0 : i32
      scf.yield %scan3A_175 : i32
    }
    %scan3A_66 = arith.constant 62 : i32
    %mul3A_67 = arith.constant 10000 : i32
    %mul3A_68 = arith.muli %add3A, %mul3A_67 : i32
    %add3A_69 = arith.constant 9920 : i32
    %add3A_70 = arith.addi %mul3A_68, %add3A_69 : i32
    %dma_wait3A = arith.constant 0 : i32
    %dma_wait3A_71 = arith.constant 0 : i32
    %dma_wait3A_72 = tpu.memref_slice %arg2[%dma_wait3A, %dma_wait3A_71] : memref<10240x128xf32, #tpu.memory_space<hbm>> -> memref<10240x128xf32, #tpu.memory_space<hbm>>
    tpu.wait_indirect_dma semaphore(%arg16 : memref<!tpu.dma_semaphore, #tpu.memory_space<semaphore_mem>>) src(%dma_wait3A_72 : memref<10240x128xf32, #tpu.memory_space<hbm>>) dst(%arg9 : memref<80x128xf32, #tpu.memory_space<vmem>>)
    %dma_wait3A_73 = arith.constant 0 : i32
    %dma_wait3A_74 = tpu.memref_slice %arg3[%add3A_70, %dma_wait3A_73] : memref<320000x128xf32, #tpu.memory_space<hbm>> -> memref<80x128xf32, #tpu.memory_space<hbm>>
    %dma_wait3A_75 = arith.constant 0 : i32
    %dma_wait3A_76 = tpu.memref_slice %arg3[%add3A_70, %dma_wait3A_75] : memref<320000x128xf32, #tpu.memory_space<hbm>> -> memref<80x128xf32, #tpu.memory_space<hbm>>
    tpu.wait_dma2 semaphore(%arg17 : memref<!tpu.dma_semaphore, #tpu.memory_space<semaphore_mem>>) src(%dma_wait3A_76 : memref<80x128xf32, #tpu.memory_space<hbm>>) dst(%arg10 : memref<80x128xf32, #tpu.memory_space<vmem>>)
    %scan3A_77 = arith.constant 0 : i32
    %scan3A_78 = arith.constant 0 : i32
    %scan3A_79 = arith.constant 80 : i32
    %scan3A_80 = arith.addi %scan3A_78, %scan3A_79 : i32
    %scan3A_81 = arith.constant 1 : i32
    %scan3A_82 = scf.for %scan3A_114 = %scan3A_78 to %scan3A_80 step %scan3A_81 iter_args(%scan3A_115 = %scan3A_77) -> (i32)  : i32 {
      %get3A = arith.index_cast %scan3A_114 : i32 to index
      %get3A_116 = arith.constant 0 : index
      %get3A_117 = tpu.vector_load %arg9[%get3A, %get3A_116] {strides = array<i32>} : memref<80x128xf32, #tpu.memory_space<vmem>>, vector<1x16xf32>,
      %get3A_118 = vector.shape_cast %get3A_117 : vector<1x16xf32> to vector<16xf32>
      %get3A_119 = arith.index_cast %scan3A_114 : i32 to index
      %get3A_120 = arith.constant 0 : index
      %get3A_121 = tpu.vector_load %arg10[%get3A_119, %get3A_120] {strides = array<i32>} : memref<80x128xf32, #tpu.memory_space<vmem>>, vector<1x16xf32>,
      %get3A_122 = vector.shape_cast %get3A_121 : vector<1x16xf32> to vector<16xf32>
      %mul3A_123 = arith.mulf %get3A_118, %get3A_122 : vector<16xf32>
      %swap3A = arith.index_cast %scan3A_114 : i32 to index
      %swap3A_124 = arith.constant 0 : index
      %swap3A_125 = tpu.vector_load %arg9[%swap3A, %swap3A_124] {strides = array<i32>} : memref<80x128xf32, #tpu.memory_space<vmem>>, vector<1x16xf32>,
      %swap3A_126 = vector.shape_cast %swap3A_125 : vector<1x16xf32> to vector<16xf32>
      %swap3A_127 = vector.shape_cast %mul3A_123 : vector<16xf32> to vector<1x16xf32>
      tpu.vector_store %arg9[%swap3A, %swap3A_124], %swap3A_127 {strides = array<i32>} : memref<80x128xf32, #tpu.memory_space<vmem>>, vector<1x16xf32>,
      %get3A_128 = arith.index_cast %scan3A_114 : i32 to index
      %get3A_129 = arith.constant 16 : index
      %get3A_130 = tpu.vector_load %arg9[%get3A_128, %get3A_129] {strides = array<i32>} : memref<80x128xf32, #tpu.memory_space<vmem>>, vector<1x16xf32>,
      %get3A_131 = vector.shape_cast %get3A_130 : vector<1x16xf32> to vector<16xf32>
      %get3A_132 = arith.index_cast %scan3A_114 : i32 to index
      %get3A_133 = arith.constant 16 : index
      %get3A_134 = tpu.vector_load %arg10[%get3A_132, %get3A_133] {strides = array<i32>} : memref<80x128xf32, #tpu.memory_space<vmem>>, vector<1x16xf32>,
      %get3A_135 = vector.shape_cast %get3A_134 : vector<1x16xf32> to vector<16xf32>
      %mul3A_136 = arith.mulf %get3A_131, %get3A_135 : vector<16xf32>
      %swap3A_137 = arith.index_cast %scan3A_114 : i32 to index
      %swap3A_138 = arith.constant 16 : index
      %swap3A_139 = tpu.vector_load %arg9[%swap3A_137, %swap3A_138] {strides = array<i32>} : memref<80x128xf32, #tpu.memory_space<vmem>>, vector<1x16xf32>,
      %swap3A_140 = vector.shape_cast %swap3A_139 : vector<1x16xf32> to vector<16xf32>
      %swap3A_141 = vector.shape_cast %mul3A_136 : vector<16xf32> to vector<1x16xf32>
      tpu.vector_store %arg9[%swap3A_137, %swap3A_138], %swap3A_141 {strides = array<i32>} : memref<80x128xf32, #tpu.memory_space<vmem>>, vector<1x16xf32>,
      %get3A_142 = arith.index_cast %scan3A_114 : i32 to index
      %get3A_143 = arith.constant 32 : index
      %get3A_144 = tpu.vector_load %arg9[%get3A_142, %get3A_143] {strides = array<i32>} : memref<80x128xf32, #tpu.memory_space<vmem>>, vector<1x16xf32>,
      %get3A_145 = vector.shape_cast %get3A_144 : vector<1x16xf32> to vector<16xf32>
      %get3A_146 = arith.index_cast %scan3A_114 : i32 to index
      %get3A_147 = arith.constant 32 : index
      %get3A_148 = tpu.vector_load %arg10[%get3A_146, %get3A_147] {strides = array<i32>} : memref<80x128xf32, #tpu.memory_space<vmem>>, vector<1x16xf32>,
      %get3A_149 = vector.shape_cast %get3A_148 : vector<1x16xf32> to vector<16xf32>
      %mul3A_150 = arith.mulf %get3A_145, %get3A_149 : vector<16xf32>
      %swap3A_151 = arith.index_cast %scan3A_114 : i32 to index
      %swap3A_152 = arith.constant 32 : index
      %swap3A_153 = tpu.vector_load %arg9[%swap3A_151, %swap3A_152] {strides = array<i32>} : memref<80x128xf32, #tpu.memory_space<vmem>>, vector<1x16xf32>,
      %swap3A_154 = vector.shape_cast %swap3A_153 : vector<1x16xf32> to vector<16xf32>
      %swap3A_155 = vector.shape_cast %mul3A_150 : vector<16xf32> to vector<1x16xf32>
      tpu.vector_store %arg9[%swap3A_151, %swap3A_152], %swap3A_155 {strides = array<i32>} : memref<80x128xf32, #tpu.memory_space<vmem>>, vector<1x16xf32>,
      %get3A_156 = arith.index_cast %scan3A_114 : i32 to index
      %get3A_157 = arith.constant 48 : index
      %get3A_158 = tpu.vector_load %arg9[%get3A_156, %get3A_157] {strides = array<i32>} : memref<80x128xf32, #tpu.memory_space<vmem>>, vector<1x16xf32>,
      %get3A_159 = vector.shape_cast %get3A_158 : vector<1x16xf32> to vector<16xf32>
      %get3A_160 = arith.index_cast %scan3A_114 : i32 to index
      %get3A_161 = arith.constant 48 : index
      %get3A_162 = tpu.vector_load %arg10[%get3A_160, %get3A_161] {strides = array<i32>} : memref<80x128xf32, #tpu.memory_space<vmem>>, vector<1x16xf32>,
      %get3A_163 = vector.shape_cast %get3A_162 : vector<1x16xf32> to vector<16xf32>
      %mul3A_164 = arith.mulf %get3A_159, %get3A_163 : vector<16xf32>
      %swap3A_165 = arith.index_cast %scan3A_114 : i32 to index
      %swap3A_166 = arith.constant 48 : index
      %swap3A_167 = tpu.vector_load %arg9[%swap3A_165, %swap3A_166] {strides = array<i32>} : memref<80x128xf32, #tpu.memory_space<vmem>>, vector<1x16xf32>,
      %swap3A_168 = vector.shape_cast %swap3A_167 : vector<1x16xf32> to vector<16xf32>
      %swap3A_169 = vector.shape_cast %mul3A_164 : vector<16xf32> to vector<1x16xf32>
      tpu.vector_store %arg9[%swap3A_165, %swap3A_166], %swap3A_169 {strides = array<i32>} : memref<80x128xf32, #tpu.memory_space<vmem>>, vector<1x16xf32>,
      %get3A_170 = arith.index_cast %scan3A_114 : i32 to index
      %get3A_171 = arith.constant 64 : index
      %get3A_172 = tpu.vector_load %arg9[%get3A_170, %get3A_171] {strides = array<i32>} : memref<80x128xf32, #tpu.memory_space<vmem>>, vector<1x16xf32>,
      %get3A_173 = vector.shape_cast %get3A_172 : vector<1x16xf32> to vector<16xf32>
      %get3A_174 = arith.index_cast %scan3A_114 : i32 to index
      %get3A_175 = arith.constant 64 : index
      %get3A_176 = tpu.vector_load %arg10[%get3A_174, %get3A_175] {strides = array<i32>} : memref<80x128xf32, #tpu.memory_space<vmem>>, vector<1x16xf32>,
      %get3A_177 = vector.shape_cast %get3A_176 : vector<1x16xf32> to vector<16xf32>
      %mul3A_178 = arith.mulf %get3A_173, %get3A_177 : vector<16xf32>
      %swap3A_179 = arith.index_cast %scan3A_114 : i32 to index
      %swap3A_180 = arith.constant 64 : index
      %swap3A_181 = tpu.vector_load %arg9[%swap3A_179, %swap3A_180] {strides = array<i32>} : memref<80x128xf32, #tpu.memory_space<vmem>>, vector<1x16xf32>,
      %swap3A_182 = vector.shape_cast %swap3A_181 : vector<1x16xf32> to vector<16xf32>
      %swap3A_183 = vector.shape_cast %mul3A_178 : vector<16xf32> to vector<1x16xf32>
      tpu.vector_store %arg9[%swap3A_179, %swap3A_180], %swap3A_183 {strides = array<i32>} : memref<80x128xf32, #tpu.memory_space<vmem>>, vector<1x16xf32>,
      %get3A_184 = arith.index_cast %scan3A_114 : i32 to index
      %get3A_185 = arith.constant 80 : index
      %get3A_186 = tpu.vector_load %arg9[%get3A_184, %get3A_185] {strides = array<i32>} : memref<80x128xf32, #tpu.memory_space<vmem>>, vector<1x16xf32>,
      %get3A_187 = vector.shape_cast %get3A_186 : vector<1x16xf32> to vector<16xf32>
      %get3A_188 = arith.index_cast %scan3A_114 : i32 to index
      %get3A_189 = arith.constant 80 : index
      %get3A_190 = tpu.vector_load %arg10[%get3A_188, %get3A_189] {strides = array<i32>} : memref<80x128xf32, #tpu.memory_space<vmem>>, vector<1x16xf32>,
      %get3A_191 = vector.shape_cast %get3A_190 : vector<1x16xf32> to vector<16xf32>
      %mul3A_192 = arith.mulf %get3A_187, %get3A_191 : vector<16xf32>
      %swap3A_193 = arith.index_cast %scan3A_114 : i32 to index
      %swap3A_194 = arith.constant 80 : index
      %swap3A_195 = tpu.vector_load %arg9[%swap3A_193, %swap3A_194] {strides = array<i32>} : memref<80x128xf32, #tpu.memory_space<vmem>>, vector<1x16xf32>,
      %swap3A_196 = vector.shape_cast %swap3A_195 : vector<1x16xf32> to vector<16xf32>
      %swap3A_197 = vector.shape_cast %mul3A_192 : vector<16xf32> to vector<1x16xf32>
      tpu.vector_store %arg9[%swap3A_193, %swap3A_194], %swap3A_197 {strides = array<i32>} : memref<80x128xf32, #tpu.memory_space<vmem>>, vector<1x16xf32>,
      %get3A_198 = arith.index_cast %scan3A_114 : i32 to index
      %get3A_199 = arith.constant 96 : index
      %get3A_200 = tpu.vector_load %arg9[%get3A_198, %get3A_199] {strides = array<i32>} : memref<80x128xf32, #tpu.memory_space<vmem>>, vector<1x16xf32>,
      %get3A_201 = vector.shape_cast %get3A_200 : vector<1x16xf32> to vector<16xf32>
      %get3A_202 = arith.index_cast %scan3A_114 : i32 to index
      %get3A_203 = arith.constant 96 : index
      %get3A_204 = tpu.vector_load %arg10[%get3A_202, %get3A_203] {strides = array<i32>} : memref<80x128xf32, #tpu.memory_space<vmem>>, vector<1x16xf32>,
      %get3A_205 = vector.shape_cast %get3A_204 : vector<1x16xf32> to vector<16xf32>
      %mul3A_206 = arith.mulf %get3A_201, %get3A_205 : vector<16xf32>
      %swap3A_207 = arith.index_cast %scan3A_114 : i32 to index
      %swap3A_208 = arith.constant 96 : index
      %swap3A_209 = tpu.vector_load %arg9[%swap3A_207, %swap3A_208] {strides = array<i32>} : memref<80x128xf32, #tpu.memory_space<vmem>>, vector<1x16xf32>,
      %swap3A_210 = vector.shape_cast %swap3A_209 : vector<1x16xf32> to vector<16xf32>
      %swap3A_211 = vector.shape_cast %mul3A_206 : vector<16xf32> to vector<1x16xf32>
      tpu.vector_store %arg9[%swap3A_207, %swap3A_208], %swap3A_211 {strides = array<i32>} : memref<80x128xf32, #tpu.memory_space<vmem>>, vector<1x16xf32>,
      %get3A_212 = arith.index_cast %scan3A_114 : i32 to index
      %get3A_213 = arith.constant 112 : index
      %get3A_214 = tpu.vector_load %arg9[%get3A_212, %get3A_213] {strides = array<i32>} : memref<80x128xf32, #tpu.memory_space<vmem>>, vector<1x16xf32>,
      %get3A_215 = vector.shape_cast %get3A_214 : vector<1x16xf32> to vector<16xf32>
      %get3A_216 = arith.index_cast %scan3A_114 : i32 to index
      %get3A_217 = arith.constant 112 : index
      %get3A_218 = tpu.vector_load %arg10[%get3A_216, %get3A_217] {strides = array<i32>} : memref<80x128xf32, #tpu.memory_space<vmem>>, vector<1x16xf32>,
      %get3A_219 = vector.shape_cast %get3A_218 : vector<1x16xf32> to vector<16xf32>
      %mul3A_220 = arith.mulf %get3A_215, %get3A_219 : vector<16xf32>
      %swap3A_221 = arith.index_cast %scan3A_114 : i32 to index
      %swap3A_222 = arith.constant 112 : index
      %swap3A_223 = tpu.vector_load %arg9[%swap3A_221, %swap3A_222] {strides = array<i32>} : memref<80x128xf32, #tpu.memory_space<vmem>>, vector<1x16xf32>,
      %swap3A_224 = vector.shape_cast %swap3A_223 : vector<1x16xf32> to vector<16xf32>
      %swap3A_225 = vector.shape_cast %mul3A_220 : vector<16xf32> to vector<1x16xf32>
      tpu.vector_store %arg9[%swap3A_221, %swap3A_222], %swap3A_225 {strides = array<i32>} : memref<80x128xf32, #tpu.memory_space<vmem>>, vector<1x16xf32>,
      %scan3A_226 = arith.constant 0 : i32
      scf.yield %scan3A_226 : i32
    }
    %scan3A_83 = arith.constant 80 : i32
    %dma_start3A_84 = arith.constant 0 : i32
    %dma_start3A_85 = arith.constant 0 : i32
    %dma_start3A_86 = tpu.memref_slice %arg15[%dma_start3A_84, %dma_start3A_85] : memref<10240x128xf32, #tpu.memory_space<vmem_shared>> -> memref<10240x128xf32, #tpu.memory_space<vmem_shared>>
    tpu.enqueue_indirect_dma source(%arg9 : memref<80x128xf32, #tpu.memory_space<vmem>>) target(%dma_start3A_86 : memref<10240x128xf32, #tpu.memory_space<vmem_shared>>) offsets(%arg8 : memref<80xi32, #tpu.memory_space<vmem>>) semaphore(%arg18 : memref<!tpu.dma_semaphore, #tpu.memory_space<semaphore_mem>>) {add = true}
    %dma_wait3A_87 = arith.constant 0 : i32
    %dma_wait3A_88 = arith.constant 0 : i32
    %dma_wait3A_89 = tpu.memref_slice %arg15[%dma_wait3A_87, %dma_wait3A_88] : memref<10240x128xf32, #tpu.memory_space<vmem_shared>> -> memref<10240x128xf32, #tpu.memory_space<vmem_shared>>
    tpu.wait_indirect_dma semaphore(%arg18 : memref<!tpu.dma_semaphore, #tpu.memory_space<semaphore_mem>>) src(%arg9 : memref<80x128xf32, #tpu.memory_space<vmem>>) dst(%dma_wait3A_89 : memref<10240x128xf32, #tpu.memory_space<vmem_shared>>)
    %dma_wait3A_90 = arith.constant 0 : i32
    %dma_wait3A_91 = arith.constant 0 : i32
    %dma_wait3A_92 = tpu.memref_slice %arg15[%dma_wait3A_90, %dma_wait3A_91] : memref<10240x128xf32, #tpu.memory_space<vmem_shared>> -> memref<10240x128xf32, #tpu.memory_space<vmem_shared>>
    tpu.wait_indirect_dma semaphore(%arg21 : memref<!tpu.dma_semaphore, #tpu.memory_space<semaphore_mem>>) src(%arg13 : memref<80x128xf32, #tpu.memory_space<vmem>>) dst(%dma_wait3A_92 : memref<10240x128xf32, #tpu.memory_space<vmem_shared>>)
    %barrier3A_93 = arith.constant 0 : index
    tpu.barrier barrier_id(%barrier3A_93)
    %mul3A_94 = arith.constant 640 : i32
    %mul3A_95 = arith.muli %arg1, %mul3A_94 : i32
    %add3A_96 = arith.constant 0 : i32
    %add3A_97 = arith.addi %mul3A_95, %add3A_96 : i32
    "tpu.region"() ({
      %run_scoped3A = tpu.sem_alloc : memref<!tpu.dma_semaphore, #tpu.memory_space<semaphore_mem>>
      %dma_start3A_114 = arith.constant 0 : i32
      %dma_start3A_115 = tpu.memref_slice %arg6[%arg0, %add3A_97, %dma_start3A_114] : memref<2x10240x128xf32, #tpu.memory_space<hbm>> -> memref<1x128x128xf32, #tpu.memory_space<hbm>>
      %dma_start3A_116 = tpu.memref_squeeze %dma_start3A_115 : memref<1x128x128xf32, #tpu.memory_space<hbm>> -> memref<128x128xf32, #tpu.memory_space<hbm>>
      %dma_start3A_117 = arith.constant 0 : i32
      %dma_start3A_118 = tpu.memref_slice %arg15[%add3A_97, %dma_start3A_117] : memref<10240x128xf32, #tpu.memory_space<vmem_shared>> -> memref<128x128xf32, #tpu.memory_space<vmem_shared>>
      tpu.enqueue_dma source(%dma_start3A_118 : memref<128x128xf32, #tpu.memory_space<vmem_shared>>) target(%dma_start3A_116 : memref<128x128xf32, #tpu.memory_space<hbm>>) target_semaphore(%run_scoped3A : memref<!tpu.dma_semaphore, #tpu.memory_space<semaphore_mem>>)
      %dma_wait3A_119 = arith.constant 0 : i32
      %dma_wait3A_120 = tpu.memref_slice %arg6[%arg0, %add3A_97, %dma_wait3A_119] : memref<2x10240x128xf32, #tpu.memory_space<hbm>> -> memref<1x128x128xf32, #tpu.memory_space<hbm>>
      %dma_wait3A_121 = tpu.memref_squeeze %dma_wait3A_120 : memref<1x128x128xf32, #tpu.memory_space<hbm>> -> memref<128x128xf32, #tpu.memory_space<hbm>>
      %dma_wait3A_122 = arith.constant 0 : i32
      %dma_wait3A_123 = tpu.memref_slice %arg15[%add3A_97, %dma_wait3A_122] : memref<10240x128xf32, #tpu.memory_space<vmem_shared>> -> memref<128x128xf32, #tpu.memory_space<vmem_shared>>
      tpu.wait_dma2 semaphore(%run_scoped3A : memref<!tpu.dma_semaphore, #tpu.memory_space<semaphore_mem>>) src(%dma_wait3A_123 : memref<128x128xf32, #tpu.memory_space<vmem_shared>>) dst(%dma_wait3A_121 : memref<128x128xf32, #tpu.memory_space<hbm>>)
      tpu.yield
    }) : () -> ()
    %mul3A_98 = arith.constant 640 : i32
    %mul3A_99 = arith.muli %arg1, %mul3A_98 : i32
    %add3A_100 = arith.constant 128 : i32
    %add3A_101 = arith.addi %mul3A_99, %add3A_100 : i32
    "tpu.region"() ({
      %run_scoped3A = tpu.sem_alloc : memref<!tpu.dma_semaphore, #tpu.memory_space<semaphore_mem>>
      %dma_start3A_114 = arith.constant 0 : i32
      %dma_start3A_115 = tpu.memref_slice %arg6[%arg0, %add3A_101, %dma_start3A_114] : memref<2x10240x128xf32, #tpu.memory_space<hbm>> -> memref<1x128x128xf32, #tpu.memory_space<hbm>>
      %dma_start3A_116 = tpu.memref_squeeze %dma_start3A_115 : memref<1x128x128xf32, #tpu.memory_space<hbm>> -> memref<128x128xf32, #tpu.memory_space<hbm>>
      %dma_start3A_117 = arith.constant 0 : i32
      %dma_start3A_118 = tpu.memref_slice %arg15[%add3A_101, %dma_start3A_117] : memref<10240x128xf32, #tpu.memory_space<vmem_shared>> -> memref<128x128xf32, #tpu.memory_space<vmem_shared>>
      tpu.enqueue_dma source(%dma_start3A_118 : memref<128x128xf32, #tpu.memory_space<vmem_shared>>) target(%dma_start3A_116 : memref<128x128xf32, #tpu.memory_space<hbm>>) target_semaphore(%run_scoped3A : memref<!tpu.dma_semaphore, #tpu.memory_space<semaphore_mem>>)
      %dma_wait3A_119 = arith.constant 0 : i32
      %dma_wait3A_120 = tpu.memref_slice %arg6[%arg0, %add3A_101, %dma_wait3A_119] : memref<2x10240x128xf32, #tpu.memory_space<hbm>> -> memref<1x128x128xf32, #tpu.memory_space<hbm>>
      %dma_wait3A_121 = tpu.memref_squeeze %dma_wait3A_120 : memref<1x128x128xf32, #tpu.memory_space<hbm>> -> memref<128x128xf32, #tpu.memory_space<hbm>>
      %dma_wait3A_122 = arith.constant 0 : i32
      %dma_wait3A_123 = tpu.memref_slice %arg15[%add3A_101, %dma_wait3A_122] : memref<10240x128xf32, #tpu.memory_space<vmem_shared>> -> memref<128x128xf32, #tpu.memory_space<vmem_shared>>
      tpu.wait_dma2 semaphore(%run_scoped3A : memref<!tpu.dma_semaphore, #tpu.memory_space<semaphore_mem>>) src(%dma_wait3A_123 : memref<128x128xf32, #tpu.memory_space<vmem_shared>>) dst(%dma_wait3A_121 : memref<128x128xf32, #tpu.memory_space<hbm>>)
      tpu.yield
    }) : () -> ()
    %mul3A_102 = arith.constant 640 : i32
    %mul3A_103 = arith.muli %arg1, %mul3A_102 : i32
    %add3A_104 = arith.constant 256 : i32
    %add3A_105 = arith.addi %mul3A_103, %add3A_104 : i32
    "tpu.region"() ({
      %run_scoped3A = tpu.sem_alloc : memref<!tpu.dma_semaphore, #tpu.memory_space<semaphore_mem>>
      %dma_start3A_114 = arith.constant 0 : i32
      %dma_start3A_115 = tpu.memref_slice %arg6[%arg0, %add3A_105, %dma_start3A_114] : memref<2x10240x128xf32, #tpu.memory_space<hbm>> -> memref<1x128x128xf32, #tpu.memory_space<hbm>>
      %dma_start3A_116 = tpu.memref_squeeze %dma_start3A_115 : memref<1x128x128xf32, #tpu.memory_space<hbm>> -> memref<128x128xf32, #tpu.memory_space<hbm>>
      %dma_start3A_117 = arith.constant 0 : i32
      %dma_start3A_118 = tpu.memref_slice %arg15[%add3A_105, %dma_start3A_117] : memref<10240x128xf32, #tpu.memory_space<vmem_shared>> -> memref<128x128xf32, #tpu.memory_space<vmem_shared>>
      tpu.enqueue_dma source(%dma_start3A_118 : memref<128x128xf32, #tpu.memory_space<vmem_shared>>) target(%dma_start3A_116 : memref<128x128xf32, #tpu.memory_space<hbm>>) target_semaphore(%run_scoped3A : memref<!tpu.dma_semaphore, #tpu.memory_space<semaphore_mem>>)
      %dma_wait3A_119 = arith.constant 0 : i32
      %dma_wait3A_120 = tpu.memref_slice %arg6[%arg0, %add3A_105, %dma_wait3A_119] : memref<2x10240x128xf32, #tpu.memory_space<hbm>> -> memref<1x128x128xf32, #tpu.memory_space<hbm>>
      %dma_wait3A_121 = tpu.memref_squeeze %dma_wait3A_120 : memref<1x128x128xf32, #tpu.memory_space<hbm>> -> memref<128x128xf32, #tpu.memory_space<hbm>>
      %dma_wait3A_122 = arith.constant 0 : i32
      %dma_wait3A_123 = tpu.memref_slice %arg15[%add3A_105, %dma_wait3A_122] : memref<10240x128xf32, #tpu.memory_space<vmem_shared>> -> memref<128x128xf32, #tpu.memory_space<vmem_shared>>
      tpu.wait_dma2 semaphore(%run_scoped3A : memref<!tpu.dma_semaphore, #tpu.memory_space<semaphore_mem>>) src(%dma_wait3A_123 : memref<128x128xf32, #tpu.memory_space<vmem_shared>>) dst(%dma_wait3A_121 : memref<128x128xf32, #tpu.memory_space<hbm>>)
      tpu.yield
    }) : () -> ()
    %mul3A_106 = arith.constant 640 : i32
    %mul3A_107 = arith.muli %arg1, %mul3A_106 : i32
    %add3A_108 = arith.constant 384 : i32
    %add3A_109 = arith.addi %mul3A_107, %add3A_108 : i32
    "tpu.region"() ({
      %run_scoped3A = tpu.sem_alloc : memref<!tpu.dma_semaphore, #tpu.memory_space<semaphore_mem>>
      %dma_start3A_114 = arith.constant 0 : i32
      %dma_start3A_115 = tpu.memref_slice %arg6[%arg0, %add3A_109, %dma_start3A_114] : memref<2x10240x128xf32, #tpu.memory_space<hbm>> -> memref<1x128x128xf32, #tpu.memory_space<hbm>>
      %dma_start3A_116 = tpu.memref_squeeze %dma_start3A_115 : memref<1x128x128xf32, #tpu.memory_space<hbm>> -> memref<128x128xf32, #tpu.memory_space<hbm>>
      %dma_start3A_117 = arith.constant 0 : i32
      %dma_start3A_118 = tpu.memref_slice %arg15[%add3A_109, %dma_start3A_117] : memref<10240x128xf32, #tpu.memory_space<vmem_shared>> -> memref<128x128xf32, #tpu.memory_space<vmem_shared>>
      tpu.enqueue_dma source(%dma_start3A_118 : memref<128x128xf32, #tpu.memory_space<vmem_shared>>) target(%dma_start3A_116 : memref<128x128xf32, #tpu.memory_space<hbm>>) target_semaphore(%run_scoped3A : memref<!tpu.dma_semaphore, #tpu.memory_space<semaphore_mem>>)
      %dma_wait3A_119 = arith.constant 0 : i32
      %dma_wait3A_120 = tpu.memref_slice %arg6[%arg0, %add3A_109, %dma_wait3A_119] : memref<2x10240x128xf32, #tpu.memory_space<hbm>> -> memref<1x128x128xf32, #tpu.memory_space<hbm>>
      %dma_wait3A_121 = tpu.memref_squeeze %dma_wait3A_120 : memref<1x128x128xf32, #tpu.memory_space<hbm>> -> memref<128x128xf32, #tpu.memory_space<hbm>>
      %dma_wait3A_122 = arith.constant 0 : i32
      %dma_wait3A_123 = tpu.memref_slice %arg15[%add3A_109, %dma_wait3A_122] : memref<10240x128xf32, #tpu.memory_space<vmem_shared>> -> memref<128x128xf32, #tpu.memory_space<vmem_shared>>
      tpu.wait_dma2 semaphore(%run_scoped3A : memref<!tpu.dma_semaphore, #tpu.memory_space<semaphore_mem>>) src(%dma_wait3A_123 : memref<128x128xf32, #tpu.memory_space<vmem_shared>>) dst(%dma_wait3A_121 : memref<128x128xf32, #tpu.memory_space<hbm>>)
      tpu.yield
    }) : () -> ()
    %mul3A_110 = arith.constant 640 : i32
    %mul3A_111 = arith.muli %arg1, %mul3A_110 : i32
    %add3A_112 = arith.constant 512 : i32
    %add3A_113 = arith.addi %mul3A_111, %add3A_112 : i32
    "tpu.region"() ({
      %run_scoped3A = tpu.sem_alloc : memref<!tpu.dma_semaphore, #tpu.memory_space<semaphore_mem>>
      %dma_start3A_114 = arith.constant 0 : i32
      %dma_start3A_115 = tpu.memref_slice %arg6[%arg0, %add3A_113, %dma_start3A_114] : memref<2x10240x128xf32, #tpu.memory_space<hbm>> -> memref<1x128x128xf32, #tpu.memory_space<hbm>>
      %dma_start3A_116 = tpu.memref_squeeze %dma_start3A_115 : memref<1x128x128xf32, #tpu.memory_space<hbm>> -> memref<128x128xf32, #tpu.memory_space<hbm>>
      %dma_start3A_117 = arith.constant 0 : i32
      %dma_start3A_118 = tpu.memref_slice %arg15[%add3A_113, %dma_start3A_117] : memref<10240x128xf32, #tpu.memory_space<vmem_shared>> -> memref<128x128xf32, #tpu.memory_space<vmem_shared>>
      tpu.enqueue_dma source(%dma_start3A_118 : memref<128x128xf32, #tpu.memory_space<vmem_shared>>) target(%dma_start3A_116 : memref<128x128xf32, #tpu.memory_space<hbm>>) target_semaphore(%run_scoped3A : memref<!tpu.dma_semaphore, #tpu.memory_space<semaphore_mem>>)
      %dma_wait3A_119 = arith.constant 0 : i32
      %dma_wait3A_120 = tpu.memref_slice %arg6[%arg0, %add3A_113, %dma_wait3A_119] : memref<2x10240x128xf32, #tpu.memory_space<hbm>> -> memref<1x128x128xf32, #tpu.memory_space<hbm>>
      %dma_wait3A_121 = tpu.memref_squeeze %dma_wait3A_120 : memref<1x128x128xf32, #tpu.memory_space<hbm>> -> memref<128x128xf32, #tpu.memory_space<hbm>>
      %dma_wait3A_122 = arith.constant 0 : i32
      %dma_wait3A_123 = tpu.memref_slice %arg15[%add3A_113, %dma_wait3A_122] : memref<10240x128xf32, #tpu.memory_space<vmem_shared>> -> memref<128x128xf32, #tpu.memory_space<vmem_shared>>
      tpu.wait_dma2 semaphore(%run_scoped3A : memref<!tpu.dma_semaphore, #tpu.memory_space<semaphore_mem>>) src(%dma_wait3A_123 : memref<128x128xf32, #tpu.memory_space<vmem_shared>>) dst(%dma_wait3A_121 : memref<128x128xf32, #tpu.memory_space<hbm>>)
      tpu.yield
    }) : () -> ()
    return
  }
}

#map = affine_map<(d0, d1) -> (0, 0)>
#map1 = affine_map<(d0, d1) -> (0)>
#map2 = affine_map<(d0, d1) -> (0, 0, 0)>
module attributes {stable_mosaic.version = 14 : i64} {
  func.func @_sc_layer_body(%arg0: i32, %arg1: i32, %arg2: memref<10240x128xf32, #tpu.memory_space<hbm>>, %arg3: memref<320000x128xf32, #tpu.memory_space<hbm>>, %arg4: memref<320000xi32, #tpu.memory_space<hbm>>, %arg5: memref<320000xi32, #tpu.memory_space<hbm>>, %arg6: memref<2x10240x128xf32, #tpu.memory_space<hbm>>, %arg7: memref<80xi32, #tpu.memory_space<vmem>>, %arg8: memref<80xi32, #tpu.memory_space<vmem>>, %arg9: memref<80x128xf32, #tpu.memory_space<vmem>>, %arg10: memref<80x128xf32, #tpu.memory_space<vmem>>, %arg11: memref<80xi32, #tpu.memory_space<vmem>>, %arg12: memref<80xi32, #tpu.memory_space<vmem>>, %arg13: memref<80x128xf32, #tpu.memory_space<vmem>>, %arg14: memref<80x128xf32, #tpu.memory_space<vmem>>, %arg15: memref<10240x128xf32, #tpu.memory_space<vmem_shared>>, %arg16: memref<!tpu.dma_semaphore, #tpu.memory_space<semaphore_mem>>, %arg17: memref<!tpu.dma_semaphore, #tpu.memory_space<semaphore_mem>>, %arg18: memref<!tpu.dma_semaphore, #tpu.memory_space<semaphore_mem>>, %arg19: memref<!tpu.dma_semaphore, #tpu.memory_space<semaphore_mem>>, %arg20: memref<!tpu.dma_semaphore, #tpu.memory_space<semaphore_mem>>, %arg21: memref<!tpu.dma_semaphore, #tpu.memory_space<semaphore_mem>>) attributes {dimension_semantics = [#tpu.dimension_semantics<core_parallel>, #tpu.dimension_semantics<subcore_parallel>], iteration_bounds = array<i64: 2, 16>, scalar_prefetch = 0 : i64, scratch_operands = 15 : i64, tpu.core_type = #tpu.core_type<sc_vector_subcore>, window_params = [{transform_indices = #map}, {transform_indices = #map}, {transform_indices = #map1}, {transform_indices = #map1}, {transform_indices = #map2}]} {
    %mul3A = arith.constant 16 : i32
    %mul3A_0 = arith.muli %arg0, %mul3A : i32
    %add3A = arith.addi %mul3A_0, %arg1 : i32
    %scan3A = arith.constant 0 : i32
    %scan3A_1 = arith.constant 0 : i32
    %scan3A_2 = arith.constant 80 : i32
    %scan3A_3 = arith.addi %scan3A_1, %scan3A_2 : i32
    %scan3A_4 = arith.constant 1 : i32
    %scan3A_5 = scf.for %scan3A_114 = %scan3A_1 to %scan3A_3 step %scan3A_4 iter_args(%scan3A_115 = %scan3A) -> (i32)  : i32 {
      %broadcast_in_dim3A = arith.constant 0.000000e+00 : f32
      %broadcast_in_dim3A_116 = vector.broadcast %broadcast_in_dim3A : f32 to vector<16xf32>
      %swap3A = arith.index_cast %scan3A_114 : i32 to index
      %swap3A_117 = arith.constant 0 : index
      %swap3A_118 = tpu.vector_load %arg9[%swap3A, %swap3A_117] {strides = array<i32>} : memref<80x128xf32, #tpu.memory_space<vmem>>, vector<1x16xf32>,
      %swap3A_119 = vector.shape_cast %swap3A_118 : vector<1x16xf32> to vector<16xf32>
      %swap3A_120 = vector.shape_cast %broadcast_in_dim3A_116 : vector<16xf32> to vector<1x16xf32>
      tpu.vector_store %arg9[%swap3A, %swap3A_117], %swap3A_120 {strides = array<i32>} : memref<80x128xf32, #tpu.memory_space<vmem>>, vector<1x16xf32>,
      %broadcast_in_dim3A_121 = arith.constant 0.000000e+00 : f32
      %broadcast_in_dim3A_122 = vector.broadcast %broadcast_in_dim3A_121 : f32 to vector<16xf32>
      %swap3A_123 = arith.index_cast %scan3A_114 : i32 to index
      %swap3A_124 = arith.constant 16 : index
      %swap3A_125 = tpu.vector_load %arg9[%swap3A_123, %swap3A_124] {strides = array<i32>} : memref<80x128xf32, #tpu.memory_space<vmem>>, vector<1x16xf32>,
      %swap3A_126 = vector.shape_cast %swap3A_125 : vector<1x16xf32> to vector<16xf32>
      %swap3A_127 = vector.shape_cast %broadcast_in_dim3A_122 : vector<16xf32> to vector<1x16xf32>
      tpu.vector_store %arg9[%swap3A_123, %swap3A_124], %swap3A_127 {strides = array<i32>} : memref<80x128xf32, #tpu.memory_space<vmem>>, vector<1x16xf32>,
      %broadcast_in_dim3A_128 = arith.constant 0.000000e+00 : f32
      %broadcast_in_dim3A_129 = vector.broadcast %broadcast_in_dim3A_128 : f32 to vector<16xf32>
      %swap3A_130 = arith.index_cast %scan3A_114 : i32 to index
      %swap3A_131 = arith.constant 32 : index
      %swap3A_132 = tpu.vector_load %arg9[%swap3A_130, %swap3A_131] {strides = array<i32>} : memref<80x128xf32, #tpu.memory_space<vmem>>, vector<1x16xf32>,
      %swap3A_133 = vector.shape_cast %swap3A_132 : vector<1x16xf32> to vector<16xf32>
      %swap3A_134 = vector.shape_cast %broadcast_in_dim3A_129 : vector<16xf32> to vector<1x16xf32>
      tpu.vector_store %arg9[%swap3A_130, %swap3A_131], %swap3A_134 {strides = array<i32>} : memref<80x128xf32, #tpu.memory_space<vmem>>, vector<1x16xf32>,
      %broadcast_in_dim3A_135 = arith.constant 0.000000e+00 : f32
      %broadcast_in_dim3A_136 = vector.broadcast %broadcast_in_dim3A_135 : f32 to vector<16xf32>
      %swap3A_137 = arith.index_cast %scan3A_114 : i32 to index
      %swap3A_138 = arith.constant 48 : index
      %swap3A_139 = tpu.vector_load %arg9[%swap3A_137, %swap3A_138] {strides = array<i32>} : memref<80x128xf32, #tpu.memory_space<vmem>>, vector<1x16xf32>,
      %swap3A_140 = vector.shape_cast %swap3A_139 : vector<1x16xf32> to vector<16xf32>
      %swap3A_141 = vector.shape_cast %broadcast_in_dim3A_136 : vector<16xf32> to vector<1x16xf32>
      tpu.vector_store %arg9[%swap3A_137, %swap3A_138], %swap3A_141 {strides = array<i32>} : memref<80x128xf32, #tpu.memory_space<vmem>>, vector<1x16xf32>,
      %broadcast_in_dim3A_142 = arith.constant 0.000000e+00 : f32
      %broadcast_in_dim3A_143 = vector.broadcast %broadcast_in_dim3A_142 : f32 to vector<16xf32>
      %swap3A_144 = arith.index_cast %scan3A_114 : i32 to index
      %swap3A_145 = arith.constant 64 : index
      %swap3A_146 = tpu.vector_load %arg9[%swap3A_144, %swap3A_145] {strides = array<i32>} : memref<80x128xf32, #tpu.memory_space<vmem>>, vector<1x16xf32>,
      %swap3A_147 = vector.shape_cast %swap3A_146 : vector<1x16xf32> to vector<16xf32>
      %swap3A_148 = vector.shape_cast %broadcast_in_dim3A_143 : vector<16xf32> to vector<1x16xf32>
      tpu.vector_store %arg9[%swap3A_144, %swap3A_145], %swap3A_148 {strides = array<i32>} : memref<80x128xf32, #tpu.memory_space<vmem>>, vector<1x16xf32>,
      %broadcast_in_dim3A_149 = arith.constant 0.000000e+00 : f32
      %broadcast_in_dim3A_150 = vector.broadcast %broadcast_in_dim3A_149 : f32 to vector<16xf32>
      %swap3A_151 = arith.index_cast %scan3A_114 : i32 to index
      %swap3A_152 = arith.constant 80 : index
      %swap3A_153 = tpu.vector_load %arg9[%swap3A_151, %swap3A_152] {strides = array<i32>} : memref<80x128xf32, #tpu.memory_space<vmem>>, vector<1x16xf32>,
      %swap3A_154 = vector.shape_cast %swap3A_153 : vector<1x16xf32> to vector<16xf32>
      %swap3A_155 = vector.shape_cast %broadcast_in_dim3A_150 : vector<16xf32> to vector<1x16xf32>
      tpu.vector_store %arg9[%swap3A_151, %swap3A_152], %swap3A_155 {strides = array<i32>} : memref<80x128xf32, #tpu.memory_space<vmem>>, vector<1x16xf32>,
      %broadcast_in_dim3A_156 = arith.constant 0.000000e+00 : f32
      %broadcast_in_dim3A_157 = vector.broadcast %broadcast_in_dim3A_156 : f32 to vector<16xf32>
      %swap3A_158 = arith.index_cast %scan3A_114 : i32 to index
      %swap3A_159 = arith.constant 96 : index
      %swap3A_160 = tpu.vector_load %arg9[%swap3A_158, %swap3A_159] {strides = array<i32>} : memref<80x128xf32, #tpu.memory_space<vmem>>, vector<1x16xf32>,
      %swap3A_161 = vector.shape_cast %swap3A_160 : vector<1x16xf32> to vector<16xf32>
      %swap3A_162 = vector.shape_cast %broadcast_in_dim3A_157 : vector<16xf32> to vector<1x16xf32>
      tpu.vector_store %arg9[%swap3A_158, %swap3A_159], %swap3A_162 {strides = array<i32>} : memref<80x128xf32, #tpu.memory_space<vmem>>, vector<1x16xf32>,
      %broadcast_in_dim3A_163 = arith.constant 0.000000e+00 : f32
      %broadcast_in_dim3A_164 = vector.broadcast %broadcast_in_dim3A_163 : f32 to vector<16xf32>
      %swap3A_165 = arith.index_cast %scan3A_114 : i32 to index
      %swap3A_166 = arith.constant 112 : index
      %swap3A_167 = tpu.vector_load %arg9[%swap3A_165, %swap3A_166] {strides = array<i32>} : memref<80x128xf32, #tpu.memory_space<vmem>>, vector<1x16xf32>,
      %swap3A_168 = vector.shape_cast %swap3A_167 : vector<1x16xf32> to vector<16xf32>
      %swap3A_169 = vector.shape_cast %broadcast_in_dim3A_164 : vector<16xf32> to vector<1x16xf32>
      tpu.vector_store %arg9[%swap3A_165, %swap3A_166], %swap3A_169 {strides = array<i32>} : memref<80x128xf32, #tpu.memory_space<vmem>>, vector<1x16xf32>,
      %scan3A_170 = arith.constant 0 : i32
      scf.yield %scan3A_170 : i32
    }
    %scan3A_6 = arith.constant 80 : i32
    %mul3A_7 = arith.constant 640 : i32
    %mul3A_8 = arith.muli %arg1, %mul3A_7 : i32
    %add3A_9 = arith.constant 0 : i32
    %add3A_10 = arith.addi %mul3A_8, %add3A_9 : i32
    "tpu.region"() ({
      %run_scoped3A = tpu.sem_alloc : memref<!tpu.dma_semaphore, #tpu.memory_space<semaphore_mem>>
      %dma_start3A_114 = arith.constant 0 : i32
      %dma_start3A_115 = tpu.memref_slice %arg15[%add3A_10, %dma_start3A_114] : memref<10240x128xf32, #tpu.memory_space<vmem_shared>> -> memref<80x128xf32, #tpu.memory_space<vmem_shared>>
      %dma_start3A_116 = arith.constant 0 : i32
      %dma_start3A_117 = tpu.memref_slice %arg15[%add3A_10, %dma_start3A_116] : memref<10240x128xf32, #tpu.memory_space<vmem_shared>> -> memref<80x128xf32, #tpu.memory_space<vmem_shared>>
      tpu.enqueue_dma source(%arg9 : memref<80x128xf32, #tpu.memory_space<vmem>>) target(%dma_start3A_117 : memref<80x128xf32, #tpu.memory_space<vmem_shared>>) target_semaphore(%run_scoped3A : memref<!tpu.dma_semaphore, #tpu.memory_space<semaphore_mem>>)
      %dma_wait3A_118 = arith.constant 0 : i32
      %dma_wait3A_119 = tpu.memref_slice %arg15[%add3A_10, %dma_wait3A_118] : memref<10240x128xf32, #tpu.memory_space<vmem_shared>> -> memref<80x128xf32, #tpu.memory_space<vmem_shared>>
      %dma_wait3A_120 = arith.constant 0 : i32
      %dma_wait3A_121 = tpu.memref_slice %arg15[%add3A_10, %dma_wait3A_120] : memref<10240x128xf32, #tpu.memory_space<vmem_shared>> -> memref<80x128xf32, #tpu.memory_space<vmem_shared>>
      tpu.wait_dma2 semaphore(%run_scoped3A : memref<!tpu.dma_semaphore, #tpu.memory_space<semaphore_mem>>) src(%arg9 : memref<80x128xf32, #tpu.memory_space<vmem>>) dst(%dma_wait3A_121 : memref<80x128xf32, #tpu.memory_space<vmem_shared>>)
      tpu.yield
    }) : () -> ()
    %mul3A_11 = arith.constant 640 : i32
    %mul3A_12 = arith.muli %arg1, %mul3A_11 : i32
    %add3A_13 = arith.constant 80 : i32
    %add3A_14 = arith.addi %mul3A_12, %add3A_13 : i32
    "tpu.region"() ({
      %run_scoped3A = tpu.sem_alloc : memref<!tpu.dma_semaphore, #tpu.memory_space<semaphore_mem>>
      %dma_start3A_114 = arith.constant 0 : i32
      %dma_start3A_115 = tpu.memref_slice %arg15[%add3A_14, %dma_start3A_114] : memref<10240x128xf32, #tpu.memory_space<vmem_shared>> -> memref<80x128xf32, #tpu.memory_space<vmem_shared>>
      %dma_start3A_116 = arith.constant 0 : i32
      %dma_start3A_117 = tpu.memref_slice %arg15[%add3A_14, %dma_start3A_116] : memref<10240x128xf32, #tpu.memory_space<vmem_shared>> -> memref<80x128xf32, #tpu.memory_space<vmem_shared>>
      tpu.enqueue_dma source(%arg9 : memref<80x128xf32, #tpu.memory_space<vmem>>) target(%dma_start3A_117 : memref<80x128xf32, #tpu.memory_space<vmem_shared>>) target_semaphore(%run_scoped3A : memref<!tpu.dma_semaphore, #tpu.memory_space<semaphore_mem>>)
      %dma_wait3A_118 = arith.constant 0 : i32
      %dma_wait3A_119 = tpu.memref_slice %arg15[%add3A_14, %dma_wait3A_118] : memref<10240x128xf32, #tpu.memory_space<vmem_shared>> -> memref<80x128xf32, #tpu.memory_space<vmem_shared>>
      %dma_wait3A_120 = arith.constant 0 : i32
      %dma_wait3A_121 = tpu.memref_slice %arg15[%add3A_14, %dma_wait3A_120] : memref<10240x128xf32, #tpu.memory_space<vmem_shared>> -> memref<80x128xf32, #tpu.memory_space<vmem_shared>>
      tpu.wait_dma2 semaphore(%run_scoped3A : memref<!tpu.dma_semaphore, #tpu.memory_space<semaphore_mem>>) src(%arg9 : memref<80x128xf32, #tpu.memory_space<vmem>>) dst(%dma_wait3A_121 : memref<80x128xf32, #tpu.memory_space<vmem_shared>>)
      tpu.yield
    }) : () -> ()
    %mul3A_15 = arith.constant 640 : i32
    %mul3A_16 = arith.muli %arg1, %mul3A_15 : i32
    %add3A_17 = arith.constant 160 : i32
    %add3A_18 = arith.addi %mul3A_16, %add3A_17 : i32
    "tpu.region"() ({
      %run_scoped3A = tpu.sem_alloc : memref<!tpu.dma_semaphore, #tpu.memory_space<semaphore_mem>>
      %dma_start3A_114 = arith.constant 0 : i32
      %dma_start3A_115 = tpu.memref_slice %arg15[%add3A_18, %dma_start3A_114] : memref<10240x128xf32, #tpu.memory_space<vmem_shared>> -> memref<80x128xf32, #tpu.memory_space<vmem_shared>>
      %dma_start3A_116 = arith.constant 0 : i32
      %dma_start3A_117 = tpu.memref_slice %arg15[%add3A_18, %dma_start3A_116] : memref<10240x128xf32, #tpu.memory_space<vmem_shared>> -> memref<80x128xf32, #tpu.memory_space<vmem_shared>>
      tpu.enqueue_dma source(%arg9 : memref<80x128xf32, #tpu.memory_space<vmem>>) target(%dma_start3A_117 : memref<80x128xf32, #tpu.memory_space<vmem_shared>>) target_semaphore(%run_scoped3A : memref<!tpu.dma_semaphore, #tpu.memory_space<semaphore_mem>>)
      %dma_wait3A_118 = arith.constant 0 : i32
      %dma_wait3A_119 = tpu.memref_slice %arg15[%add3A_18, %dma_wait3A_118] : memref<10240x128xf32, #tpu.memory_space<vmem_shared>> -> memref<80x128xf32, #tpu.memory_space<vmem_shared>>
      %dma_wait3A_120 = arith.constant 0 : i32
      %dma_wait3A_121 = tpu.memref_slice %arg15[%add3A_18, %dma_wait3A_120] : memref<10240x128xf32, #tpu.memory_space<vmem_shared>> -> memref<80x128xf32, #tpu.memory_space<vmem_shared>>
      tpu.wait_dma2 semaphore(%run_scoped3A : memref<!tpu.dma_semaphore, #tpu.memory_space<semaphore_mem>>) src(%arg9 : memref<80x128xf32, #tpu.memory_space<vmem>>) dst(%dma_wait3A_121 : memref<80x128xf32, #tpu.memory_space<vmem_shared>>)
      tpu.yield
    }) : () -> ()
    %mul3A_19 = arith.constant 640 : i32
    %mul3A_20 = arith.muli %arg1, %mul3A_19 : i32
    %add3A_21 = arith.constant 240 : i32
    %add3A_22 = arith.addi %mul3A_20, %add3A_21 : i32
    "tpu.region"() ({
      %run_scoped3A = tpu.sem_alloc : memref<!tpu.dma_semaphore, #tpu.memory_space<semaphore_mem>>
      %dma_start3A_114 = arith.constant 0 : i32
      %dma_start3A_115 = tpu.memref_slice %arg15[%add3A_22, %dma_start3A_114] : memref<10240x128xf32, #tpu.memory_space<vmem_shared>> -> memref<80x128xf32, #tpu.memory_space<vmem_shared>>
      %dma_start3A_116 = arith.constant 0 : i32
      %dma_start3A_117 = tpu.memref_slice %arg15[%add3A_22, %dma_start3A_116] : memref<10240x128xf32, #tpu.memory_space<vmem_shared>> -> memref<80x128xf32, #tpu.memory_space<vmem_shared>>
      tpu.enqueue_dma source(%arg9 : memref<80x128xf32, #tpu.memory_space<vmem>>) target(%dma_start3A_117 : memref<80x128xf32, #tpu.memory_space<vmem_shared>>) target_semaphore(%run_scoped3A : memref<!tpu.dma_semaphore, #tpu.memory_space<semaphore_mem>>)
      %dma_wait3A_118 = arith.constant 0 : i32
      %dma_wait3A_119 = tpu.memref_slice %arg15[%add3A_22, %dma_wait3A_118] : memref<10240x128xf32, #tpu.memory_space<vmem_shared>> -> memref<80x128xf32, #tpu.memory_space<vmem_shared>>
      %dma_wait3A_120 = arith.constant 0 : i32
      %dma_wait3A_121 = tpu.memref_slice %arg15[%add3A_22, %dma_wait3A_120] : memref<10240x128xf32, #tpu.memory_space<vmem_shared>> -> memref<80x128xf32, #tpu.memory_space<vmem_shared>>
      tpu.wait_dma2 semaphore(%run_scoped3A : memref<!tpu.dma_semaphore, #tpu.memory_space<semaphore_mem>>) src(%arg9 : memref<80x128xf32, #tpu.memory_space<vmem>>) dst(%dma_wait3A_121 : memref<80x128xf32, #tpu.memory_space<vmem_shared>>)
      tpu.yield
    }) : () -> ()
    %mul3A_23 = arith.constant 640 : i32
    %mul3A_24 = arith.muli %arg1, %mul3A_23 : i32
    %add3A_25 = arith.constant 320 : i32
    %add3A_26 = arith.addi %mul3A_24, %add3A_25 : i32
    "tpu.region"() ({
      %run_scoped3A = tpu.sem_alloc : memref<!tpu.dma_semaphore, #tpu.memory_space<semaphore_mem>>
      %dma_start3A_114 = arith.constant 0 : i32
      %dma_start3A_115 = tpu.memref_slice %arg15[%add3A_26, %dma_start3A_114] : memref<10240x128xf32, #tpu.memory_space<vmem_shared>> -> memref<80x128xf32, #tpu.memory_space<vmem_shared>>
      %dma_start3A_116 = arith.constant 0 : i32
      %dma_start3A_117 = tpu.memref_slice %arg15[%add3A_26, %dma_start3A_116] : memref<10240x128xf32, #tpu.memory_space<vmem_shared>> -> memref<80x128xf32, #tpu.memory_space<vmem_shared>>
      tpu.enqueue_dma source(%arg9 : memref<80x128xf32, #tpu.memory_space<vmem>>) target(%dma_start3A_117 : memref<80x128xf32, #tpu.memory_space<vmem_shared>>) target_semaphore(%run_scoped3A : memref<!tpu.dma_semaphore, #tpu.memory_space<semaphore_mem>>)
      %dma_wait3A_118 = arith.constant 0 : i32
      %dma_wait3A_119 = tpu.memref_slice %arg15[%add3A_26, %dma_wait3A_118] : memref<10240x128xf32, #tpu.memory_space<vmem_shared>> -> memref<80x128xf32, #tpu.memory_space<vmem_shared>>
      %dma_wait3A_120 = arith.constant 0 : i32
      %dma_wait3A_121 = tpu.memref_slice %arg15[%add3A_26, %dma_wait3A_120] : memref<10240x128xf32, #tpu.memory_space<vmem_shared>> -> memref<80x128xf32, #tpu.memory_space<vmem_shared>>
      tpu.wait_dma2 semaphore(%run_scoped3A : memref<!tpu.dma_semaphore, #tpu.memory_space<semaphore_mem>>) src(%arg9 : memref<80x128xf32, #tpu.memory_space<vmem>>) dst(%dma_wait3A_121 : memref<80x128xf32, #tpu.memory_space<vmem_shared>>)
      tpu.yield
    }) : () -> ()
    %mul3A_27 = arith.constant 640 : i32
    %mul3A_28 = arith.muli %arg1, %mul3A_27 : i32
    %add3A_29 = arith.constant 400 : i32
    %add3A_30 = arith.addi %mul3A_28, %add3A_29 : i32
    "tpu.region"() ({
      %run_scoped3A = tpu.sem_alloc : memref<!tpu.dma_semaphore, #tpu.memory_space<semaphore_mem>>
      %dma_start3A_114 = arith.constant 0 : i32
      %dma_start3A_115 = tpu.memref_slice %arg15[%add3A_30, %dma_start3A_114] : memref<10240x128xf32, #tpu.memory_space<vmem_shared>> -> memref<80x128xf32, #tpu.memory_space<vmem_shared>>
      %dma_start3A_116 = arith.constant 0 : i32
      %dma_start3A_117 = tpu.memref_slice %arg15[%add3A_30, %dma_start3A_116] : memref<10240x128xf32, #tpu.memory_space<vmem_shared>> -> memref<80x128xf32, #tpu.memory_space<vmem_shared>>
      tpu.enqueue_dma source(%arg9 : memref<80x128xf32, #tpu.memory_space<vmem>>) target(%dma_start3A_117 : memref<80x128xf32, #tpu.memory_space<vmem_shared>>) target_semaphore(%run_scoped3A : memref<!tpu.dma_semaphore, #tpu.memory_space<semaphore_mem>>)
      %dma_wait3A_118 = arith.constant 0 : i32
      %dma_wait3A_119 = tpu.memref_slice %arg15[%add3A_30, %dma_wait3A_118] : memref<10240x128xf32, #tpu.memory_space<vmem_shared>> -> memref<80x128xf32, #tpu.memory_space<vmem_shared>>
      %dma_wait3A_120 = arith.constant 0 : i32
      %dma_wait3A_121 = tpu.memref_slice %arg15[%add3A_30, %dma_wait3A_120] : memref<10240x128xf32, #tpu.memory_space<vmem_shared>> -> memref<80x128xf32, #tpu.memory_space<vmem_shared>>
      tpu.wait_dma2 semaphore(%run_scoped3A : memref<!tpu.dma_semaphore, #tpu.memory_space<semaphore_mem>>) src(%arg9 : memref<80x128xf32, #tpu.memory_space<vmem>>) dst(%dma_wait3A_121 : memref<80x128xf32, #tpu.memory_space<vmem_shared>>)
      tpu.yield
    }) : () -> ()
    %mul3A_31 = arith.constant 640 : i32
    %mul3A_32 = arith.muli %arg1, %mul3A_31 : i32
    %add3A_33 = arith.constant 480 : i32
    %add3A_34 = arith.addi %mul3A_32, %add3A_33 : i32
    "tpu.region"() ({
      %run_scoped3A = tpu.sem_alloc : memref<!tpu.dma_semaphore, #tpu.memory_space<semaphore_mem>>
      %dma_start3A_114 = arith.constant 0 : i32
      %dma_start3A_115 = tpu.memref_slice %arg15[%add3A_34, %dma_start3A_114] : memref<10240x128xf32, #tpu.memory_space<vmem_shared>> -> memref<80x128xf32, #tpu.memory_space<vmem_shared>>
      %dma_start3A_116 = arith.constant 0 : i32
      %dma_start3A_117 = tpu.memref_slice %arg15[%add3A_34, %dma_start3A_116] : memref<10240x128xf32, #tpu.memory_space<vmem_shared>> -> memref<80x128xf32, #tpu.memory_space<vmem_shared>>
      tpu.enqueue_dma source(%arg9 : memref<80x128xf32, #tpu.memory_space<vmem>>) target(%dma_start3A_117 : memref<80x128xf32, #tpu.memory_space<vmem_shared>>) target_semaphore(%run_scoped3A : memref<!tpu.dma_semaphore, #tpu.memory_space<semaphore_mem>>)
      %dma_wait3A_118 = arith.constant 0 : i32
      %dma_wait3A_119 = tpu.memref_slice %arg15[%add3A_34, %dma_wait3A_118] : memref<10240x128xf32, #tpu.memory_space<vmem_shared>> -> memref<80x128xf32, #tpu.memory_space<vmem_shared>>
      %dma_wait3A_120 = arith.constant 0 : i32
      %dma_wait3A_121 = tpu.memref_slice %arg15[%add3A_34, %dma_wait3A_120] : memref<10240x128xf32, #tpu.memory_space<vmem_shared>> -> memref<80x128xf32, #tpu.memory_space<vmem_shared>>
      tpu.wait_dma2 semaphore(%run_scoped3A : memref<!tpu.dma_semaphore, #tpu.memory_space<semaphore_mem>>) src(%arg9 : memref<80x128xf32, #tpu.memory_space<vmem>>) dst(%dma_wait3A_121 : memref<80x128xf32, #tpu.memory_space<vmem_shared>>)
      tpu.yield
    }) : () -> ()
    %mul3A_35 = arith.constant 640 : i32
    %mul3A_36 = arith.muli %arg1, %mul3A_35 : i32
    %add3A_37 = arith.constant 560 : i32
    %add3A_38 = arith.addi %mul3A_36, %add3A_37 : i32
    "tpu.region"() ({
      %run_scoped3A = tpu.sem_alloc : memref<!tpu.dma_semaphore, #tpu.memory_space<semaphore_mem>>
      %dma_start3A_114 = arith.constant 0 : i32
      %dma_start3A_115 = tpu.memref_slice %arg15[%add3A_38, %dma_start3A_114] : memref<10240x128xf32, #tpu.memory_space<vmem_shared>> -> memref<80x128xf32, #tpu.memory_space<vmem_shared>>
      %dma_start3A_116 = arith.constant 0 : i32
      %dma_start3A_117 = tpu.memref_slice %arg15[%add3A_38, %dma_start3A_116] : memref<10240x128xf32, #tpu.memory_space<vmem_shared>> -> memref<80x128xf32, #tpu.memory_space<vmem_shared>>
      tpu.enqueue_dma source(%arg9 : memref<80x128xf32, #tpu.memory_space<vmem>>) target(%dma_start3A_117 : memref<80x128xf32, #tpu.memory_space<vmem_shared>>) target_semaphore(%run_scoped3A : memref<!tpu.dma_semaphore, #tpu.memory_space<semaphore_mem>>)
      %dma_wait3A_118 = arith.constant 0 : i32
      %dma_wait3A_119 = tpu.memref_slice %arg15[%add3A_38, %dma_wait3A_118] : memref<10240x128xf32, #tpu.memory_space<vmem_shared>> -> memref<80x128xf32, #tpu.memory_space<vmem_shared>>
      %dma_wait3A_120 = arith.constant 0 : i32
      %dma_wait3A_121 = tpu.memref_slice %arg15[%add3A_38, %dma_wait3A_120] : memref<10240x128xf32, #tpu.memory_space<vmem_shared>> -> memref<80x128xf32, #tpu.memory_space<vmem_shared>>
      tpu.wait_dma2 semaphore(%run_scoped3A : memref<!tpu.dma_semaphore, #tpu.memory_space<semaphore_mem>>) src(%arg9 : memref<80x128xf32, #tpu.memory_space<vmem>>) dst(%dma_wait3A_121 : memref<80x128xf32, #tpu.memory_space<vmem_shared>>)
      tpu.yield
    }) : () -> ()
    %barrier3A = arith.constant 0 : index
    tpu.barrier barrier_id(%barrier3A)
    %mul3A_39 = arith.constant 10000 : i32
    %mul3A_40 = arith.muli %add3A, %mul3A_39 : i32
    %add3A_41 = arith.constant 0 : i32
    %add3A_42 = arith.addi %mul3A_40, %add3A_41 : i32
    "tpu.region"() ({
      %run_scoped3A = tpu.sem_alloc : memref<!tpu.dma_semaphore, #tpu.memory_space<semaphore_mem>>
      %dma_start3A_114 = tpu.memref_slice %arg4[%add3A_42] : memref<320000xi32, #tpu.memory_space<hbm>> -> memref<80xi32, #tpu.memory_space<hbm>>
      %dma_start3A_115 = tpu.memref_slice %arg4[%add3A_42] : memref<320000xi32, #tpu.memory_space<hbm>> -> memref<80xi32, #tpu.memory_space<hbm>>
      tpu.enqueue_dma source(%dma_start3A_115 : memref<80xi32, #tpu.memory_space<hbm>>) target(%arg7 : memref<80xi32, #tpu.memory_space<vmem>>) target_semaphore(%run_scoped3A : memref<!tpu.dma_semaphore, #tpu.memory_space<semaphore_mem>>)
      %dma_wait3A_116 = tpu.memref_slice %arg4[%add3A_42] : memref<320000xi32, #tpu.memory_space<hbm>> -> memref<80xi32, #tpu.memory_space<hbm>>
      %dma_wait3A_117 = tpu.memref_slice %arg4[%add3A_42] : memref<320000xi32, #tpu.memory_space<hbm>> -> memref<80xi32, #tpu.memory_space<hbm>>
      tpu.wait_dma2 semaphore(%run_scoped3A : memref<!tpu.dma_semaphore, #tpu.memory_space<semaphore_mem>>) src(%dma_wait3A_117 : memref<80xi32, #tpu.memory_space<hbm>>) dst(%arg7 : memref<80xi32, #tpu.memory_space<vmem>>)
      tpu.yield
    }) : () -> ()
    "tpu.region"() ({
      %run_scoped3A = tpu.sem_alloc : memref<!tpu.dma_semaphore, #tpu.memory_space<semaphore_mem>>
      %dma_start3A_114 = tpu.memref_slice %arg5[%add3A_42] : memref<320000xi32, #tpu.memory_space<hbm>> -> memref<80xi32, #tpu.memory_space<hbm>>
      %dma_start3A_115 = tpu.memref_slice %arg5[%add3A_42] : memref<320000xi32, #tpu.memory_space<hbm>> -> memref<80xi32, #tpu.memory_space<hbm>>
      tpu.enqueue_dma source(%dma_start3A_115 : memref<80xi32, #tpu.memory_space<hbm>>) target(%arg8 : memref<80xi32, #tpu.memory_space<vmem>>) target_semaphore(%run_scoped3A : memref<!tpu.dma_semaphore, #tpu.memory_space<semaphore_mem>>)
      %dma_wait3A_116 = tpu.memref_slice %arg5[%add3A_42] : memref<320000xi32, #tpu.memory_space<hbm>> -> memref<80xi32, #tpu.memory_space<hbm>>
      %dma_wait3A_117 = tpu.memref_slice %arg5[%add3A_42] : memref<320000xi32, #tpu.memory_space<hbm>> -> memref<80xi32, #tpu.memory_space<hbm>>
      tpu.wait_dma2 semaphore(%run_scoped3A : memref<!tpu.dma_semaphore, #tpu.memory_space<semaphore_mem>>) src(%dma_wait3A_117 : memref<80xi32, #tpu.memory_space<hbm>>) dst(%arg8 : memref<80xi32, #tpu.memory_space<vmem>>)
      tpu.yield
    }) : () -> ()
    %dma_start3A = arith.constant 0 : i32
    %dma_start3A_43 = arith.constant 0 : i32
    %dma_start3A_44 = tpu.memref_slice %arg2[%dma_start3A, %dma_start3A_43] : memref<10240x128xf32, #tpu.memory_space<hbm>> -> memref<10240x128xf32, #tpu.memory_space<hbm>>
    tpu.enqueue_indirect_dma source(%dma_start3A_44 : memref<10240x128xf32, #tpu.memory_space<hbm>>) target(%arg9 : memref<80x128xf32, #tpu.memory_space<vmem>>) offsets(%arg7 : memref<80xi32, #tpu.memory_space<vmem>>) semaphore(%arg16 : memref<!tpu.dma_semaphore, #tpu.memory_space<semaphore_mem>>)
    %dma_start3A_45 = arith.constant 0 : i32
    %dma_start3A_46 = tpu.memref_slice %arg3[%add3A_42, %dma_start3A_45] : memref<320000x128xf32, #tpu.memory_space<hbm>> -> memref<80x128xf32, #tpu.memory_space<hbm>>
    %dma_start3A_47 = arith.constant 0 : i32
    %dma_start3A_48 = tpu.memref_slice %arg3[%add3A_42, %dma_start3A_47] : memref<320000x128xf32, #tpu.memory_space<hbm>> -> memref<80x128xf32, #tpu.memory_space<hbm>>
    tpu.enqueue_dma source(%dma_start3A_48 : memref<80x128xf32, #tpu.memory_space<hbm>>) target(%arg10 : memref<80x128xf32, #tpu.memory_space<vmem>>) target_semaphore(%arg17 : memref<!tpu.dma_semaphore, #tpu.memory_space<semaphore_mem>>)
    %mul3A_49 = arith.constant 10000 : i32
    %mul3A_50 = arith.muli %add3A, %mul3A_49 : i32
    %add3A_51 = arith.constant 80 : i32
    %add3A_52 = arith.addi %mul3A_50, %add3A_51 : i32
    "tpu.region"() ({
      %run_scoped3A = tpu.sem_alloc : memref<!tpu.dma_semaphore, #tpu.memory_space<semaphore_mem>>
      %dma_start3A_114 = tpu.memref_slice %arg4[%add3A_52] : memref<320000xi32, #tpu.memory_space<hbm>> -> memref<80xi32, #tpu.memory_space<hbm>>
      %dma_start3A_115 = tpu.memref_slice %arg4[%add3A_52] : memref<320000xi32, #tpu.memory_space<hbm>> -> memref<80xi32, #tpu.memory_space<hbm>>
      tpu.enqueue_dma source(%dma_start3A_115 : memref<80xi32, #tpu.memory_space<hbm>>) target(%arg11 : memref<80xi32, #tpu.memory_space<vmem>>) target_semaphore(%run_scoped3A : memref<!tpu.dma_semaphore, #tpu.memory_space<semaphore_mem>>)
      %dma_wait3A_116 = tpu.memref_slice %arg4[%add3A_52] : memref<320000xi32, #tpu.memory_space<hbm>> -> memref<80xi32, #tpu.memory_space<hbm>>
      %dma_wait3A_117 = tpu.memref_slice %arg4[%add3A_52] : memref<320000xi32, #tpu.memory_space<hbm>> -> memref<80xi32, #tpu.memory_space<hbm>>
      tpu.wait_dma2 semaphore(%run_scoped3A : memref<!tpu.dma_semaphore, #tpu.memory_space<semaphore_mem>>) src(%dma_wait3A_117 : memref<80xi32, #tpu.memory_space<hbm>>) dst(%arg11 : memref<80xi32, #tpu.memory_space<vmem>>)
      tpu.yield
    }) : () -> ()
    "tpu.region"() ({
      %run_scoped3A = tpu.sem_alloc : memref<!tpu.dma_semaphore, #tpu.memory_space<semaphore_mem>>
      %dma_start3A_114 = tpu.memref_slice %arg5[%add3A_52] : memref<320000xi32, #tpu.memory_space<hbm>> -> memref<80xi32, #tpu.memory_space<hbm>>
      %dma_start3A_115 = tpu.memref_slice %arg5[%add3A_52] : memref<320000xi32, #tpu.memory_space<hbm>> -> memref<80xi32, #tpu.memory_space<hbm>>
      tpu.enqueue_dma source(%dma_start3A_115 : memref<80xi32, #tpu.memory_space<hbm>>) target(%arg12 : memref<80xi32, #tpu.memory_space<vmem>>) target_semaphore(%run_scoped3A : memref<!tpu.dma_semaphore, #tpu.memory_space<semaphore_mem>>)
      %dma_wait3A_116 = tpu.memref_slice %arg5[%add3A_52] : memref<320000xi32, #tpu.memory_space<hbm>> -> memref<80xi32, #tpu.memory_space<hbm>>
      %dma_wait3A_117 = tpu.memref_slice %arg5[%add3A_52] : memref<320000xi32, #tpu.memory_space<hbm>> -> memref<80xi32, #tpu.memory_space<hbm>>
      tpu.wait_dma2 semaphore(%run_scoped3A : memref<!tpu.dma_semaphore, #tpu.memory_space<semaphore_mem>>) src(%dma_wait3A_117 : memref<80xi32, #tpu.memory_space<hbm>>) dst(%arg12 : memref<80xi32, #tpu.memory_space<vmem>>)
      tpu.yield
    }) : () -> ()
    %dma_start3A_53 = arith.constant 0 : i32
    %dma_start3A_54 = arith.constant 0 : i32
    %dma_start3A_55 = tpu.memref_slice %arg2[%dma_start3A_53, %dma_start3A_54] : memref<10240x128xf32, #tpu.memory_space<hbm>> -> memref<10240x128xf32, #tpu.memory_space<hbm>>
    tpu.enqueue_indirect_dma source(%dma_start3A_55 : memref<10240x128xf32, #tpu.memory_space<hbm>>) target(%arg13 : memref<80x128xf32, #tpu.memory_space<vmem>>) offsets(%arg11 : memref<80xi32, #tpu.memory_space<vmem>>) semaphore(%arg19 : memref<!tpu.dma_semaphore, #tpu.memory_space<semaphore_mem>>)
    %dma_start3A_56 = arith.constant 0 : i32
    %dma_start3A_57 = tpu.memref_slice %arg3[%add3A_52, %dma_start3A_56] : memref<320000x128xf32, #tpu.memory_space<hbm>> -> memref<80x128xf32, #tpu.memory_space<hbm>>
    %dma_start3A_58 = arith.constant 0 : i32
    %dma_start3A_59 = tpu.memref_slice %arg3[%add3A_52, %dma_start3A_58] : memref<320000x128xf32, #tpu.memory_space<hbm>> -> memref<80x128xf32, #tpu.memory_space<hbm>>
    tpu.enqueue_dma source(%dma_start3A_59 : memref<80x128xf32, #tpu.memory_space<hbm>>) target(%arg14 : memref<80x128xf32, #tpu.memory_space<vmem>>) target_semaphore(%arg20 : memref<!tpu.dma_semaphore, #tpu.memory_space<semaphore_mem>>)
    %scan3A_60 = arith.constant 0 : i32
    %scan3A_61 = arith.constant 0 : i32
    %scan3A_62 = arith.constant 62 : i32
    %scan3A_63 = arith.addi %scan3A_61, %scan3A_62 : i32
    %scan3A_64 = arith.constant 1 : i32
    %scan3A_65 = scf.for %scan3A_114 = %scan3A_61 to %scan3A_63 step %scan3A_64 iter_args(%scan3A_115 = %scan3A_60) -> (i32)  : i32 {
      %mul3A_116 = arith.constant 2 : i32
      %mul3A_117 = arith.muli %scan3A_114, %mul3A_116 : i32
      %mul3A_118 = arith.constant 10000 : i32
      %mul3A_119 = arith.muli %add3A, %mul3A_118 : i32
      %mul3A_120 = arith.constant 80 : i32
      %mul3A_121 = arith.muli %mul3A_117, %mul3A_120 : i32
      %add3A_122 = arith.addi %mul3A_119, %mul3A_121 : i32
      %dma_wait3A_123 = arith.constant 0 : i32
      %dma_wait3A_124 = arith.constant 0 : i32
      %dma_wait3A_125 = tpu.memref_slice %arg2[%dma_wait3A_123, %dma_wait3A_124] : memref<10240x128xf32, #tpu.memory_space<hbm>> -> memref<10240x128xf32, #tpu.memory_space<hbm>>
      tpu.wait_indirect_dma semaphore(%arg16 : memref<!tpu.dma_semaphore, #tpu.memory_space<semaphore_mem>>) src(%dma_wait3A_125 : memref<10240x128xf32, #tpu.memory_space<hbm>>) dst(%arg9 : memref<80x128xf32, #tpu.memory_space<vmem>>)
      %dma_wait3A_126 = arith.constant 0 : i32
      %dma_wait3A_127 = tpu.memref_slice %arg3[%add3A_122, %dma_wait3A_126] : memref<320000x128xf32, #tpu.memory_space<hbm>> -> memref<80x128xf32, #tpu.memory_space<hbm>>
      %dma_wait3A_128 = arith.constant 0 : i32
      %dma_wait3A_129 = tpu.memref_slice %arg3[%add3A_122, %dma_wait3A_128] : memref<320000x128xf32, #tpu.memory_space<hbm>> -> memref<80x128xf32, #tpu.memory_space<hbm>>
      tpu.wait_dma2 semaphore(%arg17 : memref<!tpu.dma_semaphore, #tpu.memory_space<semaphore_mem>>) src(%dma_wait3A_129 : memref<80x128xf32, #tpu.memory_space<hbm>>) dst(%arg10 : memref<80x128xf32, #tpu.memory_space<vmem>>)
      %scan3A_130 = arith.constant 0 : i32
      %scan3A_131 = arith.constant 0 : i32
      %scan3A_132 = arith.constant 80 : i32
      %scan3A_133 = arith.addi %scan3A_131, %scan3A_132 : i32
      %scan3A_134 = arith.constant 1 : i32
      %scan3A_135 = scf.for %scan3A_176 = %scan3A_131 to %scan3A_133 step %scan3A_134 iter_args(%scan3A_177 = %scan3A_130) -> (i32)  : i32 {
        %get3A = arith.index_cast %scan3A_176 : i32 to index
        %get3A_178 = arith.constant 0 : index
        %get3A_179 = tpu.vector_load %arg9[%get3A, %get3A_178] {strides = array<i32>} : memref<80x128xf32, #tpu.memory_space<vmem>>, vector<1x16xf32>,
        %get3A_180 = vector.shape_cast %get3A_179 : vector<1x16xf32> to vector<16xf32>
        %get3A_181 = arith.index_cast %scan3A_176 : i32 to index
        %get3A_182 = arith.constant 0 : index
        %get3A_183 = tpu.vector_load %arg10[%get3A_181, %get3A_182] {strides = array<i32>} : memref<80x128xf32, #tpu.memory_space<vmem>>, vector<1x16xf32>,
        %get3A_184 = vector.shape_cast %get3A_183 : vector<1x16xf32> to vector<16xf32>
        %mul3A_185 = arith.mulf %get3A_180, %get3A_184 : vector<16xf32>
        %swap3A = arith.index_cast %scan3A_176 : i32 to index
        %swap3A_186 = arith.constant 0 : index
        %swap3A_187 = tpu.vector_load %arg9[%swap3A, %swap3A_186] {strides = array<i32>} : memref<80x128xf32, #tpu.memory_space<vmem>>, vector<1x16xf32>,
        %swap3A_188 = vector.shape_cast %swap3A_187 : vector<1x16xf32> to vector<16xf32>
        %swap3A_189 = vector.shape_cast %mul3A_185 : vector<16xf32> to vector<1x16xf32>
        tpu.vector_store %arg9[%swap3A, %swap3A_186], %swap3A_189 {strides = array<i32>} : memref<80x128xf32, #tpu.memory_space<vmem>>, vector<1x16xf32>,
        %get3A_190 = arith.index_cast %scan3A_176 : i32 to index
        %get3A_191 = arith.constant 16 : index
        %get3A_192 = tpu.vector_load %arg9[%get3A_190, %get3A_191] {strides = array<i32>} : memref<80x128xf32, #tpu.memory_space<vmem>>, vector<1x16xf32>,
        %get3A_193 = vector.shape_cast %get3A_192 : vector<1x16xf32> to vector<16xf32>
        %get3A_194 = arith.index_cast %scan3A_176 : i32 to index
        %get3A_195 = arith.constant 16 : index
        %get3A_196 = tpu.vector_load %arg10[%get3A_194, %get3A_195] {strides = array<i32>} : memref<80x128xf32, #tpu.memory_space<vmem>>, vector<1x16xf32>,
        %get3A_197 = vector.shape_cast %get3A_196 : vector<1x16xf32> to vector<16xf32>
        %mul3A_198 = arith.mulf %get3A_193, %get3A_197 : vector<16xf32>
        %swap3A_199 = arith.index_cast %scan3A_176 : i32 to index
        %swap3A_200 = arith.constant 16 : index
        %swap3A_201 = tpu.vector_load %arg9[%swap3A_199, %swap3A_200] {strides = array<i32>} : memref<80x128xf32, #tpu.memory_space<vmem>>, vector<1x16xf32>,
        %swap3A_202 = vector.shape_cast %swap3A_201 : vector<1x16xf32> to vector<16xf32>
        %swap3A_203 = vector.shape_cast %mul3A_198 : vector<16xf32> to vector<1x16xf32>
        tpu.vector_store %arg9[%swap3A_199, %swap3A_200], %swap3A_203 {strides = array<i32>} : memref<80x128xf32, #tpu.memory_space<vmem>>, vector<1x16xf32>,
        %get3A_204 = arith.index_cast %scan3A_176 : i32 to index
        %get3A_205 = arith.constant 32 : index
        %get3A_206 = tpu.vector_load %arg9[%get3A_204, %get3A_205] {strides = array<i32>} : memref<80x128xf32, #tpu.memory_space<vmem>>, vector<1x16xf32>,
        %get3A_207 = vector.shape_cast %get3A_206 : vector<1x16xf32> to vector<16xf32>
        %get3A_208 = arith.index_cast %scan3A_176 : i32 to index
        %get3A_209 = arith.constant 32 : index
        %get3A_210 = tpu.vector_load %arg10[%get3A_208, %get3A_209] {strides = array<i32>} : memref<80x128xf32, #tpu.memory_space<vmem>>, vector<1x16xf32>,
        %get3A_211 = vector.shape_cast %get3A_210 : vector<1x16xf32> to vector<16xf32>
        %mul3A_212 = arith.mulf %get3A_207, %get3A_211 : vector<16xf32>
        %swap3A_213 = arith.index_cast %scan3A_176 : i32 to index
        %swap3A_214 = arith.constant 32 : index
        %swap3A_215 = tpu.vector_load %arg9[%swap3A_213, %swap3A_214] {strides = array<i32>} : memref<80x128xf32, #tpu.memory_space<vmem>>, vector<1x16xf32>,
        %swap3A_216 = vector.shape_cast %swap3A_215 : vector<1x16xf32> to vector<16xf32>
        %swap3A_217 = vector.shape_cast %mul3A_212 : vector<16xf32> to vector<1x16xf32>
        tpu.vector_store %arg9[%swap3A_213, %swap3A_214], %swap3A_217 {strides = array<i32>} : memref<80x128xf32, #tpu.memory_space<vmem>>, vector<1x16xf32>,
        %get3A_218 = arith.index_cast %scan3A_176 : i32 to index
        %get3A_219 = arith.constant 48 : index
        %get3A_220 = tpu.vector_load %arg9[%get3A_218, %get3A_219] {strides = array<i32>} : memref<80x128xf32, #tpu.memory_space<vmem>>, vector<1x16xf32>,
        %get3A_221 = vector.shape_cast %get3A_220 : vector<1x16xf32> to vector<16xf32>
        %get3A_222 = arith.index_cast %scan3A_176 : i32 to index
        %get3A_223 = arith.constant 48 : index
        %get3A_224 = tpu.vector_load %arg10[%get3A_222, %get3A_223] {strides = array<i32>} : memref<80x128xf32, #tpu.memory_space<vmem>>, vector<1x16xf32>,
        %get3A_225 = vector.shape_cast %get3A_224 : vector<1x16xf32> to vector<16xf32>
        %mul3A_226 = arith.mulf %get3A_221, %get3A_225 : vector<16xf32>
        %swap3A_227 = arith.index_cast %scan3A_176 : i32 to index
        %swap3A_228 = arith.constant 48 : index
        %swap3A_229 = tpu.vector_load %arg9[%swap3A_227, %swap3A_228] {strides = array<i32>} : memref<80x128xf32, #tpu.memory_space<vmem>>, vector<1x16xf32>,
        %swap3A_230 = vector.shape_cast %swap3A_229 : vector<1x16xf32> to vector<16xf32>
        %swap3A_231 = vector.shape_cast %mul3A_226 : vector<16xf32> to vector<1x16xf32>
        tpu.vector_store %arg9[%swap3A_227, %swap3A_228], %swap3A_231 {strides = array<i32>} : memref<80x128xf32, #tpu.memory_space<vmem>>, vector<1x16xf32>,
        %get3A_232 = arith.index_cast %scan3A_176 : i32 to index
        %get3A_233 = arith.constant 64 : index
        %get3A_234 = tpu.vector_load %arg9[%get3A_232, %get3A_233] {strides = array<i32>} : memref<80x128xf32, #tpu.memory_space<vmem>>, vector<1x16xf32>,
        %get3A_235 = vector.shape_cast %get3A_234 : vector<1x16xf32> to vector<16xf32>
        %get3A_236 = arith.index_cast %scan3A_176 : i32 to index
        %get3A_237 = arith.constant 64 : index
        %get3A_238 = tpu.vector_load %arg10[%get3A_236, %get3A_237] {strides = array<i32>} : memref<80x128xf32, #tpu.memory_space<vmem>>, vector<1x16xf32>,
        %get3A_239 = vector.shape_cast %get3A_238 : vector<1x16xf32> to vector<16xf32>
        %mul3A_240 = arith.mulf %get3A_235, %get3A_239 : vector<16xf32>
        %swap3A_241 = arith.index_cast %scan3A_176 : i32 to index
        %swap3A_242 = arith.constant 64 : index
        %swap3A_243 = tpu.vector_load %arg9[%swap3A_241, %swap3A_242] {strides = array<i32>} : memref<80x128xf32, #tpu.memory_space<vmem>>, vector<1x16xf32>,
        %swap3A_244 = vector.shape_cast %swap3A_243 : vector<1x16xf32> to vector<16xf32>
        %swap3A_245 = vector.shape_cast %mul3A_240 : vector<16xf32> to vector<1x16xf32>
        tpu.vector_store %arg9[%swap3A_241, %swap3A_242], %swap3A_245 {strides = array<i32>} : memref<80x128xf32, #tpu.memory_space<vmem>>, vector<1x16xf32>,
        %get3A_246 = arith.index_cast %scan3A_176 : i32 to index
        %get3A_247 = arith.constant 80 : index
        %get3A_248 = tpu.vector_load %arg9[%get3A_246, %get3A_247] {strides = array<i32>} : memref<80x128xf32, #tpu.memory_space<vmem>>, vector<1x16xf32>,
        %get3A_249 = vector.shape_cast %get3A_248 : vector<1x16xf32> to vector<16xf32>
        %get3A_250 = arith.index_cast %scan3A_176 : i32 to index
        %get3A_251 = arith.constant 80 : index
        %get3A_252 = tpu.vector_load %arg10[%get3A_250, %get3A_251] {strides = array<i32>} : memref<80x128xf32, #tpu.memory_space<vmem>>, vector<1x16xf32>,
        %get3A_253 = vector.shape_cast %get3A_252 : vector<1x16xf32> to vector<16xf32>
        %mul3A_254 = arith.mulf %get3A_249, %get3A_253 : vector<16xf32>
        %swap3A_255 = arith.index_cast %scan3A_176 : i32 to index
        %swap3A_256 = arith.constant 80 : index
        %swap3A_257 = tpu.vector_load %arg9[%swap3A_255, %swap3A_256] {strides = array<i32>} : memref<80x128xf32, #tpu.memory_space<vmem>>, vector<1x16xf32>,
        %swap3A_258 = vector.shape_cast %swap3A_257 : vector<1x16xf32> to vector<16xf32>
        %swap3A_259 = vector.shape_cast %mul3A_254 : vector<16xf32> to vector<1x16xf32>
        tpu.vector_store %arg9[%swap3A_255, %swap3A_256], %swap3A_259 {strides = array<i32>} : memref<80x128xf32, #tpu.memory_space<vmem>>, vector<1x16xf32>,
        %get3A_260 = arith.index_cast %scan3A_176 : i32 to index
        %get3A_261 = arith.constant 96 : index
        %get3A_262 = tpu.vector_load %arg9[%get3A_260, %get3A_261] {strides = array<i32>} : memref<80x128xf32, #tpu.memory_space<vmem>>, vector<1x16xf32>,
        %get3A_263 = vector.shape_cast %get3A_262 : vector<1x16xf32> to vector<16xf32>
        %get3A_264 = arith.index_cast %scan3A_176 : i32 to index
        %get3A_265 = arith.constant 96 : index
        %get3A_266 = tpu.vector_load %arg10[%get3A_264, %get3A_265] {strides = array<i32>} : memref<80x128xf32, #tpu.memory_space<vmem>>, vector<1x16xf32>,
        %get3A_267 = vector.shape_cast %get3A_266 : vector<1x16xf32> to vector<16xf32>
        %mul3A_268 = arith.mulf %get3A_263, %get3A_267 : vector<16xf32>
        %swap3A_269 = arith.index_cast %scan3A_176 : i32 to index
        %swap3A_270 = arith.constant 96 : index
        %swap3A_271 = tpu.vector_load %arg9[%swap3A_269, %swap3A_270] {strides = array<i32>} : memref<80x128xf32, #tpu.memory_space<vmem>>, vector<1x16xf32>,
        %swap3A_272 = vector.shape_cast %swap3A_271 : vector<1x16xf32> to vector<16xf32>
        %swap3A_273 = vector.shape_cast %mul3A_268 : vector<16xf32> to vector<1x16xf32>
        tpu.vector_store %arg9[%swap3A_269, %swap3A_270], %swap3A_273 {strides = array<i32>} : memref<80x128xf32, #tpu.memory_space<vmem>>, vector<1x16xf32>,
        %get3A_274 = arith.index_cast %scan3A_176 : i32 to index
        %get3A_275 = arith.constant 112 : index
        %get3A_276 = tpu.vector_load %arg9[%get3A_274, %get3A_275] {strides = array<i32>} : memref<80x128xf32, #tpu.memory_space<vmem>>, vector<1x16xf32>,
        %get3A_277 = vector.shape_cast %get3A_276 : vector<1x16xf32> to vector<16xf32>
        %get3A_278 = arith.index_cast %scan3A_176 : i32 to index
        %get3A_279 = arith.constant 112 : index
        %get3A_280 = tpu.vector_load %arg10[%get3A_278, %get3A_279] {strides = array<i32>} : memref<80x128xf32, #tpu.memory_space<vmem>>, vector<1x16xf32>,
        %get3A_281 = vector.shape_cast %get3A_280 : vector<1x16xf32> to vector<16xf32>
        %mul3A_282 = arith.mulf %get3A_277, %get3A_281 : vector<16xf32>
        %swap3A_283 = arith.index_cast %scan3A_176 : i32 to index
        %swap3A_284 = arith.constant 112 : index
        %swap3A_285 = tpu.vector_load %arg9[%swap3A_283, %swap3A_284] {strides = array<i32>} : memref<80x128xf32, #tpu.memory_space<vmem>>, vector<1x16xf32>,
        %swap3A_286 = vector.shape_cast %swap3A_285 : vector<1x16xf32> to vector<16xf32>
        %swap3A_287 = vector.shape_cast %mul3A_282 : vector<16xf32> to vector<1x16xf32>
        tpu.vector_store %arg9[%swap3A_283, %swap3A_284], %swap3A_287 {strides = array<i32>} : memref<80x128xf32, #tpu.memory_space<vmem>>, vector<1x16xf32>,
        %scan3A_288 = arith.constant 0 : i32
        scf.yield %scan3A_288 : i32
      }
      %scan3A_136 = arith.constant 80 : i32
      %dma_start3A_137 = arith.constant 0 : i32
      %dma_start3A_138 = arith.constant 0 : i32
      %dma_start3A_139 = tpu.memref_slice %arg15[%dma_start3A_137, %dma_start3A_138] : memref<10240x128xf32, #tpu.memory_space<vmem_shared>> -> memref<10240x128xf32, #tpu.memory_space<vmem_shared>>
      tpu.enqueue_indirect_dma source(%arg9 : memref<80x128xf32, #tpu.memory_space<vmem>>) target(%dma_start3A_139 : memref<10240x128xf32, #tpu.memory_space<vmem_shared>>) offsets(%arg8 : memref<80xi32, #tpu.memory_space<vmem>>) semaphore(%arg18 : memref<!tpu.dma_semaphore, #tpu.memory_space<semaphore_mem>>) {add = true}
      %add3A_140 = arith.constant 2 : i32
      %add3A_141 = arith.addi %mul3A_117, %add3A_140 : i32
      %lt3A = arith.constant 125 : i32
      %lt3A_142 = arith.cmpi slt, %add3A_141, %lt3A : i32
      %convert_element_type3A = arith.extui %lt3A_142 : i1 to i32
      %cond3A = arith.constant 0 : i32
      %cond3A_143 = arith.cmpi ne, %convert_element_type3A, %cond3A : i32
      scf.if %cond3A_143 {
        %add3A_176 = arith.constant 2 : i32
        %add3A_177 = arith.addi %mul3A_117, %add3A_176 : i32
        %mul3A_178 = arith.constant 10000 : i32
        %mul3A_179 = arith.muli %add3A, %mul3A_178 : i32
        %mul3A_180 = arith.constant 80 : i32
        %mul3A_181 = arith.muli %add3A_177, %mul3A_180 : i32
        %add3A_182 = arith.addi %mul3A_179, %mul3A_181 : i32
        %dma_wait3A_183 = arith.constant 0 : i32
        %dma_wait3A_184 = arith.constant 0 : i32
        %dma_wait3A_185 = tpu.memref_slice %arg15[%dma_wait3A_183, %dma_wait3A_184] : memref<10240x128xf32, #tpu.memory_space<vmem_shared>> -> memref<10240x128xf32, #tpu.memory_space<vmem_shared>>
        tpu.wait_indirect_dma semaphore(%arg18 : memref<!tpu.dma_semaphore, #tpu.memory_space<semaphore_mem>>) src(%arg9 : memref<80x128xf32, #tpu.memory_space<vmem>>) dst(%dma_wait3A_185 : memref<10240x128xf32, #tpu.memory_space<vmem_shared>>)
        "tpu.region"() ({
          %run_scoped3A = tpu.sem_alloc : memref<!tpu.dma_semaphore, #tpu.memory_space<semaphore_mem>>
          %dma_start3A_193 = tpu.memref_slice %arg4[%add3A_182] : memref<320000xi32, #tpu.memory_space<hbm>> -> memref<80xi32, #tpu.memory_space<hbm>>
          %dma_start3A_194 = tpu.memref_slice %arg4[%add3A_182] : memref<320000xi32, #tpu.memory_space<hbm>> -> memref<80xi32, #tpu.memory_space<hbm>>
          tpu.enqueue_dma source(%dma_start3A_194 : memref<80xi32, #tpu.memory_space<hbm>>) target(%arg7 : memref<80xi32, #tpu.memory_space<vmem>>) target_semaphore(%run_scoped3A : memref<!tpu.dma_semaphore, #tpu.memory_space<semaphore_mem>>)
          %dma_wait3A_195 = tpu.memref_slice %arg4[%add3A_182] : memref<320000xi32, #tpu.memory_space<hbm>> -> memref<80xi32, #tpu.memory_space<hbm>>
          %dma_wait3A_196 = tpu.memref_slice %arg4[%add3A_182] : memref<320000xi32, #tpu.memory_space<hbm>> -> memref<80xi32, #tpu.memory_space<hbm>>
          tpu.wait_dma2 semaphore(%run_scoped3A : memref<!tpu.dma_semaphore, #tpu.memory_space<semaphore_mem>>) src(%dma_wait3A_196 : memref<80xi32, #tpu.memory_space<hbm>>) dst(%arg7 : memref<80xi32, #tpu.memory_space<vmem>>)
          tpu.yield
        }) : () -> ()
        "tpu.region"() ({
          %run_scoped3A = tpu.sem_alloc : memref<!tpu.dma_semaphore, #tpu.memory_space<semaphore_mem>>
          %dma_start3A_193 = tpu.memref_slice %arg5[%add3A_182] : memref<320000xi32, #tpu.memory_space<hbm>> -> memref<80xi32, #tpu.memory_space<hbm>>
          %dma_start3A_194 = tpu.memref_slice %arg5[%add3A_182] : memref<320000xi32, #tpu.memory_space<hbm>> -> memref<80xi32, #tpu.memory_space<hbm>>
          tpu.enqueue_dma source(%dma_start3A_194 : memref<80xi32, #tpu.memory_space<hbm>>) target(%arg8 : memref<80xi32, #tpu.memory_space<vmem>>) target_semaphore(%run_scoped3A : memref<!tpu.dma_semaphore, #tpu.memory_space<semaphore_mem>>)
          %dma_wait3A_195 = tpu.memref_slice %arg5[%add3A_182] : memref<320000xi32, #tpu.memory_space<hbm>> -> memref<80xi32, #tpu.memory_space<hbm>>
          %dma_wait3A_196 = tpu.memref_slice %arg5[%add3A_182] : memref<320000xi32, #tpu.memory_space<hbm>> -> memref<80xi32, #tpu.memory_space<hbm>>
          tpu.wait_dma2 semaphore(%run_scoped3A : memref<!tpu.dma_semaphore, #tpu.memory_space<semaphore_mem>>) src(%dma_wait3A_196 : memref<80xi32, #tpu.memory_space<hbm>>) dst(%arg8 : memref<80xi32, #tpu.memory_space<vmem>>)
          tpu.yield
        }) : () -> ()
        %dma_start3A_186 = arith.constant 0 : i32
        %dma_start3A_187 = arith.constant 0 : i32
        %dma_start3A_188 = tpu.memref_slice %arg2[%dma_start3A_186, %dma_start3A_187] : memref<10240x128xf32, #tpu.memory_space<hbm>> -> memref<10240x128xf32, #tpu.memory_space<hbm>>
        tpu.enqueue_indirect_dma source(%dma_start3A_188 : memref<10240x128xf32, #tpu.memory_space<hbm>>) target(%arg9 : memref<80x128xf32, #tpu.memory_space<vmem>>) offsets(%arg7 : memref<80xi32, #tpu.memory_space<vmem>>) semaphore(%arg16 : memref<!tpu.dma_semaphore, #tpu.memory_space<semaphore_mem>>)
        %dma_start3A_189 = arith.constant 0 : i32
        %dma_start3A_190 = tpu.memref_slice %arg3[%add3A_182, %dma_start3A_189] : memref<320000x128xf32, #tpu.memory_space<hbm>> -> memref<80x128xf32, #tpu.memory_space<hbm>>
        %dma_start3A_191 = arith.constant 0 : i32
        %dma_start3A_192 = tpu.memref_slice %arg3[%add3A_182, %dma_start3A_191] : memref<320000x128xf32, #tpu.memory_space<hbm>> -> memref<80x128xf32, #tpu.memory_space<hbm>>
        tpu.enqueue_dma source(%dma_start3A_192 : memref<80x128xf32, #tpu.memory_space<hbm>>) target(%arg10 : memref<80x128xf32, #tpu.memory_space<vmem>>) target_semaphore(%arg17 : memref<!tpu.dma_semaphore, #tpu.memory_space<semaphore_mem>>)
      } else {
      }
      %add3A_144 = arith.constant 1 : i32
      %add3A_145 = arith.addi %mul3A_117, %add3A_144 : i32
      %mul3A_146 = arith.constant 10000 : i32
      %mul3A_147 = arith.muli %add3A, %mul3A_146 : i32
      %mul3A_148 = arith.constant 80 : i32
      %mul3A_149 = arith.muli %add3A_145, %mul3A_148 : i32
      %add3A_150 = arith.addi %mul3A_147, %mul3A_149 : i32
      %dma_wait3A_151 = arith.constant 0 : i32
      %dma_wait3A_152 = arith.constant 0 : i32
      %dma_wait3A_153 = tpu.memref_slice %arg2[%dma_wait3A_151, %dma_wait3A_152] : memref<10240x128xf32, #tpu.memory_space<hbm>> -> memref<10240x128xf32, #tpu.memory_space<hbm>>
      tpu.wait_indirect_dma semaphore(%arg19 : memref<!tpu.dma_semaphore, #tpu.memory_space<semaphore_mem>>) src(%dma_wait3A_153 : memref<10240x128xf32, #tpu.memory_space<hbm>>) dst(%arg13 : memref<80x128xf32, #tpu.memory_space<vmem>>)
      %dma_wait3A_154 = arith.constant 0 : i32
      %dma_wait3A_155 = tpu.memref_slice %arg3[%add3A_150, %dma_wait3A_154] : memref<320000x128xf32, #tpu.memory_space<hbm>> -> memref<80x128xf32, #tpu.memory_space<hbm>>
      %dma_wait3A_156 = arith.constant 0 : i32
      %dma_wait3A_157 = tpu.memref_slice %arg3[%add3A_150, %dma_wait3A_156] : memref<320000x128xf32, #tpu.memory_space<hbm>> -> memref<80x128xf32, #tpu.memory_space<hbm>>
      tpu.wait_dma2 semaphore(%arg20 : memref<!tpu.dma_semaphore, #tpu.memory_space<semaphore_mem>>) src(%dma_wait3A_157 : memref<80x128xf32, #tpu.memory_space<hbm>>) dst(%arg14 : memref<80x128xf32, #tpu.memory_space<vmem>>)
      %scan3A_158 = arith.constant 0 : i32
      %scan3A_159 = arith.constant 0 : i32
      %scan3A_160 = arith.constant 80 : i32
      %scan3A_161 = arith.addi %scan3A_159, %scan3A_160 : i32
      %scan3A_162 = arith.constant 1 : i32
      %scan3A_163 = scf.for %scan3A_176 = %scan3A_159 to %scan3A_161 step %scan3A_162 iter_args(%scan3A_177 = %scan3A_158) -> (i32)  : i32 {
        %get3A = arith.index_cast %scan3A_176 : i32 to index
        %get3A_178 = arith.constant 0 : index
        %get3A_179 = tpu.vector_load %arg13[%get3A, %get3A_178] {strides = array<i32>} : memref<80x128xf32, #tpu.memory_space<vmem>>, vector<1x16xf32>,
        %get3A_180 = vector.shape_cast %get3A_179 : vector<1x16xf32> to vector<16xf32>
        %get3A_181 = arith.index_cast %scan3A_176 : i32 to index
        %get3A_182 = arith.constant 0 : index
        %get3A_183 = tpu.vector_load %arg14[%get3A_181, %get3A_182] {strides = array<i32>} : memref<80x128xf32, #tpu.memory_space<vmem>>, vector<1x16xf32>,
        %get3A_184 = vector.shape_cast %get3A_183 : vector<1x16xf32> to vector<16xf32>
        %mul3A_185 = arith.mulf %get3A_180, %get3A_184 : vector<16xf32>
        %swap3A = arith.index_cast %scan3A_176 : i32 to index
        %swap3A_186 = arith.constant 0 : index
        %swap3A_187 = tpu.vector_load %arg13[%swap3A, %swap3A_186] {strides = array<i32>} : memref<80x128xf32, #tpu.memory_space<vmem>>, vector<1x16xf32>,
        %swap3A_188 = vector.shape_cast %swap3A_187 : vector<1x16xf32> to vector<16xf32>
        %swap3A_189 = vector.shape_cast %mul3A_185 : vector<16xf32> to vector<1x16xf32>
        tpu.vector_store %arg13[%swap3A, %swap3A_186], %swap3A_189 {strides = array<i32>} : memref<80x128xf32, #tpu.memory_space<vmem>>, vector<1x16xf32>,
        %get3A_190 = arith.index_cast %scan3A_176 : i32 to index
        %get3A_191 = arith.constant 16 : index
        %get3A_192 = tpu.vector_load %arg13[%get3A_190, %get3A_191] {strides = array<i32>} : memref<80x128xf32, #tpu.memory_space<vmem>>, vector<1x16xf32>,
        %get3A_193 = vector.shape_cast %get3A_192 : vector<1x16xf32> to vector<16xf32>
        %get3A_194 = arith.index_cast %scan3A_176 : i32 to index
        %get3A_195 = arith.constant 16 : index
        %get3A_196 = tpu.vector_load %arg14[%get3A_194, %get3A_195] {strides = array<i32>} : memref<80x128xf32, #tpu.memory_space<vmem>>, vector<1x16xf32>,
        %get3A_197 = vector.shape_cast %get3A_196 : vector<1x16xf32> to vector<16xf32>
        %mul3A_198 = arith.mulf %get3A_193, %get3A_197 : vector<16xf32>
        %swap3A_199 = arith.index_cast %scan3A_176 : i32 to index
        %swap3A_200 = arith.constant 16 : index
        %swap3A_201 = tpu.vector_load %arg13[%swap3A_199, %swap3A_200] {strides = array<i32>} : memref<80x128xf32, #tpu.memory_space<vmem>>, vector<1x16xf32>,
        %swap3A_202 = vector.shape_cast %swap3A_201 : vector<1x16xf32> to vector<16xf32>
        %swap3A_203 = vector.shape_cast %mul3A_198 : vector<16xf32> to vector<1x16xf32>
        tpu.vector_store %arg13[%swap3A_199, %swap3A_200], %swap3A_203 {strides = array<i32>} : memref<80x128xf32, #tpu.memory_space<vmem>>, vector<1x16xf32>,
        %get3A_204 = arith.index_cast %scan3A_176 : i32 to index
        %get3A_205 = arith.constant 32 : index
        %get3A_206 = tpu.vector_load %arg13[%get3A_204, %get3A_205] {strides = array<i32>} : memref<80x128xf32, #tpu.memory_space<vmem>>, vector<1x16xf32>,
        %get3A_207 = vector.shape_cast %get3A_206 : vector<1x16xf32> to vector<16xf32>
        %get3A_208 = arith.index_cast %scan3A_176 : i32 to index
        %get3A_209 = arith.constant 32 : index
        %get3A_210 = tpu.vector_load %arg14[%get3A_208, %get3A_209] {strides = array<i32>} : memref<80x128xf32, #tpu.memory_space<vmem>>, vector<1x16xf32>,
        %get3A_211 = vector.shape_cast %get3A_210 : vector<1x16xf32> to vector<16xf32>
        %mul3A_212 = arith.mulf %get3A_207, %get3A_211 : vector<16xf32>
        %swap3A_213 = arith.index_cast %scan3A_176 : i32 to index
        %swap3A_214 = arith.constant 32 : index
        %swap3A_215 = tpu.vector_load %arg13[%swap3A_213, %swap3A_214] {strides = array<i32>} : memref<80x128xf32, #tpu.memory_space<vmem>>, vector<1x16xf32>,
        %swap3A_216 = vector.shape_cast %swap3A_215 : vector<1x16xf32> to vector<16xf32>
        %swap3A_217 = vector.shape_cast %mul3A_212 : vector<16xf32> to vector<1x16xf32>
        tpu.vector_store %arg13[%swap3A_213, %swap3A_214], %swap3A_217 {strides = array<i32>} : memref<80x128xf32, #tpu.memory_space<vmem>>, vector<1x16xf32>,
        %get3A_218 = arith.index_cast %scan3A_176 : i32 to index
        %get3A_219 = arith.constant 48 : index
        %get3A_220 = tpu.vector_load %arg13[%get3A_218, %get3A_219] {strides = array<i32>} : memref<80x128xf32, #tpu.memory_space<vmem>>, vector<1x16xf32>,
        %get3A_221 = vector.shape_cast %get3A_220 : vector<1x16xf32> to vector<16xf32>
        %get3A_222 = arith.index_cast %scan3A_176 : i32 to index
        %get3A_223 = arith.constant 48 : index
        %get3A_224 = tpu.vector_load %arg14[%get3A_222, %get3A_223] {strides = array<i32>} : memref<80x128xf32, #tpu.memory_space<vmem>>, vector<1x16xf32>,
        %get3A_225 = vector.shape_cast %get3A_224 : vector<1x16xf32> to vector<16xf32>
        %mul3A_226 = arith.mulf %get3A_221, %get3A_225 : vector<16xf32>
        %swap3A_227 = arith.index_cast %scan3A_176 : i32 to index
        %swap3A_228 = arith.constant 48 : index
        %swap3A_229 = tpu.vector_load %arg13[%swap3A_227, %swap3A_228] {strides = array<i32>} : memref<80x128xf32, #tpu.memory_space<vmem>>, vector<1x16xf32>,
        %swap3A_230 = vector.shape_cast %swap3A_229 : vector<1x16xf32> to vector<16xf32>
        %swap3A_231 = vector.shape_cast %mul3A_226 : vector<16xf32> to vector<1x16xf32>
        tpu.vector_store %arg13[%swap3A_227, %swap3A_228], %swap3A_231 {strides = array<i32>} : memref<80x128xf32, #tpu.memory_space<vmem>>, vector<1x16xf32>,
        %get3A_232 = arith.index_cast %scan3A_176 : i32 to index
        %get3A_233 = arith.constant 64 : index
        %get3A_234 = tpu.vector_load %arg13[%get3A_232, %get3A_233] {strides = array<i32>} : memref<80x128xf32, #tpu.memory_space<vmem>>, vector<1x16xf32>,
        %get3A_235 = vector.shape_cast %get3A_234 : vector<1x16xf32> to vector<16xf32>
        %get3A_236 = arith.index_cast %scan3A_176 : i32 to index
        %get3A_237 = arith.constant 64 : index
        %get3A_238 = tpu.vector_load %arg14[%get3A_236, %get3A_237] {strides = array<i32>} : memref<80x128xf32, #tpu.memory_space<vmem>>, vector<1x16xf32>,
        %get3A_239 = vector.shape_cast %get3A_238 : vector<1x16xf32> to vector<16xf32>
        %mul3A_240 = arith.mulf %get3A_235, %get3A_239 : vector<16xf32>
        %swap3A_241 = arith.index_cast %scan3A_176 : i32 to index
        %swap3A_242 = arith.constant 64 : index
        %swap3A_243 = tpu.vector_load %arg13[%swap3A_241, %swap3A_242] {strides = array<i32>} : memref<80x128xf32, #tpu.memory_space<vmem>>, vector<1x16xf32>,
        %swap3A_244 = vector.shape_cast %swap3A_243 : vector<1x16xf32> to vector<16xf32>
        %swap3A_245 = vector.shape_cast %mul3A_240 : vector<16xf32> to vector<1x16xf32>
        tpu.vector_store %arg13[%swap3A_241, %swap3A_242], %swap3A_245 {strides = array<i32>} : memref<80x128xf32, #tpu.memory_space<vmem>>, vector<1x16xf32>,
        %get3A_246 = arith.index_cast %scan3A_176 : i32 to index
        %get3A_247 = arith.constant 80 : index
        %get3A_248 = tpu.vector_load %arg13[%get3A_246, %get3A_247] {strides = array<i32>} : memref<80x128xf32, #tpu.memory_space<vmem>>, vector<1x16xf32>,
        %get3A_249 = vector.shape_cast %get3A_248 : vector<1x16xf32> to vector<16xf32>
        %get3A_250 = arith.index_cast %scan3A_176 : i32 to index
        %get3A_251 = arith.constant 80 : index
        %get3A_252 = tpu.vector_load %arg14[%get3A_250, %get3A_251] {strides = array<i32>} : memref<80x128xf32, #tpu.memory_space<vmem>>, vector<1x16xf32>,
        %get3A_253 = vector.shape_cast %get3A_252 : vector<1x16xf32> to vector<16xf32>
        %mul3A_254 = arith.mulf %get3A_249, %get3A_253 : vector<16xf32>
        %swap3A_255 = arith.index_cast %scan3A_176 : i32 to index
        %swap3A_256 = arith.constant 80 : index
        %swap3A_257 = tpu.vector_load %arg13[%swap3A_255, %swap3A_256] {strides = array<i32>} : memref<80x128xf32, #tpu.memory_space<vmem>>, vector<1x16xf32>,
        %swap3A_258 = vector.shape_cast %swap3A_257 : vector<1x16xf32> to vector<16xf32>
        %swap3A_259 = vector.shape_cast %mul3A_254 : vector<16xf32> to vector<1x16xf32>
        tpu.vector_store %arg13[%swap3A_255, %swap3A_256], %swap3A_259 {strides = array<i32>} : memref<80x128xf32, #tpu.memory_space<vmem>>, vector<1x16xf32>,
        %get3A_260 = arith.index_cast %scan3A_176 : i32 to index
        %get3A_261 = arith.constant 96 : index
        %get3A_262 = tpu.vector_load %arg13[%get3A_260, %get3A_261] {strides = array<i32>} : memref<80x128xf32, #tpu.memory_space<vmem>>, vector<1x16xf32>,
        %get3A_263 = vector.shape_cast %get3A_262 : vector<1x16xf32> to vector<16xf32>
        %get3A_264 = arith.index_cast %scan3A_176 : i32 to index
        %get3A_265 = arith.constant 96 : index
        %get3A_266 = tpu.vector_load %arg14[%get3A_264, %get3A_265] {strides = array<i32>} : memref<80x128xf32, #tpu.memory_space<vmem>>, vector<1x16xf32>,
        %get3A_267 = vector.shape_cast %get3A_266 : vector<1x16xf32> to vector<16xf32>
        %mul3A_268 = arith.mulf %get3A_263, %get3A_267 : vector<16xf32>
        %swap3A_269 = arith.index_cast %scan3A_176 : i32 to index
        %swap3A_270 = arith.constant 96 : index
        %swap3A_271 = tpu.vector_load %arg13[%swap3A_269, %swap3A_270] {strides = array<i32>} : memref<80x128xf32, #tpu.memory_space<vmem>>, vector<1x16xf32>,
        %swap3A_272 = vector.shape_cast %swap3A_271 : vector<1x16xf32> to vector<16xf32>
        %swap3A_273 = vector.shape_cast %mul3A_268 : vector<16xf32> to vector<1x16xf32>
        tpu.vector_store %arg13[%swap3A_269, %swap3A_270], %swap3A_273 {strides = array<i32>} : memref<80x128xf32, #tpu.memory_space<vmem>>, vector<1x16xf32>,
        %get3A_274 = arith.index_cast %scan3A_176 : i32 to index
        %get3A_275 = arith.constant 112 : index
        %get3A_276 = tpu.vector_load %arg13[%get3A_274, %get3A_275] {strides = array<i32>} : memref<80x128xf32, #tpu.memory_space<vmem>>, vector<1x16xf32>,
        %get3A_277 = vector.shape_cast %get3A_276 : vector<1x16xf32> to vector<16xf32>
        %get3A_278 = arith.index_cast %scan3A_176 : i32 to index
        %get3A_279 = arith.constant 112 : index
        %get3A_280 = tpu.vector_load %arg14[%get3A_278, %get3A_279] {strides = array<i32>} : memref<80x128xf32, #tpu.memory_space<vmem>>, vector<1x16xf32>,
        %get3A_281 = vector.shape_cast %get3A_280 : vector<1x16xf32> to vector<16xf32>
        %mul3A_282 = arith.mulf %get3A_277, %get3A_281 : vector<16xf32>
        %swap3A_283 = arith.index_cast %scan3A_176 : i32 to index
        %swap3A_284 = arith.constant 112 : index
        %swap3A_285 = tpu.vector_load %arg13[%swap3A_283, %swap3A_284] {strides = array<i32>} : memref<80x128xf32, #tpu.memory_space<vmem>>, vector<1x16xf32>,
        %swap3A_286 = vector.shape_cast %swap3A_285 : vector<1x16xf32> to vector<16xf32>
        %swap3A_287 = vector.shape_cast %mul3A_282 : vector<16xf32> to vector<1x16xf32>
        tpu.vector_store %arg13[%swap3A_283, %swap3A_284], %swap3A_287 {strides = array<i32>} : memref<80x128xf32, #tpu.memory_space<vmem>>, vector<1x16xf32>,
        %scan3A_288 = arith.constant 0 : i32
        scf.yield %scan3A_288 : i32
      }
      %scan3A_164 = arith.constant 80 : i32
      %dma_start3A_165 = arith.constant 0 : i32
      %dma_start3A_166 = arith.constant 0 : i32
      %dma_start3A_167 = tpu.memref_slice %arg15[%dma_start3A_165, %dma_start3A_166] : memref<10240x128xf32, #tpu.memory_space<vmem_shared>> -> memref<10240x128xf32, #tpu.memory_space<vmem_shared>>
      tpu.enqueue_indirect_dma source(%arg13 : memref<80x128xf32, #tpu.memory_space<vmem>>) target(%dma_start3A_167 : memref<10240x128xf32, #tpu.memory_space<vmem_shared>>) offsets(%arg12 : memref<80xi32, #tpu.memory_space<vmem>>) semaphore(%arg21 : memref<!tpu.dma_semaphore, #tpu.memory_space<semaphore_mem>>) {add = true}
      %add3A_168 = arith.constant 3 : i32
      %add3A_169 = arith.addi %mul3A_117, %add3A_168 : i32
      %lt3A_170 = arith.constant 125 : i32
      %lt3A_171 = arith.cmpi slt, %add3A_169, %lt3A_170 : i32
      %convert_element_type3A_172 = arith.extui %lt3A_171 : i1 to i32
      %cond3A_173 = arith.constant 0 : i32
      %cond3A_174 = arith.cmpi ne, %convert_element_type3A_172, %cond3A_173 : i32
      scf.if %cond3A_174 {
        %add3A_176 = arith.constant 3 : i32
        %add3A_177 = arith.addi %mul3A_117, %add3A_176 : i32
        %mul3A_178 = arith.constant 10000 : i32
        %mul3A_179 = arith.muli %add3A, %mul3A_178 : i32
        %mul3A_180 = arith.constant 80 : i32
        %mul3A_181 = arith.muli %add3A_177, %mul3A_180 : i32
        %add3A_182 = arith.addi %mul3A_179, %mul3A_181 : i32
        %dma_wait3A_183 = arith.constant 0 : i32
        %dma_wait3A_184 = arith.constant 0 : i32
        %dma_wait3A_185 = tpu.memref_slice %arg15[%dma_wait3A_183, %dma_wait3A_184] : memref<10240x128xf32, #tpu.memory_space<vmem_shared>> -> memref<10240x128xf32, #tpu.memory_space<vmem_shared>>
        tpu.wait_indirect_dma semaphore(%arg21 : memref<!tpu.dma_semaphore, #tpu.memory_space<semaphore_mem>>) src(%arg13 : memref<80x128xf32, #tpu.memory_space<vmem>>) dst(%dma_wait3A_185 : memref<10240x128xf32, #tpu.memory_space<vmem_shared>>)
        "tpu.region"() ({
          %run_scoped3A = tpu.sem_alloc : memref<!tpu.dma_semaphore, #tpu.memory_space<semaphore_mem>>
          %dma_start3A_193 = tpu.memref_slice %arg4[%add3A_182] : memref<320000xi32, #tpu.memory_space<hbm>> -> memref<80xi32, #tpu.memory_space<hbm>>
          %dma_start3A_194 = tpu.memref_slice %arg4[%add3A_182] : memref<320000xi32, #tpu.memory_space<hbm>> -> memref<80xi32, #tpu.memory_space<hbm>>
          tpu.enqueue_dma source(%dma_start3A_194 : memref<80xi32, #tpu.memory_space<hbm>>) target(%arg11 : memref<80xi32, #tpu.memory_space<vmem>>) target_semaphore(%run_scoped3A : memref<!tpu.dma_semaphore, #tpu.memory_space<semaphore_mem>>)
          %dma_wait3A_195 = tpu.memref_slice %arg4[%add3A_182] : memref<320000xi32, #tpu.memory_space<hbm>> -> memref<80xi32, #tpu.memory_space<hbm>>
          %dma_wait3A_196 = tpu.memref_slice %arg4[%add3A_182] : memref<320000xi32, #tpu.memory_space<hbm>> -> memref<80xi32, #tpu.memory_space<hbm>>
          tpu.wait_dma2 semaphore(%run_scoped3A : memref<!tpu.dma_semaphore, #tpu.memory_space<semaphore_mem>>) src(%dma_wait3A_196 : memref<80xi32, #tpu.memory_space<hbm>>) dst(%arg11 : memref<80xi32, #tpu.memory_space<vmem>>)
          tpu.yield
        }) : () -> ()
        "tpu.region"() ({
          %run_scoped3A = tpu.sem_alloc : memref<!tpu.dma_semaphore, #tpu.memory_space<semaphore_mem>>
          %dma_start3A_193 = tpu.memref_slice %arg5[%add3A_182] : memref<320000xi32, #tpu.memory_space<hbm>> -> memref<80xi32, #tpu.memory_space<hbm>>
          %dma_start3A_194 = tpu.memref_slice %arg5[%add3A_182] : memref<320000xi32, #tpu.memory_space<hbm>> -> memref<80xi32, #tpu.memory_space<hbm>>
          tpu.enqueue_dma source(%dma_start3A_194 : memref<80xi32, #tpu.memory_space<hbm>>) target(%arg12 : memref<80xi32, #tpu.memory_space<vmem>>) target_semaphore(%run_scoped3A : memref<!tpu.dma_semaphore, #tpu.memory_space<semaphore_mem>>)
          %dma_wait3A_195 = tpu.memref_slice %arg5[%add3A_182] : memref<320000xi32, #tpu.memory_space<hbm>> -> memref<80xi32, #tpu.memory_space<hbm>>
          %dma_wait3A_196 = tpu.memref_slice %arg5[%add3A_182] : memref<320000xi32, #tpu.memory_space<hbm>> -> memref<80xi32, #tpu.memory_space<hbm>>
          tpu.wait_dma2 semaphore(%run_scoped3A : memref<!tpu.dma_semaphore, #tpu.memory_space<semaphore_mem>>) src(%dma_wait3A_196 : memref<80xi32, #tpu.memory_space<hbm>>) dst(%arg12 : memref<80xi32, #tpu.memory_space<vmem>>)
          tpu.yield
        }) : () -> ()
        %dma_start3A_186 = arith.constant 0 : i32
        %dma_start3A_187 = arith.constant 0 : i32
        %dma_start3A_188 = tpu.memref_slice %arg2[%dma_start3A_186, %dma_start3A_187] : memref<10240x128xf32, #tpu.memory_space<hbm>> -> memref<10240x128xf32, #tpu.memory_space<hbm>>
        tpu.enqueue_indirect_dma source(%dma_start3A_188 : memref<10240x128xf32, #tpu.memory_space<hbm>>) target(%arg13 : memref<80x128xf32, #tpu.memory_space<vmem>>) offsets(%arg11 : memref<80xi32, #tpu.memory_space<vmem>>) semaphore(%arg19 : memref<!tpu.dma_semaphore, #tpu.memory_space<semaphore_mem>>)
        %dma_start3A_189 = arith.constant 0 : i32
        %dma_start3A_190 = tpu.memref_slice %arg3[%add3A_182, %dma_start3A_189] : memref<320000x128xf32, #tpu.memory_space<hbm>> -> memref<80x128xf32, #tpu.memory_space<hbm>>
        %dma_start3A_191 = arith.constant 0 : i32
        %dma_start3A_192 = tpu.memref_slice %arg3[%add3A_182, %dma_start3A_191] : memref<320000x128xf32, #tpu.memory_space<hbm>> -> memref<80x128xf32, #tpu.memory_space<hbm>>
        tpu.enqueue_dma source(%dma_start3A_192 : memref<80x128xf32, #tpu.memory_space<hbm>>) target(%arg14 : memref<80x128xf32, #tpu.memory_space<vmem>>) target_semaphore(%arg20 : memref<!tpu.dma_semaphore, #tpu.memory_space<semaphore_mem>>)
      } else {
      }
      %scan3A_175 = arith.constant 0 : i32
      scf.yield %scan3A_175 : i32
    }
    %scan3A_66 = arith.constant 62 : i32
    %mul3A_67 = arith.constant 10000 : i32
    %mul3A_68 = arith.muli %add3A, %mul3A_67 : i32
    %add3A_69 = arith.constant 9920 : i32
    %add3A_70 = arith.addi %mul3A_68, %add3A_69 : i32
    %dma_wait3A = arith.constant 0 : i32
    %dma_wait3A_71 = arith.constant 0 : i32
    %dma_wait3A_72 = tpu.memref_slice %arg2[%dma_wait3A, %dma_wait3A_71] : memref<10240x128xf32, #tpu.memory_space<hbm>> -> memref<10240x128xf32, #tpu.memory_space<hbm>>
    tpu.wait_indirect_dma semaphore(%arg16 : memref<!tpu.dma_semaphore, #tpu.memory_space<semaphore_mem>>) src(%dma_wait3A_72 : memref<10240x128xf32, #tpu.memory_space<hbm>>) dst(%arg9 : memref<80x128xf32, #tpu.memory_space<vmem>>)
    %dma_wait3A_73 = arith.constant 0 : i32
    %dma_wait3A_74 = tpu.memref_slice %arg3[%add3A_70, %dma_wait3A_73] : memref<320000x128xf32, #tpu.memory_space<hbm>> -> memref<80x128xf32, #tpu.memory_space<hbm>>
    %dma_wait3A_75 = arith.constant 0 : i32
    %dma_wait3A_76 = tpu.memref_slice %arg3[%add3A_70, %dma_wait3A_75] : memref<320000x128xf32, #tpu.memory_space<hbm>> -> memref<80x128xf32, #tpu.memory_space<hbm>>
    tpu.wait_dma2 semaphore(%arg17 : memref<!tpu.dma_semaphore, #tpu.memory_space<semaphore_mem>>) src(%dma_wait3A_76 : memref<80x128xf32, #tpu.memory_space<hbm>>) dst(%arg10 : memref<80x128xf32, #tpu.memory_space<vmem>>)
    %scan3A_77 = arith.constant 0 : i32
    %scan3A_78 = arith.constant 0 : i32
    %scan3A_79 = arith.constant 80 : i32
    %scan3A_80 = arith.addi %scan3A_78, %scan3A_79 : i32
    %scan3A_81 = arith.constant 1 : i32
    %scan3A_82 = scf.for %scan3A_114 = %scan3A_78 to %scan3A_80 step %scan3A_81 iter_args(%scan3A_115 = %scan3A_77) -> (i32)  : i32 {
      %get3A = arith.index_cast %scan3A_114 : i32 to index
      %get3A_116 = arith.constant 0 : index
      %get3A_117 = tpu.vector_load %arg9[%get3A, %get3A_116] {strides = array<i32>} : memref<80x128xf32, #tpu.memory_space<vmem>>, vector<1x16xf32>,
      %get3A_118 = vector.shape_cast %get3A_117 : vector<1x16xf32> to vector<16xf32>
      %get3A_119 = arith.index_cast %scan3A_114 : i32 to index
      %get3A_120 = arith.constant 0 : index
      %get3A_121 = tpu.vector_load %arg10[%get3A_119, %get3A_120] {strides = array<i32>} : memref<80x128xf32, #tpu.memory_space<vmem>>, vector<1x16xf32>,
      %get3A_122 = vector.shape_cast %get3A_121 : vector<1x16xf32> to vector<16xf32>
      %mul3A_123 = arith.mulf %get3A_118, %get3A_122 : vector<16xf32>
      %swap3A = arith.index_cast %scan3A_114 : i32 to index
      %swap3A_124 = arith.constant 0 : index
      %swap3A_125 = tpu.vector_load %arg9[%swap3A, %swap3A_124] {strides = array<i32>} : memref<80x128xf32, #tpu.memory_space<vmem>>, vector<1x16xf32>,
      %swap3A_126 = vector.shape_cast %swap3A_125 : vector<1x16xf32> to vector<16xf32>
      %swap3A_127 = vector.shape_cast %mul3A_123 : vector<16xf32> to vector<1x16xf32>
      tpu.vector_store %arg9[%swap3A, %swap3A_124], %swap3A_127 {strides = array<i32>} : memref<80x128xf32, #tpu.memory_space<vmem>>, vector<1x16xf32>,
      %get3A_128 = arith.index_cast %scan3A_114 : i32 to index
      %get3A_129 = arith.constant 16 : index
      %get3A_130 = tpu.vector_load %arg9[%get3A_128, %get3A_129] {strides = array<i32>} : memref<80x128xf32, #tpu.memory_space<vmem>>, vector<1x16xf32>,
      %get3A_131 = vector.shape_cast %get3A_130 : vector<1x16xf32> to vector<16xf32>
      %get3A_132 = arith.index_cast %scan3A_114 : i32 to index
      %get3A_133 = arith.constant 16 : index
      %get3A_134 = tpu.vector_load %arg10[%get3A_132, %get3A_133] {strides = array<i32>} : memref<80x128xf32, #tpu.memory_space<vmem>>, vector<1x16xf32>,
      %get3A_135 = vector.shape_cast %get3A_134 : vector<1x16xf32> to vector<16xf32>
      %mul3A_136 = arith.mulf %get3A_131, %get3A_135 : vector<16xf32>
      %swap3A_137 = arith.index_cast %scan3A_114 : i32 to index
      %swap3A_138 = arith.constant 16 : index
      %swap3A_139 = tpu.vector_load %arg9[%swap3A_137, %swap3A_138] {strides = array<i32>} : memref<80x128xf32, #tpu.memory_space<vmem>>, vector<1x16xf32>,
      %swap3A_140 = vector.shape_cast %swap3A_139 : vector<1x16xf32> to vector<16xf32>
      %swap3A_141 = vector.shape_cast %mul3A_136 : vector<16xf32> to vector<1x16xf32>
      tpu.vector_store %arg9[%swap3A_137, %swap3A_138], %swap3A_141 {strides = array<i32>} : memref<80x128xf32, #tpu.memory_space<vmem>>, vector<1x16xf32>,
      %get3A_142 = arith.index_cast %scan3A_114 : i32 to index
      %get3A_143 = arith.constant 32 : index
      %get3A_144 = tpu.vector_load %arg9[%get3A_142, %get3A_143] {strides = array<i32>} : memref<80x128xf32, #tpu.memory_space<vmem>>, vector<1x16xf32>,
      %get3A_145 = vector.shape_cast %get3A_144 : vector<1x16xf32> to vector<16xf32>
      %get3A_146 = arith.index_cast %scan3A_114 : i32 to index
      %get3A_147 = arith.constant 32 : index
      %get3A_148 = tpu.vector_load %arg10[%get3A_146, %get3A_147] {strides = array<i32>} : memref<80x128xf32, #tpu.memory_space<vmem>>, vector<1x16xf32>,
      %get3A_149 = vector.shape_cast %get3A_148 : vector<1x16xf32> to vector<16xf32>
      %mul3A_150 = arith.mulf %get3A_145, %get3A_149 : vector<16xf32>
      %swap3A_151 = arith.index_cast %scan3A_114 : i32 to index
      %swap3A_152 = arith.constant 32 : index
      %swap3A_153 = tpu.vector_load %arg9[%swap3A_151, %swap3A_152] {strides = array<i32>} : memref<80x128xf32, #tpu.memory_space<vmem>>, vector<1x16xf32>,
      %swap3A_154 = vector.shape_cast %swap3A_153 : vector<1x16xf32> to vector<16xf32>
      %swap3A_155 = vector.shape_cast %mul3A_150 : vector<16xf32> to vector<1x16xf32>
      tpu.vector_store %arg9[%swap3A_151, %swap3A_152], %swap3A_155 {strides = array<i32>} : memref<80x128xf32, #tpu.memory_space<vmem>>, vector<1x16xf32>,
      %get3A_156 = arith.index_cast %scan3A_114 : i32 to index
      %get3A_157 = arith.constant 48 : index
      %get3A_158 = tpu.vector_load %arg9[%get3A_156, %get3A_157] {strides = array<i32>} : memref<80x128xf32, #tpu.memory_space<vmem>>, vector<1x16xf32>,
      %get3A_159 = vector.shape_cast %get3A_158 : vector<1x16xf32> to vector<16xf32>
      %get3A_160 = arith.index_cast %scan3A_114 : i32 to index
      %get3A_161 = arith.constant 48 : index
      %get3A_162 = tpu.vector_load %arg10[%get3A_160, %get3A_161] {strides = array<i32>} : memref<80x128xf32, #tpu.memory_space<vmem>>, vector<1x16xf32>,
      %get3A_163 = vector.shape_cast %get3A_162 : vector<1x16xf32> to vector<16xf32>
      %mul3A_164 = arith.mulf %get3A_159, %get3A_163 : vector<16xf32>
      %swap3A_165 = arith.index_cast %scan3A_114 : i32 to index
      %swap3A_166 = arith.constant 48 : index
      %swap3A_167 = tpu.vector_load %arg9[%swap3A_165, %swap3A_166] {strides = array<i32>} : memref<80x128xf32, #tpu.memory_space<vmem>>, vector<1x16xf32>,
      %swap3A_168 = vector.shape_cast %swap3A_167 : vector<1x16xf32> to vector<16xf32>
      %swap3A_169 = vector.shape_cast %mul3A_164 : vector<16xf32> to vector<1x16xf32>
      tpu.vector_store %arg9[%swap3A_165, %swap3A_166], %swap3A_169 {strides = array<i32>} : memref<80x128xf32, #tpu.memory_space<vmem>>, vector<1x16xf32>,
      %get3A_170 = arith.index_cast %scan3A_114 : i32 to index
      %get3A_171 = arith.constant 64 : index
      %get3A_172 = tpu.vector_load %arg9[%get3A_170, %get3A_171] {strides = array<i32>} : memref<80x128xf32, #tpu.memory_space<vmem>>, vector<1x16xf32>,
      %get3A_173 = vector.shape_cast %get3A_172 : vector<1x16xf32> to vector<16xf32>
      %get3A_174 = arith.index_cast %scan3A_114 : i32 to index
      %get3A_175 = arith.constant 64 : index
      %get3A_176 = tpu.vector_load %arg10[%get3A_174, %get3A_175] {strides = array<i32>} : memref<80x128xf32, #tpu.memory_space<vmem>>, vector<1x16xf32>,
      %get3A_177 = vector.shape_cast %get3A_176 : vector<1x16xf32> to vector<16xf32>
      %mul3A_178 = arith.mulf %get3A_173, %get3A_177 : vector<16xf32>
      %swap3A_179 = arith.index_cast %scan3A_114 : i32 to index
      %swap3A_180 = arith.constant 64 : index
      %swap3A_181 = tpu.vector_load %arg9[%swap3A_179, %swap3A_180] {strides = array<i32>} : memref<80x128xf32, #tpu.memory_space<vmem>>, vector<1x16xf32>,
      %swap3A_182 = vector.shape_cast %swap3A_181 : vector<1x16xf32> to vector<16xf32>
      %swap3A_183 = vector.shape_cast %mul3A_178 : vector<16xf32> to vector<1x16xf32>
      tpu.vector_store %arg9[%swap3A_179, %swap3A_180], %swap3A_183 {strides = array<i32>} : memref<80x128xf32, #tpu.memory_space<vmem>>, vector<1x16xf32>,
      %get3A_184 = arith.index_cast %scan3A_114 : i32 to index
      %get3A_185 = arith.constant 80 : index
      %get3A_186 = tpu.vector_load %arg9[%get3A_184, %get3A_185] {strides = array<i32>} : memref<80x128xf32, #tpu.memory_space<vmem>>, vector<1x16xf32>,
      %get3A_187 = vector.shape_cast %get3A_186 : vector<1x16xf32> to vector<16xf32>
      %get3A_188 = arith.index_cast %scan3A_114 : i32 to index
      %get3A_189 = arith.constant 80 : index
      %get3A_190 = tpu.vector_load %arg10[%get3A_188, %get3A_189] {strides = array<i32>} : memref<80x128xf32, #tpu.memory_space<vmem>>, vector<1x16xf32>,
      %get3A_191 = vector.shape_cast %get3A_190 : vector<1x16xf32> to vector<16xf32>
      %mul3A_192 = arith.mulf %get3A_187, %get3A_191 : vector<16xf32>
      %swap3A_193 = arith.index_cast %scan3A_114 : i32 to index
      %swap3A_194 = arith.constant 80 : index
      %swap3A_195 = tpu.vector_load %arg9[%swap3A_193, %swap3A_194] {strides = array<i32>} : memref<80x128xf32, #tpu.memory_space<vmem>>, vector<1x16xf32>,
      %swap3A_196 = vector.shape_cast %swap3A_195 : vector<1x16xf32> to vector<16xf32>
      %swap3A_197 = vector.shape_cast %mul3A_192 : vector<16xf32> to vector<1x16xf32>
      tpu.vector_store %arg9[%swap3A_193, %swap3A_194], %swap3A_197 {strides = array<i32>} : memref<80x128xf32, #tpu.memory_space<vmem>>, vector<1x16xf32>,
      %get3A_198 = arith.index_cast %scan3A_114 : i32 to index
      %get3A_199 = arith.constant 96 : index
      %get3A_200 = tpu.vector_load %arg9[%get3A_198, %get3A_199] {strides = array<i32>} : memref<80x128xf32, #tpu.memory_space<vmem>>, vector<1x16xf32>,
      %get3A_201 = vector.shape_cast %get3A_200 : vector<1x16xf32> to vector<16xf32>
      %get3A_202 = arith.index_cast %scan3A_114 : i32 to index
      %get3A_203 = arith.constant 96 : index
      %get3A_204 = tpu.vector_load %arg10[%get3A_202, %get3A_203] {strides = array<i32>} : memref<80x128xf32, #tpu.memory_space<vmem>>, vector<1x16xf32>,
      %get3A_205 = vector.shape_cast %get3A_204 : vector<1x16xf32> to vector<16xf32>
      %mul3A_206 = arith.mulf %get3A_201, %get3A_205 : vector<16xf32>
      %swap3A_207 = arith.index_cast %scan3A_114 : i32 to index
      %swap3A_208 = arith.constant 96 : index
      %swap3A_209 = tpu.vector_load %arg9[%swap3A_207, %swap3A_208] {strides = array<i32>} : memref<80x128xf32, #tpu.memory_space<vmem>>, vector<1x16xf32>,
      %swap3A_210 = vector.shape_cast %swap3A_209 : vector<1x16xf32> to vector<16xf32>
      %swap3A_211 = vector.shape_cast %mul3A_206 : vector<16xf32> to vector<1x16xf32>
      tpu.vector_store %arg9[%swap3A_207, %swap3A_208], %swap3A_211 {strides = array<i32>} : memref<80x128xf32, #tpu.memory_space<vmem>>, vector<1x16xf32>,
      %get3A_212 = arith.index_cast %scan3A_114 : i32 to index
      %get3A_213 = arith.constant 112 : index
      %get3A_214 = tpu.vector_load %arg9[%get3A_212, %get3A_213] {strides = array<i32>} : memref<80x128xf32, #tpu.memory_space<vmem>>, vector<1x16xf32>,
      %get3A_215 = vector.shape_cast %get3A_214 : vector<1x16xf32> to vector<16xf32>
      %get3A_216 = arith.index_cast %scan3A_114 : i32 to index
      %get3A_217 = arith.constant 112 : index
      %get3A_218 = tpu.vector_load %arg10[%get3A_216, %get3A_217] {strides = array<i32>} : memref<80x128xf32, #tpu.memory_space<vmem>>, vector<1x16xf32>,
      %get3A_219 = vector.shape_cast %get3A_218 : vector<1x16xf32> to vector<16xf32>
      %mul3A_220 = arith.mulf %get3A_215, %get3A_219 : vector<16xf32>
      %swap3A_221 = arith.index_cast %scan3A_114 : i32 to index
      %swap3A_222 = arith.constant 112 : index
      %swap3A_223 = tpu.vector_load %arg9[%swap3A_221, %swap3A_222] {strides = array<i32>} : memref<80x128xf32, #tpu.memory_space<vmem>>, vector<1x16xf32>,
      %swap3A_224 = vector.shape_cast %swap3A_223 : vector<1x16xf32> to vector<16xf32>
      %swap3A_225 = vector.shape_cast %mul3A_220 : vector<16xf32> to vector<1x16xf32>
      tpu.vector_store %arg9[%swap3A_221, %swap3A_222], %swap3A_225 {strides = array<i32>} : memref<80x128xf32, #tpu.memory_space<vmem>>, vector<1x16xf32>,
      %scan3A_226 = arith.constant 0 : i32
      scf.yield %scan3A_226 : i32
    }
    %scan3A_83 = arith.constant 80 : i32
    %dma_start3A_84 = arith.constant 0 : i32
    %dma_start3A_85 = arith.constant 0 : i32
    %dma_start3A_86 = tpu.memref_slice %arg15[%dma_start3A_84, %dma_start3A_85] : memref<10240x128xf32, #tpu.memory_space<vmem_shared>> -> memref<10240x128xf32, #tpu.memory_space<vmem_shared>>
    tpu.enqueue_indirect_dma source(%arg9 : memref<80x128xf32, #tpu.memory_space<vmem>>) target(%dma_start3A_86 : memref<10240x128xf32, #tpu.memory_space<vmem_shared>>) offsets(%arg8 : memref<80xi32, #tpu.memory_space<vmem>>) semaphore(%arg18 : memref<!tpu.dma_semaphore, #tpu.memory_space<semaphore_mem>>) {add = true}
    %dma_wait3A_87 = arith.constant 0 : i32
    %dma_wait3A_88 = arith.constant 0 : i32
    %dma_wait3A_89 = tpu.memref_slice %arg15[%dma_wait3A_87, %dma_wait3A_88] : memref<10240x128xf32, #tpu.memory_space<vmem_shared>> -> memref<10240x128xf32, #tpu.memory_space<vmem_shared>>
    tpu.wait_indirect_dma semaphore(%arg18 : memref<!tpu.dma_semaphore, #tpu.memory_space<semaphore_mem>>) src(%arg9 : memref<80x128xf32, #tpu.memory_space<vmem>>) dst(%dma_wait3A_89 : memref<10240x128xf32, #tpu.memory_space<vmem_shared>>)
    %dma_wait3A_90 = arith.constant 0 : i32
    %dma_wait3A_91 = arith.constant 0 : i32
    %dma_wait3A_92 = tpu.memref_slice %arg15[%dma_wait3A_90, %dma_wait3A_91] : memref<10240x128xf32, #tpu.memory_space<vmem_shared>> -> memref<10240x128xf32, #tpu.memory_space<vmem_shared>>
    tpu.wait_indirect_dma semaphore(%arg21 : memref<!tpu.dma_semaphore, #tpu.memory_space<semaphore_mem>>) src(%arg13 : memref<80x128xf32, #tpu.memory_space<vmem>>) dst(%dma_wait3A_92 : memref<10240x128xf32, #tpu.memory_space<vmem_shared>>)
    %barrier3A_93 = arith.constant 0 : index
    tpu.barrier barrier_id(%barrier3A_93)
    %mul3A_94 = arith.constant 640 : i32
    %mul3A_95 = arith.muli %arg1, %mul3A_94 : i32
    %add3A_96 = arith.constant 0 : i32
    %add3A_97 = arith.addi %mul3A_95, %add3A_96 : i32
    "tpu.region"() ({
      %run_scoped3A = tpu.sem_alloc : memref<!tpu.dma_semaphore, #tpu.memory_space<semaphore_mem>>
      %dma_start3A_114 = arith.constant 0 : i32
      %dma_start3A_115 = tpu.memref_slice %arg6[%arg0, %add3A_97, %dma_start3A_114] : memref<2x10240x128xf32, #tpu.memory_space<hbm>> -> memref<1x128x128xf32, #tpu.memory_space<hbm>>
      %dma_start3A_116 = tpu.memref_squeeze %dma_start3A_115 : memref<1x128x128xf32, #tpu.memory_space<hbm>> -> memref<128x128xf32, #tpu.memory_space<hbm>>
      %dma_start3A_117 = arith.constant 0 : i32
      %dma_start3A_118 = tpu.memref_slice %arg15[%add3A_97, %dma_start3A_117] : memref<10240x128xf32, #tpu.memory_space<vmem_shared>> -> memref<128x128xf32, #tpu.memory_space<vmem_shared>>
      tpu.enqueue_dma source(%dma_start3A_118 : memref<128x128xf32, #tpu.memory_space<vmem_shared>>) target(%dma_start3A_116 : memref<128x128xf32, #tpu.memory_space<hbm>>) target_semaphore(%run_scoped3A : memref<!tpu.dma_semaphore, #tpu.memory_space<semaphore_mem>>)
      %dma_wait3A_119 = arith.constant 0 : i32
      %dma_wait3A_120 = tpu.memref_slice %arg6[%arg0, %add3A_97, %dma_wait3A_119] : memref<2x10240x128xf32, #tpu.memory_space<hbm>> -> memref<1x128x128xf32, #tpu.memory_space<hbm>>
      %dma_wait3A_121 = tpu.memref_squeeze %dma_wait3A_120 : memref<1x128x128xf32, #tpu.memory_space<hbm>> -> memref<128x128xf32, #tpu.memory_space<hbm>>
      %dma_wait3A_122 = arith.constant 0 : i32
      %dma_wait3A_123 = tpu.memref_slice %arg15[%add3A_97, %dma_wait3A_122] : memref<10240x128xf32, #tpu.memory_space<vmem_shared>> -> memref<128x128xf32, #tpu.memory_space<vmem_shared>>
      tpu.wait_dma2 semaphore(%run_scoped3A : memref<!tpu.dma_semaphore, #tpu.memory_space<semaphore_mem>>) src(%dma_wait3A_123 : memref<128x128xf32, #tpu.memory_space<vmem_shared>>) dst(%dma_wait3A_121 : memref<128x128xf32, #tpu.memory_space<hbm>>)
      tpu.yield
    }) : () -> ()
    %mul3A_98 = arith.constant 640 : i32
    %mul3A_99 = arith.muli %arg1, %mul3A_98 : i32
    %add3A_100 = arith.constant 128 : i32
    %add3A_101 = arith.addi %mul3A_99, %add3A_100 : i32
    "tpu.region"() ({
      %run_scoped3A = tpu.sem_alloc : memref<!tpu.dma_semaphore, #tpu.memory_space<semaphore_mem>>
      %dma_start3A_114 = arith.constant 0 : i32
      %dma_start3A_115 = tpu.memref_slice %arg6[%arg0, %add3A_101, %dma_start3A_114] : memref<2x10240x128xf32, #tpu.memory_space<hbm>> -> memref<1x128x128xf32, #tpu.memory_space<hbm>>
      %dma_start3A_116 = tpu.memref_squeeze %dma_start3A_115 : memref<1x128x128xf32, #tpu.memory_space<hbm>> -> memref<128x128xf32, #tpu.memory_space<hbm>>
      %dma_start3A_117 = arith.constant 0 : i32
      %dma_start3A_118 = tpu.memref_slice %arg15[%add3A_101, %dma_start3A_117] : memref<10240x128xf32, #tpu.memory_space<vmem_shared>> -> memref<128x128xf32, #tpu.memory_space<vmem_shared>>
      tpu.enqueue_dma source(%dma_start3A_118 : memref<128x128xf32, #tpu.memory_space<vmem_shared>>) target(%dma_start3A_116 : memref<128x128xf32, #tpu.memory_space<hbm>>) target_semaphore(%run_scoped3A : memref<!tpu.dma_semaphore, #tpu.memory_space<semaphore_mem>>)
      %dma_wait3A_119 = arith.constant 0 : i32
      %dma_wait3A_120 = tpu.memref_slice %arg6[%arg0, %add3A_101, %dma_wait3A_119] : memref<2x10240x128xf32, #tpu.memory_space<hbm>> -> memref<1x128x128xf32, #tpu.memory_space<hbm>>
      %dma_wait3A_121 = tpu.memref_squeeze %dma_wait3A_120 : memref<1x128x128xf32, #tpu.memory_space<hbm>> -> memref<128x128xf32, #tpu.memory_space<hbm>>
      %dma_wait3A_122 = arith.constant 0 : i32
      %dma_wait3A_123 = tpu.memref_slice %arg15[%add3A_101, %dma_wait3A_122] : memref<10240x128xf32, #tpu.memory_space<vmem_shared>> -> memref<128x128xf32, #tpu.memory_space<vmem_shared>>
      tpu.wait_dma2 semaphore(%run_scoped3A : memref<!tpu.dma_semaphore, #tpu.memory_space<semaphore_mem>>) src(%dma_wait3A_123 : memref<128x128xf32, #tpu.memory_space<vmem_shared>>) dst(%dma_wait3A_121 : memref<128x128xf32, #tpu.memory_space<hbm>>)
      tpu.yield
    }) : () -> ()
    %mul3A_102 = arith.constant 640 : i32
    %mul3A_103 = arith.muli %arg1, %mul3A_102 : i32
    %add3A_104 = arith.constant 256 : i32
    %add3A_105 = arith.addi %mul3A_103, %add3A_104 : i32
    "tpu.region"() ({
      %run_scoped3A = tpu.sem_alloc : memref<!tpu.dma_semaphore, #tpu.memory_space<semaphore_mem>>
      %dma_start3A_114 = arith.constant 0 : i32
      %dma_start3A_115 = tpu.memref_slice %arg6[%arg0, %add3A_105, %dma_start3A_114] : memref<2x10240x128xf32, #tpu.memory_space<hbm>> -> memref<1x128x128xf32, #tpu.memory_space<hbm>>
      %dma_start3A_116 = tpu.memref_squeeze %dma_start3A_115 : memref<1x128x128xf32, #tpu.memory_space<hbm>> -> memref<128x128xf32, #tpu.memory_space<hbm>>
      %dma_start3A_117 = arith.constant 0 : i32
      %dma_start3A_118 = tpu.memref_slice %arg15[%add3A_105, %dma_start3A_117] : memref<10240x128xf32, #tpu.memory_space<vmem_shared>> -> memref<128x128xf32, #tpu.memory_space<vmem_shared>>
      tpu.enqueue_dma source(%dma_start3A_118 : memref<128x128xf32, #tpu.memory_space<vmem_shared>>) target(%dma_start3A_116 : memref<128x128xf32, #tpu.memory_space<hbm>>) target_semaphore(%run_scoped3A : memref<!tpu.dma_semaphore, #tpu.memory_space<semaphore_mem>>)
      %dma_wait3A_119 = arith.constant 0 : i32
      %dma_wait3A_120 = tpu.memref_slice %arg6[%arg0, %add3A_105, %dma_wait3A_119] : memref<2x10240x128xf32, #tpu.memory_space<hbm>> -> memref<1x128x128xf32, #tpu.memory_space<hbm>>
      %dma_wait3A_121 = tpu.memref_squeeze %dma_wait3A_120 : memref<1x128x128xf32, #tpu.memory_space<hbm>> -> memref<128x128xf32, #tpu.memory_space<hbm>>
      %dma_wait3A_122 = arith.constant 0 : i32
      %dma_wait3A_123 = tpu.memref_slice %arg15[%add3A_105, %dma_wait3A_122] : memref<10240x128xf32, #tpu.memory_space<vmem_shared>> -> memref<128x128xf32, #tpu.memory_space<vmem_shared>>
      tpu.wait_dma2 semaphore(%run_scoped3A : memref<!tpu.dma_semaphore, #tpu.memory_space<semaphore_mem>>) src(%dma_wait3A_123 : memref<128x128xf32, #tpu.memory_space<vmem_shared>>) dst(%dma_wait3A_121 : memref<128x128xf32, #tpu.memory_space<hbm>>)
      tpu.yield
    }) : () -> ()
    %mul3A_106 = arith.constant 640 : i32
    %mul3A_107 = arith.muli %arg1, %mul3A_106 : i32
    %add3A_108 = arith.constant 384 : i32
    %add3A_109 = arith.addi %mul3A_107, %add3A_108 : i32
    "tpu.region"() ({
      %run_scoped3A = tpu.sem_alloc : memref<!tpu.dma_semaphore, #tpu.memory_space<semaphore_mem>>
      %dma_start3A_114 = arith.constant 0 : i32
      %dma_start3A_115 = tpu.memref_slice %arg6[%arg0, %add3A_109, %dma_start3A_114] : memref<2x10240x128xf32, #tpu.memory_space<hbm>> -> memref<1x128x128xf32, #tpu.memory_space<hbm>>
      %dma_start3A_116 = tpu.memref_squeeze %dma_start3A_115 : memref<1x128x128xf32, #tpu.memory_space<hbm>> -> memref<128x128xf32, #tpu.memory_space<hbm>>
      %dma_start3A_117 = arith.constant 0 : i32
      %dma_start3A_118 = tpu.memref_slice %arg15[%add3A_109, %dma_start3A_117] : memref<10240x128xf32, #tpu.memory_space<vmem_shared>> -> memref<128x128xf32, #tpu.memory_space<vmem_shared>>
      tpu.enqueue_dma source(%dma_start3A_118 : memref<128x128xf32, #tpu.memory_space<vmem_shared>>) target(%dma_start3A_116 : memref<128x128xf32, #tpu.memory_space<hbm>>) target_semaphore(%run_scoped3A : memref<!tpu.dma_semaphore, #tpu.memory_space<semaphore_mem>>)
      %dma_wait3A_119 = arith.constant 0 : i32
      %dma_wait3A_120 = tpu.memref_slice %arg6[%arg0, %add3A_109, %dma_wait3A_119] : memref<2x10240x128xf32, #tpu.memory_space<hbm>> -> memref<1x128x128xf32, #tpu.memory_space<hbm>>
      %dma_wait3A_121 = tpu.memref_squeeze %dma_wait3A_120 : memref<1x128x128xf32, #tpu.memory_space<hbm>> -> memref<128x128xf32, #tpu.memory_space<hbm>>
      %dma_wait3A_122 = arith.constant 0 : i32
      %dma_wait3A_123 = tpu.memref_slice %arg15[%add3A_109, %dma_wait3A_122] : memref<10240x128xf32, #tpu.memory_space<vmem_shared>> -> memref<128x128xf32, #tpu.memory_space<vmem_shared>>
      tpu.wait_dma2 semaphore(%run_scoped3A : memref<!tpu.dma_semaphore, #tpu.memory_space<semaphore_mem>>) src(%dma_wait3A_123 : memref<128x128xf32, #tpu.memory_space<vmem_shared>>) dst(%dma_wait3A_121 : memref<128x128xf32, #tpu.memory_space<hbm>>)
      tpu.yield
    }) : () -> ()
    %mul3A_110 = arith.constant 640 : i32
    %mul3A_111 = arith.muli %arg1, %mul3A_110 : i32
    %add3A_112 = arith.constant 512 : i32
    %add3A_113 = arith.addi %mul3A_111, %add3A_112 : i32
    "tpu.region"() ({
      %run_scoped3A = tpu.sem_alloc : memref<!tpu.dma_semaphore, #tpu.memory_space<semaphore_mem>>
      %dma_start3A_114 = arith.constant 0 : i32
      %dma_start3A_115 = tpu.memref_slice %arg6[%arg0, %add3A_113, %dma_start3A_114] : memref<2x10240x128xf32, #tpu.memory_space<hbm>> -> memref<1x128x128xf32, #tpu.memory_space<hbm>>
      %dma_start3A_116 = tpu.memref_squeeze %dma_start3A_115 : memref<1x128x128xf32, #tpu.memory_space<hbm>> -> memref<128x128xf32, #tpu.memory_space<hbm>>
      %dma_start3A_117 = arith.constant 0 : i32
      %dma_start3A_118 = tpu.memref_slice %arg15[%add3A_113, %dma_start3A_117] : memref<10240x128xf32, #tpu.memory_space<vmem_shared>> -> memref<128x128xf32, #tpu.memory_space<vmem_shared>>
      tpu.enqueue_dma source(%dma_start3A_118 : memref<128x128xf32, #tpu.memory_space<vmem_shared>>) target(%dma_start3A_116 : memref<128x128xf32, #tpu.memory_space<hbm>>) target_semaphore(%run_scoped3A : memref<!tpu.dma_semaphore, #tpu.memory_space<semaphore_mem>>)
      %dma_wait3A_119 = arith.constant 0 : i32
      %dma_wait3A_120 = tpu.memref_slice %arg6[%arg0, %add3A_113, %dma_wait3A_119] : memref<2x10240x128xf32, #tpu.memory_space<hbm>> -> memref<1x128x128xf32, #tpu.memory_space<hbm>>
      %dma_wait3A_121 = tpu.memref_squeeze %dma_wait3A_120 : memref<1x128x128xf32, #tpu.memory_space<hbm>> -> memref<128x128xf32, #tpu.memory_space<hbm>>
      %dma_wait3A_122 = arith.constant 0 : i32
      %dma_wait3A_123 = tpu.memref_slice %arg15[%add3A_113, %dma_wait3A_122] : memref<10240x128xf32, #tpu.memory_space<vmem_shared>> -> memref<128x128xf32, #tpu.memory_space<vmem_shared>>
      tpu.wait_dma2 semaphore(%run_scoped3A : memref<!tpu.dma_semaphore, #tpu.memory_space<semaphore_mem>>) src(%dma_wait3A_123 : memref<128x128xf32, #tpu.memory_space<vmem_shared>>) dst(%dma_wait3A_121 : memref<128x128xf32, #tpu.memory_space<hbm>>)
      tpu.yield
    }) : () -> ()
    return
  }
}

#map = affine_map<(d0, d1) -> (0, 0)>
#map1 = affine_map<(d0, d1) -> (0)>
#map2 = affine_map<(d0, d1) -> (0, 0, 0)>
module attributes {stable_mosaic.version = 14 : i64} {
  func.func @_sc_layer_body(%arg0: i32, %arg1: i32, %arg2: memref<10240x128xf32, #tpu.memory_space<hbm>>, %arg3: memref<320000x128xf32, #tpu.memory_space<hbm>>, %arg4: memref<320000xi32, #tpu.memory_space<hbm>>, %arg5: memref<320000xi32, #tpu.memory_space<hbm>>, %arg6: memref<2x10240x128xf32, #tpu.memory_space<hbm>>, %arg7: memref<80xi32, #tpu.memory_space<vmem>>, %arg8: memref<80xi32, #tpu.memory_space<vmem>>, %arg9: memref<80x128xf32, #tpu.memory_space<vmem>>, %arg10: memref<80x128xf32, #tpu.memory_space<vmem>>, %arg11: memref<80xi32, #tpu.memory_space<vmem>>, %arg12: memref<80xi32, #tpu.memory_space<vmem>>, %arg13: memref<80x128xf32, #tpu.memory_space<vmem>>, %arg14: memref<80x128xf32, #tpu.memory_space<vmem>>, %arg15: memref<10240x128xf32, #tpu.memory_space<vmem_shared>>, %arg16: memref<!tpu.dma_semaphore, #tpu.memory_space<semaphore_mem>>, %arg17: memref<!tpu.dma_semaphore, #tpu.memory_space<semaphore_mem>>, %arg18: memref<!tpu.dma_semaphore, #tpu.memory_space<semaphore_mem>>, %arg19: memref<!tpu.dma_semaphore, #tpu.memory_space<semaphore_mem>>, %arg20: memref<!tpu.dma_semaphore, #tpu.memory_space<semaphore_mem>>, %arg21: memref<!tpu.dma_semaphore, #tpu.memory_space<semaphore_mem>>) attributes {dimension_semantics = [#tpu.dimension_semantics<core_parallel>, #tpu.dimension_semantics<subcore_parallel>], iteration_bounds = array<i64: 2, 16>, scalar_prefetch = 0 : i64, scratch_operands = 15 : i64, tpu.core_type = #tpu.core_type<sc_vector_subcore>, window_params = [{transform_indices = #map}, {transform_indices = #map}, {transform_indices = #map1}, {transform_indices = #map1}, {transform_indices = #map2}]} {
    %mul3A = arith.constant 16 : i32
    %mul3A_0 = arith.muli %arg0, %mul3A : i32
    %add3A = arith.addi %mul3A_0, %arg1 : i32
    %scan3A = arith.constant 0 : i32
    %scan3A_1 = arith.constant 0 : i32
    %scan3A_2 = arith.constant 80 : i32
    %scan3A_3 = arith.addi %scan3A_1, %scan3A_2 : i32
    %scan3A_4 = arith.constant 1 : i32
    %scan3A_5 = scf.for %scan3A_114 = %scan3A_1 to %scan3A_3 step %scan3A_4 iter_args(%scan3A_115 = %scan3A) -> (i32)  : i32 {
      %broadcast_in_dim3A = arith.constant 0.000000e+00 : f32
      %broadcast_in_dim3A_116 = vector.broadcast %broadcast_in_dim3A : f32 to vector<16xf32>
      %swap3A = arith.index_cast %scan3A_114 : i32 to index
      %swap3A_117 = arith.constant 0 : index
      %swap3A_118 = tpu.vector_load %arg9[%swap3A, %swap3A_117] {strides = array<i32>} : memref<80x128xf32, #tpu.memory_space<vmem>>, vector<1x16xf32>,
      %swap3A_119 = vector.shape_cast %swap3A_118 : vector<1x16xf32> to vector<16xf32>
      %swap3A_120 = vector.shape_cast %broadcast_in_dim3A_116 : vector<16xf32> to vector<1x16xf32>
      tpu.vector_store %arg9[%swap3A, %swap3A_117], %swap3A_120 {strides = array<i32>} : memref<80x128xf32, #tpu.memory_space<vmem>>, vector<1x16xf32>,
      %broadcast_in_dim3A_121 = arith.constant 0.000000e+00 : f32
      %broadcast_in_dim3A_122 = vector.broadcast %broadcast_in_dim3A_121 : f32 to vector<16xf32>
      %swap3A_123 = arith.index_cast %scan3A_114 : i32 to index
      %swap3A_124 = arith.constant 16 : index
      %swap3A_125 = tpu.vector_load %arg9[%swap3A_123, %swap3A_124] {strides = array<i32>} : memref<80x128xf32, #tpu.memory_space<vmem>>, vector<1x16xf32>,
      %swap3A_126 = vector.shape_cast %swap3A_125 : vector<1x16xf32> to vector<16xf32>
      %swap3A_127 = vector.shape_cast %broadcast_in_dim3A_122 : vector<16xf32> to vector<1x16xf32>
      tpu.vector_store %arg9[%swap3A_123, %swap3A_124], %swap3A_127 {strides = array<i32>} : memref<80x128xf32, #tpu.memory_space<vmem>>, vector<1x16xf32>,
      %broadcast_in_dim3A_128 = arith.constant 0.000000e+00 : f32
      %broadcast_in_dim3A_129 = vector.broadcast %broadcast_in_dim3A_128 : f32 to vector<16xf32>
      %swap3A_130 = arith.index_cast %scan3A_114 : i32 to index
      %swap3A_131 = arith.constant 32 : index
      %swap3A_132 = tpu.vector_load %arg9[%swap3A_130, %swap3A_131] {strides = array<i32>} : memref<80x128xf32, #tpu.memory_space<vmem>>, vector<1x16xf32>,
      %swap3A_133 = vector.shape_cast %swap3A_132 : vector<1x16xf32> to vector<16xf32>
      %swap3A_134 = vector.shape_cast %broadcast_in_dim3A_129 : vector<16xf32> to vector<1x16xf32>
      tpu.vector_store %arg9[%swap3A_130, %swap3A_131], %swap3A_134 {strides = array<i32>} : memref<80x128xf32, #tpu.memory_space<vmem>>, vector<1x16xf32>,
      %broadcast_in_dim3A_135 = arith.constant 0.000000e+00 : f32
      %broadcast_in_dim3A_136 = vector.broadcast %broadcast_in_dim3A_135 : f32 to vector<16xf32>
      %swap3A_137 = arith.index_cast %scan3A_114 : i32 to index
      %swap3A_138 = arith.constant 48 : index
      %swap3A_139 = tpu.vector_load %arg9[%swap3A_137, %swap3A_138] {strides = array<i32>} : memref<80x128xf32, #tpu.memory_space<vmem>>, vector<1x16xf32>,
      %swap3A_140 = vector.shape_cast %swap3A_139 : vector<1x16xf32> to vector<16xf32>
      %swap3A_141 = vector.shape_cast %broadcast_in_dim3A_136 : vector<16xf32> to vector<1x16xf32>
      tpu.vector_store %arg9[%swap3A_137, %swap3A_138], %swap3A_141 {strides = array<i32>} : memref<80x128xf32, #tpu.memory_space<vmem>>, vector<1x16xf32>,
      %broadcast_in_dim3A_142 = arith.constant 0.000000e+00 : f32
      %broadcast_in_dim3A_143 = vector.broadcast %broadcast_in_dim3A_142 : f32 to vector<16xf32>
      %swap3A_144 = arith.index_cast %scan3A_114 : i32 to index
      %swap3A_145 = arith.constant 64 : index
      %swap3A_146 = tpu.vector_load %arg9[%swap3A_144, %swap3A_145] {strides = array<i32>} : memref<80x128xf32, #tpu.memory_space<vmem>>, vector<1x16xf32>,
      %swap3A_147 = vector.shape_cast %swap3A_146 : vector<1x16xf32> to vector<16xf32>
      %swap3A_148 = vector.shape_cast %broadcast_in_dim3A_143 : vector<16xf32> to vector<1x16xf32>
      tpu.vector_store %arg9[%swap3A_144, %swap3A_145], %swap3A_148 {strides = array<i32>} : memref<80x128xf32, #tpu.memory_space<vmem>>, vector<1x16xf32>,
      %broadcast_in_dim3A_149 = arith.constant 0.000000e+00 : f32
      %broadcast_in_dim3A_150 = vector.broadcast %broadcast_in_dim3A_149 : f32 to vector<16xf32>
      %swap3A_151 = arith.index_cast %scan3A_114 : i32 to index
      %swap3A_152 = arith.constant 80 : index
      %swap3A_153 = tpu.vector_load %arg9[%swap3A_151, %swap3A_152] {strides = array<i32>} : memref<80x128xf32, #tpu.memory_space<vmem>>, vector<1x16xf32>,
      %swap3A_154 = vector.shape_cast %swap3A_153 : vector<1x16xf32> to vector<16xf32>
      %swap3A_155 = vector.shape_cast %broadcast_in_dim3A_150 : vector<16xf32> to vector<1x16xf32>
      tpu.vector_store %arg9[%swap3A_151, %swap3A_152], %swap3A_155 {strides = array<i32>} : memref<80x128xf32, #tpu.memory_space<vmem>>, vector<1x16xf32>,
      %broadcast_in_dim3A_156 = arith.constant 0.000000e+00 : f32
      %broadcast_in_dim3A_157 = vector.broadcast %broadcast_in_dim3A_156 : f32 to vector<16xf32>
      %swap3A_158 = arith.index_cast %scan3A_114 : i32 to index
      %swap3A_159 = arith.constant 96 : index
      %swap3A_160 = tpu.vector_load %arg9[%swap3A_158, %swap3A_159] {strides = array<i32>} : memref<80x128xf32, #tpu.memory_space<vmem>>, vector<1x16xf32>,
      %swap3A_161 = vector.shape_cast %swap3A_160 : vector<1x16xf32> to vector<16xf32>
      %swap3A_162 = vector.shape_cast %broadcast_in_dim3A_157 : vector<16xf32> to vector<1x16xf32>
      tpu.vector_store %arg9[%swap3A_158, %swap3A_159], %swap3A_162 {strides = array<i32>} : memref<80x128xf32, #tpu.memory_space<vmem>>, vector<1x16xf32>,
      %broadcast_in_dim3A_163 = arith.constant 0.000000e+00 : f32
      %broadcast_in_dim3A_164 = vector.broadcast %broadcast_in_dim3A_163 : f32 to vector<16xf32>
      %swap3A_165 = arith.index_cast %scan3A_114 : i32 to index
      %swap3A_166 = arith.constant 112 : index
      %swap3A_167 = tpu.vector_load %arg9[%swap3A_165, %swap3A_166] {strides = array<i32>} : memref<80x128xf32, #tpu.memory_space<vmem>>, vector<1x16xf32>,
      %swap3A_168 = vector.shape_cast %swap3A_167 : vector<1x16xf32> to vector<16xf32>
      %swap3A_169 = vector.shape_cast %broadcast_in_dim3A_164 : vector<16xf32> to vector<1x16xf32>
      tpu.vector_store %arg9[%swap3A_165, %swap3A_166], %swap3A_169 {strides = array<i32>} : memref<80x128xf32, #tpu.memory_space<vmem>>, vector<1x16xf32>,
      %scan3A_170 = arith.constant 0 : i32
      scf.yield %scan3A_170 : i32
    }
    %scan3A_6 = arith.constant 80 : i32
    %mul3A_7 = arith.constant 640 : i32
    %mul3A_8 = arith.muli %arg1, %mul3A_7 : i32
    %add3A_9 = arith.constant 0 : i32
    %add3A_10 = arith.addi %mul3A_8, %add3A_9 : i32
    "tpu.region"() ({
      %run_scoped3A = tpu.sem_alloc : memref<!tpu.dma_semaphore, #tpu.memory_space<semaphore_mem>>
      %dma_start3A_114 = arith.constant 0 : i32
      %dma_start3A_115 = tpu.memref_slice %arg15[%add3A_10, %dma_start3A_114] : memref<10240x128xf32, #tpu.memory_space<vmem_shared>> -> memref<80x128xf32, #tpu.memory_space<vmem_shared>>
      %dma_start3A_116 = arith.constant 0 : i32
      %dma_start3A_117 = tpu.memref_slice %arg15[%add3A_10, %dma_start3A_116] : memref<10240x128xf32, #tpu.memory_space<vmem_shared>> -> memref<80x128xf32, #tpu.memory_space<vmem_shared>>
      tpu.enqueue_dma source(%arg9 : memref<80x128xf32, #tpu.memory_space<vmem>>) target(%dma_start3A_117 : memref<80x128xf32, #tpu.memory_space<vmem_shared>>) target_semaphore(%run_scoped3A : memref<!tpu.dma_semaphore, #tpu.memory_space<semaphore_mem>>)
      %dma_wait3A_118 = arith.constant 0 : i32
      %dma_wait3A_119 = tpu.memref_slice %arg15[%add3A_10, %dma_wait3A_118] : memref<10240x128xf32, #tpu.memory_space<vmem_shared>> -> memref<80x128xf32, #tpu.memory_space<vmem_shared>>
      %dma_wait3A_120 = arith.constant 0 : i32
      %dma_wait3A_121 = tpu.memref_slice %arg15[%add3A_10, %dma_wait3A_120] : memref<10240x128xf32, #tpu.memory_space<vmem_shared>> -> memref<80x128xf32, #tpu.memory_space<vmem_shared>>
      tpu.wait_dma2 semaphore(%run_scoped3A : memref<!tpu.dma_semaphore, #tpu.memory_space<semaphore_mem>>) src(%arg9 : memref<80x128xf32, #tpu.memory_space<vmem>>) dst(%dma_wait3A_121 : memref<80x128xf32, #tpu.memory_space<vmem_shared>>)
      tpu.yield
    }) : () -> ()
    %mul3A_11 = arith.constant 640 : i32
    %mul3A_12 = arith.muli %arg1, %mul3A_11 : i32
    %add3A_13 = arith.constant 80 : i32
    %add3A_14 = arith.addi %mul3A_12, %add3A_13 : i32
    "tpu.region"() ({
      %run_scoped3A = tpu.sem_alloc : memref<!tpu.dma_semaphore, #tpu.memory_space<semaphore_mem>>
      %dma_start3A_114 = arith.constant 0 : i32
      %dma_start3A_115 = tpu.memref_slice %arg15[%add3A_14, %dma_start3A_114] : memref<10240x128xf32, #tpu.memory_space<vmem_shared>> -> memref<80x128xf32, #tpu.memory_space<vmem_shared>>
      %dma_start3A_116 = arith.constant 0 : i32
      %dma_start3A_117 = tpu.memref_slice %arg15[%add3A_14, %dma_start3A_116] : memref<10240x128xf32, #tpu.memory_space<vmem_shared>> -> memref<80x128xf32, #tpu.memory_space<vmem_shared>>
      tpu.enqueue_dma source(%arg9 : memref<80x128xf32, #tpu.memory_space<vmem>>) target(%dma_start3A_117 : memref<80x128xf32, #tpu.memory_space<vmem_shared>>) target_semaphore(%run_scoped3A : memref<!tpu.dma_semaphore, #tpu.memory_space<semaphore_mem>>)
      %dma_wait3A_118 = arith.constant 0 : i32
      %dma_wait3A_119 = tpu.memref_slice %arg15[%add3A_14, %dma_wait3A_118] : memref<10240x128xf32, #tpu.memory_space<vmem_shared>> -> memref<80x128xf32, #tpu.memory_space<vmem_shared>>
      %dma_wait3A_120 = arith.constant 0 : i32
      %dma_wait3A_121 = tpu.memref_slice %arg15[%add3A_14, %dma_wait3A_120] : memref<10240x128xf32, #tpu.memory_space<vmem_shared>> -> memref<80x128xf32, #tpu.memory_space<vmem_shared>>
      tpu.wait_dma2 semaphore(%run_scoped3A : memref<!tpu.dma_semaphore, #tpu.memory_space<semaphore_mem>>) src(%arg9 : memref<80x128xf32, #tpu.memory_space<vmem>>) dst(%dma_wait3A_121 : memref<80x128xf32, #tpu.memory_space<vmem_shared>>)
      tpu.yield
    }) : () -> ()
    %mul3A_15 = arith.constant 640 : i32
    %mul3A_16 = arith.muli %arg1, %mul3A_15 : i32
    %add3A_17 = arith.constant 160 : i32
    %add3A_18 = arith.addi %mul3A_16, %add3A_17 : i32
    "tpu.region"() ({
      %run_scoped3A = tpu.sem_alloc : memref<!tpu.dma_semaphore, #tpu.memory_space<semaphore_mem>>
      %dma_start3A_114 = arith.constant 0 : i32
      %dma_start3A_115 = tpu.memref_slice %arg15[%add3A_18, %dma_start3A_114] : memref<10240x128xf32, #tpu.memory_space<vmem_shared>> -> memref<80x128xf32, #tpu.memory_space<vmem_shared>>
      %dma_start3A_116 = arith.constant 0 : i32
      %dma_start3A_117 = tpu.memref_slice %arg15[%add3A_18, %dma_start3A_116] : memref<10240x128xf32, #tpu.memory_space<vmem_shared>> -> memref<80x128xf32, #tpu.memory_space<vmem_shared>>
      tpu.enqueue_dma source(%arg9 : memref<80x128xf32, #tpu.memory_space<vmem>>) target(%dma_start3A_117 : memref<80x128xf32, #tpu.memory_space<vmem_shared>>) target_semaphore(%run_scoped3A : memref<!tpu.dma_semaphore, #tpu.memory_space<semaphore_mem>>)
      %dma_wait3A_118 = arith.constant 0 : i32
      %dma_wait3A_119 = tpu.memref_slice %arg15[%add3A_18, %dma_wait3A_118] : memref<10240x128xf32, #tpu.memory_space<vmem_shared>> -> memref<80x128xf32, #tpu.memory_space<vmem_shared>>
      %dma_wait3A_120 = arith.constant 0 : i32
      %dma_wait3A_121 = tpu.memref_slice %arg15[%add3A_18, %dma_wait3A_120] : memref<10240x128xf32, #tpu.memory_space<vmem_shared>> -> memref<80x128xf32, #tpu.memory_space<vmem_shared>>
      tpu.wait_dma2 semaphore(%run_scoped3A : memref<!tpu.dma_semaphore, #tpu.memory_space<semaphore_mem>>) src(%arg9 : memref<80x128xf32, #tpu.memory_space<vmem>>) dst(%dma_wait3A_121 : memref<80x128xf32, #tpu.memory_space<vmem_shared>>)
      tpu.yield
    }) : () -> ()
    %mul3A_19 = arith.constant 640 : i32
    %mul3A_20 = arith.muli %arg1, %mul3A_19 : i32
    %add3A_21 = arith.constant 240 : i32
    %add3A_22 = arith.addi %mul3A_20, %add3A_21 : i32
    "tpu.region"() ({
      %run_scoped3A = tpu.sem_alloc : memref<!tpu.dma_semaphore, #tpu.memory_space<semaphore_mem>>
      %dma_start3A_114 = arith.constant 0 : i32
      %dma_start3A_115 = tpu.memref_slice %arg15[%add3A_22, %dma_start3A_114] : memref<10240x128xf32, #tpu.memory_space<vmem_shared>> -> memref<80x128xf32, #tpu.memory_space<vmem_shared>>
      %dma_start3A_116 = arith.constant 0 : i32
      %dma_start3A_117 = tpu.memref_slice %arg15[%add3A_22, %dma_start3A_116] : memref<10240x128xf32, #tpu.memory_space<vmem_shared>> -> memref<80x128xf32, #tpu.memory_space<vmem_shared>>
      tpu.enqueue_dma source(%arg9 : memref<80x128xf32, #tpu.memory_space<vmem>>) target(%dma_start3A_117 : memref<80x128xf32, #tpu.memory_space<vmem_shared>>) target_semaphore(%run_scoped3A : memref<!tpu.dma_semaphore, #tpu.memory_space<semaphore_mem>>)
      %dma_wait3A_118 = arith.constant 0 : i32
      %dma_wait3A_119 = tpu.memref_slice %arg15[%add3A_22, %dma_wait3A_118] : memref<10240x128xf32, #tpu.memory_space<vmem_shared>> -> memref<80x128xf32, #tpu.memory_space<vmem_shared>>
      %dma_wait3A_120 = arith.constant 0 : i32
      %dma_wait3A_121 = tpu.memref_slice %arg15[%add3A_22, %dma_wait3A_120] : memref<10240x128xf32, #tpu.memory_space<vmem_shared>> -> memref<80x128xf32, #tpu.memory_space<vmem_shared>>
      tpu.wait_dma2 semaphore(%run_scoped3A : memref<!tpu.dma_semaphore, #tpu.memory_space<semaphore_mem>>) src(%arg9 : memref<80x128xf32, #tpu.memory_space<vmem>>) dst(%dma_wait3A_121 : memref<80x128xf32, #tpu.memory_space<vmem_shared>>)
      tpu.yield
    }) : () -> ()
    %mul3A_23 = arith.constant 640 : i32
    %mul3A_24 = arith.muli %arg1, %mul3A_23 : i32
    %add3A_25 = arith.constant 320 : i32
    %add3A_26 = arith.addi %mul3A_24, %add3A_25 : i32
    "tpu.region"() ({
      %run_scoped3A = tpu.sem_alloc : memref<!tpu.dma_semaphore, #tpu.memory_space<semaphore_mem>>
      %dma_start3A_114 = arith.constant 0 : i32
      %dma_start3A_115 = tpu.memref_slice %arg15[%add3A_26, %dma_start3A_114] : memref<10240x128xf32, #tpu.memory_space<vmem_shared>> -> memref<80x128xf32, #tpu.memory_space<vmem_shared>>
      %dma_start3A_116 = arith.constant 0 : i32
      %dma_start3A_117 = tpu.memref_slice %arg15[%add3A_26, %dma_start3A_116] : memref<10240x128xf32, #tpu.memory_space<vmem_shared>> -> memref<80x128xf32, #tpu.memory_space<vmem_shared>>
      tpu.enqueue_dma source(%arg9 : memref<80x128xf32, #tpu.memory_space<vmem>>) target(%dma_start3A_117 : memref<80x128xf32, #tpu.memory_space<vmem_shared>>) target_semaphore(%run_scoped3A : memref<!tpu.dma_semaphore, #tpu.memory_space<semaphore_mem>>)
      %dma_wait3A_118 = arith.constant 0 : i32
      %dma_wait3A_119 = tpu.memref_slice %arg15[%add3A_26, %dma_wait3A_118] : memref<10240x128xf32, #tpu.memory_space<vmem_shared>> -> memref<80x128xf32, #tpu.memory_space<vmem_shared>>
      %dma_wait3A_120 = arith.constant 0 : i32
      %dma_wait3A_121 = tpu.memref_slice %arg15[%add3A_26, %dma_wait3A_120] : memref<10240x128xf32, #tpu.memory_space<vmem_shared>> -> memref<80x128xf32, #tpu.memory_space<vmem_shared>>
      tpu.wait_dma2 semaphore(%run_scoped3A : memref<!tpu.dma_semaphore, #tpu.memory_space<semaphore_mem>>) src(%arg9 : memref<80x128xf32, #tpu.memory_space<vmem>>) dst(%dma_wait3A_121 : memref<80x128xf32, #tpu.memory_space<vmem_shared>>)
      tpu.yield
    }) : () -> ()
    %mul3A_27 = arith.constant 640 : i32
    %mul3A_28 = arith.muli %arg1, %mul3A_27 : i32
    %add3A_29 = arith.constant 400 : i32
    %add3A_30 = arith.addi %mul3A_28, %add3A_29 : i32
    "tpu.region"() ({
      %run_scoped3A = tpu.sem_alloc : memref<!tpu.dma_semaphore, #tpu.memory_space<semaphore_mem>>
      %dma_start3A_114 = arith.constant 0 : i32
      %dma_start3A_115 = tpu.memref_slice %arg15[%add3A_30, %dma_start3A_114] : memref<10240x128xf32, #tpu.memory_space<vmem_shared>> -> memref<80x128xf32, #tpu.memory_space<vmem_shared>>
      %dma_start3A_116 = arith.constant 0 : i32
      %dma_start3A_117 = tpu.memref_slice %arg15[%add3A_30, %dma_start3A_116] : memref<10240x128xf32, #tpu.memory_space<vmem_shared>> -> memref<80x128xf32, #tpu.memory_space<vmem_shared>>
      tpu.enqueue_dma source(%arg9 : memref<80x128xf32, #tpu.memory_space<vmem>>) target(%dma_start3A_117 : memref<80x128xf32, #tpu.memory_space<vmem_shared>>) target_semaphore(%run_scoped3A : memref<!tpu.dma_semaphore, #tpu.memory_space<semaphore_mem>>)
      %dma_wait3A_118 = arith.constant 0 : i32
      %dma_wait3A_119 = tpu.memref_slice %arg15[%add3A_30, %dma_wait3A_118] : memref<10240x128xf32, #tpu.memory_space<vmem_shared>> -> memref<80x128xf32, #tpu.memory_space<vmem_shared>>
      %dma_wait3A_120 = arith.constant 0 : i32
      %dma_wait3A_121 = tpu.memref_slice %arg15[%add3A_30, %dma_wait3A_120] : memref<10240x128xf32, #tpu.memory_space<vmem_shared>> -> memref<80x128xf32, #tpu.memory_space<vmem_shared>>
      tpu.wait_dma2 semaphore(%run_scoped3A : memref<!tpu.dma_semaphore, #tpu.memory_space<semaphore_mem>>) src(%arg9 : memref<80x128xf32, #tpu.memory_space<vmem>>) dst(%dma_wait3A_121 : memref<80x128xf32, #tpu.memory_space<vmem_shared>>)
      tpu.yield
    }) : () -> ()
    %mul3A_31 = arith.constant 640 : i32
    %mul3A_32 = arith.muli %arg1, %mul3A_31 : i32
    %add3A_33 = arith.constant 480 : i32
    %add3A_34 = arith.addi %mul3A_32, %add3A_33 : i32
    "tpu.region"() ({
      %run_scoped3A = tpu.sem_alloc : memref<!tpu.dma_semaphore, #tpu.memory_space<semaphore_mem>>
      %dma_start3A_114 = arith.constant 0 : i32
      %dma_start3A_115 = tpu.memref_slice %arg15[%add3A_34, %dma_start3A_114] : memref<10240x128xf32, #tpu.memory_space<vmem_shared>> -> memref<80x128xf32, #tpu.memory_space<vmem_shared>>
      %dma_start3A_116 = arith.constant 0 : i32
      %dma_start3A_117 = tpu.memref_slice %arg15[%add3A_34, %dma_start3A_116] : memref<10240x128xf32, #tpu.memory_space<vmem_shared>> -> memref<80x128xf32, #tpu.memory_space<vmem_shared>>
      tpu.enqueue_dma source(%arg9 : memref<80x128xf32, #tpu.memory_space<vmem>>) target(%dma_start3A_117 : memref<80x128xf32, #tpu.memory_space<vmem_shared>>) target_semaphore(%run_scoped3A : memref<!tpu.dma_semaphore, #tpu.memory_space<semaphore_mem>>)
      %dma_wait3A_118 = arith.constant 0 : i32
      %dma_wait3A_119 = tpu.memref_slice %arg15[%add3A_34, %dma_wait3A_118] : memref<10240x128xf32, #tpu.memory_space<vmem_shared>> -> memref<80x128xf32, #tpu.memory_space<vmem_shared>>
      %dma_wait3A_120 = arith.constant 0 : i32
      %dma_wait3A_121 = tpu.memref_slice %arg15[%add3A_34, %dma_wait3A_120] : memref<10240x128xf32, #tpu.memory_space<vmem_shared>> -> memref<80x128xf32, #tpu.memory_space<vmem_shared>>
      tpu.wait_dma2 semaphore(%run_scoped3A : memref<!tpu.dma_semaphore, #tpu.memory_space<semaphore_mem>>) src(%arg9 : memref<80x128xf32, #tpu.memory_space<vmem>>) dst(%dma_wait3A_121 : memref<80x128xf32, #tpu.memory_space<vmem_shared>>)
      tpu.yield
    }) : () -> ()
    %mul3A_35 = arith.constant 640 : i32
    %mul3A_36 = arith.muli %arg1, %mul3A_35 : i32
    %add3A_37 = arith.constant 560 : i32
    %add3A_38 = arith.addi %mul3A_36, %add3A_37 : i32
    "tpu.region"() ({
      %run_scoped3A = tpu.sem_alloc : memref<!tpu.dma_semaphore, #tpu.memory_space<semaphore_mem>>
      %dma_start3A_114 = arith.constant 0 : i32
      %dma_start3A_115 = tpu.memref_slice %arg15[%add3A_38, %dma_start3A_114] : memref<10240x128xf32, #tpu.memory_space<vmem_shared>> -> memref<80x128xf32, #tpu.memory_space<vmem_shared>>
      %dma_start3A_116 = arith.constant 0 : i32
      %dma_start3A_117 = tpu.memref_slice %arg15[%add3A_38, %dma_start3A_116] : memref<10240x128xf32, #tpu.memory_space<vmem_shared>> -> memref<80x128xf32, #tpu.memory_space<vmem_shared>>
      tpu.enqueue_dma source(%arg9 : memref<80x128xf32, #tpu.memory_space<vmem>>) target(%dma_start3A_117 : memref<80x128xf32, #tpu.memory_space<vmem_shared>>) target_semaphore(%run_scoped3A : memref<!tpu.dma_semaphore, #tpu.memory_space<semaphore_mem>>)
      %dma_wait3A_118 = arith.constant 0 : i32
      %dma_wait3A_119 = tpu.memref_slice %arg15[%add3A_38, %dma_wait3A_118] : memref<10240x128xf32, #tpu.memory_space<vmem_shared>> -> memref<80x128xf32, #tpu.memory_space<vmem_shared>>
      %dma_wait3A_120 = arith.constant 0 : i32
      %dma_wait3A_121 = tpu.memref_slice %arg15[%add3A_38, %dma_wait3A_120] : memref<10240x128xf32, #tpu.memory_space<vmem_shared>> -> memref<80x128xf32, #tpu.memory_space<vmem_shared>>
      tpu.wait_dma2 semaphore(%run_scoped3A : memref<!tpu.dma_semaphore, #tpu.memory_space<semaphore_mem>>) src(%arg9 : memref<80x128xf32, #tpu.memory_space<vmem>>) dst(%dma_wait3A_121 : memref<80x128xf32, #tpu.memory_space<vmem_shared>>)
      tpu.yield
    }) : () -> ()
    %barrier3A = arith.constant 0 : index
    tpu.barrier barrier_id(%barrier3A)
    %mul3A_39 = arith.constant 10000 : i32
    %mul3A_40 = arith.muli %add3A, %mul3A_39 : i32
    %add3A_41 = arith.constant 0 : i32
    %add3A_42 = arith.addi %mul3A_40, %add3A_41 : i32
    "tpu.region"() ({
      %run_scoped3A = tpu.sem_alloc : memref<!tpu.dma_semaphore, #tpu.memory_space<semaphore_mem>>
      %dma_start3A_114 = tpu.memref_slice %arg4[%add3A_42] : memref<320000xi32, #tpu.memory_space<hbm>> -> memref<80xi32, #tpu.memory_space<hbm>>
      %dma_start3A_115 = tpu.memref_slice %arg4[%add3A_42] : memref<320000xi32, #tpu.memory_space<hbm>> -> memref<80xi32, #tpu.memory_space<hbm>>
      tpu.enqueue_dma source(%dma_start3A_115 : memref<80xi32, #tpu.memory_space<hbm>>) target(%arg7 : memref<80xi32, #tpu.memory_space<vmem>>) target_semaphore(%run_scoped3A : memref<!tpu.dma_semaphore, #tpu.memory_space<semaphore_mem>>)
      %dma_wait3A_116 = tpu.memref_slice %arg4[%add3A_42] : memref<320000xi32, #tpu.memory_space<hbm>> -> memref<80xi32, #tpu.memory_space<hbm>>
      %dma_wait3A_117 = tpu.memref_slice %arg4[%add3A_42] : memref<320000xi32, #tpu.memory_space<hbm>> -> memref<80xi32, #tpu.memory_space<hbm>>
      tpu.wait_dma2 semaphore(%run_scoped3A : memref<!tpu.dma_semaphore, #tpu.memory_space<semaphore_mem>>) src(%dma_wait3A_117 : memref<80xi32, #tpu.memory_space<hbm>>) dst(%arg7 : memref<80xi32, #tpu.memory_space<vmem>>)
      tpu.yield
    }) : () -> ()
    "tpu.region"() ({
      %run_scoped3A = tpu.sem_alloc : memref<!tpu.dma_semaphore, #tpu.memory_space<semaphore_mem>>
      %dma_start3A_114 = tpu.memref_slice %arg5[%add3A_42] : memref<320000xi32, #tpu.memory_space<hbm>> -> memref<80xi32, #tpu.memory_space<hbm>>
      %dma_start3A_115 = tpu.memref_slice %arg5[%add3A_42] : memref<320000xi32, #tpu.memory_space<hbm>> -> memref<80xi32, #tpu.memory_space<hbm>>
      tpu.enqueue_dma source(%dma_start3A_115 : memref<80xi32, #tpu.memory_space<hbm>>) target(%arg8 : memref<80xi32, #tpu.memory_space<vmem>>) target_semaphore(%run_scoped3A : memref<!tpu.dma_semaphore, #tpu.memory_space<semaphore_mem>>)
      %dma_wait3A_116 = tpu.memref_slice %arg5[%add3A_42] : memref<320000xi32, #tpu.memory_space<hbm>> -> memref<80xi32, #tpu.memory_space<hbm>>
      %dma_wait3A_117 = tpu.memref_slice %arg5[%add3A_42] : memref<320000xi32, #tpu.memory_space<hbm>> -> memref<80xi32, #tpu.memory_space<hbm>>
      tpu.wait_dma2 semaphore(%run_scoped3A : memref<!tpu.dma_semaphore, #tpu.memory_space<semaphore_mem>>) src(%dma_wait3A_117 : memref<80xi32, #tpu.memory_space<hbm>>) dst(%arg8 : memref<80xi32, #tpu.memory_space<vmem>>)
      tpu.yield
    }) : () -> ()
    %dma_start3A = arith.constant 0 : i32
    %dma_start3A_43 = arith.constant 0 : i32
    %dma_start3A_44 = tpu.memref_slice %arg2[%dma_start3A, %dma_start3A_43] : memref<10240x128xf32, #tpu.memory_space<hbm>> -> memref<10240x128xf32, #tpu.memory_space<hbm>>
    tpu.enqueue_indirect_dma source(%dma_start3A_44 : memref<10240x128xf32, #tpu.memory_space<hbm>>) target(%arg9 : memref<80x128xf32, #tpu.memory_space<vmem>>) offsets(%arg7 : memref<80xi32, #tpu.memory_space<vmem>>) semaphore(%arg16 : memref<!tpu.dma_semaphore, #tpu.memory_space<semaphore_mem>>)
    %dma_start3A_45 = arith.constant 0 : i32
    %dma_start3A_46 = tpu.memref_slice %arg3[%add3A_42, %dma_start3A_45] : memref<320000x128xf32, #tpu.memory_space<hbm>> -> memref<80x128xf32, #tpu.memory_space<hbm>>
    %dma_start3A_47 = arith.constant 0 : i32
    %dma_start3A_48 = tpu.memref_slice %arg3[%add3A_42, %dma_start3A_47] : memref<320000x128xf32, #tpu.memory_space<hbm>> -> memref<80x128xf32, #tpu.memory_space<hbm>>
    tpu.enqueue_dma source(%dma_start3A_48 : memref<80x128xf32, #tpu.memory_space<hbm>>) target(%arg10 : memref<80x128xf32, #tpu.memory_space<vmem>>) target_semaphore(%arg17 : memref<!tpu.dma_semaphore, #tpu.memory_space<semaphore_mem>>)
    %mul3A_49 = arith.constant 10000 : i32
    %mul3A_50 = arith.muli %add3A, %mul3A_49 : i32
    %add3A_51 = arith.constant 80 : i32
    %add3A_52 = arith.addi %mul3A_50, %add3A_51 : i32
    "tpu.region"() ({
      %run_scoped3A = tpu.sem_alloc : memref<!tpu.dma_semaphore, #tpu.memory_space<semaphore_mem>>
      %dma_start3A_114 = tpu.memref_slice %arg4[%add3A_52] : memref<320000xi32, #tpu.memory_space<hbm>> -> memref<80xi32, #tpu.memory_space<hbm>>
      %dma_start3A_115 = tpu.memref_slice %arg4[%add3A_52] : memref<320000xi32, #tpu.memory_space<hbm>> -> memref<80xi32, #tpu.memory_space<hbm>>
      tpu.enqueue_dma source(%dma_start3A_115 : memref<80xi32, #tpu.memory_space<hbm>>) target(%arg11 : memref<80xi32, #tpu.memory_space<vmem>>) target_semaphore(%run_scoped3A : memref<!tpu.dma_semaphore, #tpu.memory_space<semaphore_mem>>)
      %dma_wait3A_116 = tpu.memref_slice %arg4[%add3A_52] : memref<320000xi32, #tpu.memory_space<hbm>> -> memref<80xi32, #tpu.memory_space<hbm>>
      %dma_wait3A_117 = tpu.memref_slice %arg4[%add3A_52] : memref<320000xi32, #tpu.memory_space<hbm>> -> memref<80xi32, #tpu.memory_space<hbm>>
      tpu.wait_dma2 semaphore(%run_scoped3A : memref<!tpu.dma_semaphore, #tpu.memory_space<semaphore_mem>>) src(%dma_wait3A_117 : memref<80xi32, #tpu.memory_space<hbm>>) dst(%arg11 : memref<80xi32, #tpu.memory_space<vmem>>)
      tpu.yield
    }) : () -> ()
    "tpu.region"() ({
      %run_scoped3A = tpu.sem_alloc : memref<!tpu.dma_semaphore, #tpu.memory_space<semaphore_mem>>
      %dma_start3A_114 = tpu.memref_slice %arg5[%add3A_52] : memref<320000xi32, #tpu.memory_space<hbm>> -> memref<80xi32, #tpu.memory_space<hbm>>
      %dma_start3A_115 = tpu.memref_slice %arg5[%add3A_52] : memref<320000xi32, #tpu.memory_space<hbm>> -> memref<80xi32, #tpu.memory_space<hbm>>
      tpu.enqueue_dma source(%dma_start3A_115 : memref<80xi32, #tpu.memory_space<hbm>>) target(%arg12 : memref<80xi32, #tpu.memory_space<vmem>>) target_semaphore(%run_scoped3A : memref<!tpu.dma_semaphore, #tpu.memory_space<semaphore_mem>>)
      %dma_wait3A_116 = tpu.memref_slice %arg5[%add3A_52] : memref<320000xi32, #tpu.memory_space<hbm>> -> memref<80xi32, #tpu.memory_space<hbm>>
      %dma_wait3A_117 = tpu.memref_slice %arg5[%add3A_52] : memref<320000xi32, #tpu.memory_space<hbm>> -> memref<80xi32, #tpu.memory_space<hbm>>
      tpu.wait_dma2 semaphore(%run_scoped3A : memref<!tpu.dma_semaphore, #tpu.memory_space<semaphore_mem>>) src(%dma_wait3A_117 : memref<80xi32, #tpu.memory_space<hbm>>) dst(%arg12 : memref<80xi32, #tpu.memory_space<vmem>>)
      tpu.yield
    }) : () -> ()
    %dma_start3A_53 = arith.constant 0 : i32
    %dma_start3A_54 = arith.constant 0 : i32
    %dma_start3A_55 = tpu.memref_slice %arg2[%dma_start3A_53, %dma_start3A_54] : memref<10240x128xf32, #tpu.memory_space<hbm>> -> memref<10240x128xf32, #tpu.memory_space<hbm>>
    tpu.enqueue_indirect_dma source(%dma_start3A_55 : memref<10240x128xf32, #tpu.memory_space<hbm>>) target(%arg13 : memref<80x128xf32, #tpu.memory_space<vmem>>) offsets(%arg11 : memref<80xi32, #tpu.memory_space<vmem>>) semaphore(%arg19 : memref<!tpu.dma_semaphore, #tpu.memory_space<semaphore_mem>>)
    %dma_start3A_56 = arith.constant 0 : i32
    %dma_start3A_57 = tpu.memref_slice %arg3[%add3A_52, %dma_start3A_56] : memref<320000x128xf32, #tpu.memory_space<hbm>> -> memref<80x128xf32, #tpu.memory_space<hbm>>
    %dma_start3A_58 = arith.constant 0 : i32
    %dma_start3A_59 = tpu.memref_slice %arg3[%add3A_52, %dma_start3A_58] : memref<320000x128xf32, #tpu.memory_space<hbm>> -> memref<80x128xf32, #tpu.memory_space<hbm>>
    tpu.enqueue_dma source(%dma_start3A_59 : memref<80x128xf32, #tpu.memory_space<hbm>>) target(%arg14 : memref<80x128xf32, #tpu.memory_space<vmem>>) target_semaphore(%arg20 : memref<!tpu.dma_semaphore, #tpu.memory_space<semaphore_mem>>)
    %scan3A_60 = arith.constant 0 : i32
    %scan3A_61 = arith.constant 0 : i32
    %scan3A_62 = arith.constant 62 : i32
    %scan3A_63 = arith.addi %scan3A_61, %scan3A_62 : i32
    %scan3A_64 = arith.constant 1 : i32
    %scan3A_65 = scf.for %scan3A_114 = %scan3A_61 to %scan3A_63 step %scan3A_64 iter_args(%scan3A_115 = %scan3A_60) -> (i32)  : i32 {
      %mul3A_116 = arith.constant 2 : i32
      %mul3A_117 = arith.muli %scan3A_114, %mul3A_116 : i32
      %mul3A_118 = arith.constant 10000 : i32
      %mul3A_119 = arith.muli %add3A, %mul3A_118 : i32
      %mul3A_120 = arith.constant 80 : i32
      %mul3A_121 = arith.muli %mul3A_117, %mul3A_120 : i32
      %add3A_122 = arith.addi %mul3A_119, %mul3A_121 : i32
      %dma_wait3A_123 = arith.constant 0 : i32
      %dma_wait3A_124 = arith.constant 0 : i32
      %dma_wait3A_125 = tpu.memref_slice %arg2[%dma_wait3A_123, %dma_wait3A_124] : memref<10240x128xf32, #tpu.memory_space<hbm>> -> memref<10240x128xf32, #tpu.memory_space<hbm>>
      tpu.wait_indirect_dma semaphore(%arg16 : memref<!tpu.dma_semaphore, #tpu.memory_space<semaphore_mem>>) src(%dma_wait3A_125 : memref<10240x128xf32, #tpu.memory_space<hbm>>) dst(%arg9 : memref<80x128xf32, #tpu.memory_space<vmem>>)
      %dma_wait3A_126 = arith.constant 0 : i32
      %dma_wait3A_127 = tpu.memref_slice %arg3[%add3A_122, %dma_wait3A_126] : memref<320000x128xf32, #tpu.memory_space<hbm>> -> memref<80x128xf32, #tpu.memory_space<hbm>>
      %dma_wait3A_128 = arith.constant 0 : i32
      %dma_wait3A_129 = tpu.memref_slice %arg3[%add3A_122, %dma_wait3A_128] : memref<320000x128xf32, #tpu.memory_space<hbm>> -> memref<80x128xf32, #tpu.memory_space<hbm>>
      tpu.wait_dma2 semaphore(%arg17 : memref<!tpu.dma_semaphore, #tpu.memory_space<semaphore_mem>>) src(%dma_wait3A_129 : memref<80x128xf32, #tpu.memory_space<hbm>>) dst(%arg10 : memref<80x128xf32, #tpu.memory_space<vmem>>)
      %scan3A_130 = arith.constant 0 : i32
      %scan3A_131 = arith.constant 0 : i32
      %scan3A_132 = arith.constant 80 : i32
      %scan3A_133 = arith.addi %scan3A_131, %scan3A_132 : i32
      %scan3A_134 = arith.constant 1 : i32
      %scan3A_135 = scf.for %scan3A_176 = %scan3A_131 to %scan3A_133 step %scan3A_134 iter_args(%scan3A_177 = %scan3A_130) -> (i32)  : i32 {
        %get3A = arith.index_cast %scan3A_176 : i32 to index
        %get3A_178 = arith.constant 0 : index
        %get3A_179 = tpu.vector_load %arg9[%get3A, %get3A_178] {strides = array<i32>} : memref<80x128xf32, #tpu.memory_space<vmem>>, vector<1x16xf32>,
        %get3A_180 = vector.shape_cast %get3A_179 : vector<1x16xf32> to vector<16xf32>
        %get3A_181 = arith.index_cast %scan3A_176 : i32 to index
        %get3A_182 = arith.constant 0 : index
        %get3A_183 = tpu.vector_load %arg10[%get3A_181, %get3A_182] {strides = array<i32>} : memref<80x128xf32, #tpu.memory_space<vmem>>, vector<1x16xf32>,
        %get3A_184 = vector.shape_cast %get3A_183 : vector<1x16xf32> to vector<16xf32>
        %mul3A_185 = arith.mulf %get3A_180, %get3A_184 : vector<16xf32>
        %swap3A = arith.index_cast %scan3A_176 : i32 to index
        %swap3A_186 = arith.constant 0 : index
        %swap3A_187 = tpu.vector_load %arg9[%swap3A, %swap3A_186] {strides = array<i32>} : memref<80x128xf32, #tpu.memory_space<vmem>>, vector<1x16xf32>,
        %swap3A_188 = vector.shape_cast %swap3A_187 : vector<1x16xf32> to vector<16xf32>
        %swap3A_189 = vector.shape_cast %mul3A_185 : vector<16xf32> to vector<1x16xf32>
        tpu.vector_store %arg9[%swap3A, %swap3A_186], %swap3A_189 {strides = array<i32>} : memref<80x128xf32, #tpu.memory_space<vmem>>, vector<1x16xf32>,
        %get3A_190 = arith.index_cast %scan3A_176 : i32 to index
        %get3A_191 = arith.constant 16 : index
        %get3A_192 = tpu.vector_load %arg9[%get3A_190, %get3A_191] {strides = array<i32>} : memref<80x128xf32, #tpu.memory_space<vmem>>, vector<1x16xf32>,
        %get3A_193 = vector.shape_cast %get3A_192 : vector<1x16xf32> to vector<16xf32>
        %get3A_194 = arith.index_cast %scan3A_176 : i32 to index
        %get3A_195 = arith.constant 16 : index
        %get3A_196 = tpu.vector_load %arg10[%get3A_194, %get3A_195] {strides = array<i32>} : memref<80x128xf32, #tpu.memory_space<vmem>>, vector<1x16xf32>,
        %get3A_197 = vector.shape_cast %get3A_196 : vector<1x16xf32> to vector<16xf32>
        %mul3A_198 = arith.mulf %get3A_193, %get3A_197 : vector<16xf32>
        %swap3A_199 = arith.index_cast %scan3A_176 : i32 to index
        %swap3A_200 = arith.constant 16 : index
        %swap3A_201 = tpu.vector_load %arg9[%swap3A_199, %swap3A_200] {strides = array<i32>} : memref<80x128xf32, #tpu.memory_space<vmem>>, vector<1x16xf32>,
        %swap3A_202 = vector.shape_cast %swap3A_201 : vector<1x16xf32> to vector<16xf32>
        %swap3A_203 = vector.shape_cast %mul3A_198 : vector<16xf32> to vector<1x16xf32>
        tpu.vector_store %arg9[%swap3A_199, %swap3A_200], %swap3A_203 {strides = array<i32>} : memref<80x128xf32, #tpu.memory_space<vmem>>, vector<1x16xf32>,
        %get3A_204 = arith.index_cast %scan3A_176 : i32 to index
        %get3A_205 = arith.constant 32 : index
        %get3A_206 = tpu.vector_load %arg9[%get3A_204, %get3A_205] {strides = array<i32>} : memref<80x128xf32, #tpu.memory_space<vmem>>, vector<1x16xf32>,
        %get3A_207 = vector.shape_cast %get3A_206 : vector<1x16xf32> to vector<16xf32>
        %get3A_208 = arith.index_cast %scan3A_176 : i32 to index
        %get3A_209 = arith.constant 32 : index
        %get3A_210 = tpu.vector_load %arg10[%get3A_208, %get3A_209] {strides = array<i32>} : memref<80x128xf32, #tpu.memory_space<vmem>>, vector<1x16xf32>,
        %get3A_211 = vector.shape_cast %get3A_210 : vector<1x16xf32> to vector<16xf32>
        %mul3A_212 = arith.mulf %get3A_207, %get3A_211 : vector<16xf32>
        %swap3A_213 = arith.index_cast %scan3A_176 : i32 to index
        %swap3A_214 = arith.constant 32 : index
        %swap3A_215 = tpu.vector_load %arg9[%swap3A_213, %swap3A_214] {strides = array<i32>} : memref<80x128xf32, #tpu.memory_space<vmem>>, vector<1x16xf32>,
        %swap3A_216 = vector.shape_cast %swap3A_215 : vector<1x16xf32> to vector<16xf32>
        %swap3A_217 = vector.shape_cast %mul3A_212 : vector<16xf32> to vector<1x16xf32>
        tpu.vector_store %arg9[%swap3A_213, %swap3A_214], %swap3A_217 {strides = array<i32>} : memref<80x128xf32, #tpu.memory_space<vmem>>, vector<1x16xf32>,
        %get3A_218 = arith.index_cast %scan3A_176 : i32 to index
        %get3A_219 = arith.constant 48 : index
        %get3A_220 = tpu.vector_load %arg9[%get3A_218, %get3A_219] {strides = array<i32>} : memref<80x128xf32, #tpu.memory_space<vmem>>, vector<1x16xf32>,
        %get3A_221 = vector.shape_cast %get3A_220 : vector<1x16xf32> to vector<16xf32>
        %get3A_222 = arith.index_cast %scan3A_176 : i32 to index
        %get3A_223 = arith.constant 48 : index
        %get3A_224 = tpu.vector_load %arg10[%get3A_222, %get3A_223] {strides = array<i32>} : memref<80x128xf32, #tpu.memory_space<vmem>>, vector<1x16xf32>,
        %get3A_225 = vector.shape_cast %get3A_224 : vector<1x16xf32> to vector<16xf32>
        %mul3A_226 = arith.mulf %get3A_221, %get3A_225 : vector<16xf32>
        %swap3A_227 = arith.index_cast %scan3A_176 : i32 to index
        %swap3A_228 = arith.constant 48 : index
        %swap3A_229 = tpu.vector_load %arg9[%swap3A_227, %swap3A_228] {strides = array<i32>} : memref<80x128xf32, #tpu.memory_space<vmem>>, vector<1x16xf32>,
        %swap3A_230 = vector.shape_cast %swap3A_229 : vector<1x16xf32> to vector<16xf32>
        %swap3A_231 = vector.shape_cast %mul3A_226 : vector<16xf32> to vector<1x16xf32>
        tpu.vector_store %arg9[%swap3A_227, %swap3A_228], %swap3A_231 {strides = array<i32>} : memref<80x128xf32, #tpu.memory_space<vmem>>, vector<1x16xf32>,
        %get3A_232 = arith.index_cast %scan3A_176 : i32 to index
        %get3A_233 = arith.constant 64 : index
        %get3A_234 = tpu.vector_load %arg9[%get3A_232, %get3A_233] {strides = array<i32>} : memref<80x128xf32, #tpu.memory_space<vmem>>, vector<1x16xf32>,
        %get3A_235 = vector.shape_cast %get3A_234 : vector<1x16xf32> to vector<16xf32>
        %get3A_236 = arith.index_cast %scan3A_176 : i32 to index
        %get3A_237 = arith.constant 64 : index
        %get3A_238 = tpu.vector_load %arg10[%get3A_236, %get3A_237] {strides = array<i32>} : memref<80x128xf32, #tpu.memory_space<vmem>>, vector<1x16xf32>,
        %get3A_239 = vector.shape_cast %get3A_238 : vector<1x16xf32> to vector<16xf32>
        %mul3A_240 = arith.mulf %get3A_235, %get3A_239 : vector<16xf32>
        %swap3A_241 = arith.index_cast %scan3A_176 : i32 to index
        %swap3A_242 = arith.constant 64 : index
        %swap3A_243 = tpu.vector_load %arg9[%swap3A_241, %swap3A_242] {strides = array<i32>} : memref<80x128xf32, #tpu.memory_space<vmem>>, vector<1x16xf32>,
        %swap3A_244 = vector.shape_cast %swap3A_243 : vector<1x16xf32> to vector<16xf32>
        %swap3A_245 = vector.shape_cast %mul3A_240 : vector<16xf32> to vector<1x16xf32>
        tpu.vector_store %arg9[%swap3A_241, %swap3A_242], %swap3A_245 {strides = array<i32>} : memref<80x128xf32, #tpu.memory_space<vmem>>, vector<1x16xf32>,
        %get3A_246 = arith.index_cast %scan3A_176 : i32 to index
        %get3A_247 = arith.constant 80 : index
        %get3A_248 = tpu.vector_load %arg9[%get3A_246, %get3A_247] {strides = array<i32>} : memref<80x128xf32, #tpu.memory_space<vmem>>, vector<1x16xf32>,
        %get3A_249 = vector.shape_cast %get3A_248 : vector<1x16xf32> to vector<16xf32>
        %get3A_250 = arith.index_cast %scan3A_176 : i32 to index
        %get3A_251 = arith.constant 80 : index
        %get3A_252 = tpu.vector_load %arg10[%get3A_250, %get3A_251] {strides = array<i32>} : memref<80x128xf32, #tpu.memory_space<vmem>>, vector<1x16xf32>,
        %get3A_253 = vector.shape_cast %get3A_252 : vector<1x16xf32> to vector<16xf32>
        %mul3A_254 = arith.mulf %get3A_249, %get3A_253 : vector<16xf32>
        %swap3A_255 = arith.index_cast %scan3A_176 : i32 to index
        %swap3A_256 = arith.constant 80 : index
        %swap3A_257 = tpu.vector_load %arg9[%swap3A_255, %swap3A_256] {strides = array<i32>} : memref<80x128xf32, #tpu.memory_space<vmem>>, vector<1x16xf32>,
        %swap3A_258 = vector.shape_cast %swap3A_257 : vector<1x16xf32> to vector<16xf32>
        %swap3A_259 = vector.shape_cast %mul3A_254 : vector<16xf32> to vector<1x16xf32>
        tpu.vector_store %arg9[%swap3A_255, %swap3A_256], %swap3A_259 {strides = array<i32>} : memref<80x128xf32, #tpu.memory_space<vmem>>, vector<1x16xf32>,
        %get3A_260 = arith.index_cast %scan3A_176 : i32 to index
        %get3A_261 = arith.constant 96 : index
        %get3A_262 = tpu.vector_load %arg9[%get3A_260, %get3A_261] {strides = array<i32>} : memref<80x128xf32, #tpu.memory_space<vmem>>, vector<1x16xf32>,
        %get3A_263 = vector.shape_cast %get3A_262 : vector<1x16xf32> to vector<16xf32>
        %get3A_264 = arith.index_cast %scan3A_176 : i32 to index
        %get3A_265 = arith.constant 96 : index
        %get3A_266 = tpu.vector_load %arg10[%get3A_264, %get3A_265] {strides = array<i32>} : memref<80x128xf32, #tpu.memory_space<vmem>>, vector<1x16xf32>,
        %get3A_267 = vector.shape_cast %get3A_266 : vector<1x16xf32> to vector<16xf32>
        %mul3A_268 = arith.mulf %get3A_263, %get3A_267 : vector<16xf32>
        %swap3A_269 = arith.index_cast %scan3A_176 : i32 to index
        %swap3A_270 = arith.constant 96 : index
        %swap3A_271 = tpu.vector_load %arg9[%swap3A_269, %swap3A_270] {strides = array<i32>} : memref<80x128xf32, #tpu.memory_space<vmem>>, vector<1x16xf32>,
        %swap3A_272 = vector.shape_cast %swap3A_271 : vector<1x16xf32> to vector<16xf32>
        %swap3A_273 = vector.shape_cast %mul3A_268 : vector<16xf32> to vector<1x16xf32>
        tpu.vector_store %arg9[%swap3A_269, %swap3A_270], %swap3A_273 {strides = array<i32>} : memref<80x128xf32, #tpu.memory_space<vmem>>, vector<1x16xf32>,
        %get3A_274 = arith.index_cast %scan3A_176 : i32 to index
        %get3A_275 = arith.constant 112 : index
        %get3A_276 = tpu.vector_load %arg9[%get3A_274, %get3A_275] {strides = array<i32>} : memref<80x128xf32, #tpu.memory_space<vmem>>, vector<1x16xf32>,
        %get3A_277 = vector.shape_cast %get3A_276 : vector<1x16xf32> to vector<16xf32>
        %get3A_278 = arith.index_cast %scan3A_176 : i32 to index
        %get3A_279 = arith.constant 112 : index
        %get3A_280 = tpu.vector_load %arg10[%get3A_278, %get3A_279] {strides = array<i32>} : memref<80x128xf32, #tpu.memory_space<vmem>>, vector<1x16xf32>,
        %get3A_281 = vector.shape_cast %get3A_280 : vector<1x16xf32> to vector<16xf32>
        %mul3A_282 = arith.mulf %get3A_277, %get3A_281 : vector<16xf32>
        %swap3A_283 = arith.index_cast %scan3A_176 : i32 to index
        %swap3A_284 = arith.constant 112 : index
        %swap3A_285 = tpu.vector_load %arg9[%swap3A_283, %swap3A_284] {strides = array<i32>} : memref<80x128xf32, #tpu.memory_space<vmem>>, vector<1x16xf32>,
        %swap3A_286 = vector.shape_cast %swap3A_285 : vector<1x16xf32> to vector<16xf32>
        %swap3A_287 = vector.shape_cast %mul3A_282 : vector<16xf32> to vector<1x16xf32>
        tpu.vector_store %arg9[%swap3A_283, %swap3A_284], %swap3A_287 {strides = array<i32>} : memref<80x128xf32, #tpu.memory_space<vmem>>, vector<1x16xf32>,
        %scan3A_288 = arith.constant 0 : i32
        scf.yield %scan3A_288 : i32
      }
      %scan3A_136 = arith.constant 80 : i32
      %dma_start3A_137 = arith.constant 0 : i32
      %dma_start3A_138 = arith.constant 0 : i32
      %dma_start3A_139 = tpu.memref_slice %arg15[%dma_start3A_137, %dma_start3A_138] : memref<10240x128xf32, #tpu.memory_space<vmem_shared>> -> memref<10240x128xf32, #tpu.memory_space<vmem_shared>>
      tpu.enqueue_indirect_dma source(%arg9 : memref<80x128xf32, #tpu.memory_space<vmem>>) target(%dma_start3A_139 : memref<10240x128xf32, #tpu.memory_space<vmem_shared>>) offsets(%arg8 : memref<80xi32, #tpu.memory_space<vmem>>) semaphore(%arg18 : memref<!tpu.dma_semaphore, #tpu.memory_space<semaphore_mem>>) {add = true}
      %add3A_140 = arith.constant 2 : i32
      %add3A_141 = arith.addi %mul3A_117, %add3A_140 : i32
      %lt3A = arith.constant 125 : i32
      %lt3A_142 = arith.cmpi slt, %add3A_141, %lt3A : i32
      %convert_element_type3A = arith.extui %lt3A_142 : i1 to i32
      %cond3A = arith.constant 0 : i32
      %cond3A_143 = arith.cmpi ne, %convert_element_type3A, %cond3A : i32
      scf.if %cond3A_143 {
        %add3A_176 = arith.constant 2 : i32
        %add3A_177 = arith.addi %mul3A_117, %add3A_176 : i32
        %mul3A_178 = arith.constant 10000 : i32
        %mul3A_179 = arith.muli %add3A, %mul3A_178 : i32
        %mul3A_180 = arith.constant 80 : i32
        %mul3A_181 = arith.muli %add3A_177, %mul3A_180 : i32
        %add3A_182 = arith.addi %mul3A_179, %mul3A_181 : i32
        %dma_wait3A_183 = arith.constant 0 : i32
        %dma_wait3A_184 = arith.constant 0 : i32
        %dma_wait3A_185 = tpu.memref_slice %arg15[%dma_wait3A_183, %dma_wait3A_184] : memref<10240x128xf32, #tpu.memory_space<vmem_shared>> -> memref<10240x128xf32, #tpu.memory_space<vmem_shared>>
        tpu.wait_indirect_dma semaphore(%arg18 : memref<!tpu.dma_semaphore, #tpu.memory_space<semaphore_mem>>) src(%arg9 : memref<80x128xf32, #tpu.memory_space<vmem>>) dst(%dma_wait3A_185 : memref<10240x128xf32, #tpu.memory_space<vmem_shared>>)
        "tpu.region"() ({
          %run_scoped3A = tpu.sem_alloc : memref<!tpu.dma_semaphore, #tpu.memory_space<semaphore_mem>>
          %dma_start3A_193 = tpu.memref_slice %arg4[%add3A_182] : memref<320000xi32, #tpu.memory_space<hbm>> -> memref<80xi32, #tpu.memory_space<hbm>>
          %dma_start3A_194 = tpu.memref_slice %arg4[%add3A_182] : memref<320000xi32, #tpu.memory_space<hbm>> -> memref<80xi32, #tpu.memory_space<hbm>>
          tpu.enqueue_dma source(%dma_start3A_194 : memref<80xi32, #tpu.memory_space<hbm>>) target(%arg7 : memref<80xi32, #tpu.memory_space<vmem>>) target_semaphore(%run_scoped3A : memref<!tpu.dma_semaphore, #tpu.memory_space<semaphore_mem>>)
          %dma_wait3A_195 = tpu.memref_slice %arg4[%add3A_182] : memref<320000xi32, #tpu.memory_space<hbm>> -> memref<80xi32, #tpu.memory_space<hbm>>
          %dma_wait3A_196 = tpu.memref_slice %arg4[%add3A_182] : memref<320000xi32, #tpu.memory_space<hbm>> -> memref<80xi32, #tpu.memory_space<hbm>>
          tpu.wait_dma2 semaphore(%run_scoped3A : memref<!tpu.dma_semaphore, #tpu.memory_space<semaphore_mem>>) src(%dma_wait3A_196 : memref<80xi32, #tpu.memory_space<hbm>>) dst(%arg7 : memref<80xi32, #tpu.memory_space<vmem>>)
          tpu.yield
        }) : () -> ()
        "tpu.region"() ({
          %run_scoped3A = tpu.sem_alloc : memref<!tpu.dma_semaphore, #tpu.memory_space<semaphore_mem>>
          %dma_start3A_193 = tpu.memref_slice %arg5[%add3A_182] : memref<320000xi32, #tpu.memory_space<hbm>> -> memref<80xi32, #tpu.memory_space<hbm>>
          %dma_start3A_194 = tpu.memref_slice %arg5[%add3A_182] : memref<320000xi32, #tpu.memory_space<hbm>> -> memref<80xi32, #tpu.memory_space<hbm>>
          tpu.enqueue_dma source(%dma_start3A_194 : memref<80xi32, #tpu.memory_space<hbm>>) target(%arg8 : memref<80xi32, #tpu.memory_space<vmem>>) target_semaphore(%run_scoped3A : memref<!tpu.dma_semaphore, #tpu.memory_space<semaphore_mem>>)
          %dma_wait3A_195 = tpu.memref_slice %arg5[%add3A_182] : memref<320000xi32, #tpu.memory_space<hbm>> -> memref<80xi32, #tpu.memory_space<hbm>>
          %dma_wait3A_196 = tpu.memref_slice %arg5[%add3A_182] : memref<320000xi32, #tpu.memory_space<hbm>> -> memref<80xi32, #tpu.memory_space<hbm>>
          tpu.wait_dma2 semaphore(%run_scoped3A : memref<!tpu.dma_semaphore, #tpu.memory_space<semaphore_mem>>) src(%dma_wait3A_196 : memref<80xi32, #tpu.memory_space<hbm>>) dst(%arg8 : memref<80xi32, #tpu.memory_space<vmem>>)
          tpu.yield
        }) : () -> ()
        %dma_start3A_186 = arith.constant 0 : i32
        %dma_start3A_187 = arith.constant 0 : i32
        %dma_start3A_188 = tpu.memref_slice %arg2[%dma_start3A_186, %dma_start3A_187] : memref<10240x128xf32, #tpu.memory_space<hbm>> -> memref<10240x128xf32, #tpu.memory_space<hbm>>
        tpu.enqueue_indirect_dma source(%dma_start3A_188 : memref<10240x128xf32, #tpu.memory_space<hbm>>) target(%arg9 : memref<80x128xf32, #tpu.memory_space<vmem>>) offsets(%arg7 : memref<80xi32, #tpu.memory_space<vmem>>) semaphore(%arg16 : memref<!tpu.dma_semaphore, #tpu.memory_space<semaphore_mem>>)
        %dma_start3A_189 = arith.constant 0 : i32
        %dma_start3A_190 = tpu.memref_slice %arg3[%add3A_182, %dma_start3A_189] : memref<320000x128xf32, #tpu.memory_space<hbm>> -> memref<80x128xf32, #tpu.memory_space<hbm>>
        %dma_start3A_191 = arith.constant 0 : i32
        %dma_start3A_192 = tpu.memref_slice %arg3[%add3A_182, %dma_start3A_191] : memref<320000x128xf32, #tpu.memory_space<hbm>> -> memref<80x128xf32, #tpu.memory_space<hbm>>
        tpu.enqueue_dma source(%dma_start3A_192 : memref<80x128xf32, #tpu.memory_space<hbm>>) target(%arg10 : memref<80x128xf32, #tpu.memory_space<vmem>>) target_semaphore(%arg17 : memref<!tpu.dma_semaphore, #tpu.memory_space<semaphore_mem>>)
      } else {
      }
      %add3A_144 = arith.constant 1 : i32
      %add3A_145 = arith.addi %mul3A_117, %add3A_144 : i32
      %mul3A_146 = arith.constant 10000 : i32
      %mul3A_147 = arith.muli %add3A, %mul3A_146 : i32
      %mul3A_148 = arith.constant 80 : i32
      %mul3A_149 = arith.muli %add3A_145, %mul3A_148 : i32
      %add3A_150 = arith.addi %mul3A_147, %mul3A_149 : i32
      %dma_wait3A_151 = arith.constant 0 : i32
      %dma_wait3A_152 = arith.constant 0 : i32
      %dma_wait3A_153 = tpu.memref_slice %arg2[%dma_wait3A_151, %dma_wait3A_152] : memref<10240x128xf32, #tpu.memory_space<hbm>> -> memref<10240x128xf32, #tpu.memory_space<hbm>>
      tpu.wait_indirect_dma semaphore(%arg19 : memref<!tpu.dma_semaphore, #tpu.memory_space<semaphore_mem>>) src(%dma_wait3A_153 : memref<10240x128xf32, #tpu.memory_space<hbm>>) dst(%arg13 : memref<80x128xf32, #tpu.memory_space<vmem>>)
      %dma_wait3A_154 = arith.constant 0 : i32
      %dma_wait3A_155 = tpu.memref_slice %arg3[%add3A_150, %dma_wait3A_154] : memref<320000x128xf32, #tpu.memory_space<hbm>> -> memref<80x128xf32, #tpu.memory_space<hbm>>
      %dma_wait3A_156 = arith.constant 0 : i32
      %dma_wait3A_157 = tpu.memref_slice %arg3[%add3A_150, %dma_wait3A_156] : memref<320000x128xf32, #tpu.memory_space<hbm>> -> memref<80x128xf32, #tpu.memory_space<hbm>>
      tpu.wait_dma2 semaphore(%arg20 : memref<!tpu.dma_semaphore, #tpu.memory_space<semaphore_mem>>) src(%dma_wait3A_157 : memref<80x128xf32, #tpu.memory_space<hbm>>) dst(%arg14 : memref<80x128xf32, #tpu.memory_space<vmem>>)
      %scan3A_158 = arith.constant 0 : i32
      %scan3A_159 = arith.constant 0 : i32
      %scan3A_160 = arith.constant 80 : i32
      %scan3A_161 = arith.addi %scan3A_159, %scan3A_160 : i32
      %scan3A_162 = arith.constant 1 : i32
      %scan3A_163 = scf.for %scan3A_176 = %scan3A_159 to %scan3A_161 step %scan3A_162 iter_args(%scan3A_177 = %scan3A_158) -> (i32)  : i32 {
        %get3A = arith.index_cast %scan3A_176 : i32 to index
        %get3A_178 = arith.constant 0 : index
        %get3A_179 = tpu.vector_load %arg13[%get3A, %get3A_178] {strides = array<i32>} : memref<80x128xf32, #tpu.memory_space<vmem>>, vector<1x16xf32>,
        %get3A_180 = vector.shape_cast %get3A_179 : vector<1x16xf32> to vector<16xf32>
        %get3A_181 = arith.index_cast %scan3A_176 : i32 to index
        %get3A_182 = arith.constant 0 : index
        %get3A_183 = tpu.vector_load %arg14[%get3A_181, %get3A_182] {strides = array<i32>} : memref<80x128xf32, #tpu.memory_space<vmem>>, vector<1x16xf32>,
        %get3A_184 = vector.shape_cast %get3A_183 : vector<1x16xf32> to vector<16xf32>
        %mul3A_185 = arith.mulf %get3A_180, %get3A_184 : vector<16xf32>
        %swap3A = arith.index_cast %scan3A_176 : i32 to index
        %swap3A_186 = arith.constant 0 : index
        %swap3A_187 = tpu.vector_load %arg13[%swap3A, %swap3A_186] {strides = array<i32>} : memref<80x128xf32, #tpu.memory_space<vmem>>, vector<1x16xf32>,
        %swap3A_188 = vector.shape_cast %swap3A_187 : vector<1x16xf32> to vector<16xf32>
        %swap3A_189 = vector.shape_cast %mul3A_185 : vector<16xf32> to vector<1x16xf32>
        tpu.vector_store %arg13[%swap3A, %swap3A_186], %swap3A_189 {strides = array<i32>} : memref<80x128xf32, #tpu.memory_space<vmem>>, vector<1x16xf32>,
        %get3A_190 = arith.index_cast %scan3A_176 : i32 to index
        %get3A_191 = arith.constant 16 : index
        %get3A_192 = tpu.vector_load %arg13[%get3A_190, %get3A_191] {strides = array<i32>} : memref<80x128xf32, #tpu.memory_space<vmem>>, vector<1x16xf32>,
        %get3A_193 = vector.shape_cast %get3A_192 : vector<1x16xf32> to vector<16xf32>
        %get3A_194 = arith.index_cast %scan3A_176 : i32 to index
        %get3A_195 = arith.constant 16 : index
        %get3A_196 = tpu.vector_load %arg14[%get3A_194, %get3A_195] {strides = array<i32>} : memref<80x128xf32, #tpu.memory_space<vmem>>, vector<1x16xf32>,
        %get3A_197 = vector.shape_cast %get3A_196 : vector<1x16xf32> to vector<16xf32>
        %mul3A_198 = arith.mulf %get3A_193, %get3A_197 : vector<16xf32>
        %swap3A_199 = arith.index_cast %scan3A_176 : i32 to index
        %swap3A_200 = arith.constant 16 : index
        %swap3A_201 = tpu.vector_load %arg13[%swap3A_199, %swap3A_200] {strides = array<i32>} : memref<80x128xf32, #tpu.memory_space<vmem>>, vector<1x16xf32>,
        %swap3A_202 = vector.shape_cast %swap3A_201 : vector<1x16xf32> to vector<16xf32>
        %swap3A_203 = vector.shape_cast %mul3A_198 : vector<16xf32> to vector<1x16xf32>
        tpu.vector_store %arg13[%swap3A_199, %swap3A_200], %swap3A_203 {strides = array<i32>} : memref<80x128xf32, #tpu.memory_space<vmem>>, vector<1x16xf32>,
        %get3A_204 = arith.index_cast %scan3A_176 : i32 to index
        %get3A_205 = arith.constant 32 : index
        %get3A_206 = tpu.vector_load %arg13[%get3A_204, %get3A_205] {strides = array<i32>} : memref<80x128xf32, #tpu.memory_space<vmem>>, vector<1x16xf32>,
        %get3A_207 = vector.shape_cast %get3A_206 : vector<1x16xf32> to vector<16xf32>
        %get3A_208 = arith.index_cast %scan3A_176 : i32 to index
        %get3A_209 = arith.constant 32 : index
        %get3A_210 = tpu.vector_load %arg14[%get3A_208, %get3A_209] {strides = array<i32>} : memref<80x128xf32, #tpu.memory_space<vmem>>, vector<1x16xf32>,
        %get3A_211 = vector.shape_cast %get3A_210 : vector<1x16xf32> to vector<16xf32>
        %mul3A_212 = arith.mulf %get3A_207, %get3A_211 : vector<16xf32>
        %swap3A_213 = arith.index_cast %scan3A_176 : i32 to index
        %swap3A_214 = arith.constant 32 : index
        %swap3A_215 = tpu.vector_load %arg13[%swap3A_213, %swap3A_214] {strides = array<i32>} : memref<80x128xf32, #tpu.memory_space<vmem>>, vector<1x16xf32>,
        %swap3A_216 = vector.shape_cast %swap3A_215 : vector<1x16xf32> to vector<16xf32>
        %swap3A_217 = vector.shape_cast %mul3A_212 : vector<16xf32> to vector<1x16xf32>
        tpu.vector_store %arg13[%swap3A_213, %swap3A_214], %swap3A_217 {strides = array<i32>} : memref<80x128xf32, #tpu.memory_space<vmem>>, vector<1x16xf32>,
        %get3A_218 = arith.index_cast %scan3A_176 : i32 to index
        %get3A_219 = arith.constant 48 : index
        %get3A_220 = tpu.vector_load %arg13[%get3A_218, %get3A_219] {strides = array<i32>} : memref<80x128xf32, #tpu.memory_space<vmem>>, vector<1x16xf32>,
        %get3A_221 = vector.shape_cast %get3A_220 : vector<1x16xf32> to vector<16xf32>
        %get3A_222 = arith.index_cast %scan3A_176 : i32 to index
        %get3A_223 = arith.constant 48 : index
        %get3A_224 = tpu.vector_load %arg14[%get3A_222, %get3A_223] {strides = array<i32>} : memref<80x128xf32, #tpu.memory_space<vmem>>, vector<1x16xf32>,
        %get3A_225 = vector.shape_cast %get3A_224 : vector<1x16xf32> to vector<16xf32>
        %mul3A_226 = arith.mulf %get3A_221, %get3A_225 : vector<16xf32>
        %swap3A_227 = arith.index_cast %scan3A_176 : i32 to index
        %swap3A_228 = arith.constant 48 : index
        %swap3A_229 = tpu.vector_load %arg13[%swap3A_227, %swap3A_228] {strides = array<i32>} : memref<80x128xf32, #tpu.memory_space<vmem>>, vector<1x16xf32>,
        %swap3A_230 = vector.shape_cast %swap3A_229 : vector<1x16xf32> to vector<16xf32>
        %swap3A_231 = vector.shape_cast %mul3A_226 : vector<16xf32> to vector<1x16xf32>
        tpu.vector_store %arg13[%swap3A_227, %swap3A_228], %swap3A_231 {strides = array<i32>} : memref<80x128xf32, #tpu.memory_space<vmem>>, vector<1x16xf32>,
        %get3A_232 = arith.index_cast %scan3A_176 : i32 to index
        %get3A_233 = arith.constant 64 : index
        %get3A_234 = tpu.vector_load %arg13[%get3A_232, %get3A_233] {strides = array<i32>} : memref<80x128xf32, #tpu.memory_space<vmem>>, vector<1x16xf32>,
        %get3A_235 = vector.shape_cast %get3A_234 : vector<1x16xf32> to vector<16xf32>
        %get3A_236 = arith.index_cast %scan3A_176 : i32 to index
        %get3A_237 = arith.constant 64 : index
        %get3A_238 = tpu.vector_load %arg14[%get3A_236, %get3A_237] {strides = array<i32>} : memref<80x128xf32, #tpu.memory_space<vmem>>, vector<1x16xf32>,
        %get3A_239 = vector.shape_cast %get3A_238 : vector<1x16xf32> to vector<16xf32>
        %mul3A_240 = arith.mulf %get3A_235, %get3A_239 : vector<16xf32>
        %swap3A_241 = arith.index_cast %scan3A_176 : i32 to index
        %swap3A_242 = arith.constant 64 : index
        %swap3A_243 = tpu.vector_load %arg13[%swap3A_241, %swap3A_242] {strides = array<i32>} : memref<80x128xf32, #tpu.memory_space<vmem>>, vector<1x16xf32>,
        %swap3A_244 = vector.shape_cast %swap3A_243 : vector<1x16xf32> to vector<16xf32>
        %swap3A_245 = vector.shape_cast %mul3A_240 : vector<16xf32> to vector<1x16xf32>
        tpu.vector_store %arg13[%swap3A_241, %swap3A_242], %swap3A_245 {strides = array<i32>} : memref<80x128xf32, #tpu.memory_space<vmem>>, vector<1x16xf32>,
        %get3A_246 = arith.index_cast %scan3A_176 : i32 to index
        %get3A_247 = arith.constant 80 : index
        %get3A_248 = tpu.vector_load %arg13[%get3A_246, %get3A_247] {strides = array<i32>} : memref<80x128xf32, #tpu.memory_space<vmem>>, vector<1x16xf32>,
        %get3A_249 = vector.shape_cast %get3A_248 : vector<1x16xf32> to vector<16xf32>
        %get3A_250 = arith.index_cast %scan3A_176 : i32 to index
        %get3A_251 = arith.constant 80 : index
        %get3A_252 = tpu.vector_load %arg14[%get3A_250, %get3A_251] {strides = array<i32>} : memref<80x128xf32, #tpu.memory_space<vmem>>, vector<1x16xf32>,
        %get3A_253 = vector.shape_cast %get3A_252 : vector<1x16xf32> to vector<16xf32>
        %mul3A_254 = arith.mulf %get3A_249, %get3A_253 : vector<16xf32>
        %swap3A_255 = arith.index_cast %scan3A_176 : i32 to index
        %swap3A_256 = arith.constant 80 : index
        %swap3A_257 = tpu.vector_load %arg13[%swap3A_255, %swap3A_256] {strides = array<i32>} : memref<80x128xf32, #tpu.memory_space<vmem>>, vector<1x16xf32>,
        %swap3A_258 = vector.shape_cast %swap3A_257 : vector<1x16xf32> to vector<16xf32>
        %swap3A_259 = vector.shape_cast %mul3A_254 : vector<16xf32> to vector<1x16xf32>
        tpu.vector_store %arg13[%swap3A_255, %swap3A_256], %swap3A_259 {strides = array<i32>} : memref<80x128xf32, #tpu.memory_space<vmem>>, vector<1x16xf32>,
        %get3A_260 = arith.index_cast %scan3A_176 : i32 to index
        %get3A_261 = arith.constant 96 : index
        %get3A_262 = tpu.vector_load %arg13[%get3A_260, %get3A_261] {strides = array<i32>} : memref<80x128xf32, #tpu.memory_space<vmem>>, vector<1x16xf32>,
        %get3A_263 = vector.shape_cast %get3A_262 : vector<1x16xf32> to vector<16xf32>
        %get3A_264 = arith.index_cast %scan3A_176 : i32 to index
        %get3A_265 = arith.constant 96 : index
        %get3A_266 = tpu.vector_load %arg14[%get3A_264, %get3A_265] {strides = array<i32>} : memref<80x128xf32, #tpu.memory_space<vmem>>, vector<1x16xf32>,
        %get3A_267 = vector.shape_cast %get3A_266 : vector<1x16xf32> to vector<16xf32>
        %mul3A_268 = arith.mulf %get3A_263, %get3A_267 : vector<16xf32>
        %swap3A_269 = arith.index_cast %scan3A_176 : i32 to index
        %swap3A_270 = arith.constant 96 : index
        %swap3A_271 = tpu.vector_load %arg13[%swap3A_269, %swap3A_270] {strides = array<i32>} : memref<80x128xf32, #tpu.memory_space<vmem>>, vector<1x16xf32>,
        %swap3A_272 = vector.shape_cast %swap3A_271 : vector<1x16xf32> to vector<16xf32>
        %swap3A_273 = vector.shape_cast %mul3A_268 : vector<16xf32> to vector<1x16xf32>
        tpu.vector_store %arg13[%swap3A_269, %swap3A_270], %swap3A_273 {strides = array<i32>} : memref<80x128xf32, #tpu.memory_space<vmem>>, vector<1x16xf32>,
        %get3A_274 = arith.index_cast %scan3A_176 : i32 to index
        %get3A_275 = arith.constant 112 : index
        %get3A_276 = tpu.vector_load %arg13[%get3A_274, %get3A_275] {strides = array<i32>} : memref<80x128xf32, #tpu.memory_space<vmem>>, vector<1x16xf32>,
        %get3A_277 = vector.shape_cast %get3A_276 : vector<1x16xf32> to vector<16xf32>
        %get3A_278 = arith.index_cast %scan3A_176 : i32 to index
        %get3A_279 = arith.constant 112 : index
        %get3A_280 = tpu.vector_load %arg14[%get3A_278, %get3A_279] {strides = array<i32>} : memref<80x128xf32, #tpu.memory_space<vmem>>, vector<1x16xf32>,
        %get3A_281 = vector.shape_cast %get3A_280 : vector<1x16xf32> to vector<16xf32>
        %mul3A_282 = arith.mulf %get3A_277, %get3A_281 : vector<16xf32>
        %swap3A_283 = arith.index_cast %scan3A_176 : i32 to index
        %swap3A_284 = arith.constant 112 : index
        %swap3A_285 = tpu.vector_load %arg13[%swap3A_283, %swap3A_284] {strides = array<i32>} : memref<80x128xf32, #tpu.memory_space<vmem>>, vector<1x16xf32>,
        %swap3A_286 = vector.shape_cast %swap3A_285 : vector<1x16xf32> to vector<16xf32>
        %swap3A_287 = vector.shape_cast %mul3A_282 : vector<16xf32> to vector<1x16xf32>
        tpu.vector_store %arg13[%swap3A_283, %swap3A_284], %swap3A_287 {strides = array<i32>} : memref<80x128xf32, #tpu.memory_space<vmem>>, vector<1x16xf32>,
        %scan3A_288 = arith.constant 0 : i32
        scf.yield %scan3A_288 : i32
      }
      %scan3A_164 = arith.constant 80 : i32
      %dma_start3A_165 = arith.constant 0 : i32
      %dma_start3A_166 = arith.constant 0 : i32
      %dma_start3A_167 = tpu.memref_slice %arg15[%dma_start3A_165, %dma_start3A_166] : memref<10240x128xf32, #tpu.memory_space<vmem_shared>> -> memref<10240x128xf32, #tpu.memory_space<vmem_shared>>
      tpu.enqueue_indirect_dma source(%arg13 : memref<80x128xf32, #tpu.memory_space<vmem>>) target(%dma_start3A_167 : memref<10240x128xf32, #tpu.memory_space<vmem_shared>>) offsets(%arg12 : memref<80xi32, #tpu.memory_space<vmem>>) semaphore(%arg21 : memref<!tpu.dma_semaphore, #tpu.memory_space<semaphore_mem>>) {add = true}
      %add3A_168 = arith.constant 3 : i32
      %add3A_169 = arith.addi %mul3A_117, %add3A_168 : i32
      %lt3A_170 = arith.constant 125 : i32
      %lt3A_171 = arith.cmpi slt, %add3A_169, %lt3A_170 : i32
      %convert_element_type3A_172 = arith.extui %lt3A_171 : i1 to i32
      %cond3A_173 = arith.constant 0 : i32
      %cond3A_174 = arith.cmpi ne, %convert_element_type3A_172, %cond3A_173 : i32
      scf.if %cond3A_174 {
        %add3A_176 = arith.constant 3 : i32
        %add3A_177 = arith.addi %mul3A_117, %add3A_176 : i32
        %mul3A_178 = arith.constant 10000 : i32
        %mul3A_179 = arith.muli %add3A, %mul3A_178 : i32
        %mul3A_180 = arith.constant 80 : i32
        %mul3A_181 = arith.muli %add3A_177, %mul3A_180 : i32
        %add3A_182 = arith.addi %mul3A_179, %mul3A_181 : i32
        %dma_wait3A_183 = arith.constant 0 : i32
        %dma_wait3A_184 = arith.constant 0 : i32
        %dma_wait3A_185 = tpu.memref_slice %arg15[%dma_wait3A_183, %dma_wait3A_184] : memref<10240x128xf32, #tpu.memory_space<vmem_shared>> -> memref<10240x128xf32, #tpu.memory_space<vmem_shared>>
        tpu.wait_indirect_dma semaphore(%arg21 : memref<!tpu.dma_semaphore, #tpu.memory_space<semaphore_mem>>) src(%arg13 : memref<80x128xf32, #tpu.memory_space<vmem>>) dst(%dma_wait3A_185 : memref<10240x128xf32, #tpu.memory_space<vmem_shared>>)
        "tpu.region"() ({
          %run_scoped3A = tpu.sem_alloc : memref<!tpu.dma_semaphore, #tpu.memory_space<semaphore_mem>>
          %dma_start3A_193 = tpu.memref_slice %arg4[%add3A_182] : memref<320000xi32, #tpu.memory_space<hbm>> -> memref<80xi32, #tpu.memory_space<hbm>>
          %dma_start3A_194 = tpu.memref_slice %arg4[%add3A_182] : memref<320000xi32, #tpu.memory_space<hbm>> -> memref<80xi32, #tpu.memory_space<hbm>>
          tpu.enqueue_dma source(%dma_start3A_194 : memref<80xi32, #tpu.memory_space<hbm>>) target(%arg11 : memref<80xi32, #tpu.memory_space<vmem>>) target_semaphore(%run_scoped3A : memref<!tpu.dma_semaphore, #tpu.memory_space<semaphore_mem>>)
          %dma_wait3A_195 = tpu.memref_slice %arg4[%add3A_182] : memref<320000xi32, #tpu.memory_space<hbm>> -> memref<80xi32, #tpu.memory_space<hbm>>
          %dma_wait3A_196 = tpu.memref_slice %arg4[%add3A_182] : memref<320000xi32, #tpu.memory_space<hbm>> -> memref<80xi32, #tpu.memory_space<hbm>>
          tpu.wait_dma2 semaphore(%run_scoped3A : memref<!tpu.dma_semaphore, #tpu.memory_space<semaphore_mem>>) src(%dma_wait3A_196 : memref<80xi32, #tpu.memory_space<hbm>>) dst(%arg11 : memref<80xi32, #tpu.memory_space<vmem>>)
          tpu.yield
        }) : () -> ()
        "tpu.region"() ({
          %run_scoped3A = tpu.sem_alloc : memref<!tpu.dma_semaphore, #tpu.memory_space<semaphore_mem>>
          %dma_start3A_193 = tpu.memref_slice %arg5[%add3A_182] : memref<320000xi32, #tpu.memory_space<hbm>> -> memref<80xi32, #tpu.memory_space<hbm>>
          %dma_start3A_194 = tpu.memref_slice %arg5[%add3A_182] : memref<320000xi32, #tpu.memory_space<hbm>> -> memref<80xi32, #tpu.memory_space<hbm>>
          tpu.enqueue_dma source(%dma_start3A_194 : memref<80xi32, #tpu.memory_space<hbm>>) target(%arg12 : memref<80xi32, #tpu.memory_space<vmem>>) target_semaphore(%run_scoped3A : memref<!tpu.dma_semaphore, #tpu.memory_space<semaphore_mem>>)
          %dma_wait3A_195 = tpu.memref_slice %arg5[%add3A_182] : memref<320000xi32, #tpu.memory_space<hbm>> -> memref<80xi32, #tpu.memory_space<hbm>>
          %dma_wait3A_196 = tpu.memref_slice %arg5[%add3A_182] : memref<320000xi32, #tpu.memory_space<hbm>> -> memref<80xi32, #tpu.memory_space<hbm>>
          tpu.wait_dma2 semaphore(%run_scoped3A : memref<!tpu.dma_semaphore, #tpu.memory_space<semaphore_mem>>) src(%dma_wait3A_196 : memref<80xi32, #tpu.memory_space<hbm>>) dst(%arg12 : memref<80xi32, #tpu.memory_space<vmem>>)
          tpu.yield
        }) : () -> ()
        %dma_start3A_186 = arith.constant 0 : i32
        %dma_start3A_187 = arith.constant 0 : i32
        %dma_start3A_188 = tpu.memref_slice %arg2[%dma_start3A_186, %dma_start3A_187] : memref<10240x128xf32, #tpu.memory_space<hbm>> -> memref<10240x128xf32, #tpu.memory_space<hbm>>
        tpu.enqueue_indirect_dma source(%dma_start3A_188 : memref<10240x128xf32, #tpu.memory_space<hbm>>) target(%arg13 : memref<80x128xf32, #tpu.memory_space<vmem>>) offsets(%arg11 : memref<80xi32, #tpu.memory_space<vmem>>) semaphore(%arg19 : memref<!tpu.dma_semaphore, #tpu.memory_space<semaphore_mem>>)
        %dma_start3A_189 = arith.constant 0 : i32
        %dma_start3A_190 = tpu.memref_slice %arg3[%add3A_182, %dma_start3A_189] : memref<320000x128xf32, #tpu.memory_space<hbm>> -> memref<80x128xf32, #tpu.memory_space<hbm>>
        %dma_start3A_191 = arith.constant 0 : i32
        %dma_start3A_192 = tpu.memref_slice %arg3[%add3A_182, %dma_start3A_191] : memref<320000x128xf32, #tpu.memory_space<hbm>> -> memref<80x128xf32, #tpu.memory_space<hbm>>
        tpu.enqueue_dma source(%dma_start3A_192 : memref<80x128xf32, #tpu.memory_space<hbm>>) target(%arg14 : memref<80x128xf32, #tpu.memory_space<vmem>>) target_semaphore(%arg20 : memref<!tpu.dma_semaphore, #tpu.memory_space<semaphore_mem>>)
      } else {
      }
      %scan3A_175 = arith.constant 0 : i32
      scf.yield %scan3A_175 : i32
    }
    %scan3A_66 = arith.constant 62 : i32
    %mul3A_67 = arith.constant 10000 : i32
    %mul3A_68 = arith.muli %add3A, %mul3A_67 : i32
    %add3A_69 = arith.constant 9920 : i32
    %add3A_70 = arith.addi %mul3A_68, %add3A_69 : i32
    %dma_wait3A = arith.constant 0 : i32
    %dma_wait3A_71 = arith.constant 0 : i32
    %dma_wait3A_72 = tpu.memref_slice %arg2[%dma_wait3A, %dma_wait3A_71] : memref<10240x128xf32, #tpu.memory_space<hbm>> -> memref<10240x128xf32, #tpu.memory_space<hbm>>
    tpu.wait_indirect_dma semaphore(%arg16 : memref<!tpu.dma_semaphore, #tpu.memory_space<semaphore_mem>>) src(%dma_wait3A_72 : memref<10240x128xf32, #tpu.memory_space<hbm>>) dst(%arg9 : memref<80x128xf32, #tpu.memory_space<vmem>>)
    %dma_wait3A_73 = arith.constant 0 : i32
    %dma_wait3A_74 = tpu.memref_slice %arg3[%add3A_70, %dma_wait3A_73] : memref<320000x128xf32, #tpu.memory_space<hbm>> -> memref<80x128xf32, #tpu.memory_space<hbm>>
    %dma_wait3A_75 = arith.constant 0 : i32
    %dma_wait3A_76 = tpu.memref_slice %arg3[%add3A_70, %dma_wait3A_75] : memref<320000x128xf32, #tpu.memory_space<hbm>> -> memref<80x128xf32, #tpu.memory_space<hbm>>
    tpu.wait_dma2 semaphore(%arg17 : memref<!tpu.dma_semaphore, #tpu.memory_space<semaphore_mem>>) src(%dma_wait3A_76 : memref<80x128xf32, #tpu.memory_space<hbm>>) dst(%arg10 : memref<80x128xf32, #tpu.memory_space<vmem>>)
    %scan3A_77 = arith.constant 0 : i32
    %scan3A_78 = arith.constant 0 : i32
    %scan3A_79 = arith.constant 80 : i32
    %scan3A_80 = arith.addi %scan3A_78, %scan3A_79 : i32
    %scan3A_81 = arith.constant 1 : i32
    %scan3A_82 = scf.for %scan3A_114 = %scan3A_78 to %scan3A_80 step %scan3A_81 iter_args(%scan3A_115 = %scan3A_77) -> (i32)  : i32 {
      %get3A = arith.index_cast %scan3A_114 : i32 to index
      %get3A_116 = arith.constant 0 : index
      %get3A_117 = tpu.vector_load %arg9[%get3A, %get3A_116] {strides = array<i32>} : memref<80x128xf32, #tpu.memory_space<vmem>>, vector<1x16xf32>,
      %get3A_118 = vector.shape_cast %get3A_117 : vector<1x16xf32> to vector<16xf32>
      %get3A_119 = arith.index_cast %scan3A_114 : i32 to index
      %get3A_120 = arith.constant 0 : index
      %get3A_121 = tpu.vector_load %arg10[%get3A_119, %get3A_120] {strides = array<i32>} : memref<80x128xf32, #tpu.memory_space<vmem>>, vector<1x16xf32>,
      %get3A_122 = vector.shape_cast %get3A_121 : vector<1x16xf32> to vector<16xf32>
      %mul3A_123 = arith.mulf %get3A_118, %get3A_122 : vector<16xf32>
      %swap3A = arith.index_cast %scan3A_114 : i32 to index
      %swap3A_124 = arith.constant 0 : index
      %swap3A_125 = tpu.vector_load %arg9[%swap3A, %swap3A_124] {strides = array<i32>} : memref<80x128xf32, #tpu.memory_space<vmem>>, vector<1x16xf32>,
      %swap3A_126 = vector.shape_cast %swap3A_125 : vector<1x16xf32> to vector<16xf32>
      %swap3A_127 = vector.shape_cast %mul3A_123 : vector<16xf32> to vector<1x16xf32>
      tpu.vector_store %arg9[%swap3A, %swap3A_124], %swap3A_127 {strides = array<i32>} : memref<80x128xf32, #tpu.memory_space<vmem>>, vector<1x16xf32>,
      %get3A_128 = arith.index_cast %scan3A_114 : i32 to index
      %get3A_129 = arith.constant 16 : index
      %get3A_130 = tpu.vector_load %arg9[%get3A_128, %get3A_129] {strides = array<i32>} : memref<80x128xf32, #tpu.memory_space<vmem>>, vector<1x16xf32>,
      %get3A_131 = vector.shape_cast %get3A_130 : vector<1x16xf32> to vector<16xf32>
      %get3A_132 = arith.index_cast %scan3A_114 : i32 to index
      %get3A_133 = arith.constant 16 : index
      %get3A_134 = tpu.vector_load %arg10[%get3A_132, %get3A_133] {strides = array<i32>} : memref<80x128xf32, #tpu.memory_space<vmem>>, vector<1x16xf32>,
      %get3A_135 = vector.shape_cast %get3A_134 : vector<1x16xf32> to vector<16xf32>
      %mul3A_136 = arith.mulf %get3A_131, %get3A_135 : vector<16xf32>
      %swap3A_137 = arith.index_cast %scan3A_114 : i32 to index
      %swap3A_138 = arith.constant 16 : index
      %swap3A_139 = tpu.vector_load %arg9[%swap3A_137, %swap3A_138] {strides = array<i32>} : memref<80x128xf32, #tpu.memory_space<vmem>>, vector<1x16xf32>,
      %swap3A_140 = vector.shape_cast %swap3A_139 : vector<1x16xf32> to vector<16xf32>
      %swap3A_141 = vector.shape_cast %mul3A_136 : vector<16xf32> to vector<1x16xf32>
      tpu.vector_store %arg9[%swap3A_137, %swap3A_138], %swap3A_141 {strides = array<i32>} : memref<80x128xf32, #tpu.memory_space<vmem>>, vector<1x16xf32>,
      %get3A_142 = arith.index_cast %scan3A_114 : i32 to index
      %get3A_143 = arith.constant 32 : index
      %get3A_144 = tpu.vector_load %arg9[%get3A_142, %get3A_143] {strides = array<i32>} : memref<80x128xf32, #tpu.memory_space<vmem>>, vector<1x16xf32>,
      %get3A_145 = vector.shape_cast %get3A_144 : vector<1x16xf32> to vector<16xf32>
      %get3A_146 = arith.index_cast %scan3A_114 : i32 to index
      %get3A_147 = arith.constant 32 : index
      %get3A_148 = tpu.vector_load %arg10[%get3A_146, %get3A_147] {strides = array<i32>} : memref<80x128xf32, #tpu.memory_space<vmem>>, vector<1x16xf32>,
      %get3A_149 = vector.shape_cast %get3A_148 : vector<1x16xf32> to vector<16xf32>
      %mul3A_150 = arith.mulf %get3A_145, %get3A_149 : vector<16xf32>
      %swap3A_151 = arith.index_cast %scan3A_114 : i32 to index
      %swap3A_152 = arith.constant 32 : index
      %swap3A_153 = tpu.vector_load %arg9[%swap3A_151, %swap3A_152] {strides = array<i32>} : memref<80x128xf32, #tpu.memory_space<vmem>>, vector<1x16xf32>,
      %swap3A_154 = vector.shape_cast %swap3A_153 : vector<1x16xf32> to vector<16xf32>
      %swap3A_155 = vector.shape_cast %mul3A_150 : vector<16xf32> to vector<1x16xf32>
      tpu.vector_store %arg9[%swap3A_151, %swap3A_152], %swap3A_155 {strides = array<i32>} : memref<80x128xf32, #tpu.memory_space<vmem>>, vector<1x16xf32>,
      %get3A_156 = arith.index_cast %scan3A_114 : i32 to index
      %get3A_157 = arith.constant 48 : index
      %get3A_158 = tpu.vector_load %arg9[%get3A_156, %get3A_157] {strides = array<i32>} : memref<80x128xf32, #tpu.memory_space<vmem>>, vector<1x16xf32>,
      %get3A_159 = vector.shape_cast %get3A_158 : vector<1x16xf32> to vector<16xf32>
      %get3A_160 = arith.index_cast %scan3A_114 : i32 to index
      %get3A_161 = arith.constant 48 : index
      %get3A_162 = tpu.vector_load %arg10[%get3A_160, %get3A_161] {strides = array<i32>} : memref<80x128xf32, #tpu.memory_space<vmem>>, vector<1x16xf32>,
      %get3A_163 = vector.shape_cast %get3A_162 : vector<1x16xf32> to vector<16xf32>
      %mul3A_164 = arith.mulf %get3A_159, %get3A_163 : vector<16xf32>
      %swap3A_165 = arith.index_cast %scan3A_114 : i32 to index
      %swap3A_166 = arith.constant 48 : index
      %swap3A_167 = tpu.vector_load %arg9[%swap3A_165, %swap3A_166] {strides = array<i32>} : memref<80x128xf32, #tpu.memory_space<vmem>>, vector<1x16xf32>,
      %swap3A_168 = vector.shape_cast %swap3A_167 : vector<1x16xf32> to vector<16xf32>
      %swap3A_169 = vector.shape_cast %mul3A_164 : vector<16xf32> to vector<1x16xf32>
      tpu.vector_store %arg9[%swap3A_165, %swap3A_166], %swap3A_169 {strides = array<i32>} : memref<80x128xf32, #tpu.memory_space<vmem>>, vector<1x16xf32>,
      %get3A_170 = arith.index_cast %scan3A_114 : i32 to index
      %get3A_171 = arith.constant 64 : index
      %get3A_172 = tpu.vector_load %arg9[%get3A_170, %get3A_171] {strides = array<i32>} : memref<80x128xf32, #tpu.memory_space<vmem>>, vector<1x16xf32>,
      %get3A_173 = vector.shape_cast %get3A_172 : vector<1x16xf32> to vector<16xf32>
      %get3A_174 = arith.index_cast %scan3A_114 : i32 to index
      %get3A_175 = arith.constant 64 : index
      %get3A_176 = tpu.vector_load %arg10[%get3A_174, %get3A_175] {strides = array<i32>} : memref<80x128xf32, #tpu.memory_space<vmem>>, vector<1x16xf32>,
      %get3A_177 = vector.shape_cast %get3A_176 : vector<1x16xf32> to vector<16xf32>
      %mul3A_178 = arith.mulf %get3A_173, %get3A_177 : vector<16xf32>
      %swap3A_179 = arith.index_cast %scan3A_114 : i32 to index
      %swap3A_180 = arith.constant 64 : index
      %swap3A_181 = tpu.vector_load %arg9[%swap3A_179, %swap3A_180] {strides = array<i32>} : memref<80x128xf32, #tpu.memory_space<vmem>>, vector<1x16xf32>,
      %swap3A_182 = vector.shape_cast %swap3A_181 : vector<1x16xf32> to vector<16xf32>
      %swap3A_183 = vector.shape_cast %mul3A_178 : vector<16xf32> to vector<1x16xf32>
      tpu.vector_store %arg9[%swap3A_179, %swap3A_180], %swap3A_183 {strides = array<i32>} : memref<80x128xf32, #tpu.memory_space<vmem>>, vector<1x16xf32>,
      %get3A_184 = arith.index_cast %scan3A_114 : i32 to index
      %get3A_185 = arith.constant 80 : index
      %get3A_186 = tpu.vector_load %arg9[%get3A_184, %get3A_185] {strides = array<i32>} : memref<80x128xf32, #tpu.memory_space<vmem>>, vector<1x16xf32>,
      %get3A_187 = vector.shape_cast %get3A_186 : vector<1x16xf32> to vector<16xf32>
      %get3A_188 = arith.index_cast %scan3A_114 : i32 to index
      %get3A_189 = arith.constant 80 : index
      %get3A_190 = tpu.vector_load %arg10[%get3A_188, %get3A_189] {strides = array<i32>} : memref<80x128xf32, #tpu.memory_space<vmem>>, vector<1x16xf32>,
      %get3A_191 = vector.shape_cast %get3A_190 : vector<1x16xf32> to vector<16xf32>
      %mul3A_192 = arith.mulf %get3A_187, %get3A_191 : vector<16xf32>
      %swap3A_193 = arith.index_cast %scan3A_114 : i32 to index
      %swap3A_194 = arith.constant 80 : index
      %swap3A_195 = tpu.vector_load %arg9[%swap3A_193, %swap3A_194] {strides = array<i32>} : memref<80x128xf32, #tpu.memory_space<vmem>>, vector<1x16xf32>,
      %swap3A_196 = vector.shape_cast %swap3A_195 : vector<1x16xf32> to vector<16xf32>
      %swap3A_197 = vector.shape_cast %mul3A_192 : vector<16xf32> to vector<1x16xf32>
      tpu.vector_store %arg9[%swap3A_193, %swap3A_194], %swap3A_197 {strides = array<i32>} : memref<80x128xf32, #tpu.memory_space<vmem>>, vector<1x16xf32>,
      %get3A_198 = arith.index_cast %scan3A_114 : i32 to index
      %get3A_199 = arith.constant 96 : index
      %get3A_200 = tpu.vector_load %arg9[%get3A_198, %get3A_199] {strides = array<i32>} : memref<80x128xf32, #tpu.memory_space<vmem>>, vector<1x16xf32>,
      %get3A_201 = vector.shape_cast %get3A_200 : vector<1x16xf32> to vector<16xf32>
      %get3A_202 = arith.index_cast %scan3A_114 : i32 to index
      %get3A_203 = arith.constant 96 : index
      %get3A_204 = tpu.vector_load %arg10[%get3A_202, %get3A_203] {strides = array<i32>} : memref<80x128xf32, #tpu.memory_space<vmem>>, vector<1x16xf32>,
      %get3A_205 = vector.shape_cast %get3A_204 : vector<1x16xf32> to vector<16xf32>
      %mul3A_206 = arith.mulf %get3A_201, %get3A_205 : vector<16xf32>
      %swap3A_207 = arith.index_cast %scan3A_114 : i32 to index
      %swap3A_208 = arith.constant 96 : index
      %swap3A_209 = tpu.vector_load %arg9[%swap3A_207, %swap3A_208] {strides = array<i32>} : memref<80x128xf32, #tpu.memory_space<vmem>>, vector<1x16xf32>,
      %swap3A_210 = vector.shape_cast %swap3A_209 : vector<1x16xf32> to vector<16xf32>
      %swap3A_211 = vector.shape_cast %mul3A_206 : vector<16xf32> to vector<1x16xf32>
      tpu.vector_store %arg9[%swap3A_207, %swap3A_208], %swap3A_211 {strides = array<i32>} : memref<80x128xf32, #tpu.memory_space<vmem>>, vector<1x16xf32>,
      %get3A_212 = arith.index_cast %scan3A_114 : i32 to index
      %get3A_213 = arith.constant 112 : index
      %get3A_214 = tpu.vector_load %arg9[%get3A_212, %get3A_213] {strides = array<i32>} : memref<80x128xf32, #tpu.memory_space<vmem>>, vector<1x16xf32>,
      %get3A_215 = vector.shape_cast %get3A_214 : vector<1x16xf32> to vector<16xf32>
      %get3A_216 = arith.index_cast %scan3A_114 : i32 to index
      %get3A_217 = arith.constant 112 : index
      %get3A_218 = tpu.vector_load %arg10[%get3A_216, %get3A_217] {strides = array<i32>} : memref<80x128xf32, #tpu.memory_space<vmem>>, vector<1x16xf32>,
      %get3A_219 = vector.shape_cast %get3A_218 : vector<1x16xf32> to vector<16xf32>
      %mul3A_220 = arith.mulf %get3A_215, %get3A_219 : vector<16xf32>
      %swap3A_221 = arith.index_cast %scan3A_114 : i32 to index
      %swap3A_222 = arith.constant 112 : index
      %swap3A_223 = tpu.vector_load %arg9[%swap3A_221, %swap3A_222] {strides = array<i32>} : memref<80x128xf32, #tpu.memory_space<vmem>>, vector<1x16xf32>,
      %swap3A_224 = vector.shape_cast %swap3A_223 : vector<1x16xf32> to vector<16xf32>
      %swap3A_225 = vector.shape_cast %mul3A_220 : vector<16xf32> to vector<1x16xf32>
      tpu.vector_store %arg9[%swap3A_221, %swap3A_222], %swap3A_225 {strides = array<i32>} : memref<80x128xf32, #tpu.memory_space<vmem>>, vector<1x16xf32>,
      %scan3A_226 = arith.constant 0 : i32
      scf.yield %scan3A_226 : i32
    }
    %scan3A_83 = arith.constant 80 : i32
    %dma_start3A_84 = arith.constant 0 : i32
    %dma_start3A_85 = arith.constant 0 : i32
    %dma_start3A_86 = tpu.memref_slice %arg15[%dma_start3A_84, %dma_start3A_85] : memref<10240x128xf32, #tpu.memory_space<vmem_shared>> -> memref<10240x128xf32, #tpu.memory_space<vmem_shared>>
    tpu.enqueue_indirect_dma source(%arg9 : memref<80x128xf32, #tpu.memory_space<vmem>>) target(%dma_start3A_86 : memref<10240x128xf32, #tpu.memory_space<vmem_shared>>) offsets(%arg8 : memref<80xi32, #tpu.memory_space<vmem>>) semaphore(%arg18 : memref<!tpu.dma_semaphore, #tpu.memory_space<semaphore_mem>>) {add = true}
    %dma_wait3A_87 = arith.constant 0 : i32
    %dma_wait3A_88 = arith.constant 0 : i32
    %dma_wait3A_89 = tpu.memref_slice %arg15[%dma_wait3A_87, %dma_wait3A_88] : memref<10240x128xf32, #tpu.memory_space<vmem_shared>> -> memref<10240x128xf32, #tpu.memory_space<vmem_shared>>
    tpu.wait_indirect_dma semaphore(%arg18 : memref<!tpu.dma_semaphore, #tpu.memory_space<semaphore_mem>>) src(%arg9 : memref<80x128xf32, #tpu.memory_space<vmem>>) dst(%dma_wait3A_89 : memref<10240x128xf32, #tpu.memory_space<vmem_shared>>)
    %dma_wait3A_90 = arith.constant 0 : i32
    %dma_wait3A_91 = arith.constant 0 : i32
    %dma_wait3A_92 = tpu.memref_slice %arg15[%dma_wait3A_90, %dma_wait3A_91] : memref<10240x128xf32, #tpu.memory_space<vmem_shared>> -> memref<10240x128xf32, #tpu.memory_space<vmem_shared>>
    tpu.wait_indirect_dma semaphore(%arg21 : memref<!tpu.dma_semaphore, #tpu.memory_space<semaphore_mem>>) src(%arg13 : memref<80x128xf32, #tpu.memory_space<vmem>>) dst(%dma_wait3A_92 : memref<10240x128xf32, #tpu.memory_space<vmem_shared>>)
    %barrier3A_93 = arith.constant 0 : index
    tpu.barrier barrier_id(%barrier3A_93)
    %mul3A_94 = arith.constant 640 : i32
    %mul3A_95 = arith.muli %arg1, %mul3A_94 : i32
    %add3A_96 = arith.constant 0 : i32
    %add3A_97 = arith.addi %mul3A_95, %add3A_96 : i32
    "tpu.region"() ({
      %run_scoped3A = tpu.sem_alloc : memref<!tpu.dma_semaphore, #tpu.memory_space<semaphore_mem>>
      %dma_start3A_114 = arith.constant 0 : i32
      %dma_start3A_115 = tpu.memref_slice %arg6[%arg0, %add3A_97, %dma_start3A_114] : memref<2x10240x128xf32, #tpu.memory_space<hbm>> -> memref<1x128x128xf32, #tpu.memory_space<hbm>>
      %dma_start3A_116 = tpu.memref_squeeze %dma_start3A_115 : memref<1x128x128xf32, #tpu.memory_space<hbm>> -> memref<128x128xf32, #tpu.memory_space<hbm>>
      %dma_start3A_117 = arith.constant 0 : i32
      %dma_start3A_118 = tpu.memref_slice %arg15[%add3A_97, %dma_start3A_117] : memref<10240x128xf32, #tpu.memory_space<vmem_shared>> -> memref<128x128xf32, #tpu.memory_space<vmem_shared>>
      tpu.enqueue_dma source(%dma_start3A_118 : memref<128x128xf32, #tpu.memory_space<vmem_shared>>) target(%dma_start3A_116 : memref<128x128xf32, #tpu.memory_space<hbm>>) target_semaphore(%run_scoped3A : memref<!tpu.dma_semaphore, #tpu.memory_space<semaphore_mem>>)
      %dma_wait3A_119 = arith.constant 0 : i32
      %dma_wait3A_120 = tpu.memref_slice %arg6[%arg0, %add3A_97, %dma_wait3A_119] : memref<2x10240x128xf32, #tpu.memory_space<hbm>> -> memref<1x128x128xf32, #tpu.memory_space<hbm>>
      %dma_wait3A_121 = tpu.memref_squeeze %dma_wait3A_120 : memref<1x128x128xf32, #tpu.memory_space<hbm>> -> memref<128x128xf32, #tpu.memory_space<hbm>>
      %dma_wait3A_122 = arith.constant 0 : i32
      %dma_wait3A_123 = tpu.memref_slice %arg15[%add3A_97, %dma_wait3A_122] : memref<10240x128xf32, #tpu.memory_space<vmem_shared>> -> memref<128x128xf32, #tpu.memory_space<vmem_shared>>
      tpu.wait_dma2 semaphore(%run_scoped3A : memref<!tpu.dma_semaphore, #tpu.memory_space<semaphore_mem>>) src(%dma_wait3A_123 : memref<128x128xf32, #tpu.memory_space<vmem_shared>>) dst(%dma_wait3A_121 : memref<128x128xf32, #tpu.memory_space<hbm>>)
      tpu.yield
    }) : () -> ()
    %mul3A_98 = arith.constant 640 : i32
    %mul3A_99 = arith.muli %arg1, %mul3A_98 : i32
    %add3A_100 = arith.constant 128 : i32
    %add3A_101 = arith.addi %mul3A_99, %add3A_100 : i32
    "tpu.region"() ({
      %run_scoped3A = tpu.sem_alloc : memref<!tpu.dma_semaphore, #tpu.memory_space<semaphore_mem>>
      %dma_start3A_114 = arith.constant 0 : i32
      %dma_start3A_115 = tpu.memref_slice %arg6[%arg0, %add3A_101, %dma_start3A_114] : memref<2x10240x128xf32, #tpu.memory_space<hbm>> -> memref<1x128x128xf32, #tpu.memory_space<hbm>>
      %dma_start3A_116 = tpu.memref_squeeze %dma_start3A_115 : memref<1x128x128xf32, #tpu.memory_space<hbm>> -> memref<128x128xf32, #tpu.memory_space<hbm>>
      %dma_start3A_117 = arith.constant 0 : i32
      %dma_start3A_118 = tpu.memref_slice %arg15[%add3A_101, %dma_start3A_117] : memref<10240x128xf32, #tpu.memory_space<vmem_shared>> -> memref<128x128xf32, #tpu.memory_space<vmem_shared>>
      tpu.enqueue_dma source(%dma_start3A_118 : memref<128x128xf32, #tpu.memory_space<vmem_shared>>) target(%dma_start3A_116 : memref<128x128xf32, #tpu.memory_space<hbm>>) target_semaphore(%run_scoped3A : memref<!tpu.dma_semaphore, #tpu.memory_space<semaphore_mem>>)
      %dma_wait3A_119 = arith.constant 0 : i32
      %dma_wait3A_120 = tpu.memref_slice %arg6[%arg0, %add3A_101, %dma_wait3A_119] : memref<2x10240x128xf32, #tpu.memory_space<hbm>> -> memref<1x128x128xf32, #tpu.memory_space<hbm>>
      %dma_wait3A_121 = tpu.memref_squeeze %dma_wait3A_120 : memref<1x128x128xf32, #tpu.memory_space<hbm>> -> memref<128x128xf32, #tpu.memory_space<hbm>>
      %dma_wait3A_122 = arith.constant 0 : i32
      %dma_wait3A_123 = tpu.memref_slice %arg15[%add3A_101, %dma_wait3A_122] : memref<10240x128xf32, #tpu.memory_space<vmem_shared>> -> memref<128x128xf32, #tpu.memory_space<vmem_shared>>
      tpu.wait_dma2 semaphore(%run_scoped3A : memref<!tpu.dma_semaphore, #tpu.memory_space<semaphore_mem>>) src(%dma_wait3A_123 : memref<128x128xf32, #tpu.memory_space<vmem_shared>>) dst(%dma_wait3A_121 : memref<128x128xf32, #tpu.memory_space<hbm>>)
      tpu.yield
    }) : () -> ()
    %mul3A_102 = arith.constant 640 : i32
    %mul3A_103 = arith.muli %arg1, %mul3A_102 : i32
    %add3A_104 = arith.constant 256 : i32
    %add3A_105 = arith.addi %mul3A_103, %add3A_104 : i32
    "tpu.region"() ({
      %run_scoped3A = tpu.sem_alloc : memref<!tpu.dma_semaphore, #tpu.memory_space<semaphore_mem>>
      %dma_start3A_114 = arith.constant 0 : i32
      %dma_start3A_115 = tpu.memref_slice %arg6[%arg0, %add3A_105, %dma_start3A_114] : memref<2x10240x128xf32, #tpu.memory_space<hbm>> -> memref<1x128x128xf32, #tpu.memory_space<hbm>>
      %dma_start3A_116 = tpu.memref_squeeze %dma_start3A_115 : memref<1x128x128xf32, #tpu.memory_space<hbm>> -> memref<128x128xf32, #tpu.memory_space<hbm>>
      %dma_start3A_117 = arith.constant 0 : i32
      %dma_start3A_118 = tpu.memref_slice %arg15[%add3A_105, %dma_start3A_117] : memref<10240x128xf32, #tpu.memory_space<vmem_shared>> -> memref<128x128xf32, #tpu.memory_space<vmem_shared>>
      tpu.enqueue_dma source(%dma_start3A_118 : memref<128x128xf32, #tpu.memory_space<vmem_shared>>) target(%dma_start3A_116 : memref<128x128xf32, #tpu.memory_space<hbm>>) target_semaphore(%run_scoped3A : memref<!tpu.dma_semaphore, #tpu.memory_space<semaphore_mem>>)
      %dma_wait3A_119 = arith.constant 0 : i32
      %dma_wait3A_120 = tpu.memref_slice %arg6[%arg0, %add3A_105, %dma_wait3A_119] : memref<2x10240x128xf32, #tpu.memory_space<hbm>> -> memref<1x128x128xf32, #tpu.memory_space<hbm>>
      %dma_wait3A_121 = tpu.memref_squeeze %dma_wait3A_120 : memref<1x128x128xf32, #tpu.memory_space<hbm>> -> memref<128x128xf32, #tpu.memory_space<hbm>>
      %dma_wait3A_122 = arith.constant 0 : i32
      %dma_wait3A_123 = tpu.memref_slice %arg15[%add3A_105, %dma_wait3A_122] : memref<10240x128xf32, #tpu.memory_space<vmem_shared>> -> memref<128x128xf32, #tpu.memory_space<vmem_shared>>
      tpu.wait_dma2 semaphore(%run_scoped3A : memref<!tpu.dma_semaphore, #tpu.memory_space<semaphore_mem>>) src(%dma_wait3A_123 : memref<128x128xf32, #tpu.memory_space<vmem_shared>>) dst(%dma_wait3A_121 : memref<128x128xf32, #tpu.memory_space<hbm>>)
      tpu.yield
    }) : () -> ()
    %mul3A_106 = arith.constant 640 : i32
    %mul3A_107 = arith.muli %arg1, %mul3A_106 : i32
    %add3A_108 = arith.constant 384 : i32
    %add3A_109 = arith.addi %mul3A_107, %add3A_108 : i32
    "tpu.region"() ({
      %run_scoped3A = tpu.sem_alloc : memref<!tpu.dma_semaphore, #tpu.memory_space<semaphore_mem>>
      %dma_start3A_114 = arith.constant 0 : i32
      %dma_start3A_115 = tpu.memref_slice %arg6[%arg0, %add3A_109, %dma_start3A_114] : memref<2x10240x128xf32, #tpu.memory_space<hbm>> -> memref<1x128x128xf32, #tpu.memory_space<hbm>>
      %dma_start3A_116 = tpu.memref_squeeze %dma_start3A_115 : memref<1x128x128xf32, #tpu.memory_space<hbm>> -> memref<128x128xf32, #tpu.memory_space<hbm>>
      %dma_start3A_117 = arith.constant 0 : i32
      %dma_start3A_118 = tpu.memref_slice %arg15[%add3A_109, %dma_start3A_117] : memref<10240x128xf32, #tpu.memory_space<vmem_shared>> -> memref<128x128xf32, #tpu.memory_space<vmem_shared>>
      tpu.enqueue_dma source(%dma_start3A_118 : memref<128x128xf32, #tpu.memory_space<vmem_shared>>) target(%dma_start3A_116 : memref<128x128xf32, #tpu.memory_space<hbm>>) target_semaphore(%run_scoped3A : memref<!tpu.dma_semaphore, #tpu.memory_space<semaphore_mem>>)
      %dma_wait3A_119 = arith.constant 0 : i32
      %dma_wait3A_120 = tpu.memref_slice %arg6[%arg0, %add3A_109, %dma_wait3A_119] : memref<2x10240x128xf32, #tpu.memory_space<hbm>> -> memref<1x128x128xf32, #tpu.memory_space<hbm>>
      %dma_wait3A_121 = tpu.memref_squeeze %dma_wait3A_120 : memref<1x128x128xf32, #tpu.memory_space<hbm>> -> memref<128x128xf32, #tpu.memory_space<hbm>>
      %dma_wait3A_122 = arith.constant 0 : i32
      %dma_wait3A_123 = tpu.memref_slice %arg15[%add3A_109, %dma_wait3A_122] : memref<10240x128xf32, #tpu.memory_space<vmem_shared>> -> memref<128x128xf32, #tpu.memory_space<vmem_shared>>
      tpu.wait_dma2 semaphore(%run_scoped3A : memref<!tpu.dma_semaphore, #tpu.memory_space<semaphore_mem>>) src(%dma_wait3A_123 : memref<128x128xf32, #tpu.memory_space<vmem_shared>>) dst(%dma_wait3A_121 : memref<128x128xf32, #tpu.memory_space<hbm>>)
      tpu.yield
    }) : () -> ()
    %mul3A_110 = arith.constant 640 : i32
    %mul3A_111 = arith.muli %arg1, %mul3A_110 : i32
    %add3A_112 = arith.constant 512 : i32
    %add3A_113 = arith.addi %mul3A_111, %add3A_112 : i32
    "tpu.region"() ({
      %run_scoped3A = tpu.sem_alloc : memref<!tpu.dma_semaphore, #tpu.memory_space<semaphore_mem>>
      %dma_start3A_114 = arith.constant 0 : i32
      %dma_start3A_115 = tpu.memref_slice %arg6[%arg0, %add3A_113, %dma_start3A_114] : memref<2x10240x128xf32, #tpu.memory_space<hbm>> -> memref<1x128x128xf32, #tpu.memory_space<hbm>>
      %dma_start3A_116 = tpu.memref_squeeze %dma_start3A_115 : memref<1x128x128xf32, #tpu.memory_space<hbm>> -> memref<128x128xf32, #tpu.memory_space<hbm>>
      %dma_start3A_117 = arith.constant 0 : i32
      %dma_start3A_118 = tpu.memref_slice %arg15[%add3A_113, %dma_start3A_117] : memref<10240x128xf32, #tpu.memory_space<vmem_shared>> -> memref<128x128xf32, #tpu.memory_space<vmem_shared>>
      tpu.enqueue_dma source(%dma_start3A_118 : memref<128x128xf32, #tpu.memory_space<vmem_shared>>) target(%dma_start3A_116 : memref<128x128xf32, #tpu.memory_space<hbm>>) target_semaphore(%run_scoped3A : memref<!tpu.dma_semaphore, #tpu.memory_space<semaphore_mem>>)
      %dma_wait3A_119 = arith.constant 0 : i32
      %dma_wait3A_120 = tpu.memref_slice %arg6[%arg0, %add3A_113, %dma_wait3A_119] : memref<2x10240x128xf32, #tpu.memory_space<hbm>> -> memref<1x128x128xf32, #tpu.memory_space<hbm>>
      %dma_wait3A_121 = tpu.memref_squeeze %dma_wait3A_120 : memref<1x128x128xf32, #tpu.memory_space<hbm>> -> memref<128x128xf32, #tpu.memory_space<hbm>>
      %dma_wait3A_122 = arith.constant 0 : i32
      %dma_wait3A_123 = tpu.memref_slice %arg15[%add3A_113, %dma_wait3A_122] : memref<10240x128xf32, #tpu.memory_space<vmem_shared>> -> memref<128x128xf32, #tpu.memory_space<vmem_shared>>
      tpu.wait_dma2 semaphore(%run_scoped3A : memref<!tpu.dma_semaphore, #tpu.memory_space<semaphore_mem>>) src(%dma_wait3A_123 : memref<128x128xf32, #tpu.memory_space<vmem_shared>>) dst(%dma_wait3A_121 : memref<128x128xf32, #tpu.memory_space<hbm>>)
      tpu.yield
    }) : () -> ()
    return
  }
}

module attributes {stable_mosaic.version = 14 : i64} {
  func.func @_support1_body(%arg0: i32, %arg1: memref<1024x128xf32, #tpu.memory_space<vmem>>, %arg2: memref<128x128xf32, #tpu.memory_space<vmem>>, %arg3: memref<1x128xf32, #tpu.memory_space<vmem>>, %arg4: memref<1024x128xf32, #tpu.memory_space<vmem>>) attributes {dimension_semantics = [#tpu.dimension_semantics<arbitrary>], iteration_bounds = array<i64: 10>, scalar_prefetch = 0 : i64, scratch_operands = 0 : i64, tpu.core_type = #tpu.core_type<tc>, window_params = [{transform_indices = @transform_0, window_bounds = array<i64: 1024, 128>}, {pipeline_mode = #tpu.pipeline_mode<synchronous>, transform_indices = @transform_1, window_bounds = array<i64: 128, 128>}, {pipeline_mode = #tpu.pipeline_mode<synchronous>, transform_indices = @transform_2, window_bounds = array<i64: 1, 128>}, {transform_indices = @transform_3, window_bounds = array<i64: 1024, 128>}]} {
    %get3A = arith.constant 0 : index
    %get3A_0 = arith.constant 0 : index
    %get3A_1 = vector.load %arg1[%get3A, %get3A_0] : memref<1024x128xf32, #tpu.memory_space<vmem>>, vector<1024x128xf32>
    %get3A_2 = arith.constant 0 : index
    %get3A_3 = arith.constant 0 : index
    %get3A_4 = vector.load %arg2[%get3A_2, %get3A_3] : memref<128x128xf32, #tpu.memory_space<vmem>>, vector<128x128xf32>
    %dot_general3A = arith.constant dense<0.000000e+00> : vector<1024x128xf32>
    %dot_general3A_5 = tpu.matmul %get3A_1, %get3A_4, %dot_general3A {dimension_numbers = #tpu.dot_dimension_numbers<[1], [0], [0], [1], [0, 0, 1, 1], [], []>, transpose_lhs_hint = false} : vector<1024x128xf32>, vector<128x128xf32>, vector<1024x128xf32> -> vector<1024x128xf32>
    %get3A_6 = arith.constant 0 : index
    %get3A_7 = arith.constant 0 : index
    %get3A_8 = vector.load %arg3[%get3A_6, %get3A_7] : memref<1x128xf32, #tpu.memory_space<vmem>>, vector<1x128xf32>
    %add3A = vector.broadcast %get3A_8 : vector<1x128xf32> to vector<1024x128xf32>
    %add3A_9 = arith.addf %dot_general3A_5, %add3A : vector<1024x128xf32>
    %swap3A = arith.constant 0 : index
    %swap3A_10 = arith.constant 0 : index
    %swap3A_11 = vector.load %arg4[%swap3A, %swap3A_10] : memref<1024x128xf32, #tpu.memory_space<vmem>>, vector<1024x128xf32>
    tpu.vector_store %arg4[%swap3A, %swap3A_10], %add3A_9 {strides = array<i32>} : memref<1024x128xf32, #tpu.memory_space<vmem>>, vector<1024x128xf32>,
    return
  }
  func.func @transform_0(%arg0: i32) -> (i32, i32) {
    %c0_i32 = arith.constant 0 : i32
    %c0_i32_0 = arith.constant 0 : i32
    return %arg0, %c0_i32 : i32, i32
  }
  func.func @transform_1(%arg0: i32) -> (i32, i32) {
    %c0_i32 = arith.constant 0 : i32
    %c0_i32_0 = arith.constant 0 : i32
    %c0_i32_1 = arith.constant 0 : i32
    return %c0_i32, %c0_i32_0 : i32, i32
  }
  func.func @transform_2(%arg0: i32) -> (i32, i32) {
    %c0_i32 = arith.constant 0 : i32
    %c0_i32_0 = arith.constant 0 : i32
    %c0_i32_1 = arith.constant 0 : i32
    return %c0_i32, %c0_i32_0 : i32, i32
  }
  func.func @transform_3(%arg0: i32) -> (i32, i32) {
    %c0_i32 = arith.constant 0 : i32
    %c0_i32_0 = arith.constant 0 : i32
    return %arg0, %c0_i32 : i32, i32
  }
}

module attributes {stable_mosaic.version = 14 : i64} {
  func.func @_edge_mlp_body(%arg0: i32, %arg1: memref<1280x16xbf16, #tpu.memory_space<vmem>>, %arg2: memref<16x128xbf16, #tpu.memory_space<vmem>>, %arg3: memref<1x128xf32, #tpu.memory_space<vmem>>, %arg4: memref<128x128xbf16, #tpu.memory_space<vmem>>, %arg5: memref<1x128xf32, #tpu.memory_space<vmem>>, %arg6: memref<1280x128xf32, #tpu.memory_space<vmem>>) attributes {dimension_semantics = [#tpu.dimension_semantics<arbitrary>], iteration_bounds = array<i64: 250>, scalar_prefetch = 0 : i64, scratch_operands = 0 : i64, tpu.core_type = #tpu.core_type<tc>, window_params = [{transform_indices = @transform_0, window_bounds = array<i64: 1280, 16>}, {pipeline_mode = #tpu.pipeline_mode<synchronous>, transform_indices = @transform_1, window_bounds = array<i64: 16, 128>}, {pipeline_mode = #tpu.pipeline_mode<synchronous>, transform_indices = @transform_2, window_bounds = array<i64: 1, 128>}, {pipeline_mode = #tpu.pipeline_mode<synchronous>, transform_indices = @transform_3, window_bounds = array<i64: 128, 128>}, {pipeline_mode = #tpu.pipeline_mode<synchronous>, transform_indices = @transform_4, window_bounds = array<i64: 1, 128>}, {transform_indices = @transform_5, window_bounds = array<i64: 1280, 128>}]} {
    %get3A = arith.constant 0 : index
    %get3A_0 = arith.constant 0 : index
    %get3A_1 = vector.load %arg1[%get3A, %get3A_0] : memref<1280x16xbf16, #tpu.memory_space<vmem>>, vector<1280x16xbf16>
    %get3A_2 = arith.constant 0 : index
    %get3A_3 = arith.constant 0 : index
    %get3A_4 = vector.load %arg2[%get3A_2, %get3A_3] : memref<16x128xbf16, #tpu.memory_space<vmem>>, vector<16x128xbf16>
    %dot_general3A = arith.constant dense<0.000000e+00> : vector<1280x128xf32>
    %dot_general3A_5 = tpu.matmul %get3A_1, %get3A_4, %dot_general3A {dimension_numbers = #tpu.dot_dimension_numbers<[1], [0], [0], [1], [0, 0, 1, 1], [], []>, transpose_lhs_hint = false} : vector<1280x16xbf16>, vector<16x128xbf16>, vector<1280x128xf32> -> vector<1280x128xf32>
    %get3A_6 = arith.constant 0 : index
    %get3A_7 = arith.constant 0 : index
    %get3A_8 = vector.load %arg3[%get3A_6, %get3A_7] : memref<1x128xf32, #tpu.memory_space<vmem>>, vector<1x128xf32>
    %add3A = vector.broadcast %get3A_8 : vector<1x128xf32> to vector<1280x128xf32>
    %add3A_9 = arith.addf %dot_general3A_5, %add3A : vector<1280x128xf32>
    %max3A = arith.constant 0.000000e+00 : f32
    %max3A_10 = vector.broadcast %max3A : f32 to vector<1280x128xf32>
    %max3A_11 = arith.maximumf %add3A_9, %max3A_10 : vector<1280x128xf32>
    %convert_element_type3A = arith.truncf %max3A_11 : vector<1280x128xf32> to vector<1280x128xbf16>
    %get3A_12 = arith.constant 0 : index
    %get3A_13 = arith.constant 0 : index
    %get3A_14 = vector.load %arg4[%get3A_12, %get3A_13] : memref<128x128xbf16, #tpu.memory_space<vmem>>, vector<128x128xbf16>
    %dot_general3A_15 = arith.constant dense<0.000000e+00> : vector<1280x128xf32>
    %dot_general3A_16 = tpu.matmul %convert_element_type3A, %get3A_14, %dot_general3A_15 {dimension_numbers = #tpu.dot_dimension_numbers<[1], [0], [0], [1], [0, 0, 1, 1], [], []>, transpose_lhs_hint = false} : vector<1280x128xbf16>, vector<128x128xbf16>, vector<1280x128xf32> -> vector<1280x128xf32>
    %get3A_17 = arith.constant 0 : index
    %get3A_18 = arith.constant 0 : index
    %get3A_19 = vector.load %arg5[%get3A_17, %get3A_18] : memref<1x128xf32, #tpu.memory_space<vmem>>, vector<1x128xf32>
    %add3A_20 = vector.broadcast %get3A_19 : vector<1x128xf32> to vector<1280x128xf32>
    %add3A_21 = arith.addf %dot_general3A_16, %add3A_20 : vector<1280x128xf32>
    %neg3A = arith.constant 0.000000e+00 : f32
    %neg3A_22 = vector.broadcast %neg3A : f32 to vector<1280x128xf32>
    %neg3A_23 = arith.subf %neg3A_22, %add3A_21 : vector<1280x128xf32>
    %exp3A = math.exp %neg3A_23 : vector<1280x128xf32>
    %add3A_24 = arith.constant 1.000000e+00 : f32
    %add3A_25 = vector.broadcast %add3A_24 : f32 to vector<1280x128xf32>
    %add3A_26 = arith.addf %add3A_25, %exp3A : vector<1280x128xf32>
    %div3A = arith.constant 1.000000e+00 : f32
    %div3A_27 = vector.broadcast %div3A : f32 to vector<1280x128xf32>
    %div3A_28 = arith.divf %div3A_27, %add3A_26 : vector<1280x128xf32>
    %swap3A = arith.constant 0 : index
    %swap3A_29 = arith.constant 0 : index
    %swap3A_30 = vector.load %arg6[%swap3A, %swap3A_29] : memref<1280x128xf32, #tpu.memory_space<vmem>>, vector<1280x128xf32>
    tpu.vector_store %arg6[%swap3A, %swap3A_29], %div3A_28 {strides = array<i32>} : memref<1280x128xf32, #tpu.memory_space<vmem>>, vector<1280x128xf32>,
    return
  }
  func.func @transform_0(%arg0: i32) -> (i32, i32) {
    %c0_i32 = arith.constant 0 : i32
    %c0_i32_0 = arith.constant 0 : i32
    return %arg0, %c0_i32 : i32, i32
  }
  func.func @transform_1(%arg0: i32) -> (i32, i32) {
    %c0_i32 = arith.constant 0 : i32
    %c0_i32_0 = arith.constant 0 : i32
    %c0_i32_1 = arith.constant 0 : i32
    return %c0_i32, %c0_i32_0 : i32, i32
  }
  func.func @transform_2(%arg0: i32) -> (i32, i32) {
    %c0_i32 = arith.constant 0 : i32
    %c0_i32_0 = arith.constant 0 : i32
    %c0_i32_1 = arith.constant 0 : i32
    return %c0_i32, %c0_i32_0 : i32, i32
  }
  func.func @transform_3(%arg0: i32) -> (i32, i32) {
    %c0_i32 = arith.constant 0 : i32
    %c0_i32_0 = arith.constant 0 : i32
    %c0_i32_1 = arith.constant 0 : i32
    return %c0_i32, %c0_i32_0 : i32, i32
  }
  func.func @transform_4(%arg0: i32) -> (i32, i32) {
    %c0_i32 = arith.constant 0 : i32
    %c0_i32_0 = arith.constant 0 : i32
    %c0_i32_1 = arith.constant 0 : i32
    return %c0_i32, %c0_i32_0 : i32, i32
  }
  func.func @transform_5(%arg0: i32) -> (i32, i32) {
    %c0_i32 = arith.constant 0 : i32
    %c0_i32_0 = arith.constant 0 : i32
    return %arg0, %c0_i32 : i32, i32
  }
}

module attributes {stable_mosaic.version = 14 : i64} {
  func.func @_support2_body(%arg0: i32, %arg1: memref<2x1024x128xf32, #tpu.memory_space<vmem>>, %arg2: memref<128x128xf32, #tpu.memory_space<vmem>>, %arg3: memref<1x128xf32, #tpu.memory_space<vmem>>, %arg4: memref<1024x128xf32, #tpu.memory_space<vmem>>) attributes {dimension_semantics = [#tpu.dimension_semantics<arbitrary>], iteration_bounds = array<i64: 10>, scalar_prefetch = 0 : i64, scratch_operands = 0 : i64, tpu.core_type = #tpu.core_type<tc>, window_params = [{transform_indices = @transform_0, window_bounds = array<i64: 2, 1024, 128>}, {pipeline_mode = #tpu.pipeline_mode<synchronous>, transform_indices = @transform_1, window_bounds = array<i64: 128, 128>}, {pipeline_mode = #tpu.pipeline_mode<synchronous>, transform_indices = @transform_2, window_bounds = array<i64: 1, 128>}, {transform_indices = @transform_3, window_bounds = array<i64: 1024, 128>}]} {
    %get3A = arith.constant 0 : index
    %get3A_0 = arith.constant 0 : index
    %get3A_1 = arith.constant 0 : index
    %get3A_2 = vector.load %arg1[%get3A, %get3A_0, %get3A_1] : memref<2x1024x128xf32, #tpu.memory_space<vmem>>, vector<1x1024x128xf32>
    %get3A_3 = vector.shape_cast %get3A_2 : vector<1x1024x128xf32> to vector<1024x128xf32>
    %get3A_4 = arith.constant 1 : index
    %get3A_5 = arith.constant 0 : index
    %get3A_6 = arith.constant 0 : index
    %get3A_7 = vector.load %arg1[%get3A_4, %get3A_5, %get3A_6] : memref<2x1024x128xf32, #tpu.memory_space<vmem>>, vector<1x1024x128xf32>
    %get3A_8 = vector.shape_cast %get3A_7 : vector<1x1024x128xf32> to vector<1024x128xf32>
    %add3A = arith.addf %get3A_3, %get3A_8 : vector<1024x128xf32>
    %max3A = arith.constant 0.000000e+00 : f32
    %max3A_9 = vector.broadcast %max3A : f32 to vector<1024x128xf32>
    %max3A_10 = arith.maximumf %add3A, %max3A_9 : vector<1024x128xf32>
    %get3A_11 = arith.constant 0 : index
    %get3A_12 = arith.constant 0 : index
    %get3A_13 = vector.load %arg2[%get3A_11, %get3A_12] : memref<128x128xf32, #tpu.memory_space<vmem>>, vector<128x128xf32>
    %dot_general3A = arith.constant dense<0.000000e+00> : vector<1024x128xf32>
    %dot_general3A_14 = tpu.matmul %max3A_10, %get3A_13, %dot_general3A {dimension_numbers = #tpu.dot_dimension_numbers<[1], [0], [0], [1], [0, 0, 1, 1], [], []>, transpose_lhs_hint = false} : vector<1024x128xf32>, vector<128x128xf32>, vector<1024x128xf32> -> vector<1024x128xf32>
    %get3A_15 = arith.constant 0 : index
    %get3A_16 = arith.constant 0 : index
    %get3A_17 = vector.load %arg3[%get3A_15, %get3A_16] : memref<1x128xf32, #tpu.memory_space<vmem>>, vector<1x128xf32>
    %add3A_18 = vector.broadcast %get3A_17 : vector<1x128xf32> to vector<1024x128xf32>
    %add3A_19 = arith.addf %dot_general3A_14, %add3A_18 : vector<1024x128xf32>
    %swap3A = arith.constant 0 : index
    %swap3A_20 = arith.constant 0 : index
    %swap3A_21 = vector.load %arg4[%swap3A, %swap3A_20] : memref<1024x128xf32, #tpu.memory_space<vmem>>, vector<1024x128xf32>
    tpu.vector_store %arg4[%swap3A, %swap3A_20], %add3A_19 {strides = array<i32>} : memref<1024x128xf32, #tpu.memory_space<vmem>>, vector<1024x128xf32>,
    return
  }
  func.func @transform_0(%arg0: i32) -> (i32, i32, i32) {
    %c0_i32 = arith.constant 0 : i32
    %c0_i32_0 = arith.constant 0 : i32
    %c0_i32_1 = arith.constant 0 : i32
    return %c0_i32, %arg0, %c0_i32_0 : i32, i32, i32
  }
  func.func @transform_1(%arg0: i32) -> (i32, i32) {
    %c0_i32 = arith.constant 0 : i32
    %c0_i32_0 = arith.constant 0 : i32
    %c0_i32_1 = arith.constant 0 : i32
    return %c0_i32, %c0_i32_0 : i32, i32
  }
  func.func @transform_2(%arg0: i32) -> (i32, i32) {
    %c0_i32 = arith.constant 0 : i32
    %c0_i32_0 = arith.constant 0 : i32
    %c0_i32_1 = arith.constant 0 : i32
    return %c0_i32, %c0_i32_0 : i32, i32
  }
  func.func @transform_3(%arg0: i32) -> (i32, i32) {
    %c0_i32 = arith.constant 0 : i32
    %c0_i32_0 = arith.constant 0 : i32
    return %arg0, %c0_i32 : i32, i32
  }
}

module attributes {stable_mosaic.version = 14 : i64} {
  func.func @_pool_body(%arg0: i32, %arg1: memref<2x1024x128xf32, #tpu.memory_space<vmem>>, %arg2: memref<1x1x1024xi32, #tpu.memory_space<vmem>>, %arg3: memref<64x128xf32, #tpu.memory_space<vmem>>) attributes {dimension_semantics = [#tpu.dimension_semantics<arbitrary>], iteration_bounds = array<i64: 10>, scalar_prefetch = 0 : i64, scratch_operands = 0 : i64, tpu.core_type = #tpu.core_type<tc>, window_params = [{transform_indices = @transform_0, window_bounds = array<i64: 2, 1024, 128>}, {transform_indices = @transform_1, window_bounds = array<i64: 1, 1, 1024>}, {pipeline_mode = #tpu.pipeline_mode<synchronous>, transform_indices = @transform_2, window_bounds = array<i64: 64, 128>}]} {
    %eq3A = arith.constant 0 : i32
    %eq3A_0 = arith.cmpi eq, %arg0, %eq3A : i32
    %convert_element_type3A = arith.extui %eq3A_0 : i1 to i32
    %cond3A = arith.constant 0 : i32
    %cond3A_1 = arith.cmpi ne, %convert_element_type3A, %cond3A : i32
    scf.if %cond3A_1 {
      %broadcast_in_dim3A_27 = arith.constant 0.000000e+00 : f32
      %broadcast_in_dim3A_28 = vector.broadcast %broadcast_in_dim3A_27 : f32 to vector<64x128xf32>
      %swap3A_29 = arith.constant 0 : index
      %swap3A_30 = arith.constant 0 : index
      %swap3A_31 = vector.load %arg3[%swap3A_29, %swap3A_30] : memref<64x128xf32, #tpu.memory_space<vmem>>, vector<64x128xf32>
      tpu.vector_store %arg3[%swap3A_29, %swap3A_30], %broadcast_in_dim3A_28 {strides = array<i32>} : memref<64x128xf32, #tpu.memory_space<vmem>>, vector<64x128xf32>,
    } else {
    }
    %get3A = arith.constant 0 : index
    %get3A_2 = arith.constant 0 : index
    %get3A_3 = arith.constant 0 : index
    %get3A_4 = vector.load %arg1[%get3A, %get3A_2, %get3A_3] : memref<2x1024x128xf32, #tpu.memory_space<vmem>>, vector<1x1024x128xf32>
    %get3A_5 = vector.shape_cast %get3A_4 : vector<1x1024x128xf32> to vector<1024x128xf32>
    %get3A_6 = arith.constant 1 : index
    %get3A_7 = arith.constant 0 : index
    %get3A_8 = arith.constant 0 : index
    %get3A_9 = vector.load %arg1[%get3A_6, %get3A_7, %get3A_8] : memref<2x1024x128xf32, #tpu.memory_space<vmem>>, vector<1x1024x128xf32>
    %get3A_10 = vector.shape_cast %get3A_9 : vector<1x1024x128xf32> to vector<1024x128xf32>
    %add3A = arith.addf %get3A_5, %get3A_10 : vector<1024x128xf32>
    %get3A_11 = arith.constant 0 : index
    %get3A_12 = arith.constant 0 : index
    %get3A_13 = arith.constant 0 : index
    %get3A_14 = vector.load %arg2[%get3A_11, %get3A_12, %get3A_13] : memref<1x1x1024xi32, #tpu.memory_space<vmem>>, vector<1x1x1024xi32>
    %get3A_15 = vector.shape_cast %get3A_14 : vector<1x1x1024xi32> to vector<1024xi32>
    %broadcast_in_dim3A = vector.shape_cast %get3A_15 : vector<1024xi32> to vector<1x1024xi32>
    %iota3A = tpu.iota {dimensions = array<i32: 0>} : vector<64x1024xi32>
    %eq3A_16 = vector.broadcast %broadcast_in_dim3A : vector<1x1024xi32> to vector<64x1024xi32>
    %eq3A_17 = arith.cmpi eq, %eq3A_16, %iota3A : vector<64x1024xi32>
    %convert_element_type3A_18 = arith.extui %eq3A_17 : vector<64x1024xi1> to vector<64x1024xi32>
    %convert_element_type3A_19 = arith.sitofp %convert_element_type3A_18 : vector<64x1024xi32> to vector<64x1024xf32>
    %get3A_20 = arith.constant 0 : index
    %get3A_21 = arith.constant 0 : index
    %get3A_22 = vector.load %arg3[%get3A_20, %get3A_21] : memref<64x128xf32, #tpu.memory_space<vmem>>, vector<64x128xf32>
    %dot_general3A = arith.constant dense<0.000000e+00> : vector<64x128xf32>
    %dot_general3A_23 = tpu.matmul %convert_element_type3A_19, %add3A, %dot_general3A {dimension_numbers = #tpu.dot_dimension_numbers<[1], [0], [0], [1], [0, 0, 1, 1], [], []>, transpose_lhs_hint = false} : vector<64x1024xf32>, vector<1024x128xf32>, vector<64x128xf32> -> vector<64x128xf32>
    %add3A_24 = arith.addf %get3A_22, %dot_general3A_23 : vector<64x128xf32>
    %swap3A = arith.constant 0 : index
    %swap3A_25 = arith.constant 0 : index
    %swap3A_26 = vector.load %arg3[%swap3A, %swap3A_25] : memref<64x128xf32, #tpu.memory_space<vmem>>, vector<64x128xf32>
    tpu.vector_store %arg3[%swap3A, %swap3A_25], %add3A_24 {strides = array<i32>} : memref<64x128xf32, #tpu.memory_space<vmem>>, vector<64x128xf32>,
    return
  }
  func.func @transform_0(%arg0: i32) -> (i32, i32, i32) {
    %c0_i32 = arith.constant 0 : i32
    %c0_i32_0 = arith.constant 0 : i32
    %c0_i32_1 = arith.constant 0 : i32
    return %c0_i32, %arg0, %c0_i32_0 : i32, i32, i32
  }
  func.func @transform_1(%arg0: i32) -> (i32, i32, i32) {
    %c0_i32 = arith.constant 0 : i32
    %c0_i32_0 = arith.constant 0 : i32
    %c0_i32_1 = arith.constant 0 : i32
    return %arg0, %c0_i32, %c0_i32_0 : i32, i32, i32
  }
  func.func @transform_2(%arg0: i32) -> (i32, i32) {
    %c0_i32 = arith.constant 0 : i32
    %c0_i32_0 = arith.constant 0 : i32
    %c0_i32_1 = arith.constant 0 : i32
    return %c0_i32, %c0_i32_0 : i32, i32
  }
}

</mosaic_0001>

<sc_bundles>
// kernel: kernel.12.cloned.1.call-start
scs
__scs_entry_jumppad:
0x0: {  	(pc) =	sbr.rel $0x88, $3  }
0x1: {  	(tag) =	ssettag $0x0;
	lr =	simm.s32 $0x1  }
0x2: {  	[smem:$0x3F8A] =	sst lr;
	_ =	strace $0xD0000000  }
0x3: {  	_ = 	snop  }
0x4: {  	_ = 	snop  }
0x5: {  	_ = 	snop  }
0x6: {  	_ = 	snop  }
0x7: {  	_ = 	snop  }
__scs_overlays_trampoline_lowered:
0x8: {  	[smem:$0x3F99] =	sst s0  }
0x9: {  	[smem:$0x3F9A] =	sst s1  }
0xa: {  	[smem:$0x3F9B] =	sst s2  }
0xb: {  	[smem:$0x3F9C] =	sst s3  }
0xc: {  	[smem:$0x3F9D] =	sst s4  }
0xd: {  	[smem:$0x3F9E] =	sst s5  }
0xe: {  	[smem:$0x3F9F] =	sst s6  }
0xf: {  	[smem:$0x3FA0] =	sst s7  }
0x10: {  	[smem:$0x3FA1] =	sst s8  }
0x11: {  	[smem:$0x3FA2] =	sst s9;
	s0 =	simm.s32 @!p0 $0x0  }
0x12: {  	s1 =	sld [smem:$0x3F88];
	s0 =	simm.s32 @p0 $0x1  }
0x13: {  	[smem:$0x3FA3] =	sst s0;
	s0 =	simm.s32 @!p1 $0x0  }
0x14: {  	s2 =	sld [smem:$0x3F87];
	s0 =	simm.s32 @p1 $0x1  }
0x15: {  	[smem:$0x3FA4] =	sst s0;
	s0 =	simm.s32 @!p2 $0x0  }
0x16: {  	s3 =	sld [smem:$0x3FDB];
	s0 =	simm.s32 @p2 $0x1  }
0x17: {  	s4 =	simm.s32 $0x1BF5;
	[smem:$0x3FA6] =	sst s0  }
0x18: {  	s0 =	sld [smem:$0x3F89];
	_ =	swait.ge [sflag:s4], $0x0  }
0x19: {  	s7 =	sld [smem:$0x3F8A]  }
0x1a: {  	s8 =	sadd.s32 $0xFFFFE003, lr  }
0x1b: {  	s9 =	sadd.s32 $0xFFFFFEF7, lr;
	s5 =	simm.s32 $0xFFFFFFFF;
	p2 =	slt.u32 s8, $0xFFFFF086  }
0x1c: {  	p1 =	slt.u32 s9, $0xF7A;
	s5 =	simm.s32 @!p2 $0x0  }
0x1d: {  	s5 =	simm.s32 @p1 $0x1;
	p0 =	seq.s32 s7, s2  }
0x1e: {  	s7 =	smul.u32 @!p0 $0xF7A, s2;
	p2 =	seq.s32 @!p0 s5, $0x0  }
0x1f: {  	s9 =	smul.u32 $0xF7A, s1;
	s8 =	simm.s32 @!p0 $0x1BF5;
	p2 =	por !p2, p0  }
0x20: {  	[sflag:s8] =	ssyncset.s32 @!p0 $0xFFFFF086;
	s6 =	sadd.s32 @!p0 s3, s7;
	s7 =	simm.s32 @!p0 $0x108  }
0x21: {  	s3 =	sadd.s32 s3, s9;
	s6 =	sadd.s32 @!p0 $0x88, s6;
	s7 =	simm.s32 @p2 $0x1082  }
0x22: {  	[simem:s7], [sflag:s8] =	dma.local @!p0 [hbm:s6], $0xF7A  }
0x23: {  	s9 =	sor.u32 $0xD0000000, s2;
	s6 =	simm.s32 $0x108;
	_ =	swait.ge @!p0 [sflag:s8], $0x0  }
0x24: {  	s3 =	sadd.s32 $0x88, s3;
	s6 =	simm.s32 @!p1 $0x1082;
	[sflag:s4] =	ssyncset.s32 $0xFFFFF086  }
0x25: {  	[simem:s6], [sflag:s4] =	dma.local [hbm:s3], $0xF7A  }
0x26: {  	[smem:$0x3F8A] =	sst s1;
	(tag) =	ssettag s2;
	_ =	strace s9  }
0x27: {  	s1 =	sld [smem:$0x3F9A]  }
0x28: {  	s2 =	sld [smem:$0x3F9B]  }
0x29: {  	s4 =	sld [smem:$0x3F9D]  }
0x2a: {  	p0 =	seq.s32 s5, $0x0;
	s5 =	sld [smem:$0x3F9E]  }
0x2b: {  	s6 =	sld [smem:$0x3F9F]  }
0x2c: {  	s7 =	sld [smem:$0x3FA0]  }
0x2d: {  	s3 =	simm.s32 $0x108;
	s8 =	sld [smem:$0x3FA1]  }
0x2e: {  	s3 =	simm.s32 @!p0 $0x1082;
	s9 =	sld [smem:$0x3FA2]  }
0x2f: {  	lr =	sadd.s32 s0, s3;
	s0 =	sld [smem:$0x3F99]  }
0x30: {  	s3 =	sld [smem:$0x3F9C]  }
0x31: {  	[smem:$0x3FA5] =	sst s10  }
0x32: {  	s10 =	sld [smem:$0x3FA3];
	_ =	sdelay $0x3  }
0x33: {  	p0 =	seq.s32 s10, $0x1;
	s10 =	sld [smem:$0x3FA5];
	_ =	sdelay $0x3  }
0x34: {  	[smem:$0x3FA5] =	sst s10  }
0x35: {  	s10 =	sld [smem:$0x3FA4];
	_ =	sdelay $0x3  }
0x36: {  	p1 =	seq.s32 s10, $0x1;
	s10 =	sld [smem:$0x3FA5];
	_ =	sdelay $0x3  }
0x37: {  	[smem:$0x3FA5] =	sst s10  }
0x38: {  	s10 =	sld [smem:$0x3FA6]  }
0x39: {  	_ = 	snop;
	(pc) =	sbr.ind lr, $3  }
0x3a: {  	_ = 	snop  }
0x3b: {  	_ = 	snop  }
0x3c: {  	p2 =	seq.s32 s10, $0x1;
	s10 =	sld [smem:$0x3FA5]  }
0x3d: {  	_ =	shalt  }
0x3e: {  	_ =	shalt  }
0x3f: {  	_ =	shalt  }
0x40: {  	_ =	shalt  }
0x41: {  	_ =	shalt  }
0x42: {  	_ =	shalt  }
0x43: {  	_ =	shalt  }
0x44: {  	_ =	shalt  }
0x45: {  	_ =	shalt  }
0x46: {  	_ =	shalt  }
0x47: {  	_ =	shalt  }
0x48: {  	_ =	shalt  }
0x49: {  	_ =	shalt  }
0x4a: {  	_ =	shalt  }
0x4b: {  	_ =	shalt  }
0x4c: {  	_ =	shalt  }
0x4d: {  	_ =	shalt  }
0x4e: {  	_ =	shalt  }
0x4f: {  	_ =	shalt  }
0x50: {  	_ =	shalt  }
0x51: {  	_ =	shalt  }
0x52: {  	_ =	shalt  }
0x53: {  	_ =	shalt  }
0x54: {  	_ =	shalt  }
0x55: {  	_ =	shalt  }
0x56: {  	_ =	shalt  }
0x57: {  	_ =	shalt  }
0x58: {  	_ =	shalt  }
0x59: {  	_ =	shalt  }
0x5a: {  	_ =	shalt  }
0x5b: {  	_ =	shalt  }
0x5c: {  	_ =	shalt  }
0x5d: {  	_ =	shalt  }
0x5e: {  	_ =	shalt  }
0x5f: {  	_ =	shalt  }
0x60: {  	_ =	shalt  }
0x61: {  	_ =	shalt  }
0x62: {  	_ =	shalt  }
0x63: {  	_ =	shalt  }
0x64: {  	_ =	shalt  }
0x65: {  	_ =	shalt  }
0x66: {  	_ =	shalt  }
0x67: {  	_ =	shalt  }
0x68: {  	_ =	shalt  }
0x69: {  	_ =	shalt  }
0x6a: {  	_ =	shalt  }
0x6b: {  	_ =	shalt  }
0x6c: {  	_ =	shalt  }
0x6d: {  	_ =	shalt  }
0x6e: {  	_ =	shalt  }
0x6f: {  	_ =	shalt  }
0x70: {  	_ =	shalt  }
0x71: {  	_ =	shalt  }
0x72: {  	_ =	shalt  }
0x73: {  	_ =	shalt  }
0x74: {  	_ =	shalt  }
0x75: {  	_ =	shalt  }
0x76: {  	_ =	shalt  }
0x77: {  	_ =	shalt  }
0x78: {  	_ =	shalt  }
0x79: {  	_ =	shalt  }
0x7a: {  	_ =	shalt  }
0x7b: {  	_ =	shalt  }
0x7c: {  	_ =	shalt  }
0x7d: {  	_ =	shalt  }
0x7e: {  	_ =	shalt  }
0x7f: {  	_ =	shalt  }
0x80: {  	_ =	shalt  }
0x81: {  	_ =	shalt  }
0x82: {  	_ =	shalt  }
0x83: {  	_ =	shalt  }
0x84: {  	_ =	shalt  }
0x85: {  	_ =	shalt  }
0x86: {  	_ =	shalt  }
0x87: {  	_ =	shalt  }
.Lfunc_end0:
.L_simem_size_0:
called_computation_lowered:
.L_overlay_start_0:
0x88: {  	s2 =	sld [smem:$0x3FD9]  }
0x89: {  	s3 =	sld [smem:$0x3FFE];
	_ =	sdelay $0x1  }
0x8a: {  	s1 =	srdreg.scid  }
0x8b: {  	s0 =	sand.u32 $0x1, s1  }
0x8c: {  	s17 =	sshll.u32 s0, $0xA;
	s2 =	sadd.s32 s3, s2  }
0x8d: {  	s2 =	sadd.s32 s2, s17  }
0x8e: {  	[smem:$0x3FB1] =	sst s2  }
0x8f: {  	_ = 	snop  }
0x90: {  	s2 =	sld [smem:$0x3FC7]  }
0x91: {  	s18 =	sld [smem:$0x3FC6];
	(tm) =	ssettm $0x1  }
0x92: {  	s4 =	sld [smem:$0x3FFB];
	_ =	sdelay $0x3  }
0x93: {  	_ =	strace s4  }
0x94: {  	s4 =	sld [smem:$0x3FFC];
	_ =	sdelay $0x3  }
0x95: {  	_ =	strace s4  }
0x96: {  	s4 =	sld [smem:$0x3FFD];
	_ =	sdelay $0x3  }
0x97: {  	_ =	strace s4  }
0x98: {  	_ =	strace $0x8FFFFFFF  }
0x99: {  	s19 =	sld [smem:$0x3FDB];
	_ =	sdelay $0x1  }
0x9a: {  	s5 =	simm.s32 $_scs_section_size  }
0x9b: {  	s6 =	simm.s32 $_size__tile_overlayer_lowered;
	s7 =	simm.s32 $_tile_overlayer_lowered  }
0x9c: {  	s22 =	simm.s32 $0x1BFF;
	s21 =	sshll.u32 s7, $0x1;
	s4 =	sadd.s32 s5, s19  }
0x9d: {  	s8 =	simm.s32 $0x0;
	s20 =	sshll.u32 s6, $0x1;
	s6 =	sadd.s32 s21, s4  }
0x9e: {  	[timem:s8], [sflag:s22] =	dma.local [hbm:s6], s20  }
0x9f: {  	_ =	swait.ge [sflag:s22], s20  }
0xa0: {  	s5 =	ssub.s32 $0x0, s20;
	[sflag:s22] =	ssyncset.done $0x0  }
0xa1: {  	[sflag:s22] =	ssyncadd.s32 s5;
	_ =	sdelay $0x1  }
0xa2: {  	s23 =	simm.s32 $0x1B8B  }
0xa3: {  	_ =	swait.ge [sflag:s23], $0x1  }
0xa4: {  	[sflag:s23] =	ssyncset.done $0x0  }
0xa5: {  	s25 =	simm.s32 $0x1B8E;
	s24 =	sld [smem:$0x3FFE];
	[sflag:s23] =	ssyncadd.s32 $0xFFFFFFFF  }
0xa6: {  	s26 =	simm.s32 $execute0_lowered;
	[smem:$0x3FD2] =	sst s25  }
0xa7: {  	s6 =	sshll.u32 s26, $0x1;
	_ =	strace $0x80000046;
	[dreg:$0x1] =	wrdreg $0xFFFFFFFF  }
0xa8: {  	s28 =	simm.s32 $_size_execute0_lowered;
	s4 =	sadd.s32 s4, s6;
	[dreg:$0x0] =	wrdreg $0x0  }
0xa9: {  	s6 =	sshll.u32 s28, $0x1;
	[dreg:$0x2] =	wrdreg s4  }
0xaa: {  	[dreg:$0x3] =	wrdreg s6  }
0xab: {  	[dreg:$0x4] =	wrdreg $0xC0  }
0xac: {  	_ =	task [dreg:s8], $0x5FFFF  }
0xad: {  	[dreg:$0x1] =	wrdreg $0xFFFFFFFF  }
0xae: {  	[dreg:$0x0] =	wrdreg $0x60  }
0xaf: {  	[dreg:$0x2] =	wrdreg s24  }
0xb0: {  	[dreg:$0x3] =	wrdreg s2  }
0xb1: {  	[dreg:$0x4] =	wrdreg s18  }
0xb2: {  	[dreg:$0x5] =	wrdreg $0xA2000  }
0xb3: {  	[dreg:$0x6] =	wrdreg $0x9  }
0xb4: {  	_ =	task.clear_ibuf [dreg:s8], $0x7FFFF;
	_ =	strace $0x90000046  }
0xb5: {  	s29 =	simm.s32 $0x9;
	_ =	strace $0x80000048  }
0xb6: {  	_ =	swait.ge [sflag:s29], $0x1  }
0xb7: {  	[sflag:s29] =	ssyncadd.s32 $0xFFFFFFFF  }
0xb8: {  	_ =	strace $0x90000048  }
0xb9: {  	_ =	sfence  }
0xba: {  	s30 =	sld [smem:$0x0];
	_ =	sdelay $0x2  }
0xbb: {  	s31 =	sshll.u32 s1, $0xD;
	s1 =	sshrl.u32 s1, $0x2  }
0xbc: {  	s3 =	sand.u32 $0x4000, s31;
	s1 =	sadd.s32 s1, s30  }
0xbd: {  	s0 =	sor.u32 s3, s0;
	s1 =	sshll.u32 s1, $0x11  }
0xbe: {  	s0 =	sor.u32 s1, s0  }
0xbf: {  	s0 =	sadd.s32 $0x8F2B, s0  }
0xc0: {  	[sflag:s0] =	ssyncadd.remote.s32 $0x1  }
0xc1: {  	_ =	sfence.sel $0xFFFF  }
0xc2: {  	[dreg:$0x0] =	wrdreg $0xFFFFFFFF;
	(pc) =	sbr.abs _section_cstart, $3  }
0xc3: {  	[dreg:$0x1] =	wrdreg $0xFFFFFFFF  }
0xc4: {  	_ =	task.clear_ibuf [dreg:s8], $0x2FFFF;
	_ =	strace $0x9FFFFFFF  }
0xc5: {  	(tm) =	ssettm $0x7FFFFFFF  }
tec
execute0_lowered:
.L_overlay_start_1:
0x0: {  	(tag) =	ssettag $0x1  }
0x1: {  	s0 =	rddreg [dreg:$0x0]  }
0x2: {  	s1 =	rddreg [dreg:$0x1]  }
0x3: {  	s2 =	rddreg [dreg:$0x2]  }
0x4: {  	s3 =	rddreg [dreg:$0x3];
	s4 =	srdreg.scid;
	s5 =	simm.s32 $0x0  }
0x5: {  	s14 =	stileid.u32;
	s28 =	simm.s32 $0x0;
	s4 =	sand.u32 $0x1, s4  }
0x6: {  	[smem:$0x7FF] =	sst s5;
	s9 =	smul.u32 $0x50000, s14;
	s7 =	sadd.s32 $0x29D000, s0  }
0x7: {  	s31 =	smul.u32 $0x14000, s14;
	s6 =	sshll.u32 s4, $0x4;
	_ =	strace $0x80000047  }
0x8: {  	s10 =	ssub.s32 $0x2, s4;
	s4 =	smul.u32 $0x140000, s4;
	s8 =	sor.u32 s14, s6  }
0x9: {  	s6 =	sadd.s32 $0x275000, s0;
	s12 =	sshrl.u32 s10, $0x1;
	s0 =	sadd.s32 $0x77F000, s0  }
0xa: {  	s29 =	sshrl.u32 s9, $0x2;
	s19 =	sadd.s32 $0x4000, s31;
	s11 =	smul.u32 $0x2710, s8  }
0xb: {  	s24 =	sadd.s32 $0x8000, s31;
	s25 =	sadd.s32 $0xC000, s31;
	s13 =	smul.u32 $0x27100, s8  }
0xc: {  	s10 =	ssub.s32 s10, s12;
	s8 =	sadd.s32 s29, s3;
	s18 =	sadd.s32 s31, s4  }
0xd: {  	s15 =	sadd.s32 s4, s19;
	s12 =	sadd.s32 $0x10000, s31;
	s14 =	sadd.s32 s24, s3  }
0xe: {  	s23 =	sshrl.u32 s15, $0x3;
	s10 =	smax.u32 s10, $0x1;
	s15 =	simm.s32 $0x5100  }
0xf: {  	s30 =	sshrl.u32 s11, $0x3;
	s17 =	sadd.s32 s7, s13;
	s22 =	sadd.s32 $0x50, s11  }
0x10: {  	s20 =	sadd.s32 $0xA0, s11;
	s21 =	sadd.s32 $0xF0, s11;
	s13 =	sadd.s32 s19, s3  }
0x11: {  	[dreg:$0x10] =	wrdreg s10;
	s10 =	simm.s32 $0x100;
	s11 =	simm.s32 $0x7  }
0x12: {  	s16 =	sadd.s32 s1, s30;
	s9 =	sadd.s32 s2, s30;
	[dreg:$0x7] =	wrdreg s17  }
0x13: {  	s17 =	sadd.s32 s4, s24;
	s30 =	sshll.u32 s22, $0x4;
	[dreg:$0x5] =	wrdreg s16  }
0x14: {  	s24 =	sadd.s32 $0x5000, s8;
	[dreg:$0x6] =	wrdreg s9;
	s9 =	sshrl.u32 s18, $0x3  }
0x15: {  	s17 =	sshrl.u32 s17, $0x3;
	[dreg:$0x16] =	wrdreg s24;
	s9 =	sadd.s32 s0, s9  }
0x16: {  	s16 =	sshrl.u32 s22, $0x3;
	s17 =	sadd.s32 s0, s17;
	[dreg:$0x8] =	wrdreg s9  }
0x17: {  	s18 =	sadd.s32 s4, s25;
	s29 =	sadd.s32 s1, s16;
	[dreg:$0xa] =	wrdreg s17  }
0x18: {  	s4 =	sadd.s32 s4, s12;
	s31 =	sadd.s32 s2, s16;
	[dreg:$0xd] =	wrdreg s29  }
0x19: {  	s16 =	sadd.s32 s25, s3;
	s25 =	sadd.s32 $0x7800, s8;
	[dreg:$0xe] =	wrdreg s31  }
0x1a: {  	s18 =	sshrl.u32 s18, $0x3;
	s9 =	sadd.s32 s0, s23;
	[dreg:$0x17] =	wrdreg s25  }
0x1b: {  	s4 =	sshrl.u32 s4, $0x3;
	s26 =	sadd.s32 s0, s18;
	[dreg:$0x9] =	wrdreg s9  }
0x1c: {  	s24 =	simm.s32 $0x4;
	s0 =	sadd.s32 s0, s4;
	[dreg:$0xb] =	wrdreg s26  }
0x1d: {  	s17 =	sadd.s32 s12, s3;
	s18 =	sshrl.u32 s14, $0x3;
	[dreg:$0xc] =	wrdreg s0  }
0x1e: {  	s19 =	sshrl.u32 s16, $0x3;
	s23 =	sadd.s32 $0x2800, s8;
	[dreg:$0x12] =	wrdreg s18  }
0x1f: {  	s29 =	sadd.s32 $0xC800, s8;
	s31 =	sadd.s32 $0x11800, s8;
	[dreg:$0x13] =	wrdreg s19  }
0x20: {  	s12 =	simm.s32 $0x80;
	s14 =	simm.s32 $0x2900;
	[dreg:$0x15] =	wrdreg s23  }
0x21: {  	s16 =	simm.s32 $0x5180;
	s25 =	simm.s32 $0x5;
	[dreg:$0x19] =	wrdreg s29  }
0x22: {  	s0 =	sadd.s32 s7, s30;
	s22 =	sshrl.u32 s17, $0x3;
	[dreg:$0x1b] =	wrdreg s31  }
0x23: {  	s26 =	sadd.s32 $0xA000, s8;
	s30 =	sadd.s32 $0xF000, s8;
	[dreg:$0xf] =	wrdreg s0  }
0x24: {  	s17 =	simm.s32 $0x5200;
	s18 =	simm.s32 $0x7A00;
	[dreg:$0x14] =	wrdreg s22  }
0x25: {  	s19 =	simm.s32 $0x1;
	s23 =	simm.s32 $0x3;
	[dreg:$0x18] =	wrdreg s26  }
0x26: {  	s0 =	sshrl.u32 s13, $0x3;
	[dreg:$0x1a] =	wrdreg s30;
	s13 =	simm.s32 $0x50  }
0x27: {  	v0 =	vimm.f32 $0.0e+00;
	s22 =	simm.s32 $0x2;
	s26 =	simm.s32 $0x6;
	[dreg:$0x11] =	wrdreg s0  }
.LBB2_1:
0x28: {  	s0 =	simm.s32 $0x0;
	s29 =	simm.s32 $0x200  }
.LBB2_2:
0x29: {  	p0 =	sne.s32 s29, $0x9E00;
	[tilespmem:s0+$0x170] =	vst v0  }
0x2a: {  	[tilespmem:s0+$0x100] =	vst v0  }
0x2b: {  	[tilespmem:s0+$0x110] =	vst v0  }
.Ltmp0:
0x2c: {  	[tilespmem:s0+$0x120] =	vst v0;
	(pc) =	sbr.rel @p0 .LBB2_2-.Ltmp0, $4  }
0x2d: {  	[tilespmem:s0+$0x130] =	vst v0  }
0x2e: {  	[tilespmem:s0+$0x140] =	vst v0  }
0x2f: {  	[tilespmem:s0+$0x150] =	vst v0  }
0x30: {  	[tilespmem:s0+$0x160] =	vst v0;
	s0 =	sshra.s32 s29, $0x2;
	s29 =	sadd.s32 $0x200, s29  }
0x31: {  	[tilespmem:s0+$0x170] =	vst v0  }
0x32: {  	[tilespmem:s0+$0x100] =	vst v0  }
0x33: {  	[tilespmem:s0+$0x110] =	vst v0  }
0x34: {  	[tilespmem:s0+$0x120] =	vst v0  }
0x35: {  	[tilespmem:s0+$0x130] =	vst v0  }
0x36: {  	[tilespmem:s0+$0x140] =	vst v0  }
0x37: {  	[tilespmem:s0+$0x150] =	vst v0  }
0x38: {  	[tilespmem:s0+$0x160] =	vst v0  }
0x39: {  	[spmem:s8] =	stream.linear.scatter [tilespmem:s10], [sflag:$0x7], $0x2800, $0x38;
	[tilespmem:$0x1E200] =	vst v63  }
0x3a: {  	_ =	swait.ge [sflag:s11], $0x2800  }
0x3b: {  	[sflag:s11] =	ssyncset.done $0x0  }
0x3c: {  	s31 =	rddreg [dreg:$0x15];
	[sflag:s11] =	ssyncadd.s32 $0xFFFFD800  }
0x3d: {  	[spmem:s31] =	stream.linear.scatter [tilespmem:s10], [sflag:$0x7], $0x2800, $0x38;
	[tilespmem:$0x1E200] =	vst v63  }
0x3e: {  	_ =	swait.ge [sflag:s11], $0x2800  }
0x3f: {  	[sflag:s11] =	ssyncset.done $0x0  }
0x40: {  	s4 =	rddreg [dreg:$0x16];
	[sflag:s11] =	ssyncadd.s32 $0xFFFFD800  }
0x41: {  	[spmem:s4] =	stream.linear.scatter [tilespmem:s10], [sflag:$0x7], $0x2800, $0x38;
	[tilespmem:$0x1E200] =	vst v63  }
0x42: {  	_ =	swait.ge [sflag:s11], $0x2800  }
0x43: {  	[sflag:s11] =	ssyncset.done $0x0  }
0x44: {  	s9 =	rddreg [dreg:$0x17];
	[sflag:s11] =	ssyncadd.s32 $0xFFFFD800  }
0x45: {  	[spmem:s9] =	stream.linear.scatter [tilespmem:s10], [sflag:$0x7], $0x2800, $0x38;
	[tilespmem:$0x1E200] =	vst v63  }
0x46: {  	_ =	swait.ge [sflag:s11], $0x2800  }
0x47: {  	[sflag:s11] =	ssyncset.done $0x0  }
0x48: {  	s30 =	rddreg [dreg:$0x18];
	[sflag:s11] =	ssyncadd.s32 $0xFFFFD800  }
0x49: {  	[spmem:s30] =	stream.linear.scatter [tilespmem:s10], [sflag:$0x7], $0x2800, $0x38;
	[tilespmem:$0x1E200] =	vst v63  }
0x4a: {  	_ =	swait.ge [sflag:s11], $0x2800  }
0x4b: {  	[sflag:s11] =	ssyncset.done $0x0  }
0x4c: {  	s31 =	rddreg [dreg:$0x19];
	[sflag:s11] =	ssyncadd.s32 $0xFFFFD800  }
0x4d: {  	[spmem:s31] =	stream.linear.scatter [tilespmem:s10], [sflag:$0x7], $0x2800, $0x38;
	[tilespmem:$0x1E200] =	vst v63  }
0x4e: {  	_ =	swait.ge [sflag:s11], $0x2800  }
0x4f: {  	[sflag:s11] =	ssyncset.done $0x0  }
0x50: {  	s4 =	rddreg [dreg:$0x1a];
	[sflag:s11] =	ssyncadd.s32 $0xFFFFD800  }
0x51: {  	[spmem:s4] =	stream.linear.scatter [tilespmem:s10], [sflag:$0x7], $0x2800, $0x38;
	[tilespmem:$0x1E200] =	vst v63  }
0x52: {  	_ =	swait.ge [sflag:s11], $0x2800  }
0x53: {  	[sflag:s11] =	ssyncset.done $0x0  }
0x54: {  	s9 =	rddreg [dreg:$0x1b];
	[sflag:s11] =	ssyncadd.s32 $0xFFFFD800  }
0x55: {  	[spmem:s9] =	stream.linear.scatter [tilespmem:s10], [sflag:$0x7], $0x2800, $0x38;
	[tilespmem:$0x1E200] =	vst v63  }
0x56: {  	_ =	swait.ge [sflag:s11], $0x2800  }
0x57: {  	[sflag:s11] =	ssyncset.done $0x0  }
0x58: {  	[sflag:s11] =	ssyncadd.s32 $0xFFFFD800  }
0x59: {  	[bflag:$0x0] =	sbarrier.arrive $0xFFFF  }
0x5a: {  	s29 =	simm.s32 $0x0;
	s30 =	rddreg [dreg:$0x5]  }
0x5b: {  	[tilespmem:s29], [sflag:$0x7] =	stream.linear.gather [hbm4b:s30+s29], $0x50, $0x38;
	[tilespmem:$0x1E200] =	vst v63  }
0x5c: {  	_ =	swait.ge [sflag:s11], $0x50  }
0x5d: {  	[sflag:s11] =	ssyncset.done $0x0  }
0x5e: {  	s31 =	rddreg [dreg:$0x6];
	[sflag:s11] =	ssyncadd.s32 $0xFFFFFFB0  }
0x5f: {  	[tilespmem:s12], [sflag:$0x7] =	stream.linear.gather [hbm4b:s31+s29], $0x50, $0x38;
	[tilespmem:$0x1E200] =	vst v63  }
0x60: {  	_ =	swait.ge [sflag:s11], $0x50  }
0x61: {  	[sflag:s11] =	ssyncset.done $0x0  }
0x62: {  	[sflag:s11] =	ssyncadd.s32 $0xFFFFFFB0  }
0x63: {  	[tilespmem:s10], [sflag:$0x1] =	stream.indirect.gather [hbm4b:s6+s13], $0x80, s29, s13, $0xb8;
	[tilespmem:$0x1E200] =	vst v63  }
0x64: {  	s4 =	rddreg [dreg:$0x7]  }
0x65: {  	[tilespmem:s14], [sflag:$0x2] =	stream.linear.gather [hbm4b:s4+s29], $0x2800, $0x38;
	[tilespmem:$0x1E200] =	vst v63  }
0x66: {  	s9 =	rddreg [dreg:$0xd]  }
0x67: {  	[tilespmem:s15], [sflag:$0x7] =	stream.linear.gather [hbm4b:s9+s29], $0x50, $0x38;
	[tilespmem:$0x1E200] =	vst v63  }
0x68: {  	_ =	swait.ge [sflag:s11], $0x50  }
0x69: {  	[sflag:s11] =	ssyncset.done $0x0  }
0x6a: {  	s30 =	rddreg [dreg:$0xe];
	[sflag:s11] =	ssyncadd.s32 $0xFFFFFFB0  }
0x6b: {  	[tilespmem:s16], [sflag:$0x7] =	stream.linear.gather [hbm4b:s30+s29], $0x50, $0x38;
	[tilespmem:$0x1E200] =	vst v63  }
0x6c: {  	_ =	swait.ge [sflag:s11], $0x50  }
0x6d: {  	[sflag:s11] =	ssyncset.done $0x0  }
0x6e: {  	[sflag:s11] =	ssyncadd.s32 $0xFFFFFFB0  }
0x6f: {  	[tilespmem:s17], [sflag:$0x4] =	stream.indirect.gather [hbm4b:s6+s13], $0x80, s15, s13, $0xb8;
	[tilespmem:$0x1E200] =	vst v63  }
0x70: {  	s31 =	rddreg [dreg:$0xf]  }
0x71: {  	[tilespmem:s18], [sflag:$0x5] =	stream.linear.gather [hbm4b:s31+s29], $0x2800, $0x38;
	[tilespmem:$0x1E200] =	vst v63  }
.LBB2_4:
0x72: {  	_ =	swait.ge [sflag:s19], $0x2800  }
0x73: {  	[sflag:s19] =	ssyncset.done $0x0  }
0x74: {  	[sflag:s19] =	ssyncadd.s32 $0xFFFFD800  }
0x75: {  	_ =	swait.ge [sflag:s22], $0x2800  }
0x76: {  	[sflag:s22] =	ssyncset.done $0x0  }
0x77: {  	s30 =	simm.s32 $0x0;
	[sflag:s22] =	ssyncadd.s32 $0xFFFFD800  }
0x78: {  	v8 =	vld [tilespmem:s30+$0x2900]  }
0x79: {  	v12 =	vld [tilespmem:s30+$0x2910]  }
0x7a: {  	v6 =	vld [tilespmem:s30+$0x2920]  }
0x7b: {  	v5 =	vld [tilespmem:s30+$0x2930]  }
0x7c: {  	v4 =	vld [tilespmem:s30+$0x2940]  }
0x7d: {  	v3 =	vld [tilespmem:s30+$0x2950]  }
0x7e: {  	v2 =	vld [tilespmem:s30+$0x2960]  }
0x7f: {  	v1 =	vld [tilespmem:s30+$0x2970]  }
0x80: {  	v13 =	vld [tilespmem:s30+$0x100]  }
0x81: {  	v14 =	vld [tilespmem:s30+$0x110]  }
0x82: {  	v11 =	vld [tilespmem:s30+$0x120]  }
0x83: {  	v10 =	vld [tilespmem:s30+$0x130]  }
0x84: {  	v9 =	vld [tilespmem:s30+$0x140]  }
0x85: {  	v7 =	vld [tilespmem:s30+$0x150];
	v13 =	vmul.f32 v8, v13  }
0x86: {  	s31 =	simm.s32 $0x200;
	v12 =	vmul.f32 v12, v14;
	v8 =	vld [tilespmem:s30+$0x160]  }
.LBB2_5:
0x87: {  	s0 =	sshra.s32 s31, $0x2;
	p0 =	sne.s32 s31, $0x9E00;
	[tilespmem:s30+$0x100] =	vst v13;
	v6 =	vmul.f32 v6, v11;
	v11 =	vld [tilespmem:s30+$0x170]  }
0x88: {  	v13 =	vld [tilespmem:s0+$0x2900];
	[tilespmem:s30+$0x110] =	vst v12;
	v5 =	vmul.f32 v5, v10  }
0x89: {  	v12 =	vld [tilespmem:s0+$0x2910];
	[tilespmem:s30+$0x120] =	vst v6;
	v4 =	vmul.f32 v4, v9  }
0x8a: {  	v6 =	vld [tilespmem:s0+$0x2920];
	[tilespmem:s30+$0x130] =	vst v5;
	v3 =	vmul.f32 v3, v7  }
0x8b: {  	v5 =	vld [tilespmem:s0+$0x2930];
	[tilespmem:s30+$0x140] =	vst v4;
	v2 =	vmul.f32 v2, v8  }
0x8c: {  	v4 =	vld [tilespmem:s0+$0x2940];
	[tilespmem:s30+$0x150] =	vst v3;
	v1 =	vmul.f32 v1, v11  }
0x8d: {  	v3 =	vld [tilespmem:s0+$0x2950];
	[tilespmem:s30+$0x160] =	vst v2  }
0x8e: {  	v2 =	vld [tilespmem:s0+$0x2960];
	[tilespmem:s30+$0x170] =	vst v1;
	s30 =	smov.u32 s0  }
0x8f: {  	v1 =	vld [tilespmem:s30+$0x2970]  }
0x90: {  	v7 =	vld [tilespmem:s30+$0x100]  }
0x91: {  	v8 =	vld [tilespmem:s30+$0x110]  }
.Ltmp1:
0x92: {  	v11 =	vld [tilespmem:s30+$0x120];
	(pc) =	sbr.rel @p0 .LBB2_5-.Ltmp1, $4  }
0x93: {  	v10 =	vld [tilespmem:s30+$0x130]  }
0x94: {  	v9 =	vld [tilespmem:s30+$0x140]  }
0x95: {  	v13 =	vmul.f32 v13, v7;
	v7 =	vld [tilespmem:s30+$0x150]  }
0x96: {  	s31 =	sadd.s32 $0x200, s31;
	v12 =	vmul.f32 v12, v8;
	v8 =	vld [tilespmem:s30+$0x160]  }
0x97: {  	[tilespmem:s30+$0x100] =	vst v13;
	v6 =	vmul.f32 v6, v11;
	v11 =	vld [tilespmem:s30+$0x170]  }
0x98: {  	[tilespmem:s30+$0x110] =	vst v12;
	v5 =	vmul.f32 v5, v10  }
0x99: {  	[tilespmem:s30+$0x120] =	vst v6;
	v4 =	vmul.f32 v4, v9  }
0x9a: {  	[tilespmem:s30+$0x130] =	vst v5;
	v3 =	vmul.f32 v3, v7  }
0x9b: {  	[tilespmem:s30+$0x140] =	vst v4;
	v2 =	vmul.f32 v2, v8  }
0x9c: {  	[tilespmem:s30+$0x150] =	vst v3;
	v1 =	vmul.f32 v1, v11  }
0x9d: {  	[tilespmem:s30+$0x160] =	vst v2  }
0x9e: {  	[tilespmem:s30+$0x170] =	vst v1;
	s30 =	smul.u32 $0xA0, s29  }
0x9f: {  	[spmem:s3] =	stream.indirect.scatter.add.f32 [tilespmem:s10], [sflag:$0x3], $0x80, s12, s13, $0xb8;
	[tilespmem:$0x1E200] =	vst v63  }
0xa0: {  	s0 =	sadd.s32 s30, s20;
	_ =	swait.ge [sflag:s23], $0x2800  }
0xa1: {  	[sflag:s23] =	ssyncset.done $0x0;
	s31 =	sshrl.u32 s0, $0x3  }
0xa2: {  	s9 =	simm.s32 $0x0;
	[sflag:s23] =	ssyncadd.s32 $0xFFFFD800;
	s4 =	sadd.s32 s1, s31  }
0xa3: {  	[tilespmem:s9], [sflag:$0x7] =	stream.linear.gather [hbm4b:s4+s9], $0x50, $0x38;
	[tilespmem:$0x1E200] =	vst v63  }
0xa4: {  	_ =	swait.ge [sflag:s11], $0x50  }
0xa5: {  	[sflag:s11] =	ssyncset.done $0x0  }
0xa6: {  	s4 =	sadd.s32 s2, s31;
	[sflag:s11] =	ssyncadd.s32 $0xFFFFFFB0  }
0xa7: {  	[tilespmem:s12], [sflag:$0x7] =	stream.linear.gather [hbm4b:s4+s9], $0x50, $0x38;
	[tilespmem:$0x1E200] =	vst v63  }
0xa8: {  	_ =	swait.ge [sflag:s11], $0x50  }
0xa9: {  	[sflag:s11] =	ssyncset.done $0x0  }
0xaa: {  	s0 =	sshll.u32 s0, $0x4;
	[sflag:s11] =	ssyncadd.s32 $0xFFFFFFB0  }
0xab: {  	[tilespmem:s10], [sflag:$0x1] =	stream.indirect.gather [hbm4b:s6+s13], $0x80, s9, s13, $0xb8;
	[tilespmem:$0x1E200] =	vst v63  }
0xac: {  	s0 =	sadd.s32 s7, s0  }
0xad: {  	[tilespmem:s14], [sflag:$0x2] =	stream.linear.gather [hbm4b:s0+s9], $0x2800, $0x38;
	[tilespmem:$0x1E200] =	vst v63  }
0xae: {  	_ =	swait.ge [sflag:s24], $0x2800  }
0xaf: {  	[sflag:s24] =	ssyncset.done $0x0  }
0xb0: {  	[sflag:s24] =	ssyncadd.s32 $0xFFFFD800  }
0xb1: {  	_ =	swait.ge [sflag:s25], $0x2800  }
0xb2: {  	[sflag:s25] =	ssyncset.done $0x0  }
0xb3: {  	s31 =	simm.s32 $0x0;
	[sflag:s25] =	ssyncadd.s32 $0xFFFFD800  }
0xb4: {  	v8 =	vld [tilespmem:s31+$0x7A00]  }
0xb5: {  	v12 =	vld [tilespmem:s31+$0x7A10]  }
0xb6: {  	v6 =	vld [tilespmem:s31+$0x7A20]  }
0xb7: {  	v5 =	vld [tilespmem:s31+$0x7A30]  }
0xb8: {  	v4 =	vld [tilespmem:s31+$0x7A40]  }
0xb9: {  	v3 =	vld [tilespmem:s31+$0x7A50]  }
0xba: {  	v2 =	vld [tilespmem:s31+$0x7A60]  }
0xbb: {  	v1 =	vld [tilespmem:s31+$0x7A70]  }
0xbc: {  	v13 =	vld [tilespmem:s31+$0x5200]  }
0xbd: {  	v14 =	vld [tilespmem:s31+$0x5210]  }
0xbe: {  	v11 =	vld [tilespmem:s31+$0x5220]  }
0xbf: {  	v10 =	vld [tilespmem:s31+$0x5230]  }
0xc0: {  	v9 =	vld [tilespmem:s31+$0x5240]  }
0xc1: {  	v7 =	vld [tilespmem:s31+$0x5250];
	v13 =	vmul.f32 v8, v13  }
0xc2: {  	s0 =	simm.s32 $0x200;
	v12 =	vmul.f32 v12, v14;
	v8 =	vld [tilespmem:s31+$0x5260]  }
.LBB2_7:
0xc3: {  	s4 =	sshra.s32 s0, $0x2;
	p0 =	sne.s32 s0, $0x9E00;
	[tilespmem:s31+$0x5200] =	vst v13;
	v6 =	vmul.f32 v6, v11;
	v11 =	vld [tilespmem:s31+$0x5270]  }
0xc4: {  	v13 =	vld [tilespmem:s4+$0x7A00];
	[tilespmem:s31+$0x5210] =	vst v12;
	v5 =	vmul.f32 v5, v10  }
0xc5: {  	v12 =	vld [tilespmem:s4+$0x7A10];
	[tilespmem:s31+$0x5220] =	vst v6;
	v4 =	vmul.f32 v4, v9  }
0xc6: {  	v6 =	vld [tilespmem:s4+$0x7A20];
	[tilespmem:s31+$0x5230] =	vst v5;
	v3 =	vmul.f32 v3, v7  }
0xc7: {  	v5 =	vld [tilespmem:s4+$0x7A30];
	[tilespmem:s31+$0x5240] =	vst v4;
	v2 =	vmul.f32 v2, v8  }
0xc8: {  	v4 =	vld [tilespmem:s4+$0x7A40];
	[tilespmem:s31+$0x5250] =	vst v3;
	v1 =	vmul.f32 v1, v11  }
0xc9: {  	v3 =	vld [tilespmem:s4+$0x7A50];
	[tilespmem:s31+$0x5260] =	vst v2  }
0xca: {  	v2 =	vld [tilespmem:s4+$0x7A60];
	[tilespmem:s31+$0x5270] =	vst v1;
	s31 =	smov.u32 s4  }
0xcb: {  	v1 =	vld [tilespmem:s31+$0x7A70]  }
0xcc: {  	v7 =	vld [tilespmem:s31+$0x5200]  }
0xcd: {  	v8 =	vld [tilespmem:s31+$0x5210]  }
.Ltmp2:
0xce: {  	v11 =	vld [tilespmem:s31+$0x5220];
	(pc) =	sbr.rel @p0 .LBB2_7-.Ltmp2, $4  }
0xcf: {  	v10 =	vld [tilespmem:s31+$0x5230]  }
0xd0: {  	v9 =	vld [tilespmem:s31+$0x5240]  }
0xd1: {  	v13 =	vmul.f32 v13, v7;
	v7 =	vld [tilespmem:s31+$0x5250]  }
0xd2: {  	s0 =	sadd.s32 $0x200, s0;
	v12 =	vmul.f32 v12, v8;
	v8 =	vld [tilespmem:s31+$0x5260]  }
0xd3: {  	[tilespmem:s31+$0x5200] =	vst v13;
	v6 =	vmul.f32 v6, v11;
	v63 =	vld [tilespmem:s31+$0x5270]  }
0xd4: {  	[tilespmem:s31+$0x5210] =	vst v12;
	v5 =	vmul.f32 v5, v10  }
0xd5: {  	[tilespmem:s31+$0x5220] =	vst v6;
	v4 =	vmul.f32 v4, v9  }
0xd6: {  	p0 =	seq.s32 s29, $0x3D;
	[tilespmem:s31+$0x5230] =	vst v5;
	v3 =	vmul.f32 v3, v7  }
.Ltmp3:
0xd7: {  	[tilespmem:s31+$0x5240] =	vst v4;
	v2 =	vmul.f32 v2, v8;
	(pc) =	sbr.rel @p0 .LBB2_10-.Ltmp3, $4  }
0xd8: {  	[tilespmem:s31+$0x5250] =	vst v3;
	v1 =	vmul.f32 v1, v63  }
0xd9: {  	[tilespmem:s31+$0x5260] =	vst v2  }
0xda: {  	[tilespmem:s31+$0x5270] =	vst v1  }
0xdb: {  	[spmem:s3] =	stream.indirect.scatter.add.f32 [tilespmem:s17], [sflag:$0x6], $0x80, s16, s13, $0xb8;
	[tilespmem:$0x1E200] =	vst v63  }
0xdc: {  	s0 =	sadd.s32 s30, s21;
	_ =	swait.ge [sflag:s26], $0x2800  }
0xdd: {  	[sflag:s26] =	ssyncset.done $0x0;
	s4 =	sshrl.u32 s0, $0x3  }
0xde: {  	[sflag:s26] =	ssyncadd.s32 $0xFFFFD800;
	s9 =	sadd.s32 s1, s4  }
0xdf: {  	[tilespmem:s15], [sflag:$0x7] =	stream.linear.gather [hbm4b:s9+s5], $0x50, $0x38;
	[tilespmem:$0x1E200] =	vst v63  }
0xe0: {  	_ =	swait.ge [sflag:s11], $0x50  }
0xe1: {  	[sflag:s11] =	ssyncset.done $0x0  }
0xe2: {  	s4 =	sadd.s32 s2, s4;
	[sflag:s11] =	ssyncadd.s32 $0xFFFFFFB0  }
0xe3: {  	[tilespmem:s16], [sflag:$0x7] =	stream.linear.gather [hbm4b:s4+s5], $0x50, $0x38;
	[tilespmem:$0x1E200] =	vst v63  }
0xe4: {  	_ =	swait.ge [sflag:s11], $0x50  }
.Ltmp4:
0xe5: {  	[sflag:s11] =	ssyncset.done $0x0;
	(pc) =	sbr.rel .LBB2_4-.Ltmp4, $4  }
0xe6: {  	s0 =	sshll.u32 s0, $0x4;
	[sflag:s11] =	ssyncadd.s32 $0xFFFFFFB0  }
0xe7: {  	[tilespmem:s17], [sflag:$0x4] =	stream.indirect.gather [hbm4b:s6+s13], $0x80, s15, s13, $0xb8;
	[tilespmem:$0x1E200] =	vst v63  }
0xe8: {  	s29 =	sadd.s32 $0x1, s29;
	s0 =	sadd.s32 s7, s0  }
0xe9: {  	[tilespmem:s18], [sflag:$0x5] =	stream.linear.gather [hbm4b:s0+s5], $0x2800, $0x38;
	[tilespmem:$0x1E200] =	vst v63  }
.LBB2_10:
0xea: {  	_ =	swait.ge [sflag:s19], $0x2800  }
0xeb: {  	[sflag:s19] =	ssyncset.done $0x0  }
0xec: {  	[sflag:s19] =	ssyncadd.s32 $0xFFFFD800  }
0xed: {  	_ =	swait.ge [sflag:s22], $0x2800  }
0xee: {  	[sflag:s22] =	ssyncset.done $0x0  }
0xef: {  	s29 =	simm.s32 $0x0;
	[sflag:s22] =	ssyncadd.s32 $0xFFFFD800  }
0xf0: {  	v8 =	vld [tilespmem:s29+$0x2900]  }
0xf1: {  	v12 =	vld [tilespmem:s29+$0x2910]  }
0xf2: {  	v6 =	vld [tilespmem:s29+$0x2920]  }
0xf3: {  	v5 =	vld [tilespmem:s29+$0x2930]  }
0xf4: {  	v4 =	vld [tilespmem:s29+$0x2940]  }
0xf5: {  	v3 =	vld [tilespmem:s29+$0x2950]  }
0xf6: {  	v2 =	vld [tilespmem:s29+$0x2960]  }
0xf7: {  	v1 =	vld [tilespmem:s29+$0x2970]  }
0xf8: {  	v13 =	vld [tilespmem:s29+$0x100]  }
0xf9: {  	v14 =	vld [tilespmem:s29+$0x110]  }
0xfa: {  	v11 =	vld [tilespmem:s29+$0x120]  }
0xfb: {  	v10 =	vld [tilespmem:s29+$0x130]  }
0xfc: {  	v9 =	vld [tilespmem:s29+$0x140]  }
0xfd: {  	v7 =	vld [tilespmem:s29+$0x150];
	v13 =	vmul.f32 v8, v13  }
0xfe: {  	s0 =	simm.s32 $0x200;
	v12 =	vmul.f32 v12, v14;
	v8 =	vld [tilespmem:s29+$0x160]  }
.LBB2_11:
0xff: {  	s4 =	sshra.s32 s0, $0x2;
	p0 =	sne.s32 s0, $0x9E00;
	[tilespmem:s29+$0x100] =	vst v13;
	v6 =	vmul.f32 v6, v11;
	v11 =	vld [tilespmem:s29+$0x170]  }
0x100: {  	v13 =	vld [tilespmem:s4+$0x2900];
	[tilespmem:s29+$0x110] =	vst v12;
	v5 =	vmul.f32 v5, v10  }
0x101: {  	v12 =	vld [tilespmem:s4+$0x2910];
	[tilespmem:s29+$0x120] =	vst v6;
	v4 =	vmul.f32 v4, v9  }
0x102: {  	v6 =	vld [tilespmem:s4+$0x2920];
	[tilespmem:s29+$0x130] =	vst v5;
	v3 =	vmul.f32 v3, v7  }
0x103: {  	v5 =	vld [tilespmem:s4+$0x2930];
	[tilespmem:s29+$0x140] =	vst v4;
	v2 =	vmul.f32 v2, v8  }
0x104: {  	v4 =	vld [tilespmem:s4+$0x2940];
	[tilespmem:s29+$0x150] =	vst v3;
	v1 =	vmul.f32 v1, v11  }
0x105: {  	v3 =	vld [tilespmem:s4+$0x2950];
	[tilespmem:s29+$0x160] =	vst v2  }
0x106: {  	v2 =	vld [tilespmem:s4+$0x2960];
	[tilespmem:s29+$0x170] =	vst v1;
	s29 =	smov.u32 s4  }
0x107: {  	v1 =	vld [tilespmem:s29+$0x2970]  }
0x108: {  	v7 =	vld [tilespmem:s29+$0x100]  }
0x109: {  	v8 =	vld [tilespmem:s29+$0x110]  }
.Ltmp5:
0x10a: {  	v11 =	vld [tilespmem:s29+$0x120];
	(pc) =	sbr.rel @p0 .LBB2_11-.Ltmp5, $4  }
0x10b: {  	v10 =	vld [tilespmem:s29+$0x130]  }
0x10c: {  	v9 =	vld [tilespmem:s29+$0x140]  }
0x10d: {  	v13 =	vmul.f32 v13, v7;
	v7 =	vld [tilespmem:s29+$0x150]  }
0x10e: {  	s0 =	sadd.s32 $0x200, s0;
	v12 =	vmul.f32 v12, v8;
	v8 =	vld [tilespmem:s29+$0x160]  }
0x10f: {  	[tilespmem:s29+$0x100] =	vst v13;
	v6 =	vmul.f32 v6, v11;
	v63 =	vld [tilespmem:s29+$0x170]  }
0x110: {  	[tilespmem:s29+$0x110] =	vst v12;
	v5 =	vmul.f32 v5, v10  }
0x111: {  	[tilespmem:s29+$0x120] =	vst v6;
	v4 =	vmul.f32 v4, v9  }
0x112: {  	[tilespmem:s29+$0x130] =	vst v5;
	v3 =	vmul.f32 v3, v7  }
0x113: {  	[tilespmem:s29+$0x140] =	vst v4;
	v2 =	vmul.f32 v2, v8  }
0x114: {  	[tilespmem:s29+$0x150] =	vst v3;
	v1 =	vmul.f32 v1, v63  }
0x115: {  	[tilespmem:s29+$0x160] =	vst v2  }
0x116: {  	[tilespmem:s29+$0x170] =	vst v1  }
0x117: {  	[spmem:s3] =	stream.indirect.scatter.add.f32 [tilespmem:s10], [sflag:$0x3], $0x80, s12, s13, $0xb8;
	[tilespmem:$0x1E200] =	vst v63  }
0x118: {  	_ =	swait.ge [sflag:s23], $0x2800  }
0x119: {  	[sflag:s23] =	ssyncset.done $0x0  }
0x11a: {  	[sflag:s23] =	ssyncadd.s32 $0xFFFFD800  }
0x11b: {  	_ =	swait.ge [sflag:s26], $0x2800  }
0x11c: {  	[sflag:s26] =	ssyncset.done $0x0  }
0x11d: {  	s0 =	stileid.u32;
	[sflag:s26] =	ssyncadd.s32 $0xFFFFD800  }
0x11e: {  	s0 =	sshll.u32 s0, $0x6;
	[bflag:$0x0] =	sbarrier.arrive $0xFFFF  }
0x11f: {  	s4 =	sshrl.u32 s8, $0x3;
	s0 =	sor.u32 $0x1C07, s0;
	s9 =	rddreg [dreg:$0x8]  }
0x120: {  	[hbm:s9], [sflag:s0] =	dma.local [spmem:s4], $0x800  }
0x121: {  	_ =	swait.ge [sflag:s11], $0x800  }
0x122: {  	[sflag:s11] =	ssyncset.done $0x0;
	s30 =	rddreg [dreg:$0x9]  }
0x123: {  	s31 =	rddreg [dreg:$0x11];
	[sflag:s11] =	ssyncadd.s32 $0xFFFFF800  }
0x124: {  	[hbm:s30], [sflag:s0] =	dma.local [spmem:s31], $0x800  }
0x125: {  	_ =	swait.ge [sflag:s11], $0x800  }
0x126: {  	[sflag:s11] =	ssyncset.done $0x0;
	s9 =	rddreg [dreg:$0xa]  }
0x127: {  	s29 =	rddreg [dreg:$0x12];
	[sflag:s11] =	ssyncadd.s32 $0xFFFFF800  }
0x128: {  	[hbm:s9], [sflag:s0] =	dma.local [spmem:s29], $0x800  }
0x129: {  	_ =	swait.ge [sflag:s11], $0x800  }
0x12a: {  	[sflag:s11] =	ssyncset.done $0x0;
	s30 =	rddreg [dreg:$0xb]  }
0x12b: {  	s31 =	rddreg [dreg:$0x13];
	[sflag:s11] =	ssyncadd.s32 $0xFFFFF800  }
0x12c: {  	[hbm:s30], [sflag:s0] =	dma.local [spmem:s31], $0x800  }
0x12d: {  	_ =	swait.ge [sflag:s11], $0x800  }
0x12e: {  	[sflag:s11] =	ssyncset.done $0x0;
	s29 =	rddreg [dreg:$0xc]  }
0x12f: {  	s30 =	rddreg [dreg:$0x14];
	[sflag:s11] =	ssyncadd.s32 $0xFFFFF800  }
0x130: {  	[hbm:s29], [sflag:s0] =	dma.local [spmem:s30], $0x800  }
0x131: {  	_ =	swait.ge [sflag:s11], $0x800  }
0x132: {  	s28 =	sadd.s32 $0x1, s28;
	s31 =	rddreg [dreg:$0x10]  }
0x133: {  	p0 =	sne.s32 s28, s31  }
.Ltmp6:
0x134: {  	_ = 	snop;
	(pc) =	sbr.rel @p0 .LBB2_1-.Ltmp6, $3  }
0x135: {  	_ =	sdelay $0x1  }
0x136: {  	[sflag:s11] =	ssyncset.done $0x0  }
0x137: {  	[sflag:s11] =	ssyncadd.s32 $0xFFFFF800  }
0x138: {  	_ =	sfence.sel $0x180000  }
0x139: {  	[bflag:$0x0] =	sbarrier.arrive $0xFFFF  }
0x13a: {  	_ =	strace $0x90000047  }
0x13b: {  	s0 =	stileid.u32;
	[bflag:$0x2] =	sbarrier.arrive $0xFFFF  }
0x13c: {  	p0 =	sne.s32 s0, $0x0;
	s0 =	rddreg [dreg:$0x4]  }
0x13d: {  	s0 =	sadd.s32 @!p0 $0x100000, s0  }
0x13e: {  	[sflag:s0] =	ssyncadd.tile.s32 @!p0 $0x1;
	_ =	shalt  }
.Lfunc_end2:
_tile_overlayer_lowered:
.L_overlay_start_2:
0x13f: {  	(tag) =	ssettag $0x2  }
0x140: {  	s0 =	rddreg [dreg:$0x0];
	s2 =	stileid.u32  }
0x141: {  	s1 =	rddreg [dreg:$0x1];
	p0 =	sne.s32 s2, $0x0  }
0x142: {  	s3 =	rddreg [dreg:$0x2];
	[bflag:$0x3] =	sbarrier.arrive $0xFFFF;
	s2 =	simm.s32 @!p0 $0x1C07  }
0x143: {  	[timem:s3], [sflag:s2] =	dma.local @!p0 [hbm:s0], s1  }
0x144: {  	s0 =	simm.s32 @!p0 $0x7  }
0x145: {  	_ =	swait.ge @!p0 [sflag:s0], s1  }
0x146: {  	s1 =	ssub.s32 @!p0 $0x0, s1;
	[sflag:s0] =	ssyncset.done @!p0 $0x0  }
0x147: {  	[sflag:s0] =	ssyncadd.s32 @!p0 s1  }
0x148: {  	[bflag:$0x3] =	sbarrier.arrive $0xFFFF  }
0x149: {  	_ =	shalt  }

// kernel: kernel.15.cloned.1.call-start
scs
__scs_entry_jumppad:
0x0: {  	(pc) =	sbr.rel $0x88, $3  }
0x1: {  	(tag) =	ssettag $0x0;
	lr =	simm.s32 $0x1  }
0x2: {  	[smem:$0x3F8A] =	sst lr;
	_ =	strace $0xD0000000  }
0x3: {  	_ = 	snop  }
0x4: {  	_ = 	snop  }
0x5: {  	_ = 	snop  }
0x6: {  	_ = 	snop  }
0x7: {  	_ = 	snop  }
__scs_overlays_trampoline_lowered:
0x8: {  	[smem:$0x3F99] =	sst s0  }
0x9: {  	[smem:$0x3F9A] =	sst s1  }
0xa: {  	[smem:$0x3F9B] =	sst s2  }
0xb: {  	[smem:$0x3F9C] =	sst s3  }
0xc: {  	[smem:$0x3F9D] =	sst s4  }
0xd: {  	[smem:$0x3F9E] =	sst s5  }
0xe: {  	[smem:$0x3F9F] =	sst s6  }
0xf: {  	[smem:$0x3FA0] =	sst s7  }
0x10: {  	[smem:$0x3FA1] =	sst s8  }
0x11: {  	[smem:$0x3FA2] =	sst s9;
	s0 =	simm.s32 @!p0 $0x0  }
0x12: {  	s1 =	sld [smem:$0x3F88];
	s0 =	simm.s32 @p0 $0x1  }
0x13: {  	[smem:$0x3FA3] =	sst s0;
	s0 =	simm.s32 @!p1 $0x0  }
0x14: {  	s2 =	sld [smem:$0x3F87];
	s0 =	simm.s32 @p1 $0x1  }
0x15: {  	[smem:$0x3FA4] =	sst s0;
	s0 =	simm.s32 @!p2 $0x0  }
0x16: {  	s3 =	sld [smem:$0x3FDB];
	s0 =	simm.s32 @p2 $0x1  }
0x17: {  	s4 =	simm.s32 $0x1BF5;
	[smem:$0x3FA6] =	sst s0  }
0x18: {  	s0 =	sld [smem:$0x3F89];
	_ =	swait.ge [sflag:s4], $0x0  }
0x19: {  	s7 =	sld [smem:$0x3F8A]  }
0x1a: {  	s8 =	sadd.s32 $0xFFFFE003, lr  }
0x1b: {  	s9 =	sadd.s32 $0xFFFFFEF7, lr;
	s5 =	simm.s32 $0xFFFFFFFF;
	p2 =	slt.u32 s8, $0xFFFFF086  }
0x1c: {  	p1 =	slt.u32 s9, $0xF7A;
	s5 =	simm.s32 @!p2 $0x0  }
0x1d: {  	s5 =	simm.s32 @p1 $0x1;
	p0 =	seq.s32 s7, s2  }
0x1e: {  	s7 =	smul.u32 @!p0 $0xF7A, s2;
	p2 =	seq.s32 @!p0 s5, $0x0  }
0x1f: {  	s9 =	smul.u32 $0xF7A, s1;
	s8 =	simm.s32 @!p0 $0x1BF5;
	p2 =	por !p2, p0  }
0x20: {  	[sflag:s8] =	ssyncset.s32 @!p0 $0xFFFFF086;
	s6 =	sadd.s32 @!p0 s3, s7;
	s7 =	simm.s32 @!p0 $0x108  }
0x21: {  	s3 =	sadd.s32 s3, s9;
	s6 =	sadd.s32 @!p0 $0x88, s6;
	s7 =	simm.s32 @p2 $0x1082  }
0x22: {  	[simem:s7], [sflag:s8] =	dma.local @!p0 [hbm:s6], $0xF7A  }
0x23: {  	s9 =	sor.u32 $0xD0000000, s2;
	s6 =	simm.s32 $0x108;
	_ =	swait.ge @!p0 [sflag:s8], $0x0  }
0x24: {  	s3 =	sadd.s32 $0x88, s3;
	s6 =	simm.s32 @!p1 $0x1082;
	[sflag:s4] =	ssyncset.s32 $0xFFFFF086  }
0x25: {  	[simem:s6], [sflag:s4] =	dma.local [hbm:s3], $0xF7A  }
0x26: {  	[smem:$0x3F8A] =	sst s1;
	(tag) =	ssettag s2;
	_ =	strace s9  }
0x27: {  	s1 =	sld [smem:$0x3F9A]  }
0x28: {  	s2 =	sld [smem:$0x3F9B]  }
0x29: {  	s4 =	sld [smem:$0x3F9D]  }
0x2a: {  	p0 =	seq.s32 s5, $0x0;
	s5 =	sld [smem:$0x3F9E]  }
0x2b: {  	s6 =	sld [smem:$0x3F9F]  }
0x2c: {  	s7 =	sld [smem:$0x3FA0]  }
0x2d: {  	s3 =	simm.s32 $0x108;
	s8 =	sld [smem:$0x3FA1]  }
0x2e: {  	s3 =	simm.s32 @!p0 $0x1082;
	s9 =	sld [smem:$0x3FA2]  }
0x2f: {  	lr =	sadd.s32 s0, s3;
	s0 =	sld [smem:$0x3F99]  }
0x30: {  	s3 =	sld [smem:$0x3F9C]  }
0x31: {  	[smem:$0x3FA5] =	sst s10  }
0x32: {  	s10 =	sld [smem:$0x3FA3];
	_ =	sdelay $0x3  }
0x33: {  	p0 =	seq.s32 s10, $0x1;
	s10 =	sld [smem:$0x3FA5];
	_ =	sdelay $0x3  }
0x34: {  	[smem:$0x3FA5] =	sst s10  }
0x35: {  	s10 =	sld [smem:$0x3FA4];
	_ =	sdelay $0x3  }
0x36: {  	p1 =	seq.s32 s10, $0x1;
	s10 =	sld [smem:$0x3FA5];
	_ =	sdelay $0x3  }
0x37: {  	[smem:$0x3FA5] =	sst s10  }
0x38: {  	s10 =	sld [smem:$0x3FA6]  }
0x39: {  	_ = 	snop;
	(pc) =	sbr.ind lr, $3  }
0x3a: {  	_ = 	snop  }
0x3b: {  	_ = 	snop  }
0x3c: {  	p2 =	seq.s32 s10, $0x1;
	s10 =	sld [smem:$0x3FA5]  }
0x3d: {  	_ =	shalt  }
0x3e: {  	_ =	shalt  }
0x3f: {  	_ =	shalt  }
0x40: {  	_ =	shalt  }
0x41: {  	_ =	shalt  }
0x42: {  	_ =	shalt  }
0x43: {  	_ =	shalt  }
0x44: {  	_ =	shalt  }
0x45: {  	_ =	shalt  }
0x46: {  	_ =	shalt  }
0x47: {  	_ =	shalt  }
0x48: {  	_ =	shalt  }
0x49: {  	_ =	shalt  }
0x4a: {  	_ =	shalt  }
0x4b: {  	_ =	shalt  }
0x4c: {  	_ =	shalt  }
0x4d: {  	_ =	shalt  }
0x4e: {  	_ =	shalt  }
0x4f: {  	_ =	shalt  }
0x50: {  	_ =	shalt  }
0x51: {  	_ =	shalt  }
0x52: {  	_ =	shalt  }
0x53: {  	_ =	shalt  }
0x54: {  	_ =	shalt  }
0x55: {  	_ =	shalt  }
0x56: {  	_ =	shalt  }
0x57: {  	_ =	shalt  }
0x58: {  	_ =	shalt  }
0x59: {  	_ =	shalt  }
0x5a: {  	_ =	shalt  }
0x5b: {  	_ =	shalt  }
0x5c: {  	_ =	shalt  }
0x5d: {  	_ =	shalt  }
0x5e: {  	_ =	shalt  }
0x5f: {  	_ =	shalt  }
0x60: {  	_ =	shalt  }
0x61: {  	_ =	shalt  }
0x62: {  	_ =	shalt  }
0x63: {  	_ =	shalt  }
0x64: {  	_ =	shalt  }
0x65: {  	_ =	shalt  }
0x66: {  	_ =	shalt  }
0x67: {  	_ =	shalt  }
0x68: {  	_ =	shalt  }
0x69: {  	_ =	shalt  }
0x6a: {  	_ =	shalt  }
0x6b: {  	_ =	shalt  }
0x6c: {  	_ =	shalt  }
0x6d: {  	_ =	shalt  }
0x6e: {  	_ =	shalt  }
0x6f: {  	_ =	shalt  }
0x70: {  	_ =	shalt  }
0x71: {  	_ =	shalt  }
0x72: {  	_ =	shalt  }
0x73: {  	_ =	shalt  }
0x74: {  	_ =	shalt  }
0x75: {  	_ =	shalt  }
0x76: {  	_ =	shalt  }
0x77: {  	_ =	shalt  }
0x78: {  	_ =	shalt  }
0x79: {  	_ =	shalt  }
0x7a: {  	_ =	shalt  }
0x7b: {  	_ =	shalt  }
0x7c: {  	_ =	shalt  }
0x7d: {  	_ =	shalt  }
0x7e: {  	_ =	shalt  }
0x7f: {  	_ =	shalt  }
0x80: {  	_ =	shalt  }
0x81: {  	_ =	shalt  }
0x82: {  	_ =	shalt  }
0x83: {  	_ =	shalt  }
0x84: {  	_ =	shalt  }
0x85: {  	_ =	shalt  }
0x86: {  	_ =	shalt  }
0x87: {  	_ =	shalt  }
.Lfunc_end0:
.L_simem_size_0:
called_computation.1_lowered:
.L_overlay_start_0:
0x88: {  	s2 =	sld [smem:$0x3FD9]  }
0x89: {  	s3 =	sld [smem:$0x3FFE];
	_ =	sdelay $0x1  }
0x8a: {  	s1 =	srdreg.scid  }
0x8b: {  	s0 =	sand.u32 $0x1, s1  }
0x8c: {  	s17 =	sshll.u32 s0, $0xA;
	s2 =	sadd.s32 s3, s2  }
0x8d: {  	s2 =	sadd.s32 s2, s17  }
0x8e: {  	[smem:$0x3FB1] =	sst s2  }
0x8f: {  	_ = 	snop  }
0x90: {  	s2 =	sld [smem:$0x3FC7]  }
0x91: {  	s18 =	sld [smem:$0x3FC6];
	(tm) =	ssettm $0x1  }
0x92: {  	s4 =	sld [smem:$0x3FFB];
	_ =	sdelay $0x3  }
0x93: {  	_ =	strace s4  }
0x94: {  	s4 =	sld [smem:$0x3FFC];
	_ =	sdelay $0x3  }
0x95: {  	_ =	strace s4  }
0x96: {  	s4 =	sld [smem:$0x3FFD];
	_ =	sdelay $0x3  }
0x97: {  	_ =	strace s4  }
0x98: {  	_ =	strace $0x8FFFFFFF  }
0x99: {  	s19 =	sld [smem:$0x3FDB];
	_ =	sdelay $0x1  }
0x9a: {  	s5 =	simm.s32 $_scs_section_size  }
0x9b: {  	s6 =	simm.s32 $_size__tile_overlayer_lowered;
	s7 =	simm.s32 $_tile_overlayer_lowered  }
0x9c: {  	s22 =	simm.s32 $0x1BFF;
	s21 =	sshll.u32 s7, $0x1;
	s4 =	sadd.s32 s5, s19  }
0x9d: {  	s8 =	simm.s32 $0x0;
	s20 =	sshll.u32 s6, $0x1;
	s6 =	sadd.s32 s21, s4  }
0x9e: {  	[timem:s8], [sflag:s22] =	dma.local [hbm:s6], s20  }
0x9f: {  	_ =	swait.ge [sflag:s22], s20  }
0xa0: {  	s5 =	ssub.s32 $0x0, s20;
	[sflag:s22] =	ssyncset.done $0x0  }
0xa1: {  	[sflag:s22] =	ssyncadd.s32 s5;
	_ =	sdelay $0x1  }
0xa2: {  	s23 =	simm.s32 $0x1B8B  }
0xa3: {  	_ =	swait.ge [sflag:s23], $0x1  }
0xa4: {  	[sflag:s23] =	ssyncset.done $0x0  }
0xa5: {  	s25 =	simm.s32 $0x1B8E;
	s24 =	sld [smem:$0x3FFE];
	[sflag:s23] =	ssyncadd.s32 $0xFFFFFFFF  }
0xa6: {  	s26 =	simm.s32 $execute0_lowered;
	[smem:$0x3FD2] =	sst s25  }
0xa7: {  	s6 =	sshll.u32 s26, $0x1;
	_ =	strace $0x80000049;
	[dreg:$0x1] =	wrdreg $0xFFFFFFFF  }
0xa8: {  	s28 =	simm.s32 $_size_execute0_lowered;
	s4 =	sadd.s32 s4, s6;
	[dreg:$0x0] =	wrdreg $0x0  }
0xa9: {  	s6 =	sshll.u32 s28, $0x1;
	[dreg:$0x2] =	wrdreg s4  }
0xaa: {  	[dreg:$0x3] =	wrdreg s6  }
0xab: {  	[dreg:$0x4] =	wrdreg $0xC0  }
0xac: {  	_ =	task [dreg:s8], $0x5FFFF  }
0xad: {  	[dreg:$0x1] =	wrdreg $0xFFFFFFFF  }
0xae: {  	[dreg:$0x0] =	wrdreg $0x60  }
0xaf: {  	[dreg:$0x2] =	wrdreg s24  }
0xb0: {  	[dreg:$0x3] =	wrdreg s2  }
0xb1: {  	[dreg:$0x4] =	wrdreg s18  }
0xb2: {  	[dreg:$0x5] =	wrdreg $0xA2000  }
0xb3: {  	[dreg:$0x6] =	wrdreg $0x9  }
0xb4: {  	_ =	task.clear_ibuf [dreg:s8], $0x7FFFF;
	_ =	strace $0x90000049  }
0xb5: {  	s29 =	simm.s32 $0x9;
	_ =	strace $0x8000004B  }
0xb6: {  	_ =	swait.ge [sflag:s29], $0x1  }
0xb7: {  	[sflag:s29] =	ssyncadd.s32 $0xFFFFFFFF  }
0xb8: {  	_ =	strace $0x9000004B  }
0xb9: {  	_ =	sfence  }
0xba: {  	s30 =	sld [smem:$0x0];
	_ =	sdelay $0x2  }
0xbb: {  	s31 =	sshll.u32 s1, $0xD;
	s1 =	sshrl.u32 s1, $0x2  }
0xbc: {  	s3 =	sand.u32 $0x4000, s31;
	s1 =	sadd.s32 s1, s30  }
0xbd: {  	s0 =	sor.u32 s3, s0;
	s1 =	sshll.u32 s1, $0x11  }
0xbe: {  	s0 =	sor.u32 s1, s0  }
0xbf: {  	s0 =	sadd.s32 $0x8F2B, s0  }
0xc0: {  	[sflag:s0] =	ssyncadd.remote.s32 $0x1  }
0xc1: {  	_ =	sfence.sel $0xFFFF  }
0xc2: {  	[dreg:$0x0] =	wrdreg $0xFFFFFFFF;
	(pc) =	sbr.abs _section_cstart, $3  }
0xc3: {  	[dreg:$0x1] =	wrdreg $0xFFFFFFFF  }
0xc4: {  	_ =	task.clear_ibuf [dreg:s8], $0x2FFFF;
	_ =	strace $0x9FFFFFFF  }
0xc5: {  	(tm) =	ssettm $0x7FFFFFFF  }
tec
execute0_lowered:
.L_overlay_start_1:
0x0: {  	(tag) =	ssettag $0x1  }
0x1: {  	s0 =	rddreg [dreg:$0x0]  }
0x2: {  	s1 =	rddreg [dreg:$0x1]  }
0x3: {  	s2 =	rddreg [dreg:$0x2]  }
0x4: {  	s3 =	rddreg [dreg:$0x3];
	s4 =	srdreg.scid;
	s5 =	simm.s32 $0x0  }
0x5: {  	s14 =	stileid.u32;
	s28 =	simm.s32 $0x0;
	s4 =	sand.u32 $0x1, s4  }
0x6: {  	[smem:$0x7FF] =	sst s5;
	s9 =	smul.u32 $0x50000, s14;
	s7 =	sadd.s32 $0x7CF000, s0  }
0x7: {  	s31 =	smul.u32 $0x14000, s14;
	s6 =	sshll.u32 s4, $0x4;
	_ =	strace $0x8000004A  }
0x8: {  	s10 =	ssub.s32 $0x2, s4;
	s4 =	smul.u32 $0x140000, s4;
	s8 =	sor.u32 s14, s6  }
0x9: {  	s6 =	sadd.s32 $0x275000, s0;
	s12 =	sshrl.u32 s10, $0x1;
	s0 =	sadd.s32 $0x29D000, s0  }
0xa: {  	s29 =	sshrl.u32 s9, $0x2;
	s19 =	sadd.s32 $0x4000, s31;
	s11 =	smul.u32 $0x2710, s8  }
0xb: {  	s24 =	sadd.s32 $0x8000, s31;
	s25 =	sadd.s32 $0xC000, s31;
	s13 =	smul.u32 $0x27100, s8  }
0xc: {  	s10 =	ssub.s32 s10, s12;
	s8 =	sadd.s32 s29, s3;
	s18 =	sadd.s32 s31, s4  }
0xd: {  	s15 =	sadd.s32 s4, s19;
	s12 =	sadd.s32 $0x10000, s31;
	s14 =	sadd.s32 s24, s3  }
0xe: {  	s23 =	sshrl.u32 s15, $0x3;
	s10 =	smax.u32 s10, $0x1;
	s15 =	simm.s32 $0x5100  }
0xf: {  	s30 =	sshrl.u32 s11, $0x3;
	s17 =	sadd.s32 s7, s13;
	s22 =	sadd.s32 $0x50, s11  }
0x10: {  	s20 =	sadd.s32 $0xA0, s11;
	s21 =	sadd.s32 $0xF0, s11;
	s13 =	sadd.s32 s19, s3  }
0x11: {  	[dreg:$0x10] =	wrdreg s10;
	s10 =	simm.s32 $0x100;
	s11 =	simm.s32 $0x7  }
0x12: {  	s16 =	sadd.s32 s1, s30;
	s9 =	sadd.s32 s2, s30;
	[dreg:$0x7] =	wrdreg s17  }
0x13: {  	s17 =	sadd.s32 s4, s24;
	s30 =	sshll.u32 s22, $0x4;
	[dreg:$0x5] =	wrdreg s16  }
0x14: {  	s24 =	sadd.s32 $0x5000, s8;
	[dreg:$0x6] =	wrdreg s9;
	s9 =	sshrl.u32 s18, $0x3  }
0x15: {  	s17 =	sshrl.u32 s17, $0x3;
	[dreg:$0x16] =	wrdreg s24;
	s9 =	sadd.s32 s0, s9  }
0x16: {  	s16 =	sshrl.u32 s22, $0x3;
	s17 =	sadd.s32 s0, s17;
	[dreg:$0x8] =	wrdreg s9  }
0x17: {  	s18 =	sadd.s32 s4, s25;
	s29 =	sadd.s32 s1, s16;
	[dreg:$0xa] =	wrdreg s17  }
0x18: {  	s4 =	sadd.s32 s4, s12;
	s31 =	sadd.s32 s2, s16;
	[dreg:$0xd] =	wrdreg s29  }
0x19: {  	s16 =	sadd.s32 s25, s3;
	s25 =	sadd.s32 $0x7800, s8;
	[dreg:$0xe] =	wrdreg s31  }
0x1a: {  	s18 =	sshrl.u32 s18, $0x3;
	s9 =	sadd.s32 s0, s23;
	[dreg:$0x17] =	wrdreg s25  }
0x1b: {  	s4 =	sshrl.u32 s4, $0x3;
	s26 =	sadd.s32 s0, s18;
	[dreg:$0x9] =	wrdreg s9  }
0x1c: {  	s24 =	simm.s32 $0x4;
	s0 =	sadd.s32 s0, s4;
	[dreg:$0xb] =	wrdreg s26  }
0x1d: {  	s17 =	sadd.s32 s12, s3;
	s18 =	sshrl.u32 s14, $0x3;
	[dreg:$0xc] =	wrdreg s0  }
0x1e: {  	s19 =	sshrl.u32 s16, $0x3;
	s23 =	sadd.s32 $0x2800, s8;
	[dreg:$0x12] =	wrdreg s18  }
0x1f: {  	s29 =	sadd.s32 $0xC800, s8;
	s31 =	sadd.s32 $0x11800, s8;
	[dreg:$0x13] =	wrdreg s19  }
0x20: {  	s12 =	simm.s32 $0x80;
	s14 =	simm.s32 $0x2900;
	[dreg:$0x15] =	wrdreg s23  }
0x21: {  	s16 =	simm.s32 $0x5180;
	s25 =	simm.s32 $0x5;
	[dreg:$0x19] =	wrdreg s29  }
0x22: {  	s0 =	sadd.s32 s7, s30;
	s22 =	sshrl.u32 s17, $0x3;
	[dreg:$0x1b] =	wrdreg s31  }
0x23: {  	s26 =	sadd.s32 $0xA000, s8;
	s30 =	sadd.s32 $0xF000, s8;
	[dreg:$0xf] =	wrdreg s0  }
0x24: {  	s17 =	simm.s32 $0x5200;
	s18 =	simm.s32 $0x7A00;
	[dreg:$0x14] =	wrdreg s22  }
0x25: {  	s19 =	simm.s32 $0x1;
	s23 =	simm.s32 $0x3;
	[dreg:$0x18] =	wrdreg s26  }
0x26: {  	s0 =	sshrl.u32 s13, $0x3;
	[dreg:$0x1a] =	wrdreg s30;
	s13 =	simm.s32 $0x50  }
0x27: {  	v0 =	vimm.f32 $0.0e+00;
	s22 =	simm.s32 $0x2;
	s26 =	simm.s32 $0x6;
	[dreg:$0x11] =	wrdreg s0  }
.LBB2_1:
0x28: {  	s0 =	simm.s32 $0x0;
	s29 =	simm.s32 $0x200  }
.LBB2_2:
0x29: {  	p0 =	sne.s32 s29, $0x9E00;
	[tilespmem:s0+$0x170] =	vst v0  }
0x2a: {  	[tilespmem:s0+$0x100] =	vst v0  }
0x2b: {  	[tilespmem:s0+$0x110] =	vst v0  }
.Ltmp0:
0x2c: {  	[tilespmem:s0+$0x120] =	vst v0;
	(pc) =	sbr.rel @p0 .LBB2_2-.Ltmp0, $4  }
0x2d: {  	[tilespmem:s0+$0x130] =	vst v0  }
0x2e: {  	[tilespmem:s0+$0x140] =	vst v0  }
0x2f: {  	[tilespmem:s0+$0x150] =	vst v0  }
0x30: {  	[tilespmem:s0+$0x160] =	vst v0;
	s0 =	sshra.s32 s29, $0x2;
	s29 =	sadd.s32 $0x200, s29  }
0x31: {  	[tilespmem:s0+$0x170] =	vst v0  }
0x32: {  	[tilespmem:s0+$0x100] =	vst v0  }
0x33: {  	[tilespmem:s0+$0x110] =	vst v0  }
0x34: {  	[tilespmem:s0+$0x120] =	vst v0  }
0x35: {  	[tilespmem:s0+$0x130] =	vst v0  }
0x36: {  	[tilespmem:s0+$0x140] =	vst v0  }
0x37: {  	[tilespmem:s0+$0x150] =	vst v0  }
0x38: {  	[tilespmem:s0+$0x160] =	vst v0  }
0x39: {  	[spmem:s8] =	stream.linear.scatter [tilespmem:s10], [sflag:$0x7], $0x2800, $0x38;
	[tilespmem:$0x1E200] =	vst v63  }
0x3a: {  	_ =	swait.ge [sflag:s11], $0x2800  }
0x3b: {  	[sflag:s11] =	ssyncset.done $0x0  }
0x3c: {  	s31 =	rddreg [dreg:$0x15];
	[sflag:s11] =	ssyncadd.s32 $0xFFFFD800  }
0x3d: {  	[spmem:s31] =	stream.linear.scatter [tilespmem:s10], [sflag:$0x7], $0x2800, $0x38;
	[tilespmem:$0x1E200] =	vst v63  }
0x3e: {  	_ =	swait.ge [sflag:s11], $0x2800  }
0x3f: {  	[sflag:s11] =	ssyncset.done $0x0  }
0x40: {  	s4 =	rddreg [dreg:$0x16];
	[sflag:s11] =	ssyncadd.s32 $0xFFFFD800  }
0x41: {  	[spmem:s4] =	stream.linear.scatter [tilespmem:s10], [sflag:$0x7], $0x2800, $0x38;
	[tilespmem:$0x1E200] =	vst v63  }
0x42: {  	_ =	swait.ge [sflag:s11], $0x2800  }
0x43: {  	[sflag:s11] =	ssyncset.done $0x0  }
0x44: {  	s9 =	rddreg [dreg:$0x17];
	[sflag:s11] =	ssyncadd.s32 $0xFFFFD800  }
0x45: {  	[spmem:s9] =	stream.linear.scatter [tilespmem:s10], [sflag:$0x7], $0x2800, $0x38;
	[tilespmem:$0x1E200] =	vst v63  }
0x46: {  	_ =	swait.ge [sflag:s11], $0x2800  }
0x47: {  	[sflag:s11] =	ssyncset.done $0x0  }
0x48: {  	s30 =	rddreg [dreg:$0x18];
	[sflag:s11] =	ssyncadd.s32 $0xFFFFD800  }
0x49: {  	[spmem:s30] =	stream.linear.scatter [tilespmem:s10], [sflag:$0x7], $0x2800, $0x38;
	[tilespmem:$0x1E200] =	vst v63  }
0x4a: {  	_ =	swait.ge [sflag:s11], $0x2800  }
0x4b: {  	[sflag:s11] =	ssyncset.done $0x0  }
0x4c: {  	s31 =	rddreg [dreg:$0x19];
	[sflag:s11] =	ssyncadd.s32 $0xFFFFD800  }
0x4d: {  	[spmem:s31] =	stream.linear.scatter [tilespmem:s10], [sflag:$0x7], $0x2800, $0x38;
	[tilespmem:$0x1E200] =	vst v63  }
0x4e: {  	_ =	swait.ge [sflag:s11], $0x2800  }
0x4f: {  	[sflag:s11] =	ssyncset.done $0x0  }
0x50: {  	s4 =	rddreg [dreg:$0x1a];
	[sflag:s11] =	ssyncadd.s32 $0xFFFFD800  }
0x51: {  	[spmem:s4] =	stream.linear.scatter [tilespmem:s10], [sflag:$0x7], $0x2800, $0x38;
	[tilespmem:$0x1E200] =	vst v63  }
0x52: {  	_ =	swait.ge [sflag:s11], $0x2800  }
0x53: {  	[sflag:s11] =	ssyncset.done $0x0  }
0x54: {  	s9 =	rddreg [dreg:$0x1b];
	[sflag:s11] =	ssyncadd.s32 $0xFFFFD800  }
0x55: {  	[spmem:s9] =	stream.linear.scatter [tilespmem:s10], [sflag:$0x7], $0x2800, $0x38;
	[tilespmem:$0x1E200] =	vst v63  }
0x56: {  	_ =	swait.ge [sflag:s11], $0x2800  }
0x57: {  	[sflag:s11] =	ssyncset.done $0x0  }
0x58: {  	[sflag:s11] =	ssyncadd.s32 $0xFFFFD800  }
0x59: {  	[bflag:$0x0] =	sbarrier.arrive $0xFFFF  }
0x5a: {  	s29 =	simm.s32 $0x0;
	s30 =	rddreg [dreg:$0x5]  }
0x5b: {  	[tilespmem:s29], [sflag:$0x7] =	stream.linear.gather [hbm4b:s30+s29], $0x50, $0x38;
	[tilespmem:$0x1E200] =	vst v63  }
0x5c: {  	_ =	swait.ge [sflag:s11], $0x50  }
0x5d: {  	[sflag:s11] =	ssyncset.done $0x0  }
0x5e: {  	s31 =	rddreg [dreg:$0x6];
	[sflag:s11] =	ssyncadd.s32 $0xFFFFFFB0  }
0x5f: {  	[tilespmem:s12], [sflag:$0x7] =	stream.linear.gather [hbm4b:s31+s29], $0x50, $0x38;
	[tilespmem:$0x1E200] =	vst v63  }
0x60: {  	_ =	swait.ge [sflag:s11], $0x50  }
0x61: {  	[sflag:s11] =	ssyncset.done $0x0  }
0x62: {  	[sflag:s11] =	ssyncadd.s32 $0xFFFFFFB0  }
0x63: {  	[tilespmem:s10], [sflag:$0x1] =	stream.indirect.gather [hbm4b:s6+s13], $0x80, s29, s13, $0xb8;
	[tilespmem:$0x1E200] =	vst v63  }
0x64: {  	s4 =	rddreg [dreg:$0x7]  }
0x65: {  	[tilespmem:s14], [sflag:$0x2] =	stream.linear.gather [hbm4b:s4+s29], $0x2800, $0x38;
	[tilespmem:$0x1E200] =	vst v63  }
0x66: {  	s9 =	rddreg [dreg:$0xd]  }
0x67: {  	[tilespmem:s15], [sflag:$0x7] =	stream.linear.gather [hbm4b:s9+s29], $0x50, $0x38;
	[tilespmem:$0x1E200] =	vst v63  }
0x68: {  	_ =	swait.ge [sflag:s11], $0x50  }
0x69: {  	[sflag:s11] =	ssyncset.done $0x0  }
0x6a: {  	s30 =	rddreg [dreg:$0xe];
	[sflag:s11] =	ssyncadd.s32 $0xFFFFFFB0  }
0x6b: {  	[tilespmem:s16], [sflag:$0x7] =	stream.linear.gather [hbm4b:s30+s29], $0x50, $0x38;
	[tilespmem:$0x1E200] =	vst v63  }
0x6c: {  	_ =	swait.ge [sflag:s11], $0x50  }
0x6d: {  	[sflag:s11] =	ssyncset.done $0x0  }
0x6e: {  	[sflag:s11] =	ssyncadd.s32 $0xFFFFFFB0  }
0x6f: {  	[tilespmem:s17], [sflag:$0x4] =	stream.indirect.gather [hbm4b:s6+s13], $0x80, s15, s13, $0xb8;
	[tilespmem:$0x1E200] =	vst v63  }
0x70: {  	s31 =	rddreg [dreg:$0xf]  }
0x71: {  	[tilespmem:s18], [sflag:$0x5] =	stream.linear.gather [hbm4b:s31+s29], $0x2800, $0x38;
	[tilespmem:$0x1E200] =	vst v63  }
.LBB2_4:
0x72: {  	_ =	swait.ge [sflag:s19], $0x2800  }
0x73: {  	[sflag:s19] =	ssyncset.done $0x0  }
0x74: {  	[sflag:s19] =	ssyncadd.s32 $0xFFFFD800  }
0x75: {  	_ =	swait.ge [sflag:s22], $0x2800  }
0x76: {  	[sflag:s22] =	ssyncset.done $0x0  }
0x77: {  	s30 =	simm.s32 $0x0;
	[sflag:s22] =	ssyncadd.s32 $0xFFFFD800  }
0x78: {  	v8 =	vld [tilespmem:s30+$0x2900]  }
0x79: {  	v12 =	vld [tilespmem:s30+$0x2910]  }
0x7a: {  	v6 =	vld [tilespmem:s30+$0x2920]  }
0x7b: {  	v5 =	vld [tilespmem:s30+$0x2930]  }
0x7c: {  	v4 =	vld [tilespmem:s30+$0x2940]  }
0x7d: {  	v3 =	vld [tilespmem:s30+$0x2950]  }
0x7e: {  	v2 =	vld [tilespmem:s30+$0x2960]  }
0x7f: {  	v1 =	vld [tilespmem:s30+$0x2970]  }
0x80: {  	v13 =	vld [tilespmem:s30+$0x100]  }
0x81: {  	v14 =	vld [tilespmem:s30+$0x110]  }
0x82: {  	v11 =	vld [tilespmem:s30+$0x120]  }
0x83: {  	v10 =	vld [tilespmem:s30+$0x130]  }
0x84: {  	v9 =	vld [tilespmem:s30+$0x140]  }
0x85: {  	v7 =	vld [tilespmem:s30+$0x150];
	v13 =	vmul.f32 v8, v13  }
0x86: {  	s31 =	simm.s32 $0x200;
	v12 =	vmul.f32 v12, v14;
	v8 =	vld [tilespmem:s30+$0x160]  }
.LBB2_5:
0x87: {  	s0 =	sshra.s32 s31, $0x2;
	p0 =	sne.s32 s31, $0x9E00;
	[tilespmem:s30+$0x100] =	vst v13;
	v6 =	vmul.f32 v6, v11;
	v11 =	vld [tilespmem:s30+$0x170]  }
0x88: {  	v13 =	vld [tilespmem:s0+$0x2900];
	[tilespmem:s30+$0x110] =	vst v12;
	v5 =	vmul.f32 v5, v10  }
0x89: {  	v12 =	vld [tilespmem:s0+$0x2910];
	[tilespmem:s30+$0x120] =	vst v6;
	v4 =	vmul.f32 v4, v9  }
0x8a: {  	v6 =	vld [tilespmem:s0+$0x2920];
	[tilespmem:s30+$0x130] =	vst v5;
	v3 =	vmul.f32 v3, v7  }
0x8b: {  	v5 =	vld [tilespmem:s0+$0x2930];
	[tilespmem:s30+$0x140] =	vst v4;
	v2 =	vmul.f32 v2, v8  }
0x8c: {  	v4 =	vld [tilespmem:s0+$0x2940];
	[tilespmem:s30+$0x150] =	vst v3;
	v1 =	vmul.f32 v1, v11  }
0x8d: {  	v3 =	vld [tilespmem:s0+$0x2950];
	[tilespmem:s30+$0x160] =	vst v2  }
0x8e: {  	v2 =	vld [tilespmem:s0+$0x2960];
	[tilespmem:s30+$0x170] =	vst v1;
	s30 =	smov.u32 s0  }
0x8f: {  	v1 =	vld [tilespmem:s30+$0x2970]  }
0x90: {  	v7 =	vld [tilespmem:s30+$0x100]  }
0x91: {  	v8 =	vld [tilespmem:s30+$0x110]  }
.Ltmp1:
0x92: {  	v11 =	vld [tilespmem:s30+$0x120];
	(pc) =	sbr.rel @p0 .LBB2_5-.Ltmp1, $4  }
0x93: {  	v10 =	vld [tilespmem:s30+$0x130]  }
0x94: {  	v9 =	vld [tilespmem:s30+$0x140]  }
0x95: {  	v13 =	vmul.f32 v13, v7;
	v7 =	vld [tilespmem:s30+$0x150]  }
0x96: {  	s31 =	sadd.s32 $0x200, s31;
	v12 =	vmul.f32 v12, v8;
	v8 =	vld [tilespmem:s30+$0x160]  }
0x97: {  	[tilespmem:s30+$0x100] =	vst v13;
	v6 =	vmul.f32 v6, v11;
	v11 =	vld [tilespmem:s30+$0x170]  }
0x98: {  	[tilespmem:s30+$0x110] =	vst v12;
	v5 =	vmul.f32 v5, v10  }
0x99: {  	[tilespmem:s30+$0x120] =	vst v6;
	v4 =	vmul.f32 v4, v9  }
0x9a: {  	[tilespmem:s30+$0x130] =	vst v5;
	v3 =	vmul.f32 v3, v7  }
0x9b: {  	[tilespmem:s30+$0x140] =	vst v4;
	v2 =	vmul.f32 v2, v8  }
0x9c: {  	[tilespmem:s30+$0x150] =	vst v3;
	v1 =	vmul.f32 v1, v11  }
0x9d: {  	[tilespmem:s30+$0x160] =	vst v2  }
0x9e: {  	[tilespmem:s30+$0x170] =	vst v1;
	s30 =	smul.u32 $0xA0, s29  }
0x9f: {  	[spmem:s3] =	stream.indirect.scatter.add.f32 [tilespmem:s10], [sflag:$0x3], $0x80, s12, s13, $0xb8;
	[tilespmem:$0x1E200] =	vst v63  }
0xa0: {  	s0 =	sadd.s32 s30, s20;
	_ =	swait.ge [sflag:s23], $0x2800  }
0xa1: {  	[sflag:s23] =	ssyncset.done $0x0;
	s31 =	sshrl.u32 s0, $0x3  }
0xa2: {  	s9 =	simm.s32 $0x0;
	[sflag:s23] =	ssyncadd.s32 $0xFFFFD800;
	s4 =	sadd.s32 s1, s31  }
0xa3: {  	[tilespmem:s9], [sflag:$0x7] =	stream.linear.gather [hbm4b:s4+s9], $0x50, $0x38;
	[tilespmem:$0x1E200] =	vst v63  }
0xa4: {  	_ =	swait.ge [sflag:s11], $0x50  }
0xa5: {  	[sflag:s11] =	ssyncset.done $0x0  }
0xa6: {  	s4 =	sadd.s32 s2, s31;
	[sflag:s11] =	ssyncadd.s32 $0xFFFFFFB0  }
0xa7: {  	[tilespmem:s12], [sflag:$0x7] =	stream.linear.gather [hbm4b:s4+s9], $0x50, $0x38;
	[tilespmem:$0x1E200] =	vst v63  }
0xa8: {  	_ =	swait.ge [sflag:s11], $0x50  }
0xa9: {  	[sflag:s11] =	ssyncset.done $0x0  }
0xaa: {  	s0 =	sshll.u32 s0, $0x4;
	[sflag:s11] =	ssyncadd.s32 $0xFFFFFFB0  }
0xab: {  	[tilespmem:s10], [sflag:$0x1] =	stream.indirect.gather [hbm4b:s6+s13], $0x80, s9, s13, $0xb8;
	[tilespmem:$0x1E200] =	vst v63  }
0xac: {  	s0 =	sadd.s32 s7, s0  }
0xad: {  	[tilespmem:s14], [sflag:$0x2] =	stream.linear.gather [hbm4b:s0+s9], $0x2800, $0x38;
	[tilespmem:$0x1E200] =	vst v63  }
0xae: {  	_ =	swait.ge [sflag:s24], $0x2800  }
0xaf: {  	[sflag:s24] =	ssyncset.done $0x0  }
0xb0: {  	[sflag:s24] =	ssyncadd.s32 $0xFFFFD800  }
0xb1: {  	_ =	swait.ge [sflag:s25], $0x2800  }
0xb2: {  	[sflag:s25] =	ssyncset.done $0x0  }
0xb3: {  	s31 =	simm.s32 $0x0;
	[sflag:s25] =	ssyncadd.s32 $0xFFFFD800  }
0xb4: {  	v8 =	vld [tilespmem:s31+$0x7A00]  }
0xb5: {  	v12 =	vld [tilespmem:s31+$0x7A10]  }
0xb6: {  	v6 =	vld [tilespmem:s31+$0x7A20]  }
0xb7: {  	v5 =	vld [tilespmem:s31+$0x7A30]  }
0xb8: {  	v4 =	vld [tilespmem:s31+$0x7A40]  }
0xb9: {  	v3 =	vld [tilespmem:s31+$0x7A50]  }
0xba: {  	v2 =	vld [tilespmem:s31+$0x7A60]  }
0xbb: {  	v1 =	vld [tilespmem:s31+$0x7A70]  }
0xbc: {  	v13 =	vld [tilespmem:s31+$0x5200]  }
0xbd: {  	v14 =	vld [tilespmem:s31+$0x5210]  }
0xbe: {  	v11 =	vld [tilespmem:s31+$0x5220]  }
0xbf: {  	v10 =	vld [tilespmem:s31+$0x5230]  }
0xc0: {  	v9 =	vld [tilespmem:s31+$0x5240]  }
0xc1: {  	v7 =	vld [tilespmem:s31+$0x5250];
	v13 =	vmul.f32 v8, v13  }
0xc2: {  	s0 =	simm.s32 $0x200;
	v12 =	vmul.f32 v12, v14;
	v8 =	vld [tilespmem:s31+$0x5260]  }
.LBB2_7:
0xc3: {  	s4 =	sshra.s32 s0, $0x2;
	p0 =	sne.s32 s0, $0x9E00;
	[tilespmem:s31+$0x5200] =	vst v13;
	v6 =	vmul.f32 v6, v11;
	v11 =	vld [tilespmem:s31+$0x5270]  }
0xc4: {  	v13 =	vld [tilespmem:s4+$0x7A00];
	[tilespmem:s31+$0x5210] =	vst v12;
	v5 =	vmul.f32 v5, v10  }
0xc5: {  	v12 =	vld [tilespmem:s4+$0x7A10];
	[tilespmem:s31+$0x5220] =	vst v6;
	v4 =	vmul.f32 v4, v9  }
0xc6: {  	v6 =	vld [tilespmem:s4+$0x7A20];
	[tilespmem:s31+$0x5230] =	vst v5;
	v3 =	vmul.f32 v3, v7  }
0xc7: {  	v5 =	vld [tilespmem:s4+$0x7A30];
	[tilespmem:s31+$0x5240] =	vst v4;
	v2 =	vmul.f32 v2, v8  }
0xc8: {  	v4 =	vld [tilespmem:s4+$0x7A40];
	[tilespmem:s31+$0x5250] =	vst v3;
	v1 =	vmul.f32 v1, v11  }
0xc9: {  	v3 =	vld [tilespmem:s4+$0x7A50];
	[tilespmem:s31+$0x5260] =	vst v2  }
0xca: {  	v2 =	vld [tilespmem:s4+$0x7A60];
	[tilespmem:s31+$0x5270] =	vst v1;
	s31 =	smov.u32 s4  }
0xcb: {  	v1 =	vld [tilespmem:s31+$0x7A70]  }
0xcc: {  	v7 =	vld [tilespmem:s31+$0x5200]  }
0xcd: {  	v8 =	vld [tilespmem:s31+$0x5210]  }
.Ltmp2:
0xce: {  	v11 =	vld [tilespmem:s31+$0x5220];
	(pc) =	sbr.rel @p0 .LBB2_7-.Ltmp2, $4  }
0xcf: {  	v10 =	vld [tilespmem:s31+$0x5230]  }
0xd0: {  	v9 =	vld [tilespmem:s31+$0x5240]  }
0xd1: {  	v13 =	vmul.f32 v13, v7;
	v7 =	vld [tilespmem:s31+$0x5250]  }
0xd2: {  	s0 =	sadd.s32 $0x200, s0;
	v12 =	vmul.f32 v12, v8;
	v8 =	vld [tilespmem:s31+$0x5260]  }
0xd3: {  	[tilespmem:s31+$0x5200] =	vst v13;
	v6 =	vmul.f32 v6, v11;
	v63 =	vld [tilespmem:s31+$0x5270]  }
0xd4: {  	[tilespmem:s31+$0x5210] =	vst v12;
	v5 =	vmul.f32 v5, v10  }
0xd5: {  	[tilespmem:s31+$0x5220] =	vst v6;
	v4 =	vmul.f32 v4, v9  }
0xd6: {  	p0 =	seq.s32 s29, $0x3D;
	[tilespmem:s31+$0x5230] =	vst v5;
	v3 =	vmul.f32 v3, v7  }
.Ltmp3:
0xd7: {  	[tilespmem:s31+$0x5240] =	vst v4;
	v2 =	vmul.f32 v2, v8;
	(pc) =	sbr.rel @p0 .LBB2_10-.Ltmp3, $4  }
0xd8: {  	[tilespmem:s31+$0x5250] =	vst v3;
	v1 =	vmul.f32 v1, v63  }
0xd9: {  	[tilespmem:s31+$0x5260] =	vst v2  }
0xda: {  	[tilespmem:s31+$0x5270] =	vst v1  }
0xdb: {  	[spmem:s3] =	stream.indirect.scatter.add.f32 [tilespmem:s17], [sflag:$0x6], $0x80, s16, s13, $0xb8;
	[tilespmem:$0x1E200] =	vst v63  }
0xdc: {  	s0 =	sadd.s32 s30, s21;
	_ =	swait.ge [sflag:s26], $0x2800  }
0xdd: {  	[sflag:s26] =	ssyncset.done $0x0;
	s4 =	sshrl.u32 s0, $0x3  }
0xde: {  	[sflag:s26] =	ssyncadd.s32 $0xFFFFD800;
	s9 =	sadd.s32 s1, s4  }
0xdf: {  	[tilespmem:s15], [sflag:$0x7] =	stream.linear.gather [hbm4b:s9+s5], $0x50, $0x38;
	[tilespmem:$0x1E200] =	vst v63  }
0xe0: {  	_ =	swait.ge [sflag:s11], $0x50  }
0xe1: {  	[sflag:s11] =	ssyncset.done $0x0  }
0xe2: {  	s4 =	sadd.s32 s2, s4;
	[sflag:s11] =	ssyncadd.s32 $0xFFFFFFB0  }
0xe3: {  	[tilespmem:s16], [sflag:$0x7] =	stream.linear.gather [hbm4b:s4+s5], $0x50, $0x38;
	[tilespmem:$0x1E200] =	vst v63  }
0xe4: {  	_ =	swait.ge [sflag:s11], $0x50  }
.Ltmp4:
0xe5: {  	[sflag:s11] =	ssyncset.done $0x0;
	(pc) =	sbr.rel .LBB2_4-.Ltmp4, $4  }
0xe6: {  	s0 =	sshll.u32 s0, $0x4;
	[sflag:s11] =	ssyncadd.s32 $0xFFFFFFB0  }
0xe7: {  	[tilespmem:s17], [sflag:$0x4] =	stream.indirect.gather [hbm4b:s6+s13], $0x80, s15, s13, $0xb8;
	[tilespmem:$0x1E200] =	vst v63  }
0xe8: {  	s29 =	sadd.s32 $0x1, s29;
	s0 =	sadd.s32 s7, s0  }
0xe9: {  	[tilespmem:s18], [sflag:$0x5] =	stream.linear.gather [hbm4b:s0+s5], $0x2800, $0x38;
	[tilespmem:$0x1E200] =	vst v63  }
.LBB2_10:
0xea: {  	_ =	swait.ge [sflag:s19], $0x2800  }
0xeb: {  	[sflag:s19] =	ssyncset.done $0x0  }
0xec: {  	[sflag:s19] =	ssyncadd.s32 $0xFFFFD800  }
0xed: {  	_ =	swait.ge [sflag:s22], $0x2800  }
0xee: {  	[sflag:s22] =	ssyncset.done $0x0  }
0xef: {  	s29 =	simm.s32 $0x0;
	[sflag:s22] =	ssyncadd.s32 $0xFFFFD800  }
0xf0: {  	v8 =	vld [tilespmem:s29+$0x2900]  }
0xf1: {  	v12 =	vld [tilespmem:s29+$0x2910]  }
0xf2: {  	v6 =	vld [tilespmem:s29+$0x2920]  }
0xf3: {  	v5 =	vld [tilespmem:s29+$0x2930]  }
0xf4: {  	v4 =	vld [tilespmem:s29+$0x2940]  }
0xf5: {  	v3 =	vld [tilespmem:s29+$0x2950]  }
0xf6: {  	v2 =	vld [tilespmem:s29+$0x2960]  }
0xf7: {  	v1 =	vld [tilespmem:s29+$0x2970]  }
0xf8: {  	v13 =	vld [tilespmem:s29+$0x100]  }
0xf9: {  	v14 =	vld [tilespmem:s29+$0x110]  }
0xfa: {  	v11 =	vld [tilespmem:s29+$0x120]  }
0xfb: {  	v10 =	vld [tilespmem:s29+$0x130]  }
0xfc: {  	v9 =	vld [tilespmem:s29+$0x140]  }
0xfd: {  	v7 =	vld [tilespmem:s29+$0x150];
	v13 =	vmul.f32 v8, v13  }
0xfe: {  	s0 =	simm.s32 $0x200;
	v12 =	vmul.f32 v12, v14;
	v8 =	vld [tilespmem:s29+$0x160]  }
.LBB2_11:
0xff: {  	s4 =	sshra.s32 s0, $0x2;
	p0 =	sne.s32 s0, $0x9E00;
	[tilespmem:s29+$0x100] =	vst v13;
	v6 =	vmul.f32 v6, v11;
	v11 =	vld [tilespmem:s29+$0x170]  }
0x100: {  	v13 =	vld [tilespmem:s4+$0x2900];
	[tilespmem:s29+$0x110] =	vst v12;
	v5 =	vmul.f32 v5, v10  }
0x101: {  	v12 =	vld [tilespmem:s4+$0x2910];
	[tilespmem:s29+$0x120] =	vst v6;
	v4 =	vmul.f32 v4, v9  }
0x102: {  	v6 =	vld [tilespmem:s4+$0x2920];
	[tilespmem:s29+$0x130] =	vst v5;
	v3 =	vmul.f32 v3, v7  }
0x103: {  	v5 =	vld [tilespmem:s4+$0x2930];
	[tilespmem:s29+$0x140] =	vst v4;
	v2 =	vmul.f32 v2, v8  }
0x104: {  	v4 =	vld [tilespmem:s4+$0x2940];
	[tilespmem:s29+$0x150] =	vst v3;
	v1 =	vmul.f32 v1, v11  }
0x105: {  	v3 =	vld [tilespmem:s4+$0x2950];
	[tilespmem:s29+$0x160] =	vst v2  }
0x106: {  	v2 =	vld [tilespmem:s4+$0x2960];
	[tilespmem:s29+$0x170] =	vst v1;
	s29 =	smov.u32 s4  }
0x107: {  	v1 =	vld [tilespmem:s29+$0x2970]  }
0x108: {  	v7 =	vld [tilespmem:s29+$0x100]  }
0x109: {  	v8 =	vld [tilespmem:s29+$0x110]  }
.Ltmp5:
0x10a: {  	v11 =	vld [tilespmem:s29+$0x120];
	(pc) =	sbr.rel @p0 .LBB2_11-.Ltmp5, $4  }
0x10b: {  	v10 =	vld [tilespmem:s29+$0x130]  }
0x10c: {  	v9 =	vld [tilespmem:s29+$0x140]  }
0x10d: {  	v13 =	vmul.f32 v13, v7;
	v7 =	vld [tilespmem:s29+$0x150]  }
0x10e: {  	s0 =	sadd.s32 $0x200, s0;
	v12 =	vmul.f32 v12, v8;
	v8 =	vld [tilespmem:s29+$0x160]  }
0x10f: {  	[tilespmem:s29+$0x100] =	vst v13;
	v6 =	vmul.f32 v6, v11;
	v63 =	vld [tilespmem:s29+$0x170]  }
0x110: {  	[tilespmem:s29+$0x110] =	vst v12;
	v5 =	vmul.f32 v5, v10  }
0x111: {  	[tilespmem:s29+$0x120] =	vst v6;
	v4 =	vmul.f32 v4, v9  }
0x112: {  	[tilespmem:s29+$0x130] =	vst v5;
	v3 =	vmul.f32 v3, v7  }
0x113: {  	[tilespmem:s29+$0x140] =	vst v4;
	v2 =	vmul.f32 v2, v8  }
0x114: {  	[tilespmem:s29+$0x150] =	vst v3;
	v1 =	vmul.f32 v1, v63  }
0x115: {  	[tilespmem:s29+$0x160] =	vst v2  }
0x116: {  	[tilespmem:s29+$0x170] =	vst v1  }
0x117: {  	[spmem:s3] =	stream.indirect.scatter.add.f32 [tilespmem:s10], [sflag:$0x3], $0x80, s12, s13, $0xb8;
	[tilespmem:$0x1E200] =	vst v63  }
0x118: {  	_ =	swait.ge [sflag:s23], $0x2800  }
0x119: {  	[sflag:s23] =	ssyncset.done $0x0  }
0x11a: {  	[sflag:s23] =	ssyncadd.s32 $0xFFFFD800  }
0x11b: {  	_ =	swait.ge [sflag:s26], $0x2800  }
0x11c: {  	[sflag:s26] =	ssyncset.done $0x0  }
0x11d: {  	s0 =	stileid.u32;
	[sflag:s26] =	ssyncadd.s32 $0xFFFFD800  }
0x11e: {  	s0 =	sshll.u32 s0, $0x6;
	[bflag:$0x0] =	sbarrier.arrive $0xFFFF  }
0x11f: {  	s4 =	sshrl.u32 s8, $0x3;
	s0 =	sor.u32 $0x1C07, s0;
	s9 =	rddreg [dreg:$0x8]  }
0x120: {  	[hbm:s9], [sflag:s0] =	dma.local [spmem:s4], $0x800  }
0x121: {  	_ =	swait.ge [sflag:s11], $0x800  }
0x122: {  	[sflag:s11] =	ssyncset.done $0x0;
	s30 =	rddreg [dreg:$0x9]  }
0x123: {  	s31 =	rddreg [dreg:$0x11];
	[sflag:s11] =	ssyncadd.s32 $0xFFFFF800  }
0x124: {  	[hbm:s30], [sflag:s0] =	dma.local [spmem:s31], $0x800  }
0x125: {  	_ =	swait.ge [sflag:s11], $0x800  }
0x126: {  	[sflag:s11] =	ssyncset.done $0x0;
	s9 =	rddreg [dreg:$0xa]  }
0x127: {  	s29 =	rddreg [dreg:$0x12];
	[sflag:s11] =	ssyncadd.s32 $0xFFFFF800  }
0x128: {  	[hbm:s9], [sflag:s0] =	dma.local [spmem:s29], $0x800  }
0x129: {  	_ =	swait.ge [sflag:s11], $0x800  }
0x12a: {  	[sflag:s11] =	ssyncset.done $0x0;
	s30 =	rddreg [dreg:$0xb]  }
0x12b: {  	s31 =	rddreg [dreg:$0x13];
	[sflag:s11] =	ssyncadd.s32 $0xFFFFF800  }
0x12c: {  	[hbm:s30], [sflag:s0] =	dma.local [spmem:s31], $0x800  }
0x12d: {  	_ =	swait.ge [sflag:s11], $0x800  }
0x12e: {  	[sflag:s11] =	ssyncset.done $0x0;
	s29 =	rddreg [dreg:$0xc]  }
0x12f: {  	s30 =	rddreg [dreg:$0x14];
	[sflag:s11] =	ssyncadd.s32 $0xFFFFF800  }
0x130: {  	[hbm:s29], [sflag:s0] =	dma.local [spmem:s30], $0x800  }
0x131: {  	_ =	swait.ge [sflag:s11], $0x800  }
0x132: {  	s28 =	sadd.s32 $0x1, s28;
	s31 =	rddreg [dreg:$0x10]  }
0x133: {  	p0 =	sne.s32 s28, s31  }
.Ltmp6:
0x134: {  	_ = 	snop;
	(pc) =	sbr.rel @p0 .LBB2_1-.Ltmp6, $3  }
0x135: {  	_ =	sdelay $0x1  }
0x136: {  	[sflag:s11] =	ssyncset.done $0x0  }
0x137: {  	[sflag:s11] =	ssyncadd.s32 $0xFFFFF800  }
0x138: {  	_ =	sfence.sel $0x180000  }
0x139: {  	[bflag:$0x0] =	sbarrier.arrive $0xFFFF  }
0x13a: {  	_ =	strace $0x9000004A  }
0x13b: {  	s0 =	stileid.u32;
	[bflag:$0x2] =	sbarrier.arrive $0xFFFF  }
0x13c: {  	p0 =	sne.s32 s0, $0x0;
	s0 =	rddreg [dreg:$0x4]  }
0x13d: {  	s0 =	sadd.s32 @!p0 $0x100000, s0  }
0x13e: {  	[sflag:s0] =	ssyncadd.tile.s32 @!p0 $0x1;
	_ =	shalt  }
.Lfunc_end2:
_tile_overlayer_lowered:
.L_overlay_start_2:
0x13f: {  	(tag) =	ssettag $0x2  }
0x140: {  	s0 =	rddreg [dreg:$0x0];
	s2 =	stileid.u32  }
0x141: {  	s1 =	rddreg [dreg:$0x1];
	p0 =	sne.s32 s2, $0x0  }
0x142: {  	s3 =	rddreg [dreg:$0x2];
	[bflag:$0x3] =	sbarrier.arrive $0xFFFF;
	s2 =	simm.s32 @!p0 $0x1C07  }
0x143: {  	[timem:s3], [sflag:s2] =	dma.local @!p0 [hbm:s0], s1  }
0x144: {  	s0 =	simm.s32 @!p0 $0x7  }
0x145: {  	_ =	swait.ge @!p0 [sflag:s0], s1  }
0x146: {  	s1 =	ssub.s32 @!p0 $0x0, s1;
	[sflag:s0] =	ssyncset.done @!p0 $0x0  }
0x147: {  	[sflag:s0] =	ssyncadd.s32 @!p0 s1  }
0x148: {  	[bflag:$0x3] =	sbarrier.arrive $0xFFFF  }
0x149: {  	_ =	shalt  }

// kernel: kernel.18.cloned.1.call-start
scs
__scs_entry_jumppad:
0x0: {  	(pc) =	sbr.rel $0x88, $3  }
0x1: {  	(tag) =	ssettag $0x0;
	lr =	simm.s32 $0x1  }
0x2: {  	[smem:$0x3F8A] =	sst lr;
	_ =	strace $0xD0000000  }
0x3: {  	_ = 	snop  }
0x4: {  	_ = 	snop  }
0x5: {  	_ = 	snop  }
0x6: {  	_ = 	snop  }
0x7: {  	_ = 	snop  }
__scs_overlays_trampoline_lowered:
0x8: {  	[smem:$0x3F99] =	sst s0  }
0x9: {  	[smem:$0x3F9A] =	sst s1  }
0xa: {  	[smem:$0x3F9B] =	sst s2  }
0xb: {  	[smem:$0x3F9C] =	sst s3  }
0xc: {  	[smem:$0x3F9D] =	sst s4  }
0xd: {  	[smem:$0x3F9E] =	sst s5  }
0xe: {  	[smem:$0x3F9F] =	sst s6  }
0xf: {  	[smem:$0x3FA0] =	sst s7  }
0x10: {  	[smem:$0x3FA1] =	sst s8  }
0x11: {  	[smem:$0x3FA2] =	sst s9;
	s0 =	simm.s32 @!p0 $0x0  }
0x12: {  	s1 =	sld [smem:$0x3F88];
	s0 =	simm.s32 @p0 $0x1  }
0x13: {  	[smem:$0x3FA3] =	sst s0;
	s0 =	simm.s32 @!p1 $0x0  }
0x14: {  	s2 =	sld [smem:$0x3F87];
	s0 =	simm.s32 @p1 $0x1  }
0x15: {  	[smem:$0x3FA4] =	sst s0;
	s0 =	simm.s32 @!p2 $0x0  }
0x16: {  	s3 =	sld [smem:$0x3FDB];
	s0 =	simm.s32 @p2 $0x1  }
0x17: {  	s4 =	simm.s32 $0x1BF5;
	[smem:$0x3FA6] =	sst s0  }
0x18: {  	s0 =	sld [smem:$0x3F89];
	_ =	swait.ge [sflag:s4], $0x0  }
0x19: {  	s7 =	sld [smem:$0x3F8A]  }
0x1a: {  	s8 =	sadd.s32 $0xFFFFE003, lr  }
0x1b: {  	s9 =	sadd.s32 $0xFFFFFEF7, lr;
	s5 =	simm.s32 $0xFFFFFFFF;
	p2 =	slt.u32 s8, $0xFFFFF086  }
0x1c: {  	p1 =	slt.u32 s9, $0xF7A;
	s5 =	simm.s32 @!p2 $0x0  }
0x1d: {  	s5 =	simm.s32 @p1 $0x1;
	p0 =	seq.s32 s7, s2  }
0x1e: {  	s7 =	smul.u32 @!p0 $0xF7A, s2;
	p2 =	seq.s32 @!p0 s5, $0x0  }
0x1f: {  	s9 =	smul.u32 $0xF7A, s1;
	s8 =	simm.s32 @!p0 $0x1BF5;
	p2 =	por !p2, p0  }
0x20: {  	[sflag:s8] =	ssyncset.s32 @!p0 $0xFFFFF086;
	s6 =	sadd.s32 @!p0 s3, s7;
	s7 =	simm.s32 @!p0 $0x108  }
0x21: {  	s3 =	sadd.s32 s3, s9;
	s6 =	sadd.s32 @!p0 $0x88, s6;
	s7 =	simm.s32 @p2 $0x1082  }
0x22: {  	[simem:s7], [sflag:s8] =	dma.local @!p0 [hbm:s6], $0xF7A  }
0x23: {  	s9 =	sor.u32 $0xD0000000, s2;
	s6 =	simm.s32 $0x108;
	_ =	swait.ge @!p0 [sflag:s8], $0x0  }
0x24: {  	s3 =	sadd.s32 $0x88, s3;
	s6 =	simm.s32 @!p1 $0x1082;
	[sflag:s4] =	ssyncset.s32 $0xFFFFF086  }
0x25: {  	[simem:s6], [sflag:s4] =	dma.local [hbm:s3], $0xF7A  }
0x26: {  	[smem:$0x3F8A] =	sst s1;
	(tag) =	ssettag s2;
	_ =	strace s9  }
0x27: {  	s1 =	sld [smem:$0x3F9A]  }
0x28: {  	s2 =	sld [smem:$0x3F9B]  }
0x29: {  	s4 =	sld [smem:$0x3F9D]  }
0x2a: {  	p0 =	seq.s32 s5, $0x0;
	s5 =	sld [smem:$0x3F9E]  }
0x2b: {  	s6 =	sld [smem:$0x3F9F]  }
0x2c: {  	s7 =	sld [smem:$0x3FA0]  }
0x2d: {  	s3 =	simm.s32 $0x108;
	s8 =	sld [smem:$0x3FA1]  }
0x2e: {  	s3 =	simm.s32 @!p0 $0x1082;
	s9 =	sld [smem:$0x3FA2]  }
0x2f: {  	lr =	sadd.s32 s0, s3;
	s0 =	sld [smem:$0x3F99]  }
0x30: {  	s3 =	sld [smem:$0x3F9C]  }
0x31: {  	[smem:$0x3FA5] =	sst s10  }
0x32: {  	s10 =	sld [smem:$0x3FA3];
	_ =	sdelay $0x3  }
0x33: {  	p0 =	seq.s32 s10, $0x1;
	s10 =	sld [smem:$0x3FA5];
	_ =	sdelay $0x3  }
0x34: {  	[smem:$0x3FA5] =	sst s10  }
0x35: {  	s10 =	sld [smem:$0x3FA4];
	_ =	sdelay $0x3  }
0x36: {  	p1 =	seq.s32 s10, $0x1;
	s10 =	sld [smem:$0x3FA5];
	_ =	sdelay $0x3  }
0x37: {  	[smem:$0x3FA5] =	sst s10  }
0x38: {  	s10 =	sld [smem:$0x3FA6]  }
0x39: {  	_ = 	snop;
	(pc) =	sbr.ind lr, $3  }
0x3a: {  	_ = 	snop  }
0x3b: {  	_ = 	snop  }
0x3c: {  	p2 =	seq.s32 s10, $0x1;
	s10 =	sld [smem:$0x3FA5]  }
0x3d: {  	_ =	shalt  }
0x3e: {  	_ =	shalt  }
0x3f: {  	_ =	shalt  }
0x40: {  	_ =	shalt  }
0x41: {  	_ =	shalt  }
0x42: {  	_ =	shalt  }
0x43: {  	_ =	shalt  }
0x44: {  	_ =	shalt  }
0x45: {  	_ =	shalt  }
0x46: {  	_ =	shalt  }
0x47: {  	_ =	shalt  }
0x48: {  	_ =	shalt  }
0x49: {  	_ =	shalt  }
0x4a: {  	_ =	shalt  }
0x4b: {  	_ =	shalt  }
0x4c: {  	_ =	shalt  }
0x4d: {  	_ =	shalt  }
0x4e: {  	_ =	shalt  }
0x4f: {  	_ =	shalt  }
0x50: {  	_ =	shalt  }
0x51: {  	_ =	shalt  }
0x52: {  	_ =	shalt  }
0x53: {  	_ =	shalt  }
0x54: {  	_ =	shalt  }
0x55: {  	_ =	shalt  }
0x56: {  	_ =	shalt  }
0x57: {  	_ =	shalt  }
0x58: {  	_ =	shalt  }
0x59: {  	_ =	shalt  }
0x5a: {  	_ =	shalt  }
0x5b: {  	_ =	shalt  }
0x5c: {  	_ =	shalt  }
0x5d: {  	_ =	shalt  }
0x5e: {  	_ =	shalt  }
0x5f: {  	_ =	shalt  }
0x60: {  	_ =	shalt  }
0x61: {  	_ =	shalt  }
0x62: {  	_ =	shalt  }
0x63: {  	_ =	shalt  }
0x64: {  	_ =	shalt  }
0x65: {  	_ =	shalt  }
0x66: {  	_ =	shalt  }
0x67: {  	_ =	shalt  }
0x68: {  	_ =	shalt  }
0x69: {  	_ =	shalt  }
0x6a: {  	_ =	shalt  }
0x6b: {  	_ =	shalt  }
0x6c: {  	_ =	shalt  }
0x6d: {  	_ =	shalt  }
0x6e: {  	_ =	shalt  }
0x6f: {  	_ =	shalt  }
0x70: {  	_ =	shalt  }
0x71: {  	_ =	shalt  }
0x72: {  	_ =	shalt  }
0x73: {  	_ =	shalt  }
0x74: {  	_ =	shalt  }
0x75: {  	_ =	shalt  }
0x76: {  	_ =	shalt  }
0x77: {  	_ =	shalt  }
0x78: {  	_ =	shalt  }
0x79: {  	_ =	shalt  }
0x7a: {  	_ =	shalt  }
0x7b: {  	_ =	shalt  }
0x7c: {  	_ =	shalt  }
0x7d: {  	_ =	shalt  }
0x7e: {  	_ =	shalt  }
0x7f: {  	_ =	shalt  }
0x80: {  	_ =	shalt  }
0x81: {  	_ =	shalt  }
0x82: {  	_ =	shalt  }
0x83: {  	_ =	shalt  }
0x84: {  	_ =	shalt  }
0x85: {  	_ =	shalt  }
0x86: {  	_ =	shalt  }
0x87: {  	_ =	shalt  }
.Lfunc_end0:
.L_simem_size_0:
called_computation.2_lowered:
.L_overlay_start_0:
0x88: {  	s2 =	sld [smem:$0x3FD9]  }
0x89: {  	s3 =	sld [smem:$0x3FFE];
	_ =	sdelay $0x1  }
0x8a: {  	s1 =	srdreg.scid  }
0x8b: {  	s0 =	sand.u32 $0x1, s1  }
0x8c: {  	s17 =	sshll.u32 s0, $0xA;
	s2 =	sadd.s32 s3, s2  }
0x8d: {  	s2 =	sadd.s32 s2, s17  }
0x8e: {  	[smem:$0x3FB1] =	sst s2  }
0x8f: {  	_ = 	snop  }
0x90: {  	s2 =	sld [smem:$0x3FC7]  }
0x91: {  	s18 =	sld [smem:$0x3FC6];
	(tm) =	ssettm $0x1  }
0x92: {  	s4 =	sld [smem:$0x3FFB];
	_ =	sdelay $0x3  }
0x93: {  	_ =	strace s4  }
0x94: {  	s4 =	sld [smem:$0x3FFC];
	_ =	sdelay $0x3  }
0x95: {  	_ =	strace s4  }
0x96: {  	s4 =	sld [smem:$0x3FFD];
	_ =	sdelay $0x3  }
0x97: {  	_ =	strace s4  }
0x98: {  	_ =	strace $0x8FFFFFFF  }
0x99: {  	s19 =	sld [smem:$0x3FDB];
	_ =	sdelay $0x1  }
0x9a: {  	s5 =	simm.s32 $_scs_section_size  }
0x9b: {  	s6 =	simm.s32 $_size__tile_overlayer_lowered;
	s7 =	simm.s32 $_tile_overlayer_lowered  }
0x9c: {  	s22 =	simm.s32 $0x1BFF;
	s21 =	sshll.u32 s7, $0x1;
	s4 =	sadd.s32 s5, s19  }
0x9d: {  	s8 =	simm.s32 $0x0;
	s20 =	sshll.u32 s6, $0x1;
	s6 =	sadd.s32 s21, s4  }
0x9e: {  	[timem:s8], [sflag:s22] =	dma.local [hbm:s6], s20  }
0x9f: {  	_ =	swait.ge [sflag:s22], s20  }
0xa0: {  	s5 =	ssub.s32 $0x0, s20;
	[sflag:s22] =	ssyncset.done $0x0  }
0xa1: {  	[sflag:s22] =	ssyncadd.s32 s5;
	_ =	sdelay $0x1  }
0xa2: {  	s23 =	simm.s32 $0x1B8B  }
0xa3: {  	_ =	swait.ge [sflag:s23], $0x1  }
0xa4: {  	[sflag:s23] =	ssyncset.done $0x0  }
0xa5: {  	s25 =	simm.s32 $0x1B8E;
	s24 =	sld [smem:$0x3FFE];
	[sflag:s23] =	ssyncadd.s32 $0xFFFFFFFF  }
0xa6: {  	s26 =	simm.s32 $execute0_lowered;
	[smem:$0x3FD2] =	sst s25  }
0xa7: {  	s6 =	sshll.u32 s26, $0x1;
	_ =	strace $0x8000004C;
	[dreg:$0x1] =	wrdreg $0xFFFFFFFF  }
0xa8: {  	s28 =	simm.s32 $_size_execute0_lowered;
	s4 =	sadd.s32 s4, s6;
	[dreg:$0x0] =	wrdreg $0x0  }
0xa9: {  	s6 =	sshll.u32 s28, $0x1;
	[dreg:$0x2] =	wrdreg s4  }
0xaa: {  	[dreg:$0x3] =	wrdreg s6  }
0xab: {  	[dreg:$0x4] =	wrdreg $0xC0  }
0xac: {  	_ =	task [dreg:s8], $0x5FFFF  }
0xad: {  	[dreg:$0x1] =	wrdreg $0xFFFFFFFF  }
0xae: {  	[dreg:$0x0] =	wrdreg $0x60  }
0xaf: {  	[dreg:$0x2] =	wrdreg s24  }
0xb0: {  	[dreg:$0x3] =	wrdreg s2  }
0xb1: {  	[dreg:$0x4] =	wrdreg s18  }
0xb2: {  	[dreg:$0x5] =	wrdreg $0xA2000  }
0xb3: {  	[dreg:$0x6] =	wrdreg $0x9  }
0xb4: {  	_ =	task.clear_ibuf [dreg:s8], $0x7FFFF;
	_ =	strace $0x9000004C  }
0xb5: {  	s29 =	simm.s32 $0x9;
	_ =	strace $0x8000004E  }
0xb6: {  	_ =	swait.ge [sflag:s29], $0x1  }
0xb7: {  	[sflag:s29] =	ssyncadd.s32 $0xFFFFFFFF  }
0xb8: {  	_ =	strace $0x9000004E  }
0xb9: {  	_ =	sfence  }
0xba: {  	s30 =	sld [smem:$0x0];
	_ =	sdelay $0x2  }
0xbb: {  	s31 =	sshll.u32 s1, $0xD;
	s1 =	sshrl.u32 s1, $0x2  }
0xbc: {  	s3 =	sand.u32 $0x4000, s31;
	s1 =	sadd.s32 s1, s30  }
0xbd: {  	s0 =	sor.u32 s3, s0;
	s1 =	sshll.u32 s1, $0x11  }
0xbe: {  	s0 =	sor.u32 s1, s0  }
0xbf: {  	s0 =	sadd.s32 $0x8F2B, s0  }
0xc0: {  	[sflag:s0] =	ssyncadd.remote.s32 $0x1  }
0xc1: {  	_ =	sfence.sel $0xFFFF  }
0xc2: {  	[dreg:$0x0] =	wrdreg $0xFFFFFFFF;
	(pc) =	sbr.abs _section_cstart, $3  }
0xc3: {  	[dreg:$0x1] =	wrdreg $0xFFFFFFFF  }
0xc4: {  	_ =	task.clear_ibuf [dreg:s8], $0x2FFFF;
	_ =	strace $0x9FFFFFFF  }
0xc5: {  	(tm) =	ssettm $0x7FFFFFFF  }
tec
execute0_lowered:
.L_overlay_start_1:
0x0: {  	(tag) =	ssettag $0x1  }
0x1: {  	s0 =	rddreg [dreg:$0x0]  }
0x2: {  	s1 =	rddreg [dreg:$0x1]  }
0x3: {  	s2 =	rddreg [dreg:$0x2]  }
0x4: {  	s3 =	rddreg [dreg:$0x3];
	s4 =	srdreg.scid;
	s5 =	simm.s32 $0x0  }
0x5: {  	s14 =	stileid.u32;
	s28 =	simm.s32 $0x0;
	s4 =	sand.u32 $0x1, s4  }
0x6: {  	[smem:$0x7FF] =	sst s5;
	s9 =	smul.u32 $0x50000, s14;
	s7 =	sadd.s32 $0x2ED000, s0  }
0x7: {  	s31 =	smul.u32 $0x14000, s14;
	s6 =	sshll.u32 s4, $0x4;
	_ =	strace $0x8000004D  }
0x8: {  	s10 =	ssub.s32 $0x2, s4;
	s4 =	smul.u32 $0x140000, s4;
	s8 =	sor.u32 s14, s6  }
0x9: {  	s6 =	sadd.s32 $0x4000, s0;
	s12 =	sshrl.u32 s10, $0x1;
	s0 =	sadd.s32 $0x2C000, s0  }
0xa: {  	s29 =	sshrl.u32 s9, $0x2;
	s19 =	sadd.s32 $0x4000, s31;
	s11 =	smul.u32 $0x2710, s8  }
0xb: {  	s24 =	sadd.s32 $0x8000, s31;
	s25 =	sadd.s32 $0xC000, s31;
	s13 =	smul.u32 $0x27100, s8  }
0xc: {  	s10 =	ssub.s32 s10, s12;
	s8 =	sadd.s32 s29, s3;
	s18 =	sadd.s32 s31, s4  }
0xd: {  	s15 =	sadd.s32 s4, s19;
	s12 =	sadd.s32 $0x10000, s31;
	s14 =	sadd.s32 s24, s3  }
0xe: {  	s23 =	sshrl.u32 s15, $0x3;
	s10 =	smax.u32 s10, $0x1;
	s15 =	simm.s32 $0x5100  }
0xf: {  	s30 =	sshrl.u32 s11, $0x3;
	s17 =	sadd.s32 s7, s13;
	s22 =	sadd.s32 $0x50, s11  }
0x10: {  	s20 =	sadd.s32 $0xA0, s11;
	s21 =	sadd.s32 $0xF0, s11;
	s13 =	sadd.s32 s19, s3  }
0x11: {  	[dreg:$0x10] =	wrdreg s10;
	s10 =	simm.s32 $0x100;
	s11 =	simm.s32 $0x7  }
0x12: {  	s16 =	sadd.s32 s1, s30;
	s9 =	sadd.s32 s2, s30;
	[dreg:$0x7] =	wrdreg s17  }
0x13: {  	s17 =	sadd.s32 s4, s24;
	s30 =	sshll.u32 s22, $0x4;
	[dreg:$0x5] =	wrdreg s16  }
0x14: {  	s24 =	sadd.s32 $0x5000, s8;
	[dreg:$0x6] =	wrdreg s9;
	s9 =	sshrl.u32 s18, $0x3  }
0x15: {  	s17 =	sshrl.u32 s17, $0x3;
	[dreg:$0x16] =	wrdreg s24;
	s9 =	sadd.s32 s0, s9  }
0x16: {  	s16 =	sshrl.u32 s22, $0x3;
	s17 =	sadd.s32 s0, s17;
	[dreg:$0x8] =	wrdreg s9  }
0x17: {  	s18 =	sadd.s32 s4, s25;
	s29 =	sadd.s32 s1, s16;
	[dreg:$0xa] =	wrdreg s17  }
0x18: {  	s4 =	sadd.s32 s4, s12;
	s31 =	sadd.s32 s2, s16;
	[dreg:$0xd] =	wrdreg s29  }
0x19: {  	s16 =	sadd.s32 s25, s3;
	s25 =	sadd.s32 $0x7800, s8;
	[dreg:$0xe] =	wrdreg s31  }
0x1a: {  	s18 =	sshrl.u32 s18, $0x3;
	s9 =	sadd.s32 s0, s23;
	[dreg:$0x17] =	wrdreg s25  }
0x1b: {  	s4 =	sshrl.u32 s4, $0x3;
	s26 =	sadd.s32 s0, s18;
	[dreg:$0x9] =	wrdreg s9  }
0x1c: {  	s24 =	simm.s32 $0x4;
	s0 =	sadd.s32 s0, s4;
	[dreg:$0xb] =	wrdreg s26  }
0x1d: {  	s17 =	sadd.s32 s12, s3;
	s18 =	sshrl.u32 s14, $0x3;
	[dreg:$0xc] =	wrdreg s0  }
0x1e: {  	s19 =	sshrl.u32 s16, $0x3;
	s23 =	sadd.s32 $0x2800, s8;
	[dreg:$0x12] =	wrdreg s18  }
0x1f: {  	s29 =	sadd.s32 $0xC800, s8;
	s31 =	sadd.s32 $0x11800, s8;
	[dreg:$0x13] =	wrdreg s19  }
0x20: {  	s12 =	simm.s32 $0x80;
	s14 =	simm.s32 $0x2900;
	[dreg:$0x15] =	wrdreg s23  }
0x21: {  	s16 =	simm.s32 $0x5180;
	s25 =	simm.s32 $0x5;
	[dreg:$0x19] =	wrdreg s29  }
0x22: {  	s0 =	sadd.s32 s7, s30;
	s22 =	sshrl.u32 s17, $0x3;
	[dreg:$0x1b] =	wrdreg s31  }
0x23: {  	s26 =	sadd.s32 $0xA000, s8;
	s30 =	sadd.s32 $0xF000, s8;
	[dreg:$0xf] =	wrdreg s0  }
0x24: {  	s17 =	simm.s32 $0x5200;
	s18 =	simm.s32 $0x7A00;
	[dreg:$0x14] =	wrdreg s22  }
0x25: {  	s19 =	simm.s32 $0x1;
	s23 =	simm.s32 $0x3;
	[dreg:$0x18] =	wrdreg s26  }
0x26: {  	s0 =	sshrl.u32 s13, $0x3;
	[dreg:$0x1a] =	wrdreg s30;
	s13 =	simm.s32 $0x50  }
0x27: {  	v0 =	vimm.f32 $0.0e+00;
	s22 =	simm.s32 $0x2;
	s26 =	simm.s32 $0x6;
	[dreg:$0x11] =	wrdreg s0  }
.LBB2_1:
0x28: {  	s0 =	simm.s32 $0x0;
	s29 =	simm.s32 $0x200  }
.LBB2_2:
0x29: {  	p0 =	sne.s32 s29, $0x9E00;
	[tilespmem:s0+$0x170] =	vst v0  }
0x2a: {  	[tilespmem:s0+$0x100] =	vst v0  }
0x2b: {  	[tilespmem:s0+$0x110] =	vst v0  }
.Ltmp0:
0x2c: {  	[tilespmem:s0+$0x120] =	vst v0;
	(pc) =	sbr.rel @p0 .LBB2_2-.Ltmp0, $4  }
0x2d: {  	[tilespmem:s0+$0x130] =	vst v0  }
0x2e: {  	[tilespmem:s0+$0x140] =	vst v0  }
0x2f: {  	[tilespmem:s0+$0x150] =	vst v0  }
0x30: {  	[tilespmem:s0+$0x160] =	vst v0;
	s0 =	sshra.s32 s29, $0x2;
	s29 =	sadd.s32 $0x200, s29  }
0x31: {  	[tilespmem:s0+$0x170] =	vst v0  }
0x32: {  	[tilespmem:s0+$0x100] =	vst v0  }
0x33: {  	[tilespmem:s0+$0x110] =	vst v0  }
0x34: {  	[tilespmem:s0+$0x120] =	vst v0  }
0x35: {  	[tilespmem:s0+$0x130] =	vst v0  }
0x36: {  	[tilespmem:s0+$0x140] =	vst v0  }
0x37: {  	[tilespmem:s0+$0x150] =	vst v0  }
0x38: {  	[tilespmem:s0+$0x160] =	vst v0  }
0x39: {  	[spmem:s8] =	stream.linear.scatter [tilespmem:s10], [sflag:$0x7], $0x2800, $0x38;
	[tilespmem:$0x1E200] =	vst v63  }
0x3a: {  	_ =	swait.ge [sflag:s11], $0x2800  }
0x3b: {  	[sflag:s11] =	ssyncset.done $0x0  }
0x3c: {  	s31 =	rddreg [dreg:$0x15];
	[sflag:s11] =	ssyncadd.s32 $0xFFFFD800  }
0x3d: {  	[spmem:s31] =	stream.linear.scatter [tilespmem:s10], [sflag:$0x7], $0x2800, $0x38;
	[tilespmem:$0x1E200] =	vst v63  }
0x3e: {  	_ =	swait.ge [sflag:s11], $0x2800  }
0x3f: {  	[sflag:s11] =	ssyncset.done $0x0  }
0x40: {  	s4 =	rddreg [dreg:$0x16];
	[sflag:s11] =	ssyncadd.s32 $0xFFFFD800  }
0x41: {  	[spmem:s4] =	stream.linear.scatter [tilespmem:s10], [sflag:$0x7], $0x2800, $0x38;
	[tilespmem:$0x1E200] =	vst v63  }
0x42: {  	_ =	swait.ge [sflag:s11], $0x2800  }
0x43: {  	[sflag:s11] =	ssyncset.done $0x0  }
0x44: {  	s9 =	rddreg [dreg:$0x17];
	[sflag:s11] =	ssyncadd.s32 $0xFFFFD800  }
0x45: {  	[spmem:s9] =	stream.linear.scatter [tilespmem:s10], [sflag:$0x7], $0x2800, $0x38;
	[tilespmem:$0x1E200] =	vst v63  }
0x46: {  	_ =	swait.ge [sflag:s11], $0x2800  }
0x47: {  	[sflag:s11] =	ssyncset.done $0x0  }
0x48: {  	s30 =	rddreg [dreg:$0x18];
	[sflag:s11] =	ssyncadd.s32 $0xFFFFD800  }
0x49: {  	[spmem:s30] =	stream.linear.scatter [tilespmem:s10], [sflag:$0x7], $0x2800, $0x38;
	[tilespmem:$0x1E200] =	vst v63  }
0x4a: {  	_ =	swait.ge [sflag:s11], $0x2800  }
0x4b: {  	[sflag:s11] =	ssyncset.done $0x0  }
0x4c: {  	s31 =	rddreg [dreg:$0x19];
	[sflag:s11] =	ssyncadd.s32 $0xFFFFD800  }
0x4d: {  	[spmem:s31] =	stream.linear.scatter [tilespmem:s10], [sflag:$0x7], $0x2800, $0x38;
	[tilespmem:$0x1E200] =	vst v63  }
0x4e: {  	_ =	swait.ge [sflag:s11], $0x2800  }
0x4f: {  	[sflag:s11] =	ssyncset.done $0x0  }
0x50: {  	s4 =	rddreg [dreg:$0x1a];
	[sflag:s11] =	ssyncadd.s32 $0xFFFFD800  }
0x51: {  	[spmem:s4] =	stream.linear.scatter [tilespmem:s10], [sflag:$0x7], $0x2800, $0x38;
	[tilespmem:$0x1E200] =	vst v63  }
0x52: {  	_ =	swait.ge [sflag:s11], $0x2800  }
0x53: {  	[sflag:s11] =	ssyncset.done $0x0  }
0x54: {  	s9 =	rddreg [dreg:$0x1b];
	[sflag:s11] =	ssyncadd.s32 $0xFFFFD800  }
0x55: {  	[spmem:s9] =	stream.linear.scatter [tilespmem:s10], [sflag:$0x7], $0x2800, $0x38;
	[tilespmem:$0x1E200] =	vst v63  }
0x56: {  	_ =	swait.ge [sflag:s11], $0x2800  }
0x57: {  	[sflag:s11] =	ssyncset.done $0x0  }
0x58: {  	[sflag:s11] =	ssyncadd.s32 $0xFFFFD800  }
0x59: {  	[bflag:$0x0] =	sbarrier.arrive $0xFFFF  }
0x5a: {  	s29 =	simm.s32 $0x0;
	s30 =	rddreg [dreg:$0x5]  }
0x5b: {  	[tilespmem:s29], [sflag:$0x7] =	stream.linear.gather [hbm4b:s30+s29], $0x50, $0x38;
	[tilespmem:$0x1E200] =	vst v63  }
0x5c: {  	_ =	swait.ge [sflag:s11], $0x50  }
0x5d: {  	[sflag:s11] =	ssyncset.done $0x0  }
0x5e: {  	s31 =	rddreg [dreg:$0x6];
	[sflag:s11] =	ssyncadd.s32 $0xFFFFFFB0  }
0x5f: {  	[tilespmem:s12], [sflag:$0x7] =	stream.linear.gather [hbm4b:s31+s29], $0x50, $0x38;
	[tilespmem:$0x1E200] =	vst v63  }
0x60: {  	_ =	swait.ge [sflag:s11], $0x50  }
0x61: {  	[sflag:s11] =	ssyncset.done $0x0  }
0x62: {  	[sflag:s11] =	ssyncadd.s32 $0xFFFFFFB0  }
0x63: {  	[tilespmem:s10], [sflag:$0x1] =	stream.indirect.gather [hbm4b:s6+s13], $0x80, s29, s13, $0xb8;
	[tilespmem:$0x1E200] =	vst v63  }
0x64: {  	s4 =	rddreg [dreg:$0x7]  }
0x65: {  	[tilespmem:s14], [sflag:$0x2] =	stream.linear.gather [hbm4b:s4+s29], $0x2800, $0x38;
	[tilespmem:$0x1E200] =	vst v63  }
0x66: {  	s9 =	rddreg [dreg:$0xd]  }
0x67: {  	[tilespmem:s15], [sflag:$0x7] =	stream.linear.gather [hbm4b:s9+s29], $0x50, $0x38;
	[tilespmem:$0x1E200] =	vst v63  }
0x68: {  	_ =	swait.ge [sflag:s11], $0x50  }
0x69: {  	[sflag:s11] =	ssyncset.done $0x0  }
0x6a: {  	s30 =	rddreg [dreg:$0xe];
	[sflag:s11] =	ssyncadd.s32 $0xFFFFFFB0  }
0x6b: {  	[tilespmem:s16], [sflag:$0x7] =	stream.linear.gather [hbm4b:s30+s29], $0x50, $0x38;
	[tilespmem:$0x1E200] =	vst v63  }
0x6c: {  	_ =	swait.ge [sflag:s11], $0x50  }
0x6d: {  	[sflag:s11] =	ssyncset.done $0x0  }
0x6e: {  	[sflag:s11] =	ssyncadd.s32 $0xFFFFFFB0  }
0x6f: {  	[tilespmem:s17], [sflag:$0x4] =	stream.indirect.gather [hbm4b:s6+s13], $0x80, s15, s13, $0xb8;
	[tilespmem:$0x1E200] =	vst v63  }
0x70: {  	s31 =	rddreg [dreg:$0xf]  }
0x71: {  	[tilespmem:s18], [sflag:$0x5] =	stream.linear.gather [hbm4b:s31+s29], $0x2800, $0x38;
	[tilespmem:$0x1E200] =	vst v63  }
.LBB2_4:
0x72: {  	_ =	swait.ge [sflag:s19], $0x2800  }
0x73: {  	[sflag:s19] =	ssyncset.done $0x0  }
0x74: {  	[sflag:s19] =	ssyncadd.s32 $0xFFFFD800  }
0x75: {  	_ =	swait.ge [sflag:s22], $0x2800  }
0x76: {  	[sflag:s22] =	ssyncset.done $0x0  }
0x77: {  	s30 =	simm.s32 $0x0;
	[sflag:s22] =	ssyncadd.s32 $0xFFFFD800  }
0x78: {  	v8 =	vld [tilespmem:s30+$0x2900]  }
0x79: {  	v12 =	vld [tilespmem:s30+$0x2910]  }
0x7a: {  	v6 =	vld [tilespmem:s30+$0x2920]  }
0x7b: {  	v5 =	vld [tilespmem:s30+$0x2930]  }
0x7c: {  	v4 =	vld [tilespmem:s30+$0x2940]  }
0x7d: {  	v3 =	vld [tilespmem:s30+$0x2950]  }
0x7e: {  	v2 =	vld [tilespmem:s30+$0x2960]  }
0x7f: {  	v1 =	vld [tilespmem:s30+$0x2970]  }
0x80: {  	v13 =	vld [tilespmem:s30+$0x100]  }
0x81: {  	v14 =	vld [tilespmem:s30+$0x110]  }
0x82: {  	v11 =	vld [tilespmem:s30+$0x120]  }
0x83: {  	v10 =	vld [tilespmem:s30+$0x130]  }
0x84: {  	v9 =	vld [tilespmem:s30+$0x140]  }
0x85: {  	v7 =	vld [tilespmem:s30+$0x150];
	v13 =	vmul.f32 v8, v13  }
0x86: {  	s31 =	simm.s32 $0x200;
	v12 =	vmul.f32 v12, v14;
	v8 =	vld [tilespmem:s30+$0x160]  }
.LBB2_5:
0x87: {  	s0 =	sshra.s32 s31, $0x2;
	p0 =	sne.s32 s31, $0x9E00;
	[tilespmem:s30+$0x100] =	vst v13;
	v6 =	vmul.f32 v6, v11;
	v11 =	vld [tilespmem:s30+$0x170]  }
0x88: {  	v13 =	vld [tilespmem:s0+$0x2900];
	[tilespmem:s30+$0x110] =	vst v12;
	v5 =	vmul.f32 v5, v10  }
0x89: {  	v12 =	vld [tilespmem:s0+$0x2910];
	[tilespmem:s30+$0x120] =	vst v6;
	v4 =	vmul.f32 v4, v9  }
0x8a: {  	v6 =	vld [tilespmem:s0+$0x2920];
	[tilespmem:s30+$0x130] =	vst v5;
	v3 =	vmul.f32 v3, v7  }
0x8b: {  	v5 =	vld [tilespmem:s0+$0x2930];
	[tilespmem:s30+$0x140] =	vst v4;
	v2 =	vmul.f32 v2, v8  }
0x8c: {  	v4 =	vld [tilespmem:s0+$0x2940];
	[tilespmem:s30+$0x150] =	vst v3;
	v1 =	vmul.f32 v1, v11  }
0x8d: {  	v3 =	vld [tilespmem:s0+$0x2950];
	[tilespmem:s30+$0x160] =	vst v2  }
0x8e: {  	v2 =	vld [tilespmem:s0+$0x2960];
	[tilespmem:s30+$0x170] =	vst v1;
	s30 =	smov.u32 s0  }
0x8f: {  	v1 =	vld [tilespmem:s30+$0x2970]  }
0x90: {  	v7 =	vld [tilespmem:s30+$0x100]  }
0x91: {  	v8 =	vld [tilespmem:s30+$0x110]  }
.Ltmp1:
0x92: {  	v11 =	vld [tilespmem:s30+$0x120];
	(pc) =	sbr.rel @p0 .LBB2_5-.Ltmp1, $4  }
0x93: {  	v10 =	vld [tilespmem:s30+$0x130]  }
0x94: {  	v9 =	vld [tilespmem:s30+$0x140]  }
0x95: {  	v13 =	vmul.f32 v13, v7;
	v7 =	vld [tilespmem:s30+$0x150]  }
0x96: {  	s31 =	sadd.s32 $0x200, s31;
	v12 =	vmul.f32 v12, v8;
	v8 =	vld [tilespmem:s30+$0x160]  }
0x97: {  	[tilespmem:s30+$0x100] =	vst v13;
	v6 =	vmul.f32 v6, v11;
	v11 =	vld [tilespmem:s30+$0x170]  }
0x98: {  	[tilespmem:s30+$0x110] =	vst v12;
	v5 =	vmul.f32 v5, v10  }
0x99: {  	[tilespmem:s30+$0x120] =	vst v6;
	v4 =	vmul.f32 v4, v9  }
0x9a: {  	[tilespmem:s30+$0x130] =	vst v5;
	v3 =	vmul.f32 v3, v7  }
0x9b: {  	[tilespmem:s30+$0x140] =	vst v4;
	v2 =	vmul.f32 v2, v8  }
0x9c: {  	[tilespmem:s30+$0x150] =	vst v3;
	v1 =	vmul.f32 v1, v11  }
0x9d: {  	[tilespmem:s30+$0x160] =	vst v2  }
0x9e: {  	[tilespmem:s30+$0x170] =	vst v1;
	s30 =	smul.u32 $0xA0, s29  }
0x9f: {  	[spmem:s3] =	stream.indirect.scatter.add.f32 [tilespmem:s10], [sflag:$0x3], $0x80, s12, s13, $0xb8;
	[tilespmem:$0x1E200] =	vst v63  }
0xa0: {  	s0 =	sadd.s32 s30, s20;
	_ =	swait.ge [sflag:s23], $0x2800  }
0xa1: {  	[sflag:s23] =	ssyncset.done $0x0;
	s31 =	sshrl.u32 s0, $0x3  }
0xa2: {  	s9 =	simm.s32 $0x0;
	[sflag:s23] =	ssyncadd.s32 $0xFFFFD800;
	s4 =	sadd.s32 s1, s31  }
0xa3: {  	[tilespmem:s9], [sflag:$0x7] =	stream.linear.gather [hbm4b:s4+s9], $0x50, $0x38;
	[tilespmem:$0x1E200] =	vst v63  }
0xa4: {  	_ =	swait.ge [sflag:s11], $0x50  }
0xa5: {  	[sflag:s11] =	ssyncset.done $0x0  }
0xa6: {  	s4 =	sadd.s32 s2, s31;
	[sflag:s11] =	ssyncadd.s32 $0xFFFFFFB0  }
0xa7: {  	[tilespmem:s12], [sflag:$0x7] =	stream.linear.gather [hbm4b:s4+s9], $0x50, $0x38;
	[tilespmem:$0x1E200] =	vst v63  }
0xa8: {  	_ =	swait.ge [sflag:s11], $0x50  }
0xa9: {  	[sflag:s11] =	ssyncset.done $0x0  }
0xaa: {  	s0 =	sshll.u32 s0, $0x4;
	[sflag:s11] =	ssyncadd.s32 $0xFFFFFFB0  }
0xab: {  	[tilespmem:s10], [sflag:$0x1] =	stream.indirect.gather [hbm4b:s6+s13], $0x80, s9, s13, $0xb8;
	[tilespmem:$0x1E200] =	vst v63  }
0xac: {  	s0 =	sadd.s32 s7, s0  }
0xad: {  	[tilespmem:s14], [sflag:$0x2] =	stream.linear.gather [hbm4b:s0+s9], $0x2800, $0x38;
	[tilespmem:$0x1E200] =	vst v63  }
0xae: {  	_ =	swait.ge [sflag:s24], $0x2800  }
0xaf: {  	[sflag:s24] =	ssyncset.done $0x0  }
0xb0: {  	[sflag:s24] =	ssyncadd.s32 $0xFFFFD800  }
0xb1: {  	_ =	swait.ge [sflag:s25], $0x2800  }
0xb2: {  	[sflag:s25] =	ssyncset.done $0x0  }
0xb3: {  	s31 =	simm.s32 $0x0;
	[sflag:s25] =	ssyncadd.s32 $0xFFFFD800  }
0xb4: {  	v8 =	vld [tilespmem:s31+$0x7A00]  }
0xb5: {  	v12 =	vld [tilespmem:s31+$0x7A10]  }
0xb6: {  	v6 =	vld [tilespmem:s31+$0x7A20]  }
0xb7: {  	v5 =	vld [tilespmem:s31+$0x7A30]  }
0xb8: {  	v4 =	vld [tilespmem:s31+$0x7A40]  }
0xb9: {  	v3 =	vld [tilespmem:s31+$0x7A50]  }
0xba: {  	v2 =	vld [tilespmem:s31+$0x7A60]  }
0xbb: {  	v1 =	vld [tilespmem:s31+$0x7A70]  }
0xbc: {  	v13 =	vld [tilespmem:s31+$0x5200]  }
0xbd: {  	v14 =	vld [tilespmem:s31+$0x5210]  }
0xbe: {  	v11 =	vld [tilespmem:s31+$0x5220]  }
0xbf: {  	v10 =	vld [tilespmem:s31+$0x5230]  }
0xc0: {  	v9 =	vld [tilespmem:s31+$0x5240]  }
0xc1: {  	v7 =	vld [tilespmem:s31+$0x5250];
	v13 =	vmul.f32 v8, v13  }
0xc2: {  	s0 =	simm.s32 $0x200;
	v12 =	vmul.f32 v12, v14;
	v8 =	vld [tilespmem:s31+$0x5260]  }
.LBB2_7:
0xc3: {  	s4 =	sshra.s32 s0, $0x2;
	p0 =	sne.s32 s0, $0x9E00;
	[tilespmem:s31+$0x5200] =	vst v13;
	v6 =	vmul.f32 v6, v11;
	v11 =	vld [tilespmem:s31+$0x5270]  }
0xc4: {  	v13 =	vld [tilespmem:s4+$0x7A00];
	[tilespmem:s31+$0x5210] =	vst v12;
	v5 =	vmul.f32 v5, v10  }
0xc5: {  	v12 =	vld [tilespmem:s4+$0x7A10];
	[tilespmem:s31+$0x5220] =	vst v6;
	v4 =	vmul.f32 v4, v9  }
0xc6: {  	v6 =	vld [tilespmem:s4+$0x7A20];
	[tilespmem:s31+$0x5230] =	vst v5;
	v3 =	vmul.f32 v3, v7  }
0xc7: {  	v5 =	vld [tilespmem:s4+$0x7A30];
	[tilespmem:s31+$0x5240] =	vst v4;
	v2 =	vmul.f32 v2, v8  }
0xc8: {  	v4 =	vld [tilespmem:s4+$0x7A40];
	[tilespmem:s31+$0x5250] =	vst v3;
	v1 =	vmul.f32 v1, v11  }
0xc9: {  	v3 =	vld [tilespmem:s4+$0x7A50];
	[tilespmem:s31+$0x5260] =	vst v2  }
0xca: {  	v2 =	vld [tilespmem:s4+$0x7A60];
	[tilespmem:s31+$0x5270] =	vst v1;
	s31 =	smov.u32 s4  }
0xcb: {  	v1 =	vld [tilespmem:s31+$0x7A70]  }
0xcc: {  	v7 =	vld [tilespmem:s31+$0x5200]  }
0xcd: {  	v8 =	vld [tilespmem:s31+$0x5210]  }
.Ltmp2:
0xce: {  	v11 =	vld [tilespmem:s31+$0x5220];
	(pc) =	sbr.rel @p0 .LBB2_7-.Ltmp2, $4  }
0xcf: {  	v10 =	vld [tilespmem:s31+$0x5230]  }
0xd0: {  	v9 =	vld [tilespmem:s31+$0x5240]  }
0xd1: {  	v13 =	vmul.f32 v13, v7;
	v7 =	vld [tilespmem:s31+$0x5250]  }
0xd2: {  	s0 =	sadd.s32 $0x200, s0;
	v12 =	vmul.f32 v12, v8;
	v8 =	vld [tilespmem:s31+$0x5260]  }
0xd3: {  	[tilespmem:s31+$0x5200] =	vst v13;
	v6 =	vmul.f32 v6, v11;
	v63 =	vld [tilespmem:s31+$0x5270]  }
0xd4: {  	[tilespmem:s31+$0x5210] =	vst v12;
	v5 =	vmul.f32 v5, v10  }
0xd5: {  	[tilespmem:s31+$0x5220] =	vst v6;
	v4 =	vmul.f32 v4, v9  }
0xd6: {  	p0 =	seq.s32 s29, $0x3D;
	[tilespmem:s31+$0x5230] =	vst v5;
	v3 =	vmul.f32 v3, v7  }
.Ltmp3:
0xd7: {  	[tilespmem:s31+$0x5240] =	vst v4;
	v2 =	vmul.f32 v2, v8;
	(pc) =	sbr.rel @p0 .LBB2_10-.Ltmp3, $4  }
0xd8: {  	[tilespmem:s31+$0x5250] =	vst v3;
	v1 =	vmul.f32 v1, v63  }
0xd9: {  	[tilespmem:s31+$0x5260] =	vst v2  }
0xda: {  	[tilespmem:s31+$0x5270] =	vst v1  }
0xdb: {  	[spmem:s3] =	stream.indirect.scatter.add.f32 [tilespmem:s17], [sflag:$0x6], $0x80, s16, s13, $0xb8;
	[tilespmem:$0x1E200] =	vst v63  }
0xdc: {  	s0 =	sadd.s32 s30, s21;
	_ =	swait.ge [sflag:s26], $0x2800  }
0xdd: {  	[sflag:s26] =	ssyncset.done $0x0;
	s4 =	sshrl.u32 s0, $0x3  }
0xde: {  	[sflag:s26] =	ssyncadd.s32 $0xFFFFD800;
	s9 =	sadd.s32 s1, s4  }
0xdf: {  	[tilespmem:s15], [sflag:$0x7] =	stream.linear.gather [hbm4b:s9+s5], $0x50, $0x38;
	[tilespmem:$0x1E200] =	vst v63  }
0xe0: {  	_ =	swait.ge [sflag:s11], $0x50  }
0xe1: {  	[sflag:s11] =	ssyncset.done $0x0  }
0xe2: {  	s4 =	sadd.s32 s2, s4;
	[sflag:s11] =	ssyncadd.s32 $0xFFFFFFB0  }
0xe3: {  	[tilespmem:s16], [sflag:$0x7] =	stream.linear.gather [hbm4b:s4+s5], $0x50, $0x38;
	[tilespmem:$0x1E200] =	vst v63  }
0xe4: {  	_ =	swait.ge [sflag:s11], $0x50  }
.Ltmp4:
0xe5: {  	[sflag:s11] =	ssyncset.done $0x0;
	(pc) =	sbr.rel .LBB2_4-.Ltmp4, $4  }
0xe6: {  	s0 =	sshll.u32 s0, $0x4;
	[sflag:s11] =	ssyncadd.s32 $0xFFFFFFB0  }
0xe7: {  	[tilespmem:s17], [sflag:$0x4] =	stream.indirect.gather [hbm4b:s6+s13], $0x80, s15, s13, $0xb8;
	[tilespmem:$0x1E200] =	vst v63  }
0xe8: {  	s29 =	sadd.s32 $0x1, s29;
	s0 =	sadd.s32 s7, s0  }
0xe9: {  	[tilespmem:s18], [sflag:$0x5] =	stream.linear.gather [hbm4b:s0+s5], $0x2800, $0x38;
	[tilespmem:$0x1E200] =	vst v63  }
.LBB2_10:
0xea: {  	_ =	swait.ge [sflag:s19], $0x2800  }
0xeb: {  	[sflag:s19] =	ssyncset.done $0x0  }
0xec: {  	[sflag:s19] =	ssyncadd.s32 $0xFFFFD800  }
0xed: {  	_ =	swait.ge [sflag:s22], $0x2800  }
0xee: {  	[sflag:s22] =	ssyncset.done $0x0  }
0xef: {  	s29 =	simm.s32 $0x0;
	[sflag:s22] =	ssyncadd.s32 $0xFFFFD800  }
0xf0: {  	v8 =	vld [tilespmem:s29+$0x2900]  }
0xf1: {  	v12 =	vld [tilespmem:s29+$0x2910]  }
0xf2: {  	v6 =	vld [tilespmem:s29+$0x2920]  }
0xf3: {  	v5 =	vld [tilespmem:s29+$0x2930]  }
0xf4: {  	v4 =	vld [tilespmem:s29+$0x2940]  }
0xf5: {  	v3 =	vld [tilespmem:s29+$0x2950]  }
0xf6: {  	v2 =	vld [tilespmem:s29+$0x2960]  }
0xf7: {  	v1 =	vld [tilespmem:s29+$0x2970]  }
0xf8: {  	v13 =	vld [tilespmem:s29+$0x100]  }
0xf9: {  	v14 =	vld [tilespmem:s29+$0x110]  }
0xfa: {  	v11 =	vld [tilespmem:s29+$0x120]  }
0xfb: {  	v10 =	vld [tilespmem:s29+$0x130]  }
0xfc: {  	v9 =	vld [tilespmem:s29+$0x140]  }
0xfd: {  	v7 =	vld [tilespmem:s29+$0x150];
	v13 =	vmul.f32 v8, v13  }
0xfe: {  	s0 =	simm.s32 $0x200;
	v12 =	vmul.f32 v12, v14;
	v8 =	vld [tilespmem:s29+$0x160]  }
.LBB2_11:
0xff: {  	s4 =	sshra.s32 s0, $0x2;
	p0 =	sne.s32 s0, $0x9E00;
	[tilespmem:s29+$0x100] =	vst v13;
	v6 =	vmul.f32 v6, v11;
	v11 =	vld [tilespmem:s29+$0x170]  }
0x100: {  	v13 =	vld [tilespmem:s4+$0x2900];
	[tilespmem:s29+$0x110] =	vst v12;
	v5 =	vmul.f32 v5, v10  }
0x101: {  	v12 =	vld [tilespmem:s4+$0x2910];
	[tilespmem:s29+$0x120] =	vst v6;
	v4 =	vmul.f32 v4, v9  }
0x102: {  	v6 =	vld [tilespmem:s4+$0x2920];
	[tilespmem:s29+$0x130] =	vst v5;
	v3 =	vmul.f32 v3, v7  }
0x103: {  	v5 =	vld [tilespmem:s4+$0x2930];
	[tilespmem:s29+$0x140] =	vst v4;
	v2 =	vmul.f32 v2, v8  }
0x104: {  	v4 =	vld [tilespmem:s4+$0x2940];
	[tilespmem:s29+$0x150] =	vst v3;
	v1 =	vmul.f32 v1, v11  }
0x105: {  	v3 =	vld [tilespmem:s4+$0x2950];
	[tilespmem:s29+$0x160] =	vst v2  }
0x106: {  	v2 =	vld [tilespmem:s4+$0x2960];
	[tilespmem:s29+$0x170] =	vst v1;
	s29 =	smov.u32 s4  }
0x107: {  	v1 =	vld [tilespmem:s29+$0x2970]  }
0x108: {  	v7 =	vld [tilespmem:s29+$0x100]  }
0x109: {  	v8 =	vld [tilespmem:s29+$0x110]  }
.Ltmp5:
0x10a: {  	v11 =	vld [tilespmem:s29+$0x120];
	(pc) =	sbr.rel @p0 .LBB2_11-.Ltmp5, $4  }
0x10b: {  	v10 =	vld [tilespmem:s29+$0x130]  }
0x10c: {  	v9 =	vld [tilespmem:s29+$0x140]  }
0x10d: {  	v13 =	vmul.f32 v13, v7;
	v7 =	vld [tilespmem:s29+$0x150]  }
0x10e: {  	s0 =	sadd.s32 $0x200, s0;
	v12 =	vmul.f32 v12, v8;
	v8 =	vld [tilespmem:s29+$0x160]  }
0x10f: {  	[tilespmem:s29+$0x100] =	vst v13;
	v6 =	vmul.f32 v6, v11;
	v63 =	vld [tilespmem:s29+$0x170]  }
0x110: {  	[tilespmem:s29+$0x110] =	vst v12;
	v5 =	vmul.f32 v5, v10  }
0x111: {  	[tilespmem:s29+$0x120] =	vst v6;
	v4 =	vmul.f32 v4, v9  }
0x112: {  	[tilespmem:s29+$0x130] =	vst v5;
	v3 =	vmul.f32 v3, v7  }
0x113: {  	[tilespmem:s29+$0x140] =	vst v4;
	v2 =	vmul.f32 v2, v8  }
0x114: {  	[tilespmem:s29+$0x150] =	vst v3;
	v1 =	vmul.f32 v1, v63  }
0x115: {  	[tilespmem:s29+$0x160] =	vst v2  }
0x116: {  	[tilespmem:s29+$0x170] =	vst v1  }
0x117: {  	[spmem:s3] =	stream.indirect.scatter.add.f32 [tilespmem:s10], [sflag:$0x3], $0x80, s12, s13, $0xb8;
	[tilespmem:$0x1E200] =	vst v63  }
0x118: {  	_ =	swait.ge [sflag:s23], $0x2800  }
0x119: {  	[sflag:s23] =	ssyncset.done $0x0  }
0x11a: {  	[sflag:s23] =	ssyncadd.s32 $0xFFFFD800  }
0x11b: {  	_ =	swait.ge [sflag:s26], $0x2800  }
0x11c: {  	[sflag:s26] =	ssyncset.done $0x0  }
0x11d: {  	s0 =	stileid.u32;
	[sflag:s26] =	ssyncadd.s32 $0xFFFFD800  }
0x11e: {  	s0 =	sshll.u32 s0, $0x6;
	[bflag:$0x0] =	sbarrier.arrive $0xFFFF  }
0x11f: {  	s4 =	sshrl.u32 s8, $0x3;
	s0 =	sor.u32 $0x1C07, s0;
	s9 =	rddreg [dreg:$0x8]  }
0x120: {  	[hbm:s9], [sflag:s0] =	dma.local [spmem:s4], $0x800  }
0x121: {  	_ =	swait.ge [sflag:s11], $0x800  }
0x122: {  	[sflag:s11] =	ssyncset.done $0x0;
	s30 =	rddreg [dreg:$0x9]  }
0x123: {  	s31 =	rddreg [dreg:$0x11];
	[sflag:s11] =	ssyncadd.s32 $0xFFFFF800  }
0x124: {  	[hbm:s30], [sflag:s0] =	dma.local [spmem:s31], $0x800  }
0x125: {  	_ =	swait.ge [sflag:s11], $0x800  }
0x126: {  	[sflag:s11] =	ssyncset.done $0x0;
	s9 =	rddreg [dreg:$0xa]  }
0x127: {  	s29 =	rddreg [dreg:$0x12];
	[sflag:s11] =	ssyncadd.s32 $0xFFFFF800  }
0x128: {  	[hbm:s9], [sflag:s0] =	dma.local [spmem:s29], $0x800  }
0x129: {  	_ =	swait.ge [sflag:s11], $0x800  }
0x12a: {  	[sflag:s11] =	ssyncset.done $0x0;
	s30 =	rddreg [dreg:$0xb]  }
0x12b: {  	s31 =	rddreg [dreg:$0x13];
	[sflag:s11] =	ssyncadd.s32 $0xFFFFF800  }
0x12c: {  	[hbm:s30], [sflag:s0] =	dma.local [spmem:s31], $0x800  }
0x12d: {  	_ =	swait.ge [sflag:s11], $0x800  }
0x12e: {  	[sflag:s11] =	ssyncset.done $0x0;
	s29 =	rddreg [dreg:$0xc]  }
0x12f: {  	s30 =	rddreg [dreg:$0x14];
	[sflag:s11] =	ssyncadd.s32 $0xFFFFF800  }
0x130: {  	[hbm:s29], [sflag:s0] =	dma.local [spmem:s30], $0x800  }
0x131: {  	_ =	swait.ge [sflag:s11], $0x800  }
0x132: {  	s28 =	sadd.s32 $0x1, s28;
	s31 =	rddreg [dreg:$0x10]  }
0x133: {  	p0 =	sne.s32 s28, s31  }
.Ltmp6:
0x134: {  	_ = 	snop;
	(pc) =	sbr.rel @p0 .LBB2_1-.Ltmp6, $3  }
0x135: {  	_ =	sdelay $0x1  }
0x136: {  	[sflag:s11] =	ssyncset.done $0x0  }
0x137: {  	[sflag:s11] =	ssyncadd.s32 $0xFFFFF800  }
0x138: {  	_ =	sfence.sel $0x180000  }
0x139: {  	[bflag:$0x0] =	sbarrier.arrive $0xFFFF  }
0x13a: {  	_ =	strace $0x9000004D  }
0x13b: {  	s0 =	stileid.u32;
	[bflag:$0x2] =	sbarrier.arrive $0xFFFF  }
0x13c: {  	p0 =	sne.s32 s0, $0x0;
	s0 =	rddreg [dreg:$0x4]  }
0x13d: {  	s0 =	sadd.s32 @!p0 $0x100000, s0  }
0x13e: {  	[sflag:s0] =	ssyncadd.tile.s32 @!p0 $0x1;
	_ =	shalt  }
.Lfunc_end2:
_tile_overlayer_lowered:
.L_overlay_start_2:
0x13f: {  	(tag) =	ssettag $0x2  }
0x140: {  	s0 =	rddreg [dreg:$0x0];
	s2 =	stileid.u32  }
0x141: {  	s1 =	rddreg [dreg:$0x1];
	p0 =	sne.s32 s2, $0x0  }
0x142: {  	s3 =	rddreg [dreg:$0x2];
	[bflag:$0x3] =	sbarrier.arrive $0xFFFF;
	s2 =	simm.s32 @!p0 $0x1C07  }
0x143: {  	[timem:s3], [sflag:s2] =	dma.local @!p0 [hbm:s0], s1  }
0x144: {  	s0 =	simm.s32 @!p0 $0x7  }
0x145: {  	_ =	swait.ge @!p0 [sflag:s0], s1  }
0x146: {  	s1 =	ssub.s32 @!p0 $0x0, s1;
	[sflag:s0] =	ssyncset.done @!p0 $0x0  }
0x147: {  	[sflag:s0] =	ssyncadd.s32 @!p0 s1  }
0x148: {  	[bflag:$0x3] =	sbarrier.arrive $0xFFFF  }
0x149: {  	_ =	shalt  }

</sc_bundles>
